<compile_context>
chip_gen: v7x
topology: tpu7x:2x2x1
jax: 0.10.2.dev20260603
libtpu: 0.0.44.dev20260713+nightly
codegen_flags: <defaults>
</compile_context>

<pallas_src>
import functools

import jax
import jax.numpy as jnp
from jax import lax
from jax.experimental import pallas as pl
from jax.experimental.pallas import tpu as pltpu
from jax.experimental.pallas import tpu_sc as plsc

NC = 2
NS = 16
NW = NC * NS
BLK = 128
NBUF = 6
PSLOTS = 80
NLOAD = 5


def _sc_partials(init, v, batch2d, idx_win, n):
    _, d = v.shape
    _, s_total, _ = init.shape
    rows_per_tile = s_total // NS
    num_blocks = n // BLK
    base_blocks, rem = divmod(num_blocks, NW)

    mesh = plsc.VectorSubcoreMesh(core_axis_name="c", subcore_axis_name="s")

    @functools.partial(
        pl.kernel,
        out_type=jax.ShapeDtypeStruct((NC, s_total, d), jnp.float32),
        mesh=mesh,
        scratch_types=[
            pltpu.VMEM_SHARED((s_total, d), jnp.float32),
            pltpu.VMEM((NBUF, BLK, d), jnp.float32),
            pltpu.VMEM((idx_win, BLK), jnp.int32),
            pltpu.VMEM((PSLOTS, d), jnp.float32),
            pltpu.VMEM((8, PSLOTS), jnp.int32),
            pltpu.SMEM((NBUF + 1,), jnp.int32),
        ] + [pltpu.SemaphoreType.DMA] * (2 * NBUF),
    )
    def k(init_hbm, v_hbm, b_hbm, out_hbm, accum, vbuf, ibuf,
          pbuf, pidx, sflag, *sems):
        c = lax.axis_index("c")
        s = lax.axis_index("s")
        wid = s * NC + c
        r0 = s * rows_per_tile
        sem_l = sems[:NBUF]
        sem_s = sems[NBUF:]

        nb = base_blocks + jnp.where(wid < rem, 1, 0)
        start = wid * base_blocks + jnp.minimum(wid, rem)

        row0 = pl.multiple_of(start // 8 * 8, 8)
        roff = start - row0
        pltpu.sync_copy(b_hbm.at[pl.ds(row0, idx_win)], ibuf)

        pltpu.sync_copy(init_hbm.at[c, pl.ds(r0, rows_per_tile)],
                        accum.at[pl.ds(r0, rows_per_tile)])
        plsc.subcore_barrier()

        def issue_load(i, b):
            off = (start + i) * BLK
            pltpu.async_copy(v_hbm.at[pl.ds(off, BLK)], vbuf.at[b], sem_l[b])

        def wait_load(i, b):
            off = (start + i) * BLK
            pltpu.make_async_copy(
                v_hbm.at[pl.ds(off, BLK)], vbuf.at[b], sem_l[b]).wait()

        def issue_scatter(i, b):
            id0 = ibuf[roff + i, pl.ds(0, 16)][0]
            id1 = ibuf[roff + i, pl.ds(BLK - 16, 16)][15]

            @pl.when(id0 == id1)
            def _():
                def red_body(r, acc):
                    return tuple(
                        acc[kk] + (vbuf[b, 2 * r, pl.ds(16 * kk, 16)]
                                   + vbuf[b, 2 * r + 1, pl.ds(16 * kk, 16)])
                        for kk in range(d // 16))

                acc = lax.fori_loop(
                    0, BLK // 2, red_body,
                    tuple(zf for _ in range(d // 16)))
                slot = sflag[NBUF]
                for kk in range(d // 16):
                    pbuf[slot, pl.ds(16 * kk, 16)] = acc[kk]
                g16 = slot // 16 * 16
                lane = slot - g16
                cur = pidx[0, pl.ds(g16, 16)]
                pidx[0, pl.ds(g16, 16)] = jnp.where(
                    lax.iota(jnp.int32, 16) == lane, id0, cur)
                sflag[NBUF] = slot + 1
                sflag[b] = 0

            @pl.when(id0 != id1)
            def _():
                pltpu.async_copy(
                    vbuf.at[b], accum.at[ibuf.at[roff + i]],
                    sem_s[b], add=True)
                sflag[b] = 1

        def wait_scatter(i, b):
            @pl.when(sflag[b] == 1)
            def _():
                pltpu.make_async_copy(
                    vbuf.at[b], accum.at[ibuf.at[roff + i]],
                    sem_s[b]).wait()

        zf = jnp.zeros((16,), jnp.float32)
        zi = jnp.zeros((16,), jnp.int32)

        def zero_body(r, carry):
            for kk in range(d // 16):
                pbuf[r, pl.ds(16 * kk, 16)] = zf
            return carry

        lax.fori_loop(0, PSLOTS, zero_body, 0)
        for kk in range(PSLOTS // 16):
            pidx[0, pl.ds(16 * kk, 16)] = zi
        sflag[NBUF] = 0

        for i in range(NLOAD):
            issue_load(i, i)
        ntrips = (nb + NBUF - 1) // NBUF

        def ring_body(p, carry):
            for b in range(NBUF):
                i = NBUF * p + b

                @pl.when(i < nb)
                def _():
                    @pl.when(i >= NBUF - NLOAD)
                    def _():
                        wait_scatter(i - (NBUF - NLOAD),
                                     (b + NLOAD) % NBUF)

                    @pl.when(i + NLOAD < nb)
                    def _():
                        issue_load(i + NLOAD, (b + NLOAD) % NBUF)

                    wait_load(i, b)
                    issue_scatter(i, b)
            return carry

        lax.fori_loop(0, ntrips, ring_body, 0)

        for t in range(NBUF - NLOAD):
            i_last = nb - (NBUF - NLOAD) + t
            for b in range(NBUF):
                @pl.when((i_last % NBUF == b) & (i_last >= 0))
                def _():
                    wait_scatter(i_last, b)

        pltpu.sync_copy(pbuf, accum.at[pidx.at[0]], add=True)

        plsc.subcore_barrier()
        pltpu.sync_copy(accum.at[pl.ds(r0, rows_per_tile)],
                        out_hbm.at[c, pl.ds(r0, rows_per_tile)])

    return k(init, v, batch2d)


def _merge(partials):
    def body(p_ref, o_ref):
        o_ref[...] = p_ref[0] + p_ref[1]

    return pl.pallas_call(
        body,
        out_shape=jax.ShapeDtypeStruct(partials.shape[1:], partials.dtype),
    )(partials)


def kernel(u, v, batch):
    n = v.shape[0]
    b32 = batch.astype(jnp.int32)

    num_blocks = n // BLK
    base_blocks, rem = divmod(num_blocks, NW)
    max_idx_rows = base_blocks + (1 if rem else 0)
    max_start_row = (NW - 1) * base_blocks + rem
    idx_win = (max_idx_rows + 15) // 8 * 8
    need_rows = max_start_row // 8 * 8 + idx_win
    pad = need_rows * BLK - n
    if pad > 0:
        b32 = jnp.concatenate([b32, jnp.zeros((pad,), jnp.int32)])
    batch2d = b32.reshape(-1, BLK)
    init = jnp.concatenate([u[None], jnp.zeros_like(u)[None]], axis=0)
    partials = _sc_partials(init, v, batch2d, idx_win, n)
    return _merge(partials)

# --- scband reference (transcript-rebuilt; emitter-appended) ---
"""Pipeline reference for scband-update-u-26620207301168 (READ-ONLY COPY).

The authoritative reference and input builder live on the scoring server;
editing this copy changes nothing except your own understanding.
"""

import jax, jax.numpy as jnp
import numpy as np


def setup_inputs(seed: int = 0) -> dict:
    key = jax.random.key(seed)
    k_u, k_v, k_b = jax.random.split(key, 3)
    u = jax.random.normal(k_u, (1024, 128), dtype=jnp.float32)
    v = jax.random.normal(k_v, (320000, 128), dtype=jnp.float32)
    batch = jnp.sort(jax.random.randint(k_b, (320000,), 0, 1024, dtype=jnp.int64))
    return {"u": u, "v": v, "batch": batch}


def reference(u, v, batch):
    # update_u.forward: u += scatter(v, batch, dim=0)  (scatter-sum over dim 0)
    seg = jax.ops.segment_sum(v, batch, num_segments=u.shape[0])
    return u + seg

if __name__ == "__main__":
    import jax
    _d = setup_inputs()
    print(jax.jit(kernel)(*tuple(_d.values())))

</pallas_src>

<mosaic_0001>
#map = affine_map<(d0, d1) -> (0, 0, 0)>
#map1 = affine_map<(d0, d1) -> (0, 0)>
module attributes {stable_mosaic.version = 14 : i64} {
  func.func @k(%arg0: i32, %arg1: i32, %arg2: memref<2x1024x128xf32, #tpu.memory_space<hbm>>, %arg3: memref<320000x128xf32, #tpu.memory_space<hbm>>, %arg4: memref<2504x128xi32, #tpu.memory_space<hbm>>, %arg5: memref<2x1024x128xf32, #tpu.memory_space<hbm>>, %arg6: memref<1024x128xf32, #tpu.memory_space<vmem_shared>>, %arg7: memref<6x128x128xf32, #tpu.memory_space<vmem>>, %arg8: memref<88x128xi32, #tpu.memory_space<vmem>>, %arg9: memref<80x128xf32, #tpu.memory_space<vmem>>, %arg10: memref<8x80xi32, #tpu.memory_space<vmem>>, %arg11: memref<7xi32, #tpu.memory_space<smem>>, %arg12: memref<!tpu.dma_semaphore, #tpu.memory_space<semaphore_mem>>, %arg13: memref<!tpu.dma_semaphore, #tpu.memory_space<semaphore_mem>>, %arg14: memref<!tpu.dma_semaphore, #tpu.memory_space<semaphore_mem>>, %arg15: memref<!tpu.dma_semaphore, #tpu.memory_space<semaphore_mem>>, %arg16: memref<!tpu.dma_semaphore, #tpu.memory_space<semaphore_mem>>, %arg17: memref<!tpu.dma_semaphore, #tpu.memory_space<semaphore_mem>>, %arg18: memref<!tpu.dma_semaphore, #tpu.memory_space<semaphore_mem>>, %arg19: memref<!tpu.dma_semaphore, #tpu.memory_space<semaphore_mem>>, %arg20: memref<!tpu.dma_semaphore, #tpu.memory_space<semaphore_mem>>, %arg21: memref<!tpu.dma_semaphore, #tpu.memory_space<semaphore_mem>>, %arg22: memref<!tpu.dma_semaphore, #tpu.memory_space<semaphore_mem>>, %arg23: memref<!tpu.dma_semaphore, #tpu.memory_space<semaphore_mem>>) attributes {dimension_semantics = [#tpu.dimension_semantics<core_parallel>, #tpu.dimension_semantics<subcore_parallel>], iteration_bounds = array<i64: 2, 16>, scalar_prefetch = 0 : i64, scratch_operands = 18 : i64, tpu.core_type = #tpu.core_type<sc_vector_subcore>, window_params = [{transform_indices = #map}, {transform_indices = #map1}, {transform_indices = #map1}, {transform_indices = #map}]} {
    %mul3A = arith.constant 2 : i32
    %mul3A_0 = arith.muli %arg1, %mul3A : i32
    %add3A = arith.addi %mul3A_0, %arg0 : i32
    %mul3A_1 = arith.constant 64 : i32
    %mul3A_2 = arith.muli %arg1, %mul3A_1 : i32
    %lt3A = arith.constant 4 : i32
    %lt3A_3 = arith.cmpi slt, %add3A, %lt3A : i32
    %jit3A = arith.constant 1 : i32
    %jit3A_4 = arith.constant 0 : i32
    %select_n3A = arith.select %lt3A_3, %jit3A, %jit3A_4 : i32
    %add3A_5 = arith.constant 78 : i32
    %add3A_6 = arith.addi %add3A_5, %select_n3A : i32
    %mul3A_7 = arith.constant 78 : i32
    %mul3A_8 = arith.muli %add3A, %mul3A_7 : i32
    %min3A = arith.constant 4 : i32
    %min3A_9 = arith.minsi %add3A, %min3A : i32
    %add3A_10 = arith.addi %mul3A_8, %min3A_9 : i32
    %jit3A_11 = arith.constant 8 : i32
    %div3A = arith.divsi %add3A_10, %jit3A_11 : i32
    %sign3A = arith.constant 0 : i32
    %sign3A_12 = arith.cmpi sgt, %add3A_10, %sign3A : i32
    %sign3A_13 = arith.extui %sign3A_12 : i1 to i32
    %sign3A_14 = arith.constant 0 : i32
    %sign3A_15 = arith.cmpi slt, %add3A_10, %sign3A_14 : i32
    %sign3A_16 = arith.extui %sign3A_15 : i1 to i32
    %sign3A_17 = arith.subi %sign3A_13, %sign3A_16 : i32
    %sign3A_18 = arith.constant 0 : i32
    %sign3A_19 = arith.cmpi sgt, %jit3A_11, %sign3A_18 : i32
    %sign3A_20 = arith.extui %sign3A_19 : i1 to i32
    %sign3A_21 = arith.constant 0 : i32
    %sign3A_22 = arith.cmpi slt, %jit3A_11, %sign3A_21 : i32
    %sign3A_23 = arith.extui %sign3A_22 : i1 to i32
    %sign3A_24 = arith.subi %sign3A_20, %sign3A_23 : i32
    %ne3A = arith.cmpi ne, %sign3A_17, %sign3A_24 : i32
    %rem3A = arith.remsi %add3A_10, %jit3A_11 : i32
    %ne3A_25 = arith.constant 0 : i32
    %ne3A_26 = arith.cmpi ne, %rem3A, %ne3A_25 : i32
    %and3A = arith.andi %ne3A, %ne3A_26 : i1
    %sub3A = arith.constant 1 : i32
    %sub3A_27 = arith.subi %div3A, %sub3A : i32
    %select_n3A_28 = arith.select %and3A, %sub3A_27, %div3A : i32
    %mul3A_29 = arith.constant 8 : i32
    %mul3A_30 = arith.muli %select_n3A_28, %mul3A_29 : i32
    %multiple_of3A = tpu.assume_multiple %mul3A_30, 8 : i32
    %sub3A_31 = arith.subi %add3A_10, %multiple_of3A : i32
    "tpu.region"() ({
      %run_scoped3A_339 = tpu.sem_alloc : memref<!tpu.dma_semaphore, #tpu.memory_space<semaphore_mem>>
      %dma_start3A_340 = arith.constant 0 : i32
      %dma_start3A_341 = tpu.memref_slice %arg4[%multiple_of3A, %dma_start3A_340] : memref<2504x128xi32, #tpu.memory_space<hbm>> -> memref<88x128xi32, #tpu.memory_space<hbm>>
      %dma_start3A_342 = arith.constant 0 : i32
      %dma_start3A_343 = tpu.memref_slice %arg4[%multiple_of3A, %dma_start3A_342] : memref<2504x128xi32, #tpu.memory_space<hbm>> -> memref<88x128xi32, #tpu.memory_space<hbm>>
      tpu.enqueue_dma source(%dma_start3A_343 : memref<88x128xi32, #tpu.memory_space<hbm>>) target(%arg8 : memref<88x128xi32, #tpu.memory_space<vmem>>) target_semaphore(%run_scoped3A_339 : memref<!tpu.dma_semaphore, #tpu.memory_space<semaphore_mem>>)
      %dma_wait3A = arith.constant 0 : i32
      %dma_wait3A_344 = tpu.memref_slice %arg4[%multiple_of3A, %dma_wait3A] : memref<2504x128xi32, #tpu.memory_space<hbm>> -> memref<88x128xi32, #tpu.memory_space<hbm>>
      %dma_wait3A_345 = arith.constant 0 : i32
      %dma_wait3A_346 = tpu.memref_slice %arg4[%multiple_of3A, %dma_wait3A_345] : memref<2504x128xi32, #tpu.memory_space<hbm>> -> memref<88x128xi32, #tpu.memory_space<hbm>>
      tpu.wait_dma2 semaphore(%run_scoped3A_339 : memref<!tpu.dma_semaphore, #tpu.memory_space<semaphore_mem>>) src(%dma_wait3A_346 : memref<88x128xi32, #tpu.memory_space<hbm>>) dst(%arg8 : memref<88x128xi32, #tpu.memory_space<vmem>>)
      tpu.yield
    }) : () -> ()
    "tpu.region"() ({
      %run_scoped3A_339 = tpu.sem_alloc : memref<!tpu.dma_semaphore, #tpu.memory_space<semaphore_mem>>
      %dma_start3A_340 = arith.constant 0 : i32
      %dma_start3A_341 = tpu.memref_slice %arg6[%mul3A_2, %dma_start3A_340] : memref<1024x128xf32, #tpu.memory_space<vmem_shared>> -> memref<64x128xf32, #tpu.memory_space<vmem_shared>>
      %dma_start3A_342 = arith.constant 0 : i32
      %dma_start3A_343 = tpu.memref_slice %arg2[%arg0, %mul3A_2, %dma_start3A_342] : memref<2x1024x128xf32, #tpu.memory_space<hbm>> -> memref<1x64x128xf32, #tpu.memory_space<hbm>>
      %dma_start3A_344 = tpu.memref_squeeze %dma_start3A_343 : memref<1x64x128xf32, #tpu.memory_space<hbm>> -> memref<64x128xf32, #tpu.memory_space<hbm>>
      tpu.enqueue_dma source(%dma_start3A_344 : memref<64x128xf32, #tpu.memory_space<hbm>>) target(%dma_start3A_341 : memref<64x128xf32, #tpu.memory_space<vmem_shared>>) target_semaphore(%run_scoped3A_339 : memref<!tpu.dma_semaphore, #tpu.memory_space<semaphore_mem>>)
      %dma_wait3A = arith.constant 0 : i32
      %dma_wait3A_345 = tpu.memref_slice %arg6[%mul3A_2, %dma_wait3A] : memref<1024x128xf32, #tpu.memory_space<vmem_shared>> -> memref<64x128xf32, #tpu.memory_space<vmem_shared>>
      %dma_wait3A_346 = arith.constant 0 : i32
      %dma_wait3A_347 = tpu.memref_slice %arg2[%arg0, %mul3A_2, %dma_wait3A_346] : memref<2x1024x128xf32, #tpu.memory_space<hbm>> -> memref<1x64x128xf32, #tpu.memory_space<hbm>>
      %dma_wait3A_348 = tpu.memref_squeeze %dma_wait3A_347 : memref<1x64x128xf32, #tpu.memory_space<hbm>> -> memref<64x128xf32, #tpu.memory_space<hbm>>
      tpu.wait_dma2 semaphore(%run_scoped3A_339 : memref<!tpu.dma_semaphore, #tpu.memory_space<semaphore_mem>>) src(%dma_wait3A_348 : memref<64x128xf32, #tpu.memory_space<hbm>>) dst(%dma_wait3A_345 : memref<64x128xf32, #tpu.memory_space<vmem_shared>>)
      tpu.yield
    }) : () -> ()
    %barrier3A = arith.constant 0 : index
    tpu.barrier barrier_id(%barrier3A)
    %broadcast_in_dim3A = arith.constant 0.000000e+00 : f32
    %broadcast_in_dim3A_32 = vector.broadcast %broadcast_in_dim3A : f32 to vector<16xf32>
    %broadcast_in_dim3A_33 = arith.constant 0 : i32
    %broadcast_in_dim3A_34 = vector.broadcast %broadcast_in_dim3A_33 : i32 to vector<16xi32>
    %scan3A = arith.constant 0 : i32
    %scan3A_35 = arith.constant 0 : i32
    %scan3A_36 = arith.constant 80 : i32
    %scan3A_37 = arith.addi %scan3A_35, %scan3A_36 : i32
    %scan3A_38 = arith.constant 1 : i32
    scf.for %scan3A_339 = %scan3A_35 to %scan3A_37 step %scan3A_38  : i32 {
      %swap3A_340 = arith.index_cast %scan3A_339 : i32 to index
      %swap3A_341 = arith.constant 0 : index
      %swap3A_342 = tpu.vector_load %arg9[%swap3A_340, %swap3A_341] {strides = array<i32>} : memref<80x128xf32, #tpu.memory_space<vmem>>, vector<1x16xf32>,
      %swap3A_343 = vector.shape_cast %swap3A_342 : vector<1x16xf32> to vector<16xf32>
      %swap3A_344 = vector.shape_cast %broadcast_in_dim3A_32 : vector<16xf32> to vector<1x16xf32>
      tpu.vector_store %arg9[%swap3A_340, %swap3A_341], %swap3A_344 {strides = array<i32>} : memref<80x128xf32, #tpu.memory_space<vmem>>, vector<1x16xf32>,
      %swap3A_345 = arith.index_cast %scan3A_339 : i32 to index
      %swap3A_346 = arith.constant 16 : index
      %swap3A_347 = tpu.vector_load %arg9[%swap3A_345, %swap3A_346] {strides = array<i32>} : memref<80x128xf32, #tpu.memory_space<vmem>>, vector<1x16xf32>,
      %swap3A_348 = vector.shape_cast %swap3A_347 : vector<1x16xf32> to vector<16xf32>
      %swap3A_349 = vector.shape_cast %broadcast_in_dim3A_32 : vector<16xf32> to vector<1x16xf32>
      tpu.vector_store %arg9[%swap3A_345, %swap3A_346], %swap3A_349 {strides = array<i32>} : memref<80x128xf32, #tpu.memory_space<vmem>>, vector<1x16xf32>,
      %swap3A_350 = arith.index_cast %scan3A_339 : i32 to index
      %swap3A_351 = arith.constant 32 : index
      %swap3A_352 = tpu.vector_load %arg9[%swap3A_350, %swap3A_351] {strides = array<i32>} : memref<80x128xf32, #tpu.memory_space<vmem>>, vector<1x16xf32>,
      %swap3A_353 = vector.shape_cast %swap3A_352 : vector<1x16xf32> to vector<16xf32>
      %swap3A_354 = vector.shape_cast %broadcast_in_dim3A_32 : vector<16xf32> to vector<1x16xf32>
      tpu.vector_store %arg9[%swap3A_350, %swap3A_351], %swap3A_354 {strides = array<i32>} : memref<80x128xf32, #tpu.memory_space<vmem>>, vector<1x16xf32>,
      %swap3A_355 = arith.index_cast %scan3A_339 : i32 to index
      %swap3A_356 = arith.constant 48 : index
      %swap3A_357 = tpu.vector_load %arg9[%swap3A_355, %swap3A_356] {strides = array<i32>} : memref<80x128xf32, #tpu.memory_space<vmem>>, vector<1x16xf32>,
      %swap3A_358 = vector.shape_cast %swap3A_357 : vector<1x16xf32> to vector<16xf32>
      %swap3A_359 = vector.shape_cast %broadcast_in_dim3A_32 : vector<16xf32> to vector<1x16xf32>
      tpu.vector_store %arg9[%swap3A_355, %swap3A_356], %swap3A_359 {strides = array<i32>} : memref<80x128xf32, #tpu.memory_space<vmem>>, vector<1x16xf32>,
      %swap3A_360 = arith.index_cast %scan3A_339 : i32 to index
      %swap3A_361 = arith.constant 64 : index
      %swap3A_362 = tpu.vector_load %arg9[%swap3A_360, %swap3A_361] {strides = array<i32>} : memref<80x128xf32, #tpu.memory_space<vmem>>, vector<1x16xf32>,
      %swap3A_363 = vector.shape_cast %swap3A_362 : vector<1x16xf32> to vector<16xf32>
      %swap3A_364 = vector.shape_cast %broadcast_in_dim3A_32 : vector<16xf32> to vector<1x16xf32>
      tpu.vector_store %arg9[%swap3A_360, %swap3A_361], %swap3A_364 {strides = array<i32>} : memref<80x128xf32, #tpu.memory_space<vmem>>, vector<1x16xf32>,
      %swap3A_365 = arith.index_cast %scan3A_339 : i32 to index
      %swap3A_366 = arith.constant 80 : index
      %swap3A_367 = tpu.vector_load %arg9[%swap3A_365, %swap3A_366] {strides = array<i32>} : memref<80x128xf32, #tpu.memory_space<vmem>>, vector<1x16xf32>,
      %swap3A_368 = vector.shape_cast %swap3A_367 : vector<1x16xf32> to vector<16xf32>
      %swap3A_369 = vector.shape_cast %broadcast_in_dim3A_32 : vector<16xf32> to vector<1x16xf32>
      tpu.vector_store %arg9[%swap3A_365, %swap3A_366], %swap3A_369 {strides = array<i32>} : memref<80x128xf32, #tpu.memory_space<vmem>>, vector<1x16xf32>,
      %swap3A_370 = arith.index_cast %scan3A_339 : i32 to index
      %swap3A_371 = arith.constant 96 : index
      %swap3A_372 = tpu.vector_load %arg9[%swap3A_370, %swap3A_371] {strides = array<i32>} : memref<80x128xf32, #tpu.memory_space<vmem>>, vector<1x16xf32>,
      %swap3A_373 = vector.shape_cast %swap3A_372 : vector<1x16xf32> to vector<16xf32>
      %swap3A_374 = vector.shape_cast %broadcast_in_dim3A_32 : vector<16xf32> to vector<1x16xf32>
      tpu.vector_store %arg9[%swap3A_370, %swap3A_371], %swap3A_374 {strides = array<i32>} : memref<80x128xf32, #tpu.memory_space<vmem>>, vector<1x16xf32>,
      %swap3A_375 = arith.index_cast %scan3A_339 : i32 to index
      %swap3A_376 = arith.constant 112 : index
      %swap3A_377 = tpu.vector_load %arg9[%swap3A_375, %swap3A_376] {strides = array<i32>} : memref<80x128xf32, #tpu.memory_space<vmem>>, vector<1x16xf32>,
      %swap3A_378 = vector.shape_cast %swap3A_377 : vector<1x16xf32> to vector<16xf32>
      %swap3A_379 = vector.shape_cast %broadcast_in_dim3A_32 : vector<16xf32> to vector<1x16xf32>
      tpu.vector_store %arg9[%swap3A_375, %swap3A_376], %swap3A_379 {strides = array<i32>} : memref<80x128xf32, #tpu.memory_space<vmem>>, vector<1x16xf32>,
    }
    %scan3A_39 = arith.constant 80 : i32
    %swap3A = arith.constant 0 : i32
    %swap3A_40 = arith.index_cast %swap3A : i32 to index
    %swap3A_41 = arith.constant 0 : index
    %swap3A_42 = tpu.vector_load %arg10[%swap3A_40, %swap3A_41] {strides = array<i32>} : memref<8x80xi32, #tpu.memory_space<vmem>>, vector<1x16xi32>,
    %swap3A_43 = vector.shape_cast %swap3A_42 : vector<1x16xi32> to vector<16xi32>
    %swap3A_44 = vector.shape_cast %broadcast_in_dim3A_34 : vector<16xi32> to vector<1x16xi32>
    tpu.vector_store %arg10[%swap3A_40, %swap3A_41], %swap3A_44 {strides = array<i32>} : memref<8x80xi32, #tpu.memory_space<vmem>>, vector<1x16xi32>,
    %swap3A_45 = arith.constant 0 : i32
    %swap3A_46 = arith.index_cast %swap3A_45 : i32 to index
    %swap3A_47 = arith.constant 16 : index
    %swap3A_48 = tpu.vector_load %arg10[%swap3A_46, %swap3A_47] {strides = array<i32>} : memref<8x80xi32, #tpu.memory_space<vmem>>, vector<1x16xi32>,
    %swap3A_49 = vector.shape_cast %swap3A_48 : vector<1x16xi32> to vector<16xi32>
    %swap3A_50 = vector.shape_cast %broadcast_in_dim3A_34 : vector<16xi32> to vector<1x16xi32>
    tpu.vector_store %arg10[%swap3A_46, %swap3A_47], %swap3A_50 {strides = array<i32>} : memref<8x80xi32, #tpu.memory_space<vmem>>, vector<1x16xi32>,
    %swap3A_51 = arith.constant 0 : i32
    %swap3A_52 = arith.index_cast %swap3A_51 : i32 to index
    %swap3A_53 = arith.constant 32 : index
    %swap3A_54 = tpu.vector_load %arg10[%swap3A_52, %swap3A_53] {strides = array<i32>} : memref<8x80xi32, #tpu.memory_space<vmem>>, vector<1x16xi32>,
    %swap3A_55 = vector.shape_cast %swap3A_54 : vector<1x16xi32> to vector<16xi32>
    %swap3A_56 = vector.shape_cast %broadcast_in_dim3A_34 : vector<16xi32> to vector<1x16xi32>
    tpu.vector_store %arg10[%swap3A_52, %swap3A_53], %swap3A_56 {strides = array<i32>} : memref<8x80xi32, #tpu.memory_space<vmem>>, vector<1x16xi32>,
    %swap3A_57 = arith.constant 0 : i32
    %swap3A_58 = arith.index_cast %swap3A_57 : i32 to index
    %swap3A_59 = arith.constant 48 : index
    %swap3A_60 = tpu.vector_load %arg10[%swap3A_58, %swap3A_59] {strides = array<i32>} : memref<8x80xi32, #tpu.memory_space<vmem>>, vector<1x16xi32>,
    %swap3A_61 = vector.shape_cast %swap3A_60 : vector<1x16xi32> to vector<16xi32>
    %swap3A_62 = vector.shape_cast %broadcast_in_dim3A_34 : vector<16xi32> to vector<1x16xi32>
    tpu.vector_store %arg10[%swap3A_58, %swap3A_59], %swap3A_62 {strides = array<i32>} : memref<8x80xi32, #tpu.memory_space<vmem>>, vector<1x16xi32>,
    %swap3A_63 = arith.constant 0 : i32
    %swap3A_64 = arith.index_cast %swap3A_63 : i32 to index
    %swap3A_65 = arith.constant 64 : index
    %swap3A_66 = tpu.vector_load %arg10[%swap3A_64, %swap3A_65] {strides = array<i32>} : memref<8x80xi32, #tpu.memory_space<vmem>>, vector<1x16xi32>,
    %swap3A_67 = vector.shape_cast %swap3A_66 : vector<1x16xi32> to vector<16xi32>
    %swap3A_68 = vector.shape_cast %broadcast_in_dim3A_34 : vector<16xi32> to vector<1x16xi32>
    tpu.vector_store %arg10[%swap3A_64, %swap3A_65], %swap3A_68 {strides = array<i32>} : memref<8x80xi32, #tpu.memory_space<vmem>>, vector<1x16xi32>,
    %swap3A_69 = arith.constant 0 : i32
    %swap3A_70 = arith.constant 6 : i32
    %swap3A_71 = arith.index_cast %swap3A_70 : i32 to index
    %swap3A_72 = memref.load %arg11[%swap3A_71] : memref<7xi32, #tpu.memory_space<smem>>
    memref.store %swap3A_69, %arg11[%swap3A_71] : memref<7xi32, #tpu.memory_space<smem>>
    %add3A_73 = arith.constant 0 : i32
    %add3A_74 = arith.addi %add3A_10, %add3A_73 : i32
    %mul3A_75 = arith.constant 128 : i32
    %mul3A_76 = arith.muli %add3A_74, %mul3A_75 : i32
    %dma_start3A = arith.constant 0 : i32
    %dma_start3A_77 = arith.constant 0 : i32
    %dma_start3A_78 = arith.constant 0 : i32
    %dma_start3A_79 = tpu.memref_slice %arg7[%dma_start3A, %dma_start3A_77, %dma_start3A_78] : memref<6x128x128xf32, #tpu.memory_space<vmem>> -> memref<1x128x128xf32, #tpu.memory_space<vmem>>
    %dma_start3A_80 = tpu.memref_squeeze %dma_start3A_79 : memref<1x128x128xf32, #tpu.memory_space<vmem>> -> memref<128x128xf32, #tpu.memory_space<vmem>>
    %dma_start3A_81 = arith.constant 0 : i32
    %dma_start3A_82 = tpu.memref_slice %arg3[%mul3A_76, %dma_start3A_81] : memref<320000x128xf32, #tpu.memory_space<hbm>> -> memref<128x128xf32, #tpu.memory_space<hbm>>
    %dma_start3A_83 = arith.constant 0 : i32
    %dma_start3A_84 = arith.constant 0 : i32
    %dma_start3A_85 = tpu.memref_slice %arg7[%dma_start3A, %dma_start3A_83, %dma_start3A_84] : memref<6x128x128xf32, #tpu.memory_space<vmem>> -> memref<1x128x128xf32, #tpu.memory_space<vmem>>
    %dma_start3A_86 = tpu.memref_squeeze %dma_start3A_85 : memref<1x128x128xf32, #tpu.memory_space<vmem>> -> memref<128x128xf32, #tpu.memory_space<vmem>>
    %dma_start3A_87 = arith.constant 0 : i32
    %dma_start3A_88 = tpu.memref_slice %arg3[%mul3A_76, %dma_start3A_87] : memref<320000x128xf32, #tpu.memory_space<hbm>> -> memref<128x128xf32, #tpu.memory_space<hbm>>
    tpu.enqueue_dma source(%dma_start3A_88 : memref<128x128xf32, #tpu.memory_space<hbm>>) target(%dma_start3A_86 : memref<128x128xf32, #tpu.memory_space<vmem>>) target_semaphore(%arg12 : memref<!tpu.dma_semaphore, #tpu.memory_space<semaphore_mem>>)
    %add3A_89 = arith.constant 1 : i32
    %add3A_90 = arith.addi %add3A_10, %add3A_89 : i32
    %mul3A_91 = arith.constant 128 : i32
    %mul3A_92 = arith.muli %add3A_90, %mul3A_91 : i32
    %dma_start3A_93 = arith.constant 1 : i32
    %dma_start3A_94 = arith.constant 0 : i32
    %dma_start3A_95 = arith.constant 0 : i32
    %dma_start3A_96 = tpu.memref_slice %arg7[%dma_start3A_93, %dma_start3A_94, %dma_start3A_95] : memref<6x128x128xf32, #tpu.memory_space<vmem>> -> memref<1x128x128xf32, #tpu.memory_space<vmem>>
    %dma_start3A_97 = tpu.memref_squeeze %dma_start3A_96 : memref<1x128x128xf32, #tpu.memory_space<vmem>> -> memref<128x128xf32, #tpu.memory_space<vmem>>
    %dma_start3A_98 = arith.constant 0 : i32
    %dma_start3A_99 = tpu.memref_slice %arg3[%mul3A_92, %dma_start3A_98] : memref<320000x128xf32, #tpu.memory_space<hbm>> -> memref<128x128xf32, #tpu.memory_space<hbm>>
    %dma_start3A_100 = arith.constant 0 : i32
    %dma_start3A_101 = arith.constant 0 : i32
    %dma_start3A_102 = tpu.memref_slice %arg7[%dma_start3A_93, %dma_start3A_100, %dma_start3A_101] : memref<6x128x128xf32, #tpu.memory_space<vmem>> -> memref<1x128x128xf32, #tpu.memory_space<vmem>>
    %dma_start3A_103 = tpu.memref_squeeze %dma_start3A_102 : memref<1x128x128xf32, #tpu.memory_space<vmem>> -> memref<128x128xf32, #tpu.memory_space<vmem>>
    %dma_start3A_104 = arith.constant 0 : i32
    %dma_start3A_105 = tpu.memref_slice %arg3[%mul3A_92, %dma_start3A_104] : memref<320000x128xf32, #tpu.memory_space<hbm>> -> memref<128x128xf32, #tpu.memory_space<hbm>>
    tpu.enqueue_dma source(%dma_start3A_105 : memref<128x128xf32, #tpu.memory_space<hbm>>) target(%dma_start3A_103 : memref<128x128xf32, #tpu.memory_space<vmem>>) target_semaphore(%arg13 : memref<!tpu.dma_semaphore, #tpu.memory_space<semaphore_mem>>)
    %add3A_106 = arith.constant 2 : i32
    %add3A_107 = arith.addi %add3A_10, %add3A_106 : i32
    %mul3A_108 = arith.constant 128 : i32
    %mul3A_109 = arith.muli %add3A_107, %mul3A_108 : i32
    %dma_start3A_110 = arith.constant 2 : i32
    %dma_start3A_111 = arith.constant 0 : i32
    %dma_start3A_112 = arith.constant 0 : i32
    %dma_start3A_113 = tpu.memref_slice %arg7[%dma_start3A_110, %dma_start3A_111, %dma_start3A_112] : memref<6x128x128xf32, #tpu.memory_space<vmem>> -> memref<1x128x128xf32, #tpu.memory_space<vmem>>
    %dma_start3A_114 = tpu.memref_squeeze %dma_start3A_113 : memref<1x128x128xf32, #tpu.memory_space<vmem>> -> memref<128x128xf32, #tpu.memory_space<vmem>>
    %dma_start3A_115 = arith.constant 0 : i32
    %dma_start3A_116 = tpu.memref_slice %arg3[%mul3A_109, %dma_start3A_115] : memref<320000x128xf32, #tpu.memory_space<hbm>> -> memref<128x128xf32, #tpu.memory_space<hbm>>
    %dma_start3A_117 = arith.constant 0 : i32
    %dma_start3A_118 = arith.constant 0 : i32
    %dma_start3A_119 = tpu.memref_slice %arg7[%dma_start3A_110, %dma_start3A_117, %dma_start3A_118] : memref<6x128x128xf32, #tpu.memory_space<vmem>> -> memref<1x128x128xf32, #tpu.memory_space<vmem>>
    %dma_start3A_120 = tpu.memref_squeeze %dma_start3A_119 : memref<1x128x128xf32, #tpu.memory_space<vmem>> -> memref<128x128xf32, #tpu.memory_space<vmem>>
    %dma_start3A_121 = arith.constant 0 : i32
    %dma_start3A_122 = tpu.memref_slice %arg3[%mul3A_109, %dma_start3A_121] : memref<320000x128xf32, #tpu.memory_space<hbm>> -> memref<128x128xf32, #tpu.memory_space<hbm>>
    tpu.enqueue_dma source(%dma_start3A_122 : memref<128x128xf32, #tpu.memory_space<hbm>>) target(%dma_start3A_120 : memref<128x128xf32, #tpu.memory_space<vmem>>) target_semaphore(%arg14 : memref<!tpu.dma_semaphore, #tpu.memory_space<semaphore_mem>>)
    %add3A_123 = arith.constant 3 : i32
    %add3A_124 = arith.addi %add3A_10, %add3A_123 : i32
    %mul3A_125 = arith.constant 128 : i32
    %mul3A_126 = arith.muli %add3A_124, %mul3A_125 : i32
    %dma_start3A_127 = arith.constant 3 : i32
    %dma_start3A_128 = arith.constant 0 : i32
    %dma_start3A_129 = arith.constant 0 : i32
    %dma_start3A_130 = tpu.memref_slice %arg7[%dma_start3A_127, %dma_start3A_128, %dma_start3A_129] : memref<6x128x128xf32, #tpu.memory_space<vmem>> -> memref<1x128x128xf32, #tpu.memory_space<vmem>>
    %dma_start3A_131 = tpu.memref_squeeze %dma_start3A_130 : memref<1x128x128xf32, #tpu.memory_space<vmem>> -> memref<128x128xf32, #tpu.memory_space<vmem>>
    %dma_start3A_132 = arith.constant 0 : i32
    %dma_start3A_133 = tpu.memref_slice %arg3[%mul3A_126, %dma_start3A_132] : memref<320000x128xf32, #tpu.memory_space<hbm>> -> memref<128x128xf32, #tpu.memory_space<hbm>>
    %dma_start3A_134 = arith.constant 0 : i32
    %dma_start3A_135 = arith.constant 0 : i32
    %dma_start3A_136 = tpu.memref_slice %arg7[%dma_start3A_127, %dma_start3A_134, %dma_start3A_135] : memref<6x128x128xf32, #tpu.memory_space<vmem>> -> memref<1x128x128xf32, #tpu.memory_space<vmem>>
    %dma_start3A_137 = tpu.memref_squeeze %dma_start3A_136 : memref<1x128x128xf32, #tpu.memory_space<vmem>> -> memref<128x128xf32, #tpu.memory_space<vmem>>
    %dma_start3A_138 = arith.constant 0 : i32
    %dma_start3A_139 = tpu.memref_slice %arg3[%mul3A_126, %dma_start3A_138] : memref<320000x128xf32, #tpu.memory_space<hbm>> -> memref<128x128xf32, #tpu.memory_space<hbm>>
    tpu.enqueue_dma source(%dma_start3A_139 : memref<128x128xf32, #tpu.memory_space<hbm>>) target(%dma_start3A_137 : memref<128x128xf32, #tpu.memory_space<vmem>>) target_semaphore(%arg15 : memref<!tpu.dma_semaphore, #tpu.memory_space<semaphore_mem>>)
    %add3A_140 = arith.constant 4 : i32
    %add3A_141 = arith.addi %add3A_10, %add3A_140 : i32
    %mul3A_142 = arith.constant 128 : i32
    %mul3A_143 = arith.muli %add3A_141, %mul3A_142 : i32
    %dma_start3A_144 = arith.constant 4 : i32
    %dma_start3A_145 = arith.constant 0 : i32
    %dma_start3A_146 = arith.constant 0 : i32
    %dma_start3A_147 = tpu.memref_slice %arg7[%dma_start3A_144, %dma_start3A_145, %dma_start3A_146] : memref<6x128x128xf32, #tpu.memory_space<vmem>> -> memref<1x128x128xf32, #tpu.memory_space<vmem>>
    %dma_start3A_148 = tpu.memref_squeeze %dma_start3A_147 : memref<1x128x128xf32, #tpu.memory_space<vmem>> -> memref<128x128xf32, #tpu.memory_space<vmem>>
    %dma_start3A_149 = arith.constant 0 : i32
    %dma_start3A_150 = tpu.memref_slice %arg3[%mul3A_143, %dma_start3A_149] : memref<320000x128xf32, #tpu.memory_space<hbm>> -> memref<128x128xf32, #tpu.memory_space<hbm>>
    %dma_start3A_151 = arith.constant 0 : i32
    %dma_start3A_152 = arith.constant 0 : i32
    %dma_start3A_153 = tpu.memref_slice %arg7[%dma_start3A_144, %dma_start3A_151, %dma_start3A_152] : memref<6x128x128xf32, #tpu.memory_space<vmem>> -> memref<1x128x128xf32, #tpu.memory_space<vmem>>
    %dma_start3A_154 = tpu.memref_squeeze %dma_start3A_153 : memref<1x128x128xf32, #tpu.memory_space<vmem>> -> memref<128x128xf32, #tpu.memory_space<vmem>>
    %dma_start3A_155 = arith.constant 0 : i32
    %dma_start3A_156 = tpu.memref_slice %arg3[%mul3A_143, %dma_start3A_155] : memref<320000x128xf32, #tpu.memory_space<hbm>> -> memref<128x128xf32, #tpu.memory_space<hbm>>
    tpu.enqueue_dma source(%dma_start3A_156 : memref<128x128xf32, #tpu.memory_space<hbm>>) target(%dma_start3A_154 : memref<128x128xf32, #tpu.memory_space<vmem>>) target_semaphore(%arg16 : memref<!tpu.dma_semaphore, #tpu.memory_space<semaphore_mem>>)
    %add3A_157 = arith.constant 6 : i32
    %add3A_158 = arith.addi %add3A_6, %add3A_157 : i32
    %sub3A_159 = arith.constant 1 : i32
    %sub3A_160 = arith.subi %add3A_158, %sub3A_159 : i32
    %jit3A_161 = arith.constant 6 : i32
    %div3A_162 = arith.divsi %sub3A_160, %jit3A_161 : i32
    %sign3A_163 = arith.constant 0 : i32
    %sign3A_164 = arith.cmpi sgt, %sub3A_160, %sign3A_163 : i32
    %sign3A_165 = arith.extui %sign3A_164 : i1 to i32
    %sign3A_166 = arith.constant 0 : i32
    %sign3A_167 = arith.cmpi slt, %sub3A_160, %sign3A_166 : i32
    %sign3A_168 = arith.extui %sign3A_167 : i1 to i32
    %sign3A_169 = arith.subi %sign3A_165, %sign3A_168 : i32
    %sign3A_170 = arith.constant 0 : i32
    %sign3A_171 = arith.cmpi sgt, %jit3A_161, %sign3A_170 : i32
    %sign3A_172 = arith.extui %sign3A_171 : i1 to i32
    %sign3A_173 = arith.constant 0 : i32
    %sign3A_174 = arith.cmpi slt, %jit3A_161, %sign3A_173 : i32
    %sign3A_175 = arith.extui %sign3A_174 : i1 to i32
    %sign3A_176 = arith.subi %sign3A_172, %sign3A_175 : i32
    %ne3A_177 = arith.cmpi ne, %sign3A_169, %sign3A_176 : i32
    %rem3A_178 = arith.remsi %sub3A_160, %jit3A_161 : i32
    %ne3A_179 = arith.constant 0 : i32
    %ne3A_180 = arith.cmpi ne, %rem3A_178, %ne3A_179 : i32
    %and3A_181 = arith.andi %ne3A_177, %ne3A_180 : i1
    %sub3A_182 = arith.constant 1 : i32
    %sub3A_183 = arith.subi %div3A_162, %sub3A_182 : i32
    %select_n3A_184 = arith.select %and3A_181, %sub3A_183, %div3A_162 : i32
    %while3A = arith.constant 0 : i32
    %while3A_185 = arith.constant 0 : i32
    %while3A_186 = arith.subi %select_n3A_184, %while3A_185 : i32
    %while3A_187 = arith.addi %while3A_185, %while3A_186 : i32
    %while3A_188 = arith.constant 1 : i32
    %while3A_189 = arith.divsi %while3A_186, %while3A_188 : i32
    %while3A_190 = arith.muli %while3A_189, %while3A_188 : i32
    %while3A_191 = arith.addi %while3A_185, %while3A_190 : i32
    %while3A_192 = arith.constant 1 : i32
    scf.for %while3A_339 = %while3A_185 to %while3A_191 step %while3A_192  : i32 {
      %mul3A_340 = arith.constant 6 : i32
      %mul3A_341 = arith.muli %mul3A_340, %while3A_339 : i32
      %add3A_342 = arith.constant 0 : i32
      %add3A_343 = arith.addi %mul3A_341, %add3A_342 : i32
      %lt3A_344 = arith.cmpi slt, %add3A_343, %add3A_6 : i32
      %convert_element_type3A_345 = arith.extui %lt3A_344 : i1 to i32
      %cond3A_346 = arith.constant 0 : i32
      %cond3A_347 = arith.cmpi ne, %convert_element_type3A_345, %cond3A_346 : i32
      scf.if %cond3A_347 {
        %ge3A_388 = arith.constant 1 : i32
        %ge3A_389 = arith.cmpi sge, %add3A_343, %ge3A_388 : i32
        %convert_element_type3A_390 = arith.extui %ge3A_389 : i1 to i32
        %cond3A_391 = arith.constant 0 : i32
        %cond3A_392 = arith.cmpi ne, %convert_element_type3A_390, %cond3A_391 : i32
        scf.if %cond3A_392 {
          %sub3A_433 = arith.constant 1 : i32
          %sub3A_434 = arith.subi %add3A_343, %sub3A_433 : i32
          %get3A_435 = arith.constant 5 : i32
          %get3A_436 = arith.index_cast %get3A_435 : i32 to index
          %get3A_437 = memref.load %arg11[%get3A_436] : memref<7xi32, #tpu.memory_space<smem>>
          %eq3A_438 = arith.constant 1 : i32
          %eq3A_439 = arith.cmpi eq, %get3A_437, %eq3A_438 : i32
          %convert_element_type3A_440 = arith.extui %eq3A_439 : i1 to i32
          %cond3A_441 = arith.constant 0 : i32
          %cond3A_442 = arith.cmpi ne, %convert_element_type3A_440, %cond3A_441 : i32
          scf.if %cond3A_442 {
            %add3A_443 = arith.addi %sub3A_31, %sub3A_434 : i32
            %dma_wait3A_444 = arith.constant 5 : i32
            %dma_wait3A_445 = arith.constant 0 : i32
            %dma_wait3A_446 = arith.constant 0 : i32
            %dma_wait3A_447 = tpu.memref_slice %arg7[%dma_wait3A_444, %dma_wait3A_445, %dma_wait3A_446] : memref<6x128x128xf32, #tpu.memory_space<vmem>> -> memref<1x128x128xf32, #tpu.memory_space<vmem>>
            %dma_wait3A_448 = tpu.memref_squeeze %dma_wait3A_447 : memref<1x128x128xf32, #tpu.memory_space<vmem>> -> memref<128x128xf32, #tpu.memory_space<vmem>>
            %dma_wait3A_449 = arith.constant 0 : i32
            %dma_wait3A_450 = tpu.memref_slice %arg8[%add3A_443, %dma_wait3A_449] : memref<88x128xi32, #tpu.memory_space<vmem>> -> memref<1x128xi32, #tpu.memory_space<vmem>>
            %dma_wait3A_451 = tpu.memref_squeeze %dma_wait3A_450 : memref<1x128xi32, #tpu.memory_space<vmem>> -> memref<128xi32, #tpu.memory_space<vmem>>
            %dma_wait3A_452 = arith.constant 0 : i32
            %dma_wait3A_453 = arith.constant 0 : i32
            %dma_wait3A_454 = tpu.memref_slice %arg6[%dma_wait3A_452, %dma_wait3A_453] : memref<1024x128xf32, #tpu.memory_space<vmem_shared>> -> memref<1024x128xf32, #tpu.memory_space<vmem_shared>>
            tpu.wait_indirect_dma semaphore(%arg23 : memref<!tpu.dma_semaphore, #tpu.memory_space<semaphore_mem>>) src(%dma_wait3A_448 : memref<128x128xf32, #tpu.memory_space<vmem>>) dst(%dma_wait3A_454 : memref<1024x128xf32, #tpu.memory_space<vmem_shared>>)
          } else {
          }
        } else {
        }
        %add3A_393 = arith.constant 5 : i32
        %add3A_394 = arith.addi %add3A_343, %add3A_393 : i32
        %lt3A_395 = arith.cmpi slt, %add3A_394, %add3A_6 : i32
        %convert_element_type3A_396 = arith.extui %lt3A_395 : i1 to i32
        %cond3A_397 = arith.constant 0 : i32
        %cond3A_398 = arith.cmpi ne, %convert_element_type3A_396, %cond3A_397 : i32
        scf.if %cond3A_398 {
          %add3A_433 = arith.constant 5 : i32
          %add3A_434 = arith.addi %add3A_343, %add3A_433 : i32
          %add3A_435 = arith.addi %add3A_10, %add3A_434 : i32
          %mul3A_436 = arith.constant 128 : i32
          %mul3A_437 = arith.muli %add3A_435, %mul3A_436 : i32
          %dma_start3A_438 = arith.constant 5 : i32
          %dma_start3A_439 = arith.constant 0 : i32
          %dma_start3A_440 = arith.constant 0 : i32
          %dma_start3A_441 = tpu.memref_slice %arg7[%dma_start3A_438, %dma_start3A_439, %dma_start3A_440] : memref<6x128x128xf32, #tpu.memory_space<vmem>> -> memref<1x128x128xf32, #tpu.memory_space<vmem>>
          %dma_start3A_442 = tpu.memref_squeeze %dma_start3A_441 : memref<1x128x128xf32, #tpu.memory_space<vmem>> -> memref<128x128xf32, #tpu.memory_space<vmem>>
          %dma_start3A_443 = arith.constant 0 : i32
          %dma_start3A_444 = tpu.memref_slice %arg3[%mul3A_437, %dma_start3A_443] : memref<320000x128xf32, #tpu.memory_space<hbm>> -> memref<128x128xf32, #tpu.memory_space<hbm>>
          %dma_start3A_445 = arith.constant 0 : i32
          %dma_start3A_446 = arith.constant 0 : i32
          %dma_start3A_447 = tpu.memref_slice %arg7[%dma_start3A_438, %dma_start3A_445, %dma_start3A_446] : memref<6x128x128xf32, #tpu.memory_space<vmem>> -> memref<1x128x128xf32, #tpu.memory_space<vmem>>
          %dma_start3A_448 = tpu.memref_squeeze %dma_start3A_447 : memref<1x128x128xf32, #tpu.memory_space<vmem>> -> memref<128x128xf32, #tpu.memory_space<vmem>>
          %dma_start3A_449 = arith.constant 0 : i32
          %dma_start3A_450 = tpu.memref_slice %arg3[%mul3A_437, %dma_start3A_449] : memref<320000x128xf32, #tpu.memory_space<hbm>> -> memref<128x128xf32, #tpu.memory_space<hbm>>
          tpu.enqueue_dma source(%dma_start3A_450 : memref<128x128xf32, #tpu.memory_space<hbm>>) target(%dma_start3A_448 : memref<128x128xf32, #tpu.memory_space<vmem>>) target_semaphore(%arg17 : memref<!tpu.dma_semaphore, #tpu.memory_space<semaphore_mem>>)
        } else {
        }
        %add3A_399 = arith.addi %add3A_10, %add3A_343 : i32
        %mul3A_400 = arith.constant 128 : i32
        %mul3A_401 = arith.muli %add3A_399, %mul3A_400 : i32
        %dma_wait3A = arith.constant 0 : i32
        %dma_wait3A_402 = arith.constant 0 : i32
        %dma_wait3A_403 = arith.constant 0 : i32
        %dma_wait3A_404 = tpu.memref_slice %arg7[%dma_wait3A, %dma_wait3A_402, %dma_wait3A_403] : memref<6x128x128xf32, #tpu.memory_space<vmem>> -> memref<1x128x128xf32, #tpu.memory_space<vmem>>
        %dma_wait3A_405 = tpu.memref_squeeze %dma_wait3A_404 : memref<1x128x128xf32, #tpu.memory_space<vmem>> -> memref<128x128xf32, #tpu.memory_space<vmem>>
        %dma_wait3A_406 = arith.constant 0 : i32
        %dma_wait3A_407 = tpu.memref_slice %arg3[%mul3A_401, %dma_wait3A_406] : memref<320000x128xf32, #tpu.memory_space<hbm>> -> memref<128x128xf32, #tpu.memory_space<hbm>>
        %dma_wait3A_408 = arith.constant 0 : i32
        %dma_wait3A_409 = arith.constant 0 : i32
        %dma_wait3A_410 = tpu.memref_slice %arg7[%dma_wait3A, %dma_wait3A_408, %dma_wait3A_409] : memref<6x128x128xf32, #tpu.memory_space<vmem>> -> memref<1x128x128xf32, #tpu.memory_space<vmem>>
        %dma_wait3A_411 = tpu.memref_squeeze %dma_wait3A_410 : memref<1x128x128xf32, #tpu.memory_space<vmem>> -> memref<128x128xf32, #tpu.memory_space<vmem>>
        %dma_wait3A_412 = arith.constant 0 : i32
        %dma_wait3A_413 = tpu.memref_slice %arg3[%mul3A_401, %dma_wait3A_412] : memref<320000x128xf32, #tpu.memory_space<hbm>> -> memref<128x128xf32, #tpu.memory_space<hbm>>
        tpu.wait_dma2 semaphore(%arg12 : memref<!tpu.dma_semaphore, #tpu.memory_space<semaphore_mem>>) src(%dma_wait3A_413 : memref<128x128xf32, #tpu.memory_space<hbm>>) dst(%dma_wait3A_411 : memref<128x128xf32, #tpu.memory_space<vmem>>)
        %add3A_414 = arith.addi %sub3A_31, %add3A_343 : i32
        %get3A = arith.index_cast %add3A_414 : i32 to index
        %get3A_415 = arith.constant 0 : index
        %get3A_416 = tpu.vector_load %arg8[%get3A, %get3A_415] {strides = array<i32>} : memref<88x128xi32, #tpu.memory_space<vmem>>, vector<1x16xi32>,
        %get3A_417 = vector.shape_cast %get3A_416 : vector<1x16xi32> to vector<16xi32>
        %slice3A = vector.extract_strided_slice %get3A_417 {offsets = [0], sizes = [1], strides = [1]} : vector<16xi32> to vector<1xi32>
        %squeeze3A = vector.extract %slice3A[0] : i32 from vector<1xi32>
        %add3A_418 = arith.addi %sub3A_31, %add3A_343 : i32
        %get3A_419 = arith.index_cast %add3A_418 : i32 to index
        %get3A_420 = arith.constant 112 : index
        %get3A_421 = tpu.vector_load %arg8[%get3A_419, %get3A_420] {strides = array<i32>} : memref<88x128xi32, #tpu.memory_space<vmem>>, vector<1x16xi32>,
        %get3A_422 = vector.shape_cast %get3A_421 : vector<1x16xi32> to vector<16xi32>
        %slice3A_423 = vector.extract_strided_slice %get3A_422 {offsets = [15], sizes = [1], strides = [1]} : vector<16xi32> to vector<1xi32>
        %squeeze3A_424 = vector.extract %slice3A_423[0] : i32 from vector<1xi32>
        %eq3A_425 = arith.cmpi eq, %squeeze3A, %squeeze3A_424 : i32
        %convert_element_type3A_426 = arith.extui %eq3A_425 : i1 to i32
        %cond3A_427 = arith.constant 0 : i32
        %cond3A_428 = arith.cmpi ne, %convert_element_type3A_426, %cond3A_427 : i32
        scf.if %cond3A_428 {
          %scan3A_433 = arith.constant 0 : i32
          %scan3A_434 = arith.constant 64 : i32
          %scan3A_435 = arith.addi %scan3A_433, %scan3A_434 : i32
          %scan3A_436 = arith.constant 1 : i32
          %scan3A_437:8 = scf.for %scan3A_533 = %scan3A_433 to %scan3A_435 step %scan3A_436 iter_args(%scan3A_534 = %broadcast_in_dim3A_32, %scan3A_535 = %broadcast_in_dim3A_32, %scan3A_536 = %broadcast_in_dim3A_32, %scan3A_537 = %broadcast_in_dim3A_32, %scan3A_538 = %broadcast_in_dim3A_32, %scan3A_539 = %broadcast_in_dim3A_32, %scan3A_540 = %broadcast_in_dim3A_32, %scan3A_541 = %broadcast_in_dim3A_32) -> (vector<16xf32>, vector<16xf32>, vector<16xf32>, vector<16xf32>, vector<16xf32>, vector<16xf32>, vector<16xf32>, vector<16xf32>)  : i32 {
            %mul3A_542 = arith.constant 2 : i32
            %mul3A_543 = arith.muli %mul3A_542, %scan3A_533 : i32
            %get3A_544 = arith.constant 0 : i32
            %get3A_545 = arith.index_cast %get3A_544 : i32 to index
            %get3A_546 = arith.index_cast %mul3A_543 : i32 to index
            %get3A_547 = arith.constant 0 : index
            %get3A_548 = tpu.vector_load %arg7[%get3A_545, %get3A_546, %get3A_547] {strides = array<i32>} : memref<6x128x128xf32, #tpu.memory_space<vmem>>, vector<1x1x16xf32>,
            %get3A_549 = vector.shape_cast %get3A_548 : vector<1x1x16xf32> to vector<16xf32>
            %mul3A_550 = arith.constant 2 : i32
            %mul3A_551 = arith.muli %mul3A_550, %scan3A_533 : i32
            %add3A_552 = arith.constant 1 : i32
            %add3A_553 = arith.addi %mul3A_551, %add3A_552 : i32
            %get3A_554 = arith.constant 0 : i32
            %get3A_555 = arith.index_cast %get3A_554 : i32 to index
            %get3A_556 = arith.index_cast %add3A_553 : i32 to index
            %get3A_557 = arith.constant 0 : index
            %get3A_558 = tpu.vector_load %arg7[%get3A_555, %get3A_556, %get3A_557] {strides = array<i32>} : memref<6x128x128xf32, #tpu.memory_space<vmem>>, vector<1x1x16xf32>,
            %get3A_559 = vector.shape_cast %get3A_558 : vector<1x1x16xf32> to vector<16xf32>
            %add3A_560 = arith.addf %get3A_549, %get3A_559 : vector<16xf32>
            %add3A_561 = arith.addf %scan3A_534, %add3A_560 : vector<16xf32>
            %mul3A_562 = arith.constant 2 : i32
            %mul3A_563 = arith.muli %mul3A_562, %scan3A_533 : i32
            %get3A_564 = arith.constant 0 : i32
            %get3A_565 = arith.index_cast %get3A_564 : i32 to index
            %get3A_566 = arith.index_cast %mul3A_563 : i32 to index
            %get3A_567 = arith.constant 16 : index
            %get3A_568 = tpu.vector_load %arg7[%get3A_565, %get3A_566, %get3A_567] {strides = array<i32>} : memref<6x128x128xf32, #tpu.memory_space<vmem>>, vector<1x1x16xf32>,
            %get3A_569 = vector.shape_cast %get3A_568 : vector<1x1x16xf32> to vector<16xf32>
            %mul3A_570 = arith.constant 2 : i32
            %mul3A_571 = arith.muli %mul3A_570, %scan3A_533 : i32
            %add3A_572 = arith.constant 1 : i32
            %add3A_573 = arith.addi %mul3A_571, %add3A_572 : i32
            %get3A_574 = arith.constant 0 : i32
            %get3A_575 = arith.index_cast %get3A_574 : i32 to index
            %get3A_576 = arith.index_cast %add3A_573 : i32 to index
            %get3A_577 = arith.constant 16 : index
            %get3A_578 = tpu.vector_load %arg7[%get3A_575, %get3A_576, %get3A_577] {strides = array<i32>} : memref<6x128x128xf32, #tpu.memory_space<vmem>>, vector<1x1x16xf32>,
            %get3A_579 = vector.shape_cast %get3A_578 : vector<1x1x16xf32> to vector<16xf32>
            %add3A_580 = arith.addf %get3A_569, %get3A_579 : vector<16xf32>
            %add3A_581 = arith.addf %scan3A_535, %add3A_580 : vector<16xf32>
            %mul3A_582 = arith.constant 2 : i32
            %mul3A_583 = arith.muli %mul3A_582, %scan3A_533 : i32
            %get3A_584 = arith.constant 0 : i32
            %get3A_585 = arith.index_cast %get3A_584 : i32 to index
            %get3A_586 = arith.index_cast %mul3A_583 : i32 to index
            %get3A_587 = arith.constant 32 : index
            %get3A_588 = tpu.vector_load %arg7[%get3A_585, %get3A_586, %get3A_587] {strides = array<i32>} : memref<6x128x128xf32, #tpu.memory_space<vmem>>, vector<1x1x16xf32>,
            %get3A_589 = vector.shape_cast %get3A_588 : vector<1x1x16xf32> to vector<16xf32>
            %mul3A_590 = arith.constant 2 : i32
            %mul3A_591 = arith.muli %mul3A_590, %scan3A_533 : i32
            %add3A_592 = arith.constant 1 : i32
            %add3A_593 = arith.addi %mul3A_591, %add3A_592 : i32
            %get3A_594 = arith.constant 0 : i32
            %get3A_595 = arith.index_cast %get3A_594 : i32 to index
            %get3A_596 = arith.index_cast %add3A_593 : i32 to index
            %get3A_597 = arith.constant 32 : index
            %get3A_598 = tpu.vector_load %arg7[%get3A_595, %get3A_596, %get3A_597] {strides = array<i32>} : memref<6x128x128xf32, #tpu.memory_space<vmem>>, vector<1x1x16xf32>,
            %get3A_599 = vector.shape_cast %get3A_598 : vector<1x1x16xf32> to vector<16xf32>
            %add3A_600 = arith.addf %get3A_589, %get3A_599 : vector<16xf32>
            %add3A_601 = arith.addf %scan3A_536, %add3A_600 : vector<16xf32>
            %mul3A_602 = arith.constant 2 : i32
            %mul3A_603 = arith.muli %mul3A_602, %scan3A_533 : i32
            %get3A_604 = arith.constant 0 : i32
            %get3A_605 = arith.index_cast %get3A_604 : i32 to index
            %get3A_606 = arith.index_cast %mul3A_603 : i32 to index
            %get3A_607 = arith.constant 48 : index
            %get3A_608 = tpu.vector_load %arg7[%get3A_605, %get3A_606, %get3A_607] {strides = array<i32>} : memref<6x128x128xf32, #tpu.memory_space<vmem>>, vector<1x1x16xf32>,
            %get3A_609 = vector.shape_cast %get3A_608 : vector<1x1x16xf32> to vector<16xf32>
            %mul3A_610 = arith.constant 2 : i32
            %mul3A_611 = arith.muli %mul3A_610, %scan3A_533 : i32
            %add3A_612 = arith.constant 1 : i32
            %add3A_613 = arith.addi %mul3A_611, %add3A_612 : i32
            %get3A_614 = arith.constant 0 : i32
            %get3A_615 = arith.index_cast %get3A_614 : i32 to index
            %get3A_616 = arith.index_cast %add3A_613 : i32 to index
            %get3A_617 = arith.constant 48 : index
            %get3A_618 = tpu.vector_load %arg7[%get3A_615, %get3A_616, %get3A_617] {strides = array<i32>} : memref<6x128x128xf32, #tpu.memory_space<vmem>>, vector<1x1x16xf32>,
            %get3A_619 = vector.shape_cast %get3A_618 : vector<1x1x16xf32> to vector<16xf32>
            %add3A_620 = arith.addf %get3A_609, %get3A_619 : vector<16xf32>
            %add3A_621 = arith.addf %scan3A_537, %add3A_620 : vector<16xf32>
            %mul3A_622 = arith.constant 2 : i32
            %mul3A_623 = arith.muli %mul3A_622, %scan3A_533 : i32
            %get3A_624 = arith.constant 0 : i32
            %get3A_625 = arith.index_cast %get3A_624 : i32 to index
            %get3A_626 = arith.index_cast %mul3A_623 : i32 to index
            %get3A_627 = arith.constant 64 : index
            %get3A_628 = tpu.vector_load %arg7[%get3A_625, %get3A_626, %get3A_627] {strides = array<i32>} : memref<6x128x128xf32, #tpu.memory_space<vmem>>, vector<1x1x16xf32>,
            %get3A_629 = vector.shape_cast %get3A_628 : vector<1x1x16xf32> to vector<16xf32>
            %mul3A_630 = arith.constant 2 : i32
            %mul3A_631 = arith.muli %mul3A_630, %scan3A_533 : i32
            %add3A_632 = arith.constant 1 : i32
            %add3A_633 = arith.addi %mul3A_631, %add3A_632 : i32
            %get3A_634 = arith.constant 0 : i32
            %get3A_635 = arith.index_cast %get3A_634 : i32 to index
            %get3A_636 = arith.index_cast %add3A_633 : i32 to index
            %get3A_637 = arith.constant 64 : index
            %get3A_638 = tpu.vector_load %arg7[%get3A_635, %get3A_636, %get3A_637] {strides = array<i32>} : memref<6x128x128xf32, #tpu.memory_space<vmem>>, vector<1x1x16xf32>,
            %get3A_639 = vector.shape_cast %get3A_638 : vector<1x1x16xf32> to vector<16xf32>
            %add3A_640 = arith.addf %get3A_629, %get3A_639 : vector<16xf32>
            %add3A_641 = arith.addf %scan3A_538, %add3A_640 : vector<16xf32>
            %mul3A_642 = arith.constant 2 : i32
            %mul3A_643 = arith.muli %mul3A_642, %scan3A_533 : i32
            %get3A_644 = arith.constant 0 : i32
            %get3A_645 = arith.index_cast %get3A_644 : i32 to index
            %get3A_646 = arith.index_cast %mul3A_643 : i32 to index
            %get3A_647 = arith.constant 80 : index
            %get3A_648 = tpu.vector_load %arg7[%get3A_645, %get3A_646, %get3A_647] {strides = array<i32>} : memref<6x128x128xf32, #tpu.memory_space<vmem>>, vector<1x1x16xf32>,
            %get3A_649 = vector.shape_cast %get3A_648 : vector<1x1x16xf32> to vector<16xf32>
            %mul3A_650 = arith.constant 2 : i32
            %mul3A_651 = arith.muli %mul3A_650, %scan3A_533 : i32
            %add3A_652 = arith.constant 1 : i32
            %add3A_653 = arith.addi %mul3A_651, %add3A_652 : i32
            %get3A_654 = arith.constant 0 : i32
            %get3A_655 = arith.index_cast %get3A_654 : i32 to index
            %get3A_656 = arith.index_cast %add3A_653 : i32 to index
            %get3A_657 = arith.constant 80 : index
            %get3A_658 = tpu.vector_load %arg7[%get3A_655, %get3A_656, %get3A_657] {strides = array<i32>} : memref<6x128x128xf32, #tpu.memory_space<vmem>>, vector<1x1x16xf32>,
            %get3A_659 = vector.shape_cast %get3A_658 : vector<1x1x16xf32> to vector<16xf32>
            %add3A_660 = arith.addf %get3A_649, %get3A_659 : vector<16xf32>
            %add3A_661 = arith.addf %scan3A_539, %add3A_660 : vector<16xf32>
            %mul3A_662 = arith.constant 2 : i32
            %mul3A_663 = arith.muli %mul3A_662, %scan3A_533 : i32
            %get3A_664 = arith.constant 0 : i32
            %get3A_665 = arith.index_cast %get3A_664 : i32 to index
            %get3A_666 = arith.index_cast %mul3A_663 : i32 to index
            %get3A_667 = arith.constant 96 : index
            %get3A_668 = tpu.vector_load %arg7[%get3A_665, %get3A_666, %get3A_667] {strides = array<i32>} : memref<6x128x128xf32, #tpu.memory_space<vmem>>, vector<1x1x16xf32>,
            %get3A_669 = vector.shape_cast %get3A_668 : vector<1x1x16xf32> to vector<16xf32>
            %mul3A_670 = arith.constant 2 : i32
            %mul3A_671 = arith.muli %mul3A_670, %scan3A_533 : i32
            %add3A_672 = arith.constant 1 : i32
            %add3A_673 = arith.addi %mul3A_671, %add3A_672 : i32
            %get3A_674 = arith.constant 0 : i32
            %get3A_675 = arith.index_cast %get3A_674 : i32 to index
            %get3A_676 = arith.index_cast %add3A_673 : i32 to index
            %get3A_677 = arith.constant 96 : index
            %get3A_678 = tpu.vector_load %arg7[%get3A_675, %get3A_676, %get3A_677] {strides = array<i32>} : memref<6x128x128xf32, #tpu.memory_space<vmem>>, vector<1x1x16xf32>,
            %get3A_679 = vector.shape_cast %get3A_678 : vector<1x1x16xf32> to vector<16xf32>
            %add3A_680 = arith.addf %get3A_669, %get3A_679 : vector<16xf32>
            %add3A_681 = arith.addf %scan3A_540, %add3A_680 : vector<16xf32>
            %mul3A_682 = arith.constant 2 : i32
            %mul3A_683 = arith.muli %mul3A_682, %scan3A_533 : i32
            %get3A_684 = arith.constant 0 : i32
            %get3A_685 = arith.index_cast %get3A_684 : i32 to index
            %get3A_686 = arith.index_cast %mul3A_683 : i32 to index
            %get3A_687 = arith.constant 112 : index
            %get3A_688 = tpu.vector_load %arg7[%get3A_685, %get3A_686, %get3A_687] {strides = array<i32>} : memref<6x128x128xf32, #tpu.memory_space<vmem>>, vector<1x1x16xf32>,
            %get3A_689 = vector.shape_cast %get3A_688 : vector<1x1x16xf32> to vector<16xf32>
            %mul3A_690 = arith.constant 2 : i32
            %mul3A_691 = arith.muli %mul3A_690, %scan3A_533 : i32
            %add3A_692 = arith.constant 1 : i32
            %add3A_693 = arith.addi %mul3A_691, %add3A_692 : i32
            %get3A_694 = arith.constant 0 : i32
            %get3A_695 = arith.index_cast %get3A_694 : i32 to index
            %get3A_696 = arith.index_cast %add3A_693 : i32 to index
            %get3A_697 = arith.constant 112 : index
            %get3A_698 = tpu.vector_load %arg7[%get3A_695, %get3A_696, %get3A_697] {strides = array<i32>} : memref<6x128x128xf32, #tpu.memory_space<vmem>>, vector<1x1x16xf32>,
            %get3A_699 = vector.shape_cast %get3A_698 : vector<1x1x16xf32> to vector<16xf32>
            %add3A_700 = arith.addf %get3A_689, %get3A_699 : vector<16xf32>
            %add3A_701 = arith.addf %scan3A_541, %add3A_700 : vector<16xf32>
            scf.yield %add3A_561, %add3A_581, %add3A_601, %add3A_621, %add3A_641, %add3A_661, %add3A_681, %add3A_701 : vector<16xf32>, vector<16xf32>, vector<16xf32>, vector<16xf32>, vector<16xf32>, vector<16xf32>, vector<16xf32>, vector<16xf32>
          }
          %scan3A_438 = arith.constant 64 : i32
          %get3A_439 = arith.constant 6 : i32
          %get3A_440 = arith.index_cast %get3A_439 : i32 to index
          %get3A_441 = memref.load %arg11[%get3A_440] : memref<7xi32, #tpu.memory_space<smem>>
          %swap3A_442 = arith.index_cast %get3A_441 : i32 to index
          %swap3A_443 = arith.constant 0 : index
          %swap3A_444 = tpu.vector_load %arg9[%swap3A_442, %swap3A_443] {strides = array<i32>} : memref<80x128xf32, #tpu.memory_space<vmem>>, vector<1x16xf32>,
          %swap3A_445 = vector.shape_cast %swap3A_444 : vector<1x16xf32> to vector<16xf32>
          %swap3A_446 = vector.shape_cast %scan3A_437#0 : vector<16xf32> to vector<1x16xf32>
          tpu.vector_store %arg9[%swap3A_442, %swap3A_443], %swap3A_446 {strides = array<i32>} : memref<80x128xf32, #tpu.memory_space<vmem>>, vector<1x16xf32>,
          %swap3A_447 = arith.index_cast %get3A_441 : i32 to index
          %swap3A_448 = arith.constant 16 : index
          %swap3A_449 = tpu.vector_load %arg9[%swap3A_447, %swap3A_448] {strides = array<i32>} : memref<80x128xf32, #tpu.memory_space<vmem>>, vector<1x16xf32>,
          %swap3A_450 = vector.shape_cast %swap3A_449 : vector<1x16xf32> to vector<16xf32>
          %swap3A_451 = vector.shape_cast %scan3A_437#1 : vector<16xf32> to vector<1x16xf32>
          tpu.vector_store %arg9[%swap3A_447, %swap3A_448], %swap3A_451 {strides = array<i32>} : memref<80x128xf32, #tpu.memory_space<vmem>>, vector<1x16xf32>,
          %swap3A_452 = arith.index_cast %get3A_441 : i32 to index
          %swap3A_453 = arith.constant 32 : index
          %swap3A_454 = tpu.vector_load %arg9[%swap3A_452, %swap3A_453] {strides = array<i32>} : memref<80x128xf32, #tpu.memory_space<vmem>>, vector<1x16xf32>,
          %swap3A_455 = vector.shape_cast %swap3A_454 : vector<1x16xf32> to vector<16xf32>
          %swap3A_456 = vector.shape_cast %scan3A_437#2 : vector<16xf32> to vector<1x16xf32>
          tpu.vector_store %arg9[%swap3A_452, %swap3A_453], %swap3A_456 {strides = array<i32>} : memref<80x128xf32, #tpu.memory_space<vmem>>, vector<1x16xf32>,
          %swap3A_457 = arith.index_cast %get3A_441 : i32 to index
          %swap3A_458 = arith.constant 48 : index
          %swap3A_459 = tpu.vector_load %arg9[%swap3A_457, %swap3A_458] {strides = array<i32>} : memref<80x128xf32, #tpu.memory_space<vmem>>, vector<1x16xf32>,
          %swap3A_460 = vector.shape_cast %swap3A_459 : vector<1x16xf32> to vector<16xf32>
          %swap3A_461 = vector.shape_cast %scan3A_437#3 : vector<16xf32> to vector<1x16xf32>
          tpu.vector_store %arg9[%swap3A_457, %swap3A_458], %swap3A_461 {strides = array<i32>} : memref<80x128xf32, #tpu.memory_space<vmem>>, vector<1x16xf32>,
          %swap3A_462 = arith.index_cast %get3A_441 : i32 to index
          %swap3A_463 = arith.constant 64 : index
          %swap3A_464 = tpu.vector_load %arg9[%swap3A_462, %swap3A_463] {strides = array<i32>} : memref<80x128xf32, #tpu.memory_space<vmem>>, vector<1x16xf32>,
          %swap3A_465 = vector.shape_cast %swap3A_464 : vector<1x16xf32> to vector<16xf32>
          %swap3A_466 = vector.shape_cast %scan3A_437#4 : vector<16xf32> to vector<1x16xf32>
          tpu.vector_store %arg9[%swap3A_462, %swap3A_463], %swap3A_466 {strides = array<i32>} : memref<80x128xf32, #tpu.memory_space<vmem>>, vector<1x16xf32>,
          %swap3A_467 = arith.index_cast %get3A_441 : i32 to index
          %swap3A_468 = arith.constant 80 : index
          %swap3A_469 = tpu.vector_load %arg9[%swap3A_467, %swap3A_468] {strides = array<i32>} : memref<80x128xf32, #tpu.memory_space<vmem>>, vector<1x16xf32>,
          %swap3A_470 = vector.shape_cast %swap3A_469 : vector<1x16xf32> to vector<16xf32>
          %swap3A_471 = vector.shape_cast %scan3A_437#5 : vector<16xf32> to vector<1x16xf32>
          tpu.vector_store %arg9[%swap3A_467, %swap3A_468], %swap3A_471 {strides = array<i32>} : memref<80x128xf32, #tpu.memory_space<vmem>>, vector<1x16xf32>,
          %swap3A_472 = arith.index_cast %get3A_441 : i32 to index
          %swap3A_473 = arith.constant 96 : index
          %swap3A_474 = tpu.vector_load %arg9[%swap3A_472, %swap3A_473] {strides = array<i32>} : memref<80x128xf32, #tpu.memory_space<vmem>>, vector<1x16xf32>,
          %swap3A_475 = vector.shape_cast %swap3A_474 : vector<1x16xf32> to vector<16xf32>
          %swap3A_476 = vector.shape_cast %scan3A_437#6 : vector<16xf32> to vector<1x16xf32>
          tpu.vector_store %arg9[%swap3A_472, %swap3A_473], %swap3A_476 {strides = array<i32>} : memref<80x128xf32, #tpu.memory_space<vmem>>, vector<1x16xf32>,
          %swap3A_477 = arith.index_cast %get3A_441 : i32 to index
          %swap3A_478 = arith.constant 112 : index
          %swap3A_479 = tpu.vector_load %arg9[%swap3A_477, %swap3A_478] {strides = array<i32>} : memref<80x128xf32, #tpu.memory_space<vmem>>, vector<1x16xf32>,
          %swap3A_480 = vector.shape_cast %swap3A_479 : vector<1x16xf32> to vector<16xf32>
          %swap3A_481 = vector.shape_cast %scan3A_437#7 : vector<16xf32> to vector<1x16xf32>
          tpu.vector_store %arg9[%swap3A_477, %swap3A_478], %swap3A_481 {strides = array<i32>} : memref<80x128xf32, #tpu.memory_space<vmem>>, vector<1x16xf32>,
          %jit3A_482 = arith.constant 16 : i32
          %div3A_483 = arith.divsi %get3A_441, %jit3A_482 : i32
          %sign3A_484 = arith.constant 0 : i32
          %sign3A_485 = arith.cmpi sgt, %get3A_441, %sign3A_484 : i32
          %sign3A_486 = arith.extui %sign3A_485 : i1 to i32
          %sign3A_487 = arith.constant 0 : i32
          %sign3A_488 = arith.cmpi slt, %get3A_441, %sign3A_487 : i32
          %sign3A_489 = arith.extui %sign3A_488 : i1 to i32
          %sign3A_490 = arith.subi %sign3A_486, %sign3A_489 : i32
          %sign3A_491 = arith.constant 0 : i32
          %sign3A_492 = arith.cmpi sgt, %jit3A_482, %sign3A_491 : i32
          %sign3A_493 = arith.extui %sign3A_492 : i1 to i32
          %sign3A_494 = arith.constant 0 : i32
          %sign3A_495 = arith.cmpi slt, %jit3A_482, %sign3A_494 : i32
          %sign3A_496 = arith.extui %sign3A_495 : i1 to i32
          %sign3A_497 = arith.subi %sign3A_493, %sign3A_496 : i32
          %ne3A_498 = arith.cmpi ne, %sign3A_490, %sign3A_497 : i32
          %rem3A_499 = arith.remsi %get3A_441, %jit3A_482 : i32
          %ne3A_500 = arith.constant 0 : i32
          %ne3A_501 = arith.cmpi ne, %rem3A_499, %ne3A_500 : i32
          %and3A_502 = arith.andi %ne3A_498, %ne3A_501 : i1
          %sub3A_503 = arith.constant 1 : i32
          %sub3A_504 = arith.subi %div3A_483, %sub3A_503 : i32
          %select_n3A_505 = arith.select %and3A_502, %sub3A_504, %div3A_483 : i32
          %mul3A_506 = arith.constant 16 : i32
          %mul3A_507 = arith.muli %select_n3A_505, %mul3A_506 : i32
          %sub3A_508 = arith.subi %get3A_441, %mul3A_507 : i32
          %get3A_509 = arith.constant 0 : i32
          %get3A_510 = arith.index_cast %get3A_509 : i32 to index
          %get3A_511 = arith.index_cast %mul3A_507 : i32 to index
          %get3A_512 = tpu.vector_load %arg10[%get3A_510, %get3A_511] {strides = array<i32>} : memref<8x80xi32, #tpu.memory_space<vmem>>, vector<1x16xi32>,
          %get3A_513 = vector.shape_cast %get3A_512 : vector<1x16xi32> to vector<16xi32>
          %iota3A = tpu.iota {dimensions = array<i32: 0>} : vector<16xi32>
          %eq3A_514 = vector.broadcast %sub3A_508 : i32 to vector<16xi32>
          %eq3A_515 = arith.cmpi eq, %iota3A, %eq3A_514 : vector<16xi32>
          %broadcast_in_dim3A_516 = vector.broadcast %squeeze3A : i32 to vector<16xi32>
          %select_n3A_517 = arith.select %eq3A_515, %broadcast_in_dim3A_516, %get3A_513 : vector<16xi1>, vector<16xi32>
          %swap3A_518 = arith.constant 0 : i32
          %swap3A_519 = arith.index_cast %swap3A_518 : i32 to index
          %swap3A_520 = arith.index_cast %mul3A_507 : i32 to index
          %swap3A_521 = tpu.vector_load %arg10[%swap3A_519, %swap3A_520] {strides = array<i32>} : memref<8x80xi32, #tpu.memory_space<vmem>>, vector<1x16xi32>,
          %swap3A_522 = vector.shape_cast %swap3A_521 : vector<1x16xi32> to vector<16xi32>
          %swap3A_523 = vector.shape_cast %select_n3A_517 : vector<16xi32> to vector<1x16xi32>
          tpu.vector_store %arg10[%swap3A_519, %swap3A_520], %swap3A_523 {strides = array<i32>} : memref<8x80xi32, #tpu.memory_space<vmem>>, vector<1x16xi32>,
          %add3A_524 = arith.constant 1 : i32
          %add3A_525 = arith.addi %get3A_441, %add3A_524 : i32
          %swap3A_526 = arith.constant 6 : i32
          %swap3A_527 = arith.index_cast %swap3A_526 : i32 to index
          %swap3A_528 = memref.load %arg11[%swap3A_527] : memref<7xi32, #tpu.memory_space<smem>>
          memref.store %add3A_525, %arg11[%swap3A_527] : memref<7xi32, #tpu.memory_space<smem>>
          %swap3A_529 = arith.constant 0 : i32
          %swap3A_530 = arith.constant 0 : i32
          %swap3A_531 = arith.index_cast %swap3A_530 : i32 to index
          %swap3A_532 = memref.load %arg11[%swap3A_531] : memref<7xi32, #tpu.memory_space<smem>>
          memref.store %swap3A_529, %arg11[%swap3A_531] : memref<7xi32, #tpu.memory_space<smem>>
        } else {
        }
        %ne3A_429 = arith.cmpi ne, %squeeze3A, %squeeze3A_424 : i32
        %convert_element_type3A_430 = arith.extui %ne3A_429 : i1 to i32
        %cond3A_431 = arith.constant 0 : i32
        %cond3A_432 = arith.cmpi ne, %convert_element_type3A_430, %cond3A_431 : i32
        scf.if %cond3A_432 {
          %add3A_433 = arith.addi %sub3A_31, %add3A_343 : i32
          %dma_start3A_434 = arith.constant 0 : i32
          %dma_start3A_435 = arith.constant 0 : i32
          %dma_start3A_436 = arith.constant 0 : i32
          %dma_start3A_437 = tpu.memref_slice %arg7[%dma_start3A_434, %dma_start3A_435, %dma_start3A_436] : memref<6x128x128xf32, #tpu.memory_space<vmem>> -> memref<1x128x128xf32, #tpu.memory_space<vmem>>
          %dma_start3A_438 = tpu.memref_squeeze %dma_start3A_437 : memref<1x128x128xf32, #tpu.memory_space<vmem>> -> memref<128x128xf32, #tpu.memory_space<vmem>>
          %dma_start3A_439 = arith.constant 0 : i32
          %dma_start3A_440 = tpu.memref_slice %arg8[%add3A_433, %dma_start3A_439] : memref<88x128xi32, #tpu.memory_space<vmem>> -> memref<1x128xi32, #tpu.memory_space<vmem>>
          %dma_start3A_441 = tpu.memref_squeeze %dma_start3A_440 : memref<1x128xi32, #tpu.memory_space<vmem>> -> memref<128xi32, #tpu.memory_space<vmem>>
          %dma_start3A_442 = arith.constant 0 : i32
          %dma_start3A_443 = arith.constant 0 : i32
          %dma_start3A_444 = tpu.memref_slice %arg6[%dma_start3A_442, %dma_start3A_443] : memref<1024x128xf32, #tpu.memory_space<vmem_shared>> -> memref<1024x128xf32, #tpu.memory_space<vmem_shared>>
          tpu.enqueue_indirect_dma source(%dma_start3A_438 : memref<128x128xf32, #tpu.memory_space<vmem>>) target(%dma_start3A_444 : memref<1024x128xf32, #tpu.memory_space<vmem_shared>>) offsets(%dma_start3A_441 : memref<128xi32, #tpu.memory_space<vmem>>) semaphore(%arg18 : memref<!tpu.dma_semaphore, #tpu.memory_space<semaphore_mem>>) {add = true}
          %swap3A_445 = arith.constant 1 : i32
          %swap3A_446 = arith.constant 0 : i32
          %swap3A_447 = arith.index_cast %swap3A_446 : i32 to index
          %swap3A_448 = memref.load %arg11[%swap3A_447] : memref<7xi32, #tpu.memory_space<smem>>
          memref.store %swap3A_445, %arg11[%swap3A_447] : memref<7xi32, #tpu.memory_space<smem>>
        } else {
        }
      } else {
      }
      %mul3A_348 = arith.constant 6 : i32
      %mul3A_349 = arith.muli %mul3A_348, %while3A_339 : i32
      %add3A_350 = arith.constant 1 : i32
      %add3A_351 = arith.addi %mul3A_349, %add3A_350 : i32
      %lt3A_352 = arith.cmpi slt, %add3A_351, %add3A_6 : i32
      %convert_element_type3A_353 = arith.extui %lt3A_352 : i1 to i32
      %cond3A_354 = arith.constant 0 : i32
      %cond3A_355 = arith.cmpi ne, %convert_element_type3A_353, %cond3A_354 : i32
      scf.if %cond3A_355 {
        %ge3A_388 = arith.constant 1 : i32
        %ge3A_389 = arith.cmpi sge, %add3A_351, %ge3A_388 : i32
        %convert_element_type3A_390 = arith.extui %ge3A_389 : i1 to i32
        %cond3A_391 = arith.constant 0 : i32
        %cond3A_392 = arith.cmpi ne, %convert_element_type3A_390, %cond3A_391 : i32
        scf.if %cond3A_392 {
          %sub3A_433 = arith.constant 1 : i32
          %sub3A_434 = arith.subi %add3A_351, %sub3A_433 : i32
          %get3A_435 = arith.constant 0 : i32
          %get3A_436 = arith.index_cast %get3A_435 : i32 to index
          %get3A_437 = memref.load %arg11[%get3A_436] : memref<7xi32, #tpu.memory_space<smem>>
          %eq3A_438 = arith.constant 1 : i32
          %eq3A_439 = arith.cmpi eq, %get3A_437, %eq3A_438 : i32
          %convert_element_type3A_440 = arith.extui %eq3A_439 : i1 to i32
          %cond3A_441 = arith.constant 0 : i32
          %cond3A_442 = arith.cmpi ne, %convert_element_type3A_440, %cond3A_441 : i32
          scf.if %cond3A_442 {
            %add3A_443 = arith.addi %sub3A_31, %sub3A_434 : i32
            %dma_wait3A_444 = arith.constant 0 : i32
            %dma_wait3A_445 = arith.constant 0 : i32
            %dma_wait3A_446 = arith.constant 0 : i32
            %dma_wait3A_447 = tpu.memref_slice %arg7[%dma_wait3A_444, %dma_wait3A_445, %dma_wait3A_446] : memref<6x128x128xf32, #tpu.memory_space<vmem>> -> memref<1x128x128xf32, #tpu.memory_space<vmem>>
            %dma_wait3A_448 = tpu.memref_squeeze %dma_wait3A_447 : memref<1x128x128xf32, #tpu.memory_space<vmem>> -> memref<128x128xf32, #tpu.memory_space<vmem>>
            %dma_wait3A_449 = arith.constant 0 : i32
            %dma_wait3A_450 = tpu.memref_slice %arg8[%add3A_443, %dma_wait3A_449] : memref<88x128xi32, #tpu.memory_space<vmem>> -> memref<1x128xi32, #tpu.memory_space<vmem>>
            %dma_wait3A_451 = tpu.memref_squeeze %dma_wait3A_450 : memref<1x128xi32, #tpu.memory_space<vmem>> -> memref<128xi32, #tpu.memory_space<vmem>>
            %dma_wait3A_452 = arith.constant 0 : i32
            %dma_wait3A_453 = arith.constant 0 : i32
            %dma_wait3A_454 = tpu.memref_slice %arg6[%dma_wait3A_452, %dma_wait3A_453] : memref<1024x128xf32, #tpu.memory_space<vmem_shared>> -> memref<1024x128xf32, #tpu.memory_space<vmem_shared>>
            tpu.wait_indirect_dma semaphore(%arg18 : memref<!tpu.dma_semaphore, #tpu.memory_space<semaphore_mem>>) src(%dma_wait3A_448 : memref<128x128xf32, #tpu.memory_space<vmem>>) dst(%dma_wait3A_454 : memref<1024x128xf32, #tpu.memory_space<vmem_shared>>)
          } else {
          }
        } else {
        }
        %add3A_393 = arith.constant 5 : i32
        %add3A_394 = arith.addi %add3A_351, %add3A_393 : i32
        %lt3A_395 = arith.cmpi slt, %add3A_394, %add3A_6 : i32
        %convert_element_type3A_396 = arith.extui %lt3A_395 : i1 to i32
        %cond3A_397 = arith.constant 0 : i32
        %cond3A_398 = arith.cmpi ne, %convert_element_type3A_396, %cond3A_397 : i32
        scf.if %cond3A_398 {
          %add3A_433 = arith.constant 5 : i32
          %add3A_434 = arith.addi %add3A_351, %add3A_433 : i32
          %add3A_435 = arith.addi %add3A_10, %add3A_434 : i32
          %mul3A_436 = arith.constant 128 : i32
          %mul3A_437 = arith.muli %add3A_435, %mul3A_436 : i32
          %dma_start3A_438 = arith.constant 0 : i32
          %dma_start3A_439 = arith.constant 0 : i32
          %dma_start3A_440 = arith.constant 0 : i32
          %dma_start3A_441 = tpu.memref_slice %arg7[%dma_start3A_438, %dma_start3A_439, %dma_start3A_440] : memref<6x128x128xf32, #tpu.memory_space<vmem>> -> memref<1x128x128xf32, #tpu.memory_space<vmem>>
          %dma_start3A_442 = tpu.memref_squeeze %dma_start3A_441 : memref<1x128x128xf32, #tpu.memory_space<vmem>> -> memref<128x128xf32, #tpu.memory_space<vmem>>
          %dma_start3A_443 = arith.constant 0 : i32
          %dma_start3A_444 = tpu.memref_slice %arg3[%mul3A_437, %dma_start3A_443] : memref<320000x128xf32, #tpu.memory_space<hbm>> -> memref<128x128xf32, #tpu.memory_space<hbm>>
          %dma_start3A_445 = arith.constant 0 : i32
          %dma_start3A_446 = arith.constant 0 : i32
          %dma_start3A_447 = tpu.memref_slice %arg7[%dma_start3A_438, %dma_start3A_445, %dma_start3A_446] : memref<6x128x128xf32, #tpu.memory_space<vmem>> -> memref<1x128x128xf32, #tpu.memory_space<vmem>>
          %dma_start3A_448 = tpu.memref_squeeze %dma_start3A_447 : memref<1x128x128xf32, #tpu.memory_space<vmem>> -> memref<128x128xf32, #tpu.memory_space<vmem>>
          %dma_start3A_449 = arith.constant 0 : i32
          %dma_start3A_450 = tpu.memref_slice %arg3[%mul3A_437, %dma_start3A_449] : memref<320000x128xf32, #tpu.memory_space<hbm>> -> memref<128x128xf32, #tpu.memory_space<hbm>>
          tpu.enqueue_dma source(%dma_start3A_450 : memref<128x128xf32, #tpu.memory_space<hbm>>) target(%dma_start3A_448 : memref<128x128xf32, #tpu.memory_space<vmem>>) target_semaphore(%arg12 : memref<!tpu.dma_semaphore, #tpu.memory_space<semaphore_mem>>)
        } else {
        }
        %add3A_399 = arith.addi %add3A_10, %add3A_351 : i32
        %mul3A_400 = arith.constant 128 : i32
        %mul3A_401 = arith.muli %add3A_399, %mul3A_400 : i32
        %dma_wait3A = arith.constant 1 : i32
        %dma_wait3A_402 = arith.constant 0 : i32
        %dma_wait3A_403 = arith.constant 0 : i32
        %dma_wait3A_404 = tpu.memref_slice %arg7[%dma_wait3A, %dma_wait3A_402, %dma_wait3A_403] : memref<6x128x128xf32, #tpu.memory_space<vmem>> -> memref<1x128x128xf32, #tpu.memory_space<vmem>>
        %dma_wait3A_405 = tpu.memref_squeeze %dma_wait3A_404 : memref<1x128x128xf32, #tpu.memory_space<vmem>> -> memref<128x128xf32, #tpu.memory_space<vmem>>
        %dma_wait3A_406 = arith.constant 0 : i32
        %dma_wait3A_407 = tpu.memref_slice %arg3[%mul3A_401, %dma_wait3A_406] : memref<320000x128xf32, #tpu.memory_space<hbm>> -> memref<128x128xf32, #tpu.memory_space<hbm>>
        %dma_wait3A_408 = arith.constant 0 : i32
        %dma_wait3A_409 = arith.constant 0 : i32
        %dma_wait3A_410 = tpu.memref_slice %arg7[%dma_wait3A, %dma_wait3A_408, %dma_wait3A_409] : memref<6x128x128xf32, #tpu.memory_space<vmem>> -> memref<1x128x128xf32, #tpu.memory_space<vmem>>
        %dma_wait3A_411 = tpu.memref_squeeze %dma_wait3A_410 : memref<1x128x128xf32, #tpu.memory_space<vmem>> -> memref<128x128xf32, #tpu.memory_space<vmem>>
        %dma_wait3A_412 = arith.constant 0 : i32
        %dma_wait3A_413 = tpu.memref_slice %arg3[%mul3A_401, %dma_wait3A_412] : memref<320000x128xf32, #tpu.memory_space<hbm>> -> memref<128x128xf32, #tpu.memory_space<hbm>>
        tpu.wait_dma2 semaphore(%arg13 : memref<!tpu.dma_semaphore, #tpu.memory_space<semaphore_mem>>) src(%dma_wait3A_413 : memref<128x128xf32, #tpu.memory_space<hbm>>) dst(%dma_wait3A_411 : memref<128x128xf32, #tpu.memory_space<vmem>>)
        %add3A_414 = arith.addi %sub3A_31, %add3A_351 : i32
        %get3A = arith.index_cast %add3A_414 : i32 to index
        %get3A_415 = arith.constant 0 : index
        %get3A_416 = tpu.vector_load %arg8[%get3A, %get3A_415] {strides = array<i32>} : memref<88x128xi32, #tpu.memory_space<vmem>>, vector<1x16xi32>,
        %get3A_417 = vector.shape_cast %get3A_416 : vector<1x16xi32> to vector<16xi32>
        %slice3A = vector.extract_strided_slice %get3A_417 {offsets = [0], sizes = [1], strides = [1]} : vector<16xi32> to vector<1xi32>
        %squeeze3A = vector.extract %slice3A[0] : i32 from vector<1xi32>
        %add3A_418 = arith.addi %sub3A_31, %add3A_351 : i32
        %get3A_419 = arith.index_cast %add3A_418 : i32 to index
        %get3A_420 = arith.constant 112 : index
        %get3A_421 = tpu.vector_load %arg8[%get3A_419, %get3A_420] {strides = array<i32>} : memref<88x128xi32, #tpu.memory_space<vmem>>, vector<1x16xi32>,
        %get3A_422 = vector.shape_cast %get3A_421 : vector<1x16xi32> to vector<16xi32>
        %slice3A_423 = vector.extract_strided_slice %get3A_422 {offsets = [15], sizes = [1], strides = [1]} : vector<16xi32> to vector<1xi32>
        %squeeze3A_424 = vector.extract %slice3A_423[0] : i32 from vector<1xi32>
        %eq3A_425 = arith.cmpi eq, %squeeze3A, %squeeze3A_424 : i32
        %convert_element_type3A_426 = arith.extui %eq3A_425 : i1 to i32
        %cond3A_427 = arith.constant 0 : i32
        %cond3A_428 = arith.cmpi ne, %convert_element_type3A_426, %cond3A_427 : i32
        scf.if %cond3A_428 {
          %scan3A_433 = arith.constant 0 : i32
          %scan3A_434 = arith.constant 64 : i32
          %scan3A_435 = arith.addi %scan3A_433, %scan3A_434 : i32
          %scan3A_436 = arith.constant 1 : i32
          %scan3A_437:8 = scf.for %scan3A_533 = %scan3A_433 to %scan3A_435 step %scan3A_436 iter_args(%scan3A_534 = %broadcast_in_dim3A_32, %scan3A_535 = %broadcast_in_dim3A_32, %scan3A_536 = %broadcast_in_dim3A_32, %scan3A_537 = %broadcast_in_dim3A_32, %scan3A_538 = %broadcast_in_dim3A_32, %scan3A_539 = %broadcast_in_dim3A_32, %scan3A_540 = %broadcast_in_dim3A_32, %scan3A_541 = %broadcast_in_dim3A_32) -> (vector<16xf32>, vector<16xf32>, vector<16xf32>, vector<16xf32>, vector<16xf32>, vector<16xf32>, vector<16xf32>, vector<16xf32>)  : i32 {
            %mul3A_542 = arith.constant 2 : i32
            %mul3A_543 = arith.muli %mul3A_542, %scan3A_533 : i32
            %get3A_544 = arith.constant 1 : i32
            %get3A_545 = arith.index_cast %get3A_544 : i32 to index
            %get3A_546 = arith.index_cast %mul3A_543 : i32 to index
            %get3A_547 = arith.constant 0 : index
            %get3A_548 = tpu.vector_load %arg7[%get3A_545, %get3A_546, %get3A_547] {strides = array<i32>} : memref<6x128x128xf32, #tpu.memory_space<vmem>>, vector<1x1x16xf32>,
            %get3A_549 = vector.shape_cast %get3A_548 : vector<1x1x16xf32> to vector<16xf32>
            %mul3A_550 = arith.constant 2 : i32
            %mul3A_551 = arith.muli %mul3A_550, %scan3A_533 : i32
            %add3A_552 = arith.constant 1 : i32
            %add3A_553 = arith.addi %mul3A_551, %add3A_552 : i32
            %get3A_554 = arith.constant 1 : i32
            %get3A_555 = arith.index_cast %get3A_554 : i32 to index
            %get3A_556 = arith.index_cast %add3A_553 : i32 to index
            %get3A_557 = arith.constant 0 : index
            %get3A_558 = tpu.vector_load %arg7[%get3A_555, %get3A_556, %get3A_557] {strides = array<i32>} : memref<6x128x128xf32, #tpu.memory_space<vmem>>, vector<1x1x16xf32>,
            %get3A_559 = vector.shape_cast %get3A_558 : vector<1x1x16xf32> to vector<16xf32>
            %add3A_560 = arith.addf %get3A_549, %get3A_559 : vector<16xf32>
            %add3A_561 = arith.addf %scan3A_534, %add3A_560 : vector<16xf32>
            %mul3A_562 = arith.constant 2 : i32
            %mul3A_563 = arith.muli %mul3A_562, %scan3A_533 : i32
            %get3A_564 = arith.constant 1 : i32
            %get3A_565 = arith.index_cast %get3A_564 : i32 to index
            %get3A_566 = arith.index_cast %mul3A_563 : i32 to index
            %get3A_567 = arith.constant 16 : index
            %get3A_568 = tpu.vector_load %arg7[%get3A_565, %get3A_566, %get3A_567] {strides = array<i32>} : memref<6x128x128xf32, #tpu.memory_space<vmem>>, vector<1x1x16xf32>,
            %get3A_569 = vector.shape_cast %get3A_568 : vector<1x1x16xf32> to vector<16xf32>
            %mul3A_570 = arith.constant 2 : i32
            %mul3A_571 = arith.muli %mul3A_570, %scan3A_533 : i32
            %add3A_572 = arith.constant 1 : i32
            %add3A_573 = arith.addi %mul3A_571, %add3A_572 : i32
            %get3A_574 = arith.constant 1 : i32
            %get3A_575 = arith.index_cast %get3A_574 : i32 to index
            %get3A_576 = arith.index_cast %add3A_573 : i32 to index
            %get3A_577 = arith.constant 16 : index
            %get3A_578 = tpu.vector_load %arg7[%get3A_575, %get3A_576, %get3A_577] {strides = array<i32>} : memref<6x128x128xf32, #tpu.memory_space<vmem>>, vector<1x1x16xf32>,
            %get3A_579 = vector.shape_cast %get3A_578 : vector<1x1x16xf32> to vector<16xf32>
            %add3A_580 = arith.addf %get3A_569, %get3A_579 : vector<16xf32>
            %add3A_581 = arith.addf %scan3A_535, %add3A_580 : vector<16xf32>
            %mul3A_582 = arith.constant 2 : i32
            %mul3A_583 = arith.muli %mul3A_582, %scan3A_533 : i32
            %get3A_584 = arith.constant 1 : i32
            %get3A_585 = arith.index_cast %get3A_584 : i32 to index
            %get3A_586 = arith.index_cast %mul3A_583 : i32 to index
            %get3A_587 = arith.constant 32 : index
            %get3A_588 = tpu.vector_load %arg7[%get3A_585, %get3A_586, %get3A_587] {strides = array<i32>} : memref<6x128x128xf32, #tpu.memory_space<vmem>>, vector<1x1x16xf32>,
            %get3A_589 = vector.shape_cast %get3A_588 : vector<1x1x16xf32> to vector<16xf32>
            %mul3A_590 = arith.constant 2 : i32
            %mul3A_591 = arith.muli %mul3A_590, %scan3A_533 : i32
            %add3A_592 = arith.constant 1 : i32
            %add3A_593 = arith.addi %mul3A_591, %add3A_592 : i32
            %get3A_594 = arith.constant 1 : i32
            %get3A_595 = arith.index_cast %get3A_594 : i32 to index
            %get3A_596 = arith.index_cast %add3A_593 : i32 to index
            %get3A_597 = arith.constant 32 : index
            %get3A_598 = tpu.vector_load %arg7[%get3A_595, %get3A_596, %get3A_597] {strides = array<i32>} : memref<6x128x128xf32, #tpu.memory_space<vmem>>, vector<1x1x16xf32>,
            %get3A_599 = vector.shape_cast %get3A_598 : vector<1x1x16xf32> to vector<16xf32>
            %add3A_600 = arith.addf %get3A_589, %get3A_599 : vector<16xf32>
            %add3A_601 = arith.addf %scan3A_536, %add3A_600 : vector<16xf32>
            %mul3A_602 = arith.constant 2 : i32
            %mul3A_603 = arith.muli %mul3A_602, %scan3A_533 : i32
            %get3A_604 = arith.constant 1 : i32
            %get3A_605 = arith.index_cast %get3A_604 : i32 to index
            %get3A_606 = arith.index_cast %mul3A_603 : i32 to index
            %get3A_607 = arith.constant 48 : index
            %get3A_608 = tpu.vector_load %arg7[%get3A_605, %get3A_606, %get3A_607] {strides = array<i32>} : memref<6x128x128xf32, #tpu.memory_space<vmem>>, vector<1x1x16xf32>,
            %get3A_609 = vector.shape_cast %get3A_608 : vector<1x1x16xf32> to vector<16xf32>
            %mul3A_610 = arith.constant 2 : i32
            %mul3A_611 = arith.muli %mul3A_610, %scan3A_533 : i32
            %add3A_612 = arith.constant 1 : i32
            %add3A_613 = arith.addi %mul3A_611, %add3A_612 : i32
            %get3A_614 = arith.constant 1 : i32
            %get3A_615 = arith.index_cast %get3A_614 : i32 to index
            %get3A_616 = arith.index_cast %add3A_613 : i32 to index
            %get3A_617 = arith.constant 48 : index
            %get3A_618 = tpu.vector_load %arg7[%get3A_615, %get3A_616, %get3A_617] {strides = array<i32>} : memref<6x128x128xf32, #tpu.memory_space<vmem>>, vector<1x1x16xf32>,
            %get3A_619 = vector.shape_cast %get3A_618 : vector<1x1x16xf32> to vector<16xf32>
            %add3A_620 = arith.addf %get3A_609, %get3A_619 : vector<16xf32>
            %add3A_621 = arith.addf %scan3A_537, %add3A_620 : vector<16xf32>
            %mul3A_622 = arith.constant 2 : i32
            %mul3A_623 = arith.muli %mul3A_622, %scan3A_533 : i32
            %get3A_624 = arith.constant 1 : i32
            %get3A_625 = arith.index_cast %get3A_624 : i32 to index
            %get3A_626 = arith.index_cast %mul3A_623 : i32 to index
            %get3A_627 = arith.constant 64 : index
            %get3A_628 = tpu.vector_load %arg7[%get3A_625, %get3A_626, %get3A_627] {strides = array<i32>} : memref<6x128x128xf32, #tpu.memory_space<vmem>>, vector<1x1x16xf32>,
            %get3A_629 = vector.shape_cast %get3A_628 : vector<1x1x16xf32> to vector<16xf32>
            %mul3A_630 = arith.constant 2 : i32
            %mul3A_631 = arith.muli %mul3A_630, %scan3A_533 : i32
            %add3A_632 = arith.constant 1 : i32
            %add3A_633 = arith.addi %mul3A_631, %add3A_632 : i32
            %get3A_634 = arith.constant 1 : i32
            %get3A_635 = arith.index_cast %get3A_634 : i32 to index
            %get3A_636 = arith.index_cast %add3A_633 : i32 to index
            %get3A_637 = arith.constant 64 : index
            %get3A_638 = tpu.vector_load %arg7[%get3A_635, %get3A_636, %get3A_637] {strides = array<i32>} : memref<6x128x128xf32, #tpu.memory_space<vmem>>, vector<1x1x16xf32>,
            %get3A_639 = vector.shape_cast %get3A_638 : vector<1x1x16xf32> to vector<16xf32>
            %add3A_640 = arith.addf %get3A_629, %get3A_639 : vector<16xf32>
            %add3A_641 = arith.addf %scan3A_538, %add3A_640 : vector<16xf32>
            %mul3A_642 = arith.constant 2 : i32
            %mul3A_643 = arith.muli %mul3A_642, %scan3A_533 : i32
            %get3A_644 = arith.constant 1 : i32
            %get3A_645 = arith.index_cast %get3A_644 : i32 to index
            %get3A_646 = arith.index_cast %mul3A_643 : i32 to index
            %get3A_647 = arith.constant 80 : index
            %get3A_648 = tpu.vector_load %arg7[%get3A_645, %get3A_646, %get3A_647] {strides = array<i32>} : memref<6x128x128xf32, #tpu.memory_space<vmem>>, vector<1x1x16xf32>,
            %get3A_649 = vector.shape_cast %get3A_648 : vector<1x1x16xf32> to vector<16xf32>
            %mul3A_650 = arith.constant 2 : i32
            %mul3A_651 = arith.muli %mul3A_650, %scan3A_533 : i32
            %add3A_652 = arith.constant 1 : i32
            %add3A_653 = arith.addi %mul3A_651, %add3A_652 : i32
            %get3A_654 = arith.constant 1 : i32
            %get3A_655 = arith.index_cast %get3A_654 : i32 to index
            %get3A_656 = arith.index_cast %add3A_653 : i32 to index
            %get3A_657 = arith.constant 80 : index
            %get3A_658 = tpu.vector_load %arg7[%get3A_655, %get3A_656, %get3A_657] {strides = array<i32>} : memref<6x128x128xf32, #tpu.memory_space<vmem>>, vector<1x1x16xf32>,
            %get3A_659 = vector.shape_cast %get3A_658 : vector<1x1x16xf32> to vector<16xf32>
            %add3A_660 = arith.addf %get3A_649, %get3A_659 : vector<16xf32>
            %add3A_661 = arith.addf %scan3A_539, %add3A_660 : vector<16xf32>
            %mul3A_662 = arith.constant 2 : i32
            %mul3A_663 = arith.muli %mul3A_662, %scan3A_533 : i32
            %get3A_664 = arith.constant 1 : i32
            %get3A_665 = arith.index_cast %get3A_664 : i32 to index
            %get3A_666 = arith.index_cast %mul3A_663 : i32 to index
            %get3A_667 = arith.constant 96 : index
            %get3A_668 = tpu.vector_load %arg7[%get3A_665, %get3A_666, %get3A_667] {strides = array<i32>} : memref<6x128x128xf32, #tpu.memory_space<vmem>>, vector<1x1x16xf32>,
            %get3A_669 = vector.shape_cast %get3A_668 : vector<1x1x16xf32> to vector<16xf32>
            %mul3A_670 = arith.constant 2 : i32
            %mul3A_671 = arith.muli %mul3A_670, %scan3A_533 : i32
            %add3A_672 = arith.constant 1 : i32
            %add3A_673 = arith.addi %mul3A_671, %add3A_672 : i32
            %get3A_674 = arith.constant 1 : i32
            %get3A_675 = arith.index_cast %get3A_674 : i32 to index
            %get3A_676 = arith.index_cast %add3A_673 : i32 to index
            %get3A_677 = arith.constant 96 : index
            %get3A_678 = tpu.vector_load %arg7[%get3A_675, %get3A_676, %get3A_677] {strides = array<i32>} : memref<6x128x128xf32, #tpu.memory_space<vmem>>, vector<1x1x16xf32>,
            %get3A_679 = vector.shape_cast %get3A_678 : vector<1x1x16xf32> to vector<16xf32>
            %add3A_680 = arith.addf %get3A_669, %get3A_679 : vector<16xf32>
            %add3A_681 = arith.addf %scan3A_540, %add3A_680 : vector<16xf32>
            %mul3A_682 = arith.constant 2 : i32
            %mul3A_683 = arith.muli %mul3A_682, %scan3A_533 : i32
            %get3A_684 = arith.constant 1 : i32
            %get3A_685 = arith.index_cast %get3A_684 : i32 to index
            %get3A_686 = arith.index_cast %mul3A_683 : i32 to index
            %get3A_687 = arith.constant 112 : index
            %get3A_688 = tpu.vector_load %arg7[%get3A_685, %get3A_686, %get3A_687] {strides = array<i32>} : memref<6x128x128xf32, #tpu.memory_space<vmem>>, vector<1x1x16xf32>,
            %get3A_689 = vector.shape_cast %get3A_688 : vector<1x1x16xf32> to vector<16xf32>
            %mul3A_690 = arith.constant 2 : i32
            %mul3A_691 = arith.muli %mul3A_690, %scan3A_533 : i32
            %add3A_692 = arith.constant 1 : i32
            %add3A_693 = arith.addi %mul3A_691, %add3A_692 : i32
            %get3A_694 = arith.constant 1 : i32
            %get3A_695 = arith.index_cast %get3A_694 : i32 to index
            %get3A_696 = arith.index_cast %add3A_693 : i32 to index
            %get3A_697 = arith.constant 112 : index
            %get3A_698 = tpu.vector_load %arg7[%get3A_695, %get3A_696, %get3A_697] {strides = array<i32>} : memref<6x128x128xf32, #tpu.memory_space<vmem>>, vector<1x1x16xf32>,
            %get3A_699 = vector.shape_cast %get3A_698 : vector<1x1x16xf32> to vector<16xf32>
            %add3A_700 = arith.addf %get3A_689, %get3A_699 : vector<16xf32>
            %add3A_701 = arith.addf %scan3A_541, %add3A_700 : vector<16xf32>
            scf.yield %add3A_561, %add3A_581, %add3A_601, %add3A_621, %add3A_641, %add3A_661, %add3A_681, %add3A_701 : vector<16xf32>, vector<16xf32>, vector<16xf32>, vector<16xf32>, vector<16xf32>, vector<16xf32>, vector<16xf32>, vector<16xf32>
          }
          %scan3A_438 = arith.constant 64 : i32
          %get3A_439 = arith.constant 6 : i32
          %get3A_440 = arith.index_cast %get3A_439 : i32 to index
          %get3A_441 = memref.load %arg11[%get3A_440] : memref<7xi32, #tpu.memory_space<smem>>
          %swap3A_442 = arith.index_cast %get3A_441 : i32 to index
          %swap3A_443 = arith.constant 0 : index
          %swap3A_444 = tpu.vector_load %arg9[%swap3A_442, %swap3A_443] {strides = array<i32>} : memref<80x128xf32, #tpu.memory_space<vmem>>, vector<1x16xf32>,
          %swap3A_445 = vector.shape_cast %swap3A_444 : vector<1x16xf32> to vector<16xf32>
          %swap3A_446 = vector.shape_cast %scan3A_437#0 : vector<16xf32> to vector<1x16xf32>
          tpu.vector_store %arg9[%swap3A_442, %swap3A_443], %swap3A_446 {strides = array<i32>} : memref<80x128xf32, #tpu.memory_space<vmem>>, vector<1x16xf32>,
          %swap3A_447 = arith.index_cast %get3A_441 : i32 to index
          %swap3A_448 = arith.constant 16 : index
          %swap3A_449 = tpu.vector_load %arg9[%swap3A_447, %swap3A_448] {strides = array<i32>} : memref<80x128xf32, #tpu.memory_space<vmem>>, vector<1x16xf32>,
          %swap3A_450 = vector.shape_cast %swap3A_449 : vector<1x16xf32> to vector<16xf32>
          %swap3A_451 = vector.shape_cast %scan3A_437#1 : vector<16xf32> to vector<1x16xf32>
          tpu.vector_store %arg9[%swap3A_447, %swap3A_448], %swap3A_451 {strides = array<i32>} : memref<80x128xf32, #tpu.memory_space<vmem>>, vector<1x16xf32>,
          %swap3A_452 = arith.index_cast %get3A_441 : i32 to index
          %swap3A_453 = arith.constant 32 : index
          %swap3A_454 = tpu.vector_load %arg9[%swap3A_452, %swap3A_453] {strides = array<i32>} : memref<80x128xf32, #tpu.memory_space<vmem>>, vector<1x16xf32>,
          %swap3A_455 = vector.shape_cast %swap3A_454 : vector<1x16xf32> to vector<16xf32>
          %swap3A_456 = vector.shape_cast %scan3A_437#2 : vector<16xf32> to vector<1x16xf32>
          tpu.vector_store %arg9[%swap3A_452, %swap3A_453], %swap3A_456 {strides = array<i32>} : memref<80x128xf32, #tpu.memory_space<vmem>>, vector<1x16xf32>,
          %swap3A_457 = arith.index_cast %get3A_441 : i32 to index
          %swap3A_458 = arith.constant 48 : index
          %swap3A_459 = tpu.vector_load %arg9[%swap3A_457, %swap3A_458] {strides = array<i32>} : memref<80x128xf32, #tpu.memory_space<vmem>>, vector<1x16xf32>,
          %swap3A_460 = vector.shape_cast %swap3A_459 : vector<1x16xf32> to vector<16xf32>
          %swap3A_461 = vector.shape_cast %scan3A_437#3 : vector<16xf32> to vector<1x16xf32>
          tpu.vector_store %arg9[%swap3A_457, %swap3A_458], %swap3A_461 {strides = array<i32>} : memref<80x128xf32, #tpu.memory_space<vmem>>, vector<1x16xf32>,
          %swap3A_462 = arith.index_cast %get3A_441 : i32 to index
          %swap3A_463 = arith.constant 64 : index
          %swap3A_464 = tpu.vector_load %arg9[%swap3A_462, %swap3A_463] {strides = array<i32>} : memref<80x128xf32, #tpu.memory_space<vmem>>, vector<1x16xf32>,
          %swap3A_465 = vector.shape_cast %swap3A_464 : vector<1x16xf32> to vector<16xf32>
          %swap3A_466 = vector.shape_cast %scan3A_437#4 : vector<16xf32> to vector<1x16xf32>
          tpu.vector_store %arg9[%swap3A_462, %swap3A_463], %swap3A_466 {strides = array<i32>} : memref<80x128xf32, #tpu.memory_space<vmem>>, vector<1x16xf32>,
          %swap3A_467 = arith.index_cast %get3A_441 : i32 to index
          %swap3A_468 = arith.constant 80 : index
          %swap3A_469 = tpu.vector_load %arg9[%swap3A_467, %swap3A_468] {strides = array<i32>} : memref<80x128xf32, #tpu.memory_space<vmem>>, vector<1x16xf32>,
          %swap3A_470 = vector.shape_cast %swap3A_469 : vector<1x16xf32> to vector<16xf32>
          %swap3A_471 = vector.shape_cast %scan3A_437#5 : vector<16xf32> to vector<1x16xf32>
          tpu.vector_store %arg9[%swap3A_467, %swap3A_468], %swap3A_471 {strides = array<i32>} : memref<80x128xf32, #tpu.memory_space<vmem>>, vector<1x16xf32>,
          %swap3A_472 = arith.index_cast %get3A_441 : i32 to index
          %swap3A_473 = arith.constant 96 : index
          %swap3A_474 = tpu.vector_load %arg9[%swap3A_472, %swap3A_473] {strides = array<i32>} : memref<80x128xf32, #tpu.memory_space<vmem>>, vector<1x16xf32>,
          %swap3A_475 = vector.shape_cast %swap3A_474 : vector<1x16xf32> to vector<16xf32>
          %swap3A_476 = vector.shape_cast %scan3A_437#6 : vector<16xf32> to vector<1x16xf32>
          tpu.vector_store %arg9[%swap3A_472, %swap3A_473], %swap3A_476 {strides = array<i32>} : memref<80x128xf32, #tpu.memory_space<vmem>>, vector<1x16xf32>,
          %swap3A_477 = arith.index_cast %get3A_441 : i32 to index
          %swap3A_478 = arith.constant 112 : index
          %swap3A_479 = tpu.vector_load %arg9[%swap3A_477, %swap3A_478] {strides = array<i32>} : memref<80x128xf32, #tpu.memory_space<vmem>>, vector<1x16xf32>,
          %swap3A_480 = vector.shape_cast %swap3A_479 : vector<1x16xf32> to vector<16xf32>
          %swap3A_481 = vector.shape_cast %scan3A_437#7 : vector<16xf32> to vector<1x16xf32>
          tpu.vector_store %arg9[%swap3A_477, %swap3A_478], %swap3A_481 {strides = array<i32>} : memref<80x128xf32, #tpu.memory_space<vmem>>, vector<1x16xf32>,
          %jit3A_482 = arith.constant 16 : i32
          %div3A_483 = arith.divsi %get3A_441, %jit3A_482 : i32
          %sign3A_484 = arith.constant 0 : i32
          %sign3A_485 = arith.cmpi sgt, %get3A_441, %sign3A_484 : i32
          %sign3A_486 = arith.extui %sign3A_485 : i1 to i32
          %sign3A_487 = arith.constant 0 : i32
          %sign3A_488 = arith.cmpi slt, %get3A_441, %sign3A_487 : i32
          %sign3A_489 = arith.extui %sign3A_488 : i1 to i32
          %sign3A_490 = arith.subi %sign3A_486, %sign3A_489 : i32
          %sign3A_491 = arith.constant 0 : i32
          %sign3A_492 = arith.cmpi sgt, %jit3A_482, %sign3A_491 : i32
          %sign3A_493 = arith.extui %sign3A_492 : i1 to i32
          %sign3A_494 = arith.constant 0 : i32
          %sign3A_495 = arith.cmpi slt, %jit3A_482, %sign3A_494 : i32
          %sign3A_496 = arith.extui %sign3A_495 : i1 to i32
          %sign3A_497 = arith.subi %sign3A_493, %sign3A_496 : i32
          %ne3A_498 = arith.cmpi ne, %sign3A_490, %sign3A_497 : i32
          %rem3A_499 = arith.remsi %get3A_441, %jit3A_482 : i32
          %ne3A_500 = arith.constant 0 : i32
          %ne3A_501 = arith.cmpi ne, %rem3A_499, %ne3A_500 : i32
          %and3A_502 = arith.andi %ne3A_498, %ne3A_501 : i1
          %sub3A_503 = arith.constant 1 : i32
          %sub3A_504 = arith.subi %div3A_483, %sub3A_503 : i32
          %select_n3A_505 = arith.select %and3A_502, %sub3A_504, %div3A_483 : i32
          %mul3A_506 = arith.constant 16 : i32
          %mul3A_507 = arith.muli %select_n3A_505, %mul3A_506 : i32
          %sub3A_508 = arith.subi %get3A_441, %mul3A_507 : i32
          %get3A_509 = arith.constant 0 : i32
          %get3A_510 = arith.index_cast %get3A_509 : i32 to index
          %get3A_511 = arith.index_cast %mul3A_507 : i32 to index
          %get3A_512 = tpu.vector_load %arg10[%get3A_510, %get3A_511] {strides = array<i32>} : memref<8x80xi32, #tpu.memory_space<vmem>>, vector<1x16xi32>,
          %get3A_513 = vector.shape_cast %get3A_512 : vector<1x16xi32> to vector<16xi32>
          %iota3A = tpu.iota {dimensions = array<i32: 0>} : vector<16xi32>
          %eq3A_514 = vector.broadcast %sub3A_508 : i32 to vector<16xi32>
          %eq3A_515 = arith.cmpi eq, %iota3A, %eq3A_514 : vector<16xi32>
          %broadcast_in_dim3A_516 = vector.broadcast %squeeze3A : i32 to vector<16xi32>
          %select_n3A_517 = arith.select %eq3A_515, %broadcast_in_dim3A_516, %get3A_513 : vector<16xi1>, vector<16xi32>
          %swap3A_518 = arith.constant 0 : i32
          %swap3A_519 = arith.index_cast %swap3A_518 : i32 to index
          %swap3A_520 = arith.index_cast %mul3A_507 : i32 to index
          %swap3A_521 = tpu.vector_load %arg10[%swap3A_519, %swap3A_520] {strides = array<i32>} : memref<8x80xi32, #tpu.memory_space<vmem>>, vector<1x16xi32>,
          %swap3A_522 = vector.shape_cast %swap3A_521 : vector<1x16xi32> to vector<16xi32>
          %swap3A_523 = vector.shape_cast %select_n3A_517 : vector<16xi32> to vector<1x16xi32>
          tpu.vector_store %arg10[%swap3A_519, %swap3A_520], %swap3A_523 {strides = array<i32>} : memref<8x80xi32, #tpu.memory_space<vmem>>, vector<1x16xi32>,
          %add3A_524 = arith.constant 1 : i32
          %add3A_525 = arith.addi %get3A_441, %add3A_524 : i32
          %swap3A_526 = arith.constant 6 : i32
          %swap3A_527 = arith.index_cast %swap3A_526 : i32 to index
          %swap3A_528 = memref.load %arg11[%swap3A_527] : memref<7xi32, #tpu.memory_space<smem>>
          memref.store %add3A_525, %arg11[%swap3A_527] : memref<7xi32, #tpu.memory_space<smem>>
          %swap3A_529 = arith.constant 0 : i32
          %swap3A_530 = arith.constant 1 : i32
          %swap3A_531 = arith.index_cast %swap3A_530 : i32 to index
          %swap3A_532 = memref.load %arg11[%swap3A_531] : memref<7xi32, #tpu.memory_space<smem>>
          memref.store %swap3A_529, %arg11[%swap3A_531] : memref<7xi32, #tpu.memory_space<smem>>
        } else {
        }
        %ne3A_429 = arith.cmpi ne, %squeeze3A, %squeeze3A_424 : i32
        %convert_element_type3A_430 = arith.extui %ne3A_429 : i1 to i32
        %cond3A_431 = arith.constant 0 : i32
        %cond3A_432 = arith.cmpi ne, %convert_element_type3A_430, %cond3A_431 : i32
        scf.if %cond3A_432 {
          %add3A_433 = arith.addi %sub3A_31, %add3A_351 : i32
          %dma_start3A_434 = arith.constant 1 : i32
          %dma_start3A_435 = arith.constant 0 : i32
          %dma_start3A_436 = arith.constant 0 : i32
          %dma_start3A_437 = tpu.memref_slice %arg7[%dma_start3A_434, %dma_start3A_435, %dma_start3A_436] : memref<6x128x128xf32, #tpu.memory_space<vmem>> -> memref<1x128x128xf32, #tpu.memory_space<vmem>>
          %dma_start3A_438 = tpu.memref_squeeze %dma_start3A_437 : memref<1x128x128xf32, #tpu.memory_space<vmem>> -> memref<128x128xf32, #tpu.memory_space<vmem>>
          %dma_start3A_439 = arith.constant 0 : i32
          %dma_start3A_440 = tpu.memref_slice %arg8[%add3A_433, %dma_start3A_439] : memref<88x128xi32, #tpu.memory_space<vmem>> -> memref<1x128xi32, #tpu.memory_space<vmem>>
          %dma_start3A_441 = tpu.memref_squeeze %dma_start3A_440 : memref<1x128xi32, #tpu.memory_space<vmem>> -> memref<128xi32, #tpu.memory_space<vmem>>
          %dma_start3A_442 = arith.constant 0 : i32
          %dma_start3A_443 = arith.constant 0 : i32
          %dma_start3A_444 = tpu.memref_slice %arg6[%dma_start3A_442, %dma_start3A_443] : memref<1024x128xf32, #tpu.memory_space<vmem_shared>> -> memref<1024x128xf32, #tpu.memory_space<vmem_shared>>
          tpu.enqueue_indirect_dma source(%dma_start3A_438 : memref<128x128xf32, #tpu.memory_space<vmem>>) target(%dma_start3A_444 : memref<1024x128xf32, #tpu.memory_space<vmem_shared>>) offsets(%dma_start3A_441 : memref<128xi32, #tpu.memory_space<vmem>>) semaphore(%arg19 : memref<!tpu.dma_semaphore, #tpu.memory_space<semaphore_mem>>) {add = true}
          %swap3A_445 = arith.constant 1 : i32
          %swap3A_446 = arith.constant 1 : i32
          %swap3A_447 = arith.index_cast %swap3A_446 : i32 to index
          %swap3A_448 = memref.load %arg11[%swap3A_447] : memref<7xi32, #tpu.memory_space<smem>>
          memref.store %swap3A_445, %arg11[%swap3A_447] : memref<7xi32, #tpu.memory_space<smem>>
        } else {
        }
      } else {
      }
      %mul3A_356 = arith.constant 6 : i32
      %mul3A_357 = arith.muli %mul3A_356, %while3A_339 : i32
      %add3A_358 = arith.constant 2 : i32
      %add3A_359 = arith.addi %mul3A_357, %add3A_358 : i32
      %lt3A_360 = arith.cmpi slt, %add3A_359, %add3A_6 : i32
      %convert_element_type3A_361 = arith.extui %lt3A_360 : i1 to i32
      %cond3A_362 = arith.constant 0 : i32
      %cond3A_363 = arith.cmpi ne, %convert_element_type3A_361, %cond3A_362 : i32
      scf.if %cond3A_363 {
        %ge3A_388 = arith.constant 1 : i32
        %ge3A_389 = arith.cmpi sge, %add3A_359, %ge3A_388 : i32
        %convert_element_type3A_390 = arith.extui %ge3A_389 : i1 to i32
        %cond3A_391 = arith.constant 0 : i32
        %cond3A_392 = arith.cmpi ne, %convert_element_type3A_390, %cond3A_391 : i32
        scf.if %cond3A_392 {
          %sub3A_433 = arith.constant 1 : i32
          %sub3A_434 = arith.subi %add3A_359, %sub3A_433 : i32
          %get3A_435 = arith.constant 1 : i32
          %get3A_436 = arith.index_cast %get3A_435 : i32 to index
          %get3A_437 = memref.load %arg11[%get3A_436] : memref<7xi32, #tpu.memory_space<smem>>
          %eq3A_438 = arith.constant 1 : i32
          %eq3A_439 = arith.cmpi eq, %get3A_437, %eq3A_438 : i32
          %convert_element_type3A_440 = arith.extui %eq3A_439 : i1 to i32
          %cond3A_441 = arith.constant 0 : i32
          %cond3A_442 = arith.cmpi ne, %convert_element_type3A_440, %cond3A_441 : i32
          scf.if %cond3A_442 {
            %add3A_443 = arith.addi %sub3A_31, %sub3A_434 : i32
            %dma_wait3A_444 = arith.constant 1 : i32
            %dma_wait3A_445 = arith.constant 0 : i32
            %dma_wait3A_446 = arith.constant 0 : i32
            %dma_wait3A_447 = tpu.memref_slice %arg7[%dma_wait3A_444, %dma_wait3A_445, %dma_wait3A_446] : memref<6x128x128xf32, #tpu.memory_space<vmem>> -> memref<1x128x128xf32, #tpu.memory_space<vmem>>
            %dma_wait3A_448 = tpu.memref_squeeze %dma_wait3A_447 : memref<1x128x128xf32, #tpu.memory_space<vmem>> -> memref<128x128xf32, #tpu.memory_space<vmem>>
            %dma_wait3A_449 = arith.constant 0 : i32
            %dma_wait3A_450 = tpu.memref_slice %arg8[%add3A_443, %dma_wait3A_449] : memref<88x128xi32, #tpu.memory_space<vmem>> -> memref<1x128xi32, #tpu.memory_space<vmem>>
            %dma_wait3A_451 = tpu.memref_squeeze %dma_wait3A_450 : memref<1x128xi32, #tpu.memory_space<vmem>> -> memref<128xi32, #tpu.memory_space<vmem>>
            %dma_wait3A_452 = arith.constant 0 : i32
            %dma_wait3A_453 = arith.constant 0 : i32
            %dma_wait3A_454 = tpu.memref_slice %arg6[%dma_wait3A_452, %dma_wait3A_453] : memref<1024x128xf32, #tpu.memory_space<vmem_shared>> -> memref<1024x128xf32, #tpu.memory_space<vmem_shared>>
            tpu.wait_indirect_dma semaphore(%arg19 : memref<!tpu.dma_semaphore, #tpu.memory_space<semaphore_mem>>) src(%dma_wait3A_448 : memref<128x128xf32, #tpu.memory_space<vmem>>) dst(%dma_wait3A_454 : memref<1024x128xf32, #tpu.memory_space<vmem_shared>>)
          } else {
          }
        } else {
        }
        %add3A_393 = arith.constant 5 : i32
        %add3A_394 = arith.addi %add3A_359, %add3A_393 : i32
        %lt3A_395 = arith.cmpi slt, %add3A_394, %add3A_6 : i32
        %convert_element_type3A_396 = arith.extui %lt3A_395 : i1 to i32
        %cond3A_397 = arith.constant 0 : i32
        %cond3A_398 = arith.cmpi ne, %convert_element_type3A_396, %cond3A_397 : i32
        scf.if %cond3A_398 {
          %add3A_433 = arith.constant 5 : i32
          %add3A_434 = arith.addi %add3A_359, %add3A_433 : i32
          %add3A_435 = arith.addi %add3A_10, %add3A_434 : i32
          %mul3A_436 = arith.constant 128 : i32
          %mul3A_437 = arith.muli %add3A_435, %mul3A_436 : i32
          %dma_start3A_438 = arith.constant 1 : i32
          %dma_start3A_439 = arith.constant 0 : i32
          %dma_start3A_440 = arith.constant 0 : i32
          %dma_start3A_441 = tpu.memref_slice %arg7[%dma_start3A_438, %dma_start3A_439, %dma_start3A_440] : memref<6x128x128xf32, #tpu.memory_space<vmem>> -> memref<1x128x128xf32, #tpu.memory_space<vmem>>
          %dma_start3A_442 = tpu.memref_squeeze %dma_start3A_441 : memref<1x128x128xf32, #tpu.memory_space<vmem>> -> memref<128x128xf32, #tpu.memory_space<vmem>>
          %dma_start3A_443 = arith.constant 0 : i32
          %dma_start3A_444 = tpu.memref_slice %arg3[%mul3A_437, %dma_start3A_443] : memref<320000x128xf32, #tpu.memory_space<hbm>> -> memref<128x128xf32, #tpu.memory_space<hbm>>
          %dma_start3A_445 = arith.constant 0 : i32
          %dma_start3A_446 = arith.constant 0 : i32
          %dma_start3A_447 = tpu.memref_slice %arg7[%dma_start3A_438, %dma_start3A_445, %dma_start3A_446] : memref<6x128x128xf32, #tpu.memory_space<vmem>> -> memref<1x128x128xf32, #tpu.memory_space<vmem>>
          %dma_start3A_448 = tpu.memref_squeeze %dma_start3A_447 : memref<1x128x128xf32, #tpu.memory_space<vmem>> -> memref<128x128xf32, #tpu.memory_space<vmem>>
          %dma_start3A_449 = arith.constant 0 : i32
          %dma_start3A_450 = tpu.memref_slice %arg3[%mul3A_437, %dma_start3A_449] : memref<320000x128xf32, #tpu.memory_space<hbm>> -> memref<128x128xf32, #tpu.memory_space<hbm>>
          tpu.enqueue_dma source(%dma_start3A_450 : memref<128x128xf32, #tpu.memory_space<hbm>>) target(%dma_start3A_448 : memref<128x128xf32, #tpu.memory_space<vmem>>) target_semaphore(%arg13 : memref<!tpu.dma_semaphore, #tpu.memory_space<semaphore_mem>>)
        } else {
        }
        %add3A_399 = arith.addi %add3A_10, %add3A_359 : i32
        %mul3A_400 = arith.constant 128 : i32
        %mul3A_401 = arith.muli %add3A_399, %mul3A_400 : i32
        %dma_wait3A = arith.constant 2 : i32
        %dma_wait3A_402 = arith.constant 0 : i32
        %dma_wait3A_403 = arith.constant 0 : i32
        %dma_wait3A_404 = tpu.memref_slice %arg7[%dma_wait3A, %dma_wait3A_402, %dma_wait3A_403] : memref<6x128x128xf32, #tpu.memory_space<vmem>> -> memref<1x128x128xf32, #tpu.memory_space<vmem>>
        %dma_wait3A_405 = tpu.memref_squeeze %dma_wait3A_404 : memref<1x128x128xf32, #tpu.memory_space<vmem>> -> memref<128x128xf32, #tpu.memory_space<vmem>>
        %dma_wait3A_406 = arith.constant 0 : i32
        %dma_wait3A_407 = tpu.memref_slice %arg3[%mul3A_401, %dma_wait3A_406] : memref<320000x128xf32, #tpu.memory_space<hbm>> -> memref<128x128xf32, #tpu.memory_space<hbm>>
        %dma_wait3A_408 = arith.constant 0 : i32
        %dma_wait3A_409 = arith.constant 0 : i32
        %dma_wait3A_410 = tpu.memref_slice %arg7[%dma_wait3A, %dma_wait3A_408, %dma_wait3A_409] : memref<6x128x128xf32, #tpu.memory_space<vmem>> -> memref<1x128x128xf32, #tpu.memory_space<vmem>>
        %dma_wait3A_411 = tpu.memref_squeeze %dma_wait3A_410 : memref<1x128x128xf32, #tpu.memory_space<vmem>> -> memref<128x128xf32, #tpu.memory_space<vmem>>
        %dma_wait3A_412 = arith.constant 0 : i32
        %dma_wait3A_413 = tpu.memref_slice %arg3[%mul3A_401, %dma_wait3A_412] : memref<320000x128xf32, #tpu.memory_space<hbm>> -> memref<128x128xf32, #tpu.memory_space<hbm>>
        tpu.wait_dma2 semaphore(%arg14 : memref<!tpu.dma_semaphore, #tpu.memory_space<semaphore_mem>>) src(%dma_wait3A_413 : memref<128x128xf32, #tpu.memory_space<hbm>>) dst(%dma_wait3A_411 : memref<128x128xf32, #tpu.memory_space<vmem>>)
        %add3A_414 = arith.addi %sub3A_31, %add3A_359 : i32
        %get3A = arith.index_cast %add3A_414 : i32 to index
        %get3A_415 = arith.constant 0 : index
        %get3A_416 = tpu.vector_load %arg8[%get3A, %get3A_415] {strides = array<i32>} : memref<88x128xi32, #tpu.memory_space<vmem>>, vector<1x16xi32>,
        %get3A_417 = vector.shape_cast %get3A_416 : vector<1x16xi32> to vector<16xi32>
        %slice3A = vector.extract_strided_slice %get3A_417 {offsets = [0], sizes = [1], strides = [1]} : vector<16xi32> to vector<1xi32>
        %squeeze3A = vector.extract %slice3A[0] : i32 from vector<1xi32>
        %add3A_418 = arith.addi %sub3A_31, %add3A_359 : i32
        %get3A_419 = arith.index_cast %add3A_418 : i32 to index
        %get3A_420 = arith.constant 112 : index
        %get3A_421 = tpu.vector_load %arg8[%get3A_419, %get3A_420] {strides = array<i32>} : memref<88x128xi32, #tpu.memory_space<vmem>>, vector<1x16xi32>,
        %get3A_422 = vector.shape_cast %get3A_421 : vector<1x16xi32> to vector<16xi32>
        %slice3A_423 = vector.extract_strided_slice %get3A_422 {offsets = [15], sizes = [1], strides = [1]} : vector<16xi32> to vector<1xi32>
        %squeeze3A_424 = vector.extract %slice3A_423[0] : i32 from vector<1xi32>
        %eq3A_425 = arith.cmpi eq, %squeeze3A, %squeeze3A_424 : i32
        %convert_element_type3A_426 = arith.extui %eq3A_425 : i1 to i32
        %cond3A_427 = arith.constant 0 : i32
        %cond3A_428 = arith.cmpi ne, %convert_element_type3A_426, %cond3A_427 : i32
        scf.if %cond3A_428 {
          %scan3A_433 = arith.constant 0 : i32
          %scan3A_434 = arith.constant 64 : i32
          %scan3A_435 = arith.addi %scan3A_433, %scan3A_434 : i32
          %scan3A_436 = arith.constant 1 : i32
          %scan3A_437:8 = scf.for %scan3A_533 = %scan3A_433 to %scan3A_435 step %scan3A_436 iter_args(%scan3A_534 = %broadcast_in_dim3A_32, %scan3A_535 = %broadcast_in_dim3A_32, %scan3A_536 = %broadcast_in_dim3A_32, %scan3A_537 = %broadcast_in_dim3A_32, %scan3A_538 = %broadcast_in_dim3A_32, %scan3A_539 = %broadcast_in_dim3A_32, %scan3A_540 = %broadcast_in_dim3A_32, %scan3A_541 = %broadcast_in_dim3A_32) -> (vector<16xf32>, vector<16xf32>, vector<16xf32>, vector<16xf32>, vector<16xf32>, vector<16xf32>, vector<16xf32>, vector<16xf32>)  : i32 {
            %mul3A_542 = arith.constant 2 : i32
            %mul3A_543 = arith.muli %mul3A_542, %scan3A_533 : i32
            %get3A_544 = arith.constant 2 : i32
            %get3A_545 = arith.index_cast %get3A_544 : i32 to index
            %get3A_546 = arith.index_cast %mul3A_543 : i32 to index
            %get3A_547 = arith.constant 0 : index
            %get3A_548 = tpu.vector_load %arg7[%get3A_545, %get3A_546, %get3A_547] {strides = array<i32>} : memref<6x128x128xf32, #tpu.memory_space<vmem>>, vector<1x1x16xf32>,
            %get3A_549 = vector.shape_cast %get3A_548 : vector<1x1x16xf32> to vector<16xf32>
            %mul3A_550 = arith.constant 2 : i32
            %mul3A_551 = arith.muli %mul3A_550, %scan3A_533 : i32
            %add3A_552 = arith.constant 1 : i32
            %add3A_553 = arith.addi %mul3A_551, %add3A_552 : i32
            %get3A_554 = arith.constant 2 : i32
            %get3A_555 = arith.index_cast %get3A_554 : i32 to index
            %get3A_556 = arith.index_cast %add3A_553 : i32 to index
            %get3A_557 = arith.constant 0 : index
            %get3A_558 = tpu.vector_load %arg7[%get3A_555, %get3A_556, %get3A_557] {strides = array<i32>} : memref<6x128x128xf32, #tpu.memory_space<vmem>>, vector<1x1x16xf32>,
            %get3A_559 = vector.shape_cast %get3A_558 : vector<1x1x16xf32> to vector<16xf32>
            %add3A_560 = arith.addf %get3A_549, %get3A_559 : vector<16xf32>
            %add3A_561 = arith.addf %scan3A_534, %add3A_560 : vector<16xf32>
            %mul3A_562 = arith.constant 2 : i32
            %mul3A_563 = arith.muli %mul3A_562, %scan3A_533 : i32
            %get3A_564 = arith.constant 2 : i32
            %get3A_565 = arith.index_cast %get3A_564 : i32 to index
            %get3A_566 = arith.index_cast %mul3A_563 : i32 to index
            %get3A_567 = arith.constant 16 : index
            %get3A_568 = tpu.vector_load %arg7[%get3A_565, %get3A_566, %get3A_567] {strides = array<i32>} : memref<6x128x128xf32, #tpu.memory_space<vmem>>, vector<1x1x16xf32>,
            %get3A_569 = vector.shape_cast %get3A_568 : vector<1x1x16xf32> to vector<16xf32>
            %mul3A_570 = arith.constant 2 : i32
            %mul3A_571 = arith.muli %mul3A_570, %scan3A_533 : i32
            %add3A_572 = arith.constant 1 : i32
            %add3A_573 = arith.addi %mul3A_571, %add3A_572 : i32
            %get3A_574 = arith.constant 2 : i32
            %get3A_575 = arith.index_cast %get3A_574 : i32 to index
            %get3A_576 = arith.index_cast %add3A_573 : i32 to index
            %get3A_577 = arith.constant 16 : index
            %get3A_578 = tpu.vector_load %arg7[%get3A_575, %get3A_576, %get3A_577] {strides = array<i32>} : memref<6x128x128xf32, #tpu.memory_space<vmem>>, vector<1x1x16xf32>,
            %get3A_579 = vector.shape_cast %get3A_578 : vector<1x1x16xf32> to vector<16xf32>
            %add3A_580 = arith.addf %get3A_569, %get3A_579 : vector<16xf32>
            %add3A_581 = arith.addf %scan3A_535, %add3A_580 : vector<16xf32>
            %mul3A_582 = arith.constant 2 : i32
            %mul3A_583 = arith.muli %mul3A_582, %scan3A_533 : i32
            %get3A_584 = arith.constant 2 : i32
            %get3A_585 = arith.index_cast %get3A_584 : i32 to index
            %get3A_586 = arith.index_cast %mul3A_583 : i32 to index
            %get3A_587 = arith.constant 32 : index
            %get3A_588 = tpu.vector_load %arg7[%get3A_585, %get3A_586, %get3A_587] {strides = array<i32>} : memref<6x128x128xf32, #tpu.memory_space<vmem>>, vector<1x1x16xf32>,
            %get3A_589 = vector.shape_cast %get3A_588 : vector<1x1x16xf32> to vector<16xf32>
            %mul3A_590 = arith.constant 2 : i32
            %mul3A_591 = arith.muli %mul3A_590, %scan3A_533 : i32
            %add3A_592 = arith.constant 1 : i32
            %add3A_593 = arith.addi %mul3A_591, %add3A_592 : i32
            %get3A_594 = arith.constant 2 : i32
            %get3A_595 = arith.index_cast %get3A_594 : i32 to index
            %get3A_596 = arith.index_cast %add3A_593 : i32 to index
            %get3A_597 = arith.constant 32 : index
            %get3A_598 = tpu.vector_load %arg7[%get3A_595, %get3A_596, %get3A_597] {strides = array<i32>} : memref<6x128x128xf32, #tpu.memory_space<vmem>>, vector<1x1x16xf32>,
            %get3A_599 = vector.shape_cast %get3A_598 : vector<1x1x16xf32> to vector<16xf32>
            %add3A_600 = arith.addf %get3A_589, %get3A_599 : vector<16xf32>
            %add3A_601 = arith.addf %scan3A_536, %add3A_600 : vector<16xf32>
            %mul3A_602 = arith.constant 2 : i32
            %mul3A_603 = arith.muli %mul3A_602, %scan3A_533 : i32
            %get3A_604 = arith.constant 2 : i32
            %get3A_605 = arith.index_cast %get3A_604 : i32 to index
            %get3A_606 = arith.index_cast %mul3A_603 : i32 to index
            %get3A_607 = arith.constant 48 : index
            %get3A_608 = tpu.vector_load %arg7[%get3A_605, %get3A_606, %get3A_607] {strides = array<i32>} : memref<6x128x128xf32, #tpu.memory_space<vmem>>, vector<1x1x16xf32>,
            %get3A_609 = vector.shape_cast %get3A_608 : vector<1x1x16xf32> to vector<16xf32>
            %mul3A_610 = arith.constant 2 : i32
            %mul3A_611 = arith.muli %mul3A_610, %scan3A_533 : i32
            %add3A_612 = arith.constant 1 : i32
            %add3A_613 = arith.addi %mul3A_611, %add3A_612 : i32
            %get3A_614 = arith.constant 2 : i32
            %get3A_615 = arith.index_cast %get3A_614 : i32 to index
            %get3A_616 = arith.index_cast %add3A_613 : i32 to index
            %get3A_617 = arith.constant 48 : index
            %get3A_618 = tpu.vector_load %arg7[%get3A_615, %get3A_616, %get3A_617] {strides = array<i32>} : memref<6x128x128xf32, #tpu.memory_space<vmem>>, vector<1x1x16xf32>,
            %get3A_619 = vector.shape_cast %get3A_618 : vector<1x1x16xf32> to vector<16xf32>
            %add3A_620 = arith.addf %get3A_609, %get3A_619 : vector<16xf32>
            %add3A_621 = arith.addf %scan3A_537, %add3A_620 : vector<16xf32>
            %mul3A_622 = arith.constant 2 : i32
            %mul3A_623 = arith.muli %mul3A_622, %scan3A_533 : i32
            %get3A_624 = arith.constant 2 : i32
            %get3A_625 = arith.index_cast %get3A_624 : i32 to index
            %get3A_626 = arith.index_cast %mul3A_623 : i32 to index
            %get3A_627 = arith.constant 64 : index
            %get3A_628 = tpu.vector_load %arg7[%get3A_625, %get3A_626, %get3A_627] {strides = array<i32>} : memref<6x128x128xf32, #tpu.memory_space<vmem>>, vector<1x1x16xf32>,
            %get3A_629 = vector.shape_cast %get3A_628 : vector<1x1x16xf32> to vector<16xf32>
            %mul3A_630 = arith.constant 2 : i32
            %mul3A_631 = arith.muli %mul3A_630, %scan3A_533 : i32
            %add3A_632 = arith.constant 1 : i32
            %add3A_633 = arith.addi %mul3A_631, %add3A_632 : i32
            %get3A_634 = arith.constant 2 : i32
            %get3A_635 = arith.index_cast %get3A_634 : i32 to index
            %get3A_636 = arith.index_cast %add3A_633 : i32 to index
            %get3A_637 = arith.constant 64 : index
            %get3A_638 = tpu.vector_load %arg7[%get3A_635, %get3A_636, %get3A_637] {strides = array<i32>} : memref<6x128x128xf32, #tpu.memory_space<vmem>>, vector<1x1x16xf32>,
            %get3A_639 = vector.shape_cast %get3A_638 : vector<1x1x16xf32> to vector<16xf32>
            %add3A_640 = arith.addf %get3A_629, %get3A_639 : vector<16xf32>
            %add3A_641 = arith.addf %scan3A_538, %add3A_640 : vector<16xf32>
            %mul3A_642 = arith.constant 2 : i32
            %mul3A_643 = arith.muli %mul3A_642, %scan3A_533 : i32
            %get3A_644 = arith.constant 2 : i32
            %get3A_645 = arith.index_cast %get3A_644 : i32 to index
            %get3A_646 = arith.index_cast %mul3A_643 : i32 to index
            %get3A_647 = arith.constant 80 : index
            %get3A_648 = tpu.vector_load %arg7[%get3A_645, %get3A_646, %get3A_647] {strides = array<i32>} : memref<6x128x128xf32, #tpu.memory_space<vmem>>, vector<1x1x16xf32>,
            %get3A_649 = vector.shape_cast %get3A_648 : vector<1x1x16xf32> to vector<16xf32>
            %mul3A_650 = arith.constant 2 : i32
            %mul3A_651 = arith.muli %mul3A_650, %scan3A_533 : i32
            %add3A_652 = arith.constant 1 : i32
            %add3A_653 = arith.addi %mul3A_651, %add3A_652 : i32
            %get3A_654 = arith.constant 2 : i32
            %get3A_655 = arith.index_cast %get3A_654 : i32 to index
            %get3A_656 = arith.index_cast %add3A_653 : i32 to index
            %get3A_657 = arith.constant 80 : index
            %get3A_658 = tpu.vector_load %arg7[%get3A_655, %get3A_656, %get3A_657] {strides = array<i32>} : memref<6x128x128xf32, #tpu.memory_space<vmem>>, vector<1x1x16xf32>,
            %get3A_659 = vector.shape_cast %get3A_658 : vector<1x1x16xf32> to vector<16xf32>
            %add3A_660 = arith.addf %get3A_649, %get3A_659 : vector<16xf32>
            %add3A_661 = arith.addf %scan3A_539, %add3A_660 : vector<16xf32>
            %mul3A_662 = arith.constant 2 : i32
            %mul3A_663 = arith.muli %mul3A_662, %scan3A_533 : i32
            %get3A_664 = arith.constant 2 : i32
            %get3A_665 = arith.index_cast %get3A_664 : i32 to index
            %get3A_666 = arith.index_cast %mul3A_663 : i32 to index
            %get3A_667 = arith.constant 96 : index
            %get3A_668 = tpu.vector_load %arg7[%get3A_665, %get3A_666, %get3A_667] {strides = array<i32>} : memref<6x128x128xf32, #tpu.memory_space<vmem>>, vector<1x1x16xf32>,
            %get3A_669 = vector.shape_cast %get3A_668 : vector<1x1x16xf32> to vector<16xf32>
            %mul3A_670 = arith.constant 2 : i32
            %mul3A_671 = arith.muli %mul3A_670, %scan3A_533 : i32
            %add3A_672 = arith.constant 1 : i32
            %add3A_673 = arith.addi %mul3A_671, %add3A_672 : i32
            %get3A_674 = arith.constant 2 : i32
            %get3A_675 = arith.index_cast %get3A_674 : i32 to index
            %get3A_676 = arith.index_cast %add3A_673 : i32 to index
            %get3A_677 = arith.constant 96 : index
            %get3A_678 = tpu.vector_load %arg7[%get3A_675, %get3A_676, %get3A_677] {strides = array<i32>} : memref<6x128x128xf32, #tpu.memory_space<vmem>>, vector<1x1x16xf32>,
            %get3A_679 = vector.shape_cast %get3A_678 : vector<1x1x16xf32> to vector<16xf32>
            %add3A_680 = arith.addf %get3A_669, %get3A_679 : vector<16xf32>
            %add3A_681 = arith.addf %scan3A_540, %add3A_680 : vector<16xf32>
            %mul3A_682 = arith.constant 2 : i32
            %mul3A_683 = arith.muli %mul3A_682, %scan3A_533 : i32
            %get3A_684 = arith.constant 2 : i32
            %get3A_685 = arith.index_cast %get3A_684 : i32 to index
            %get3A_686 = arith.index_cast %mul3A_683 : i32 to index
            %get3A_687 = arith.constant 112 : index
            %get3A_688 = tpu.vector_load %arg7[%get3A_685, %get3A_686, %get3A_687] {strides = array<i32>} : memref<6x128x128xf32, #tpu.memory_space<vmem>>, vector<1x1x16xf32>,
            %get3A_689 = vector.shape_cast %get3A_688 : vector<1x1x16xf32> to vector<16xf32>
            %mul3A_690 = arith.constant 2 : i32
            %mul3A_691 = arith.muli %mul3A_690, %scan3A_533 : i32
            %add3A_692 = arith.constant 1 : i32
            %add3A_693 = arith.addi %mul3A_691, %add3A_692 : i32
            %get3A_694 = arith.constant 2 : i32
            %get3A_695 = arith.index_cast %get3A_694 : i32 to index
            %get3A_696 = arith.index_cast %add3A_693 : i32 to index
            %get3A_697 = arith.constant 112 : index
            %get3A_698 = tpu.vector_load %arg7[%get3A_695, %get3A_696, %get3A_697] {strides = array<i32>} : memref<6x128x128xf32, #tpu.memory_space<vmem>>, vector<1x1x16xf32>,
            %get3A_699 = vector.shape_cast %get3A_698 : vector<1x1x16xf32> to vector<16xf32>
            %add3A_700 = arith.addf %get3A_689, %get3A_699 : vector<16xf32>
            %add3A_701 = arith.addf %scan3A_541, %add3A_700 : vector<16xf32>
            scf.yield %add3A_561, %add3A_581, %add3A_601, %add3A_621, %add3A_641, %add3A_661, %add3A_681, %add3A_701 : vector<16xf32>, vector<16xf32>, vector<16xf32>, vector<16xf32>, vector<16xf32>, vector<16xf32>, vector<16xf32>, vector<16xf32>
          }
          %scan3A_438 = arith.constant 64 : i32
          %get3A_439 = arith.constant 6 : i32
          %get3A_440 = arith.index_cast %get3A_439 : i32 to index
          %get3A_441 = memref.load %arg11[%get3A_440] : memref<7xi32, #tpu.memory_space<smem>>
          %swap3A_442 = arith.index_cast %get3A_441 : i32 to index
          %swap3A_443 = arith.constant 0 : index
          %swap3A_444 = tpu.vector_load %arg9[%swap3A_442, %swap3A_443] {strides = array<i32>} : memref<80x128xf32, #tpu.memory_space<vmem>>, vector<1x16xf32>,
          %swap3A_445 = vector.shape_cast %swap3A_444 : vector<1x16xf32> to vector<16xf32>
          %swap3A_446 = vector.shape_cast %scan3A_437#0 : vector<16xf32> to vector<1x16xf32>
          tpu.vector_store %arg9[%swap3A_442, %swap3A_443], %swap3A_446 {strides = array<i32>} : memref<80x128xf32, #tpu.memory_space<vmem>>, vector<1x16xf32>,
          %swap3A_447 = arith.index_cast %get3A_441 : i32 to index
          %swap3A_448 = arith.constant 16 : index
          %swap3A_449 = tpu.vector_load %arg9[%swap3A_447, %swap3A_448] {strides = array<i32>} : memref<80x128xf32, #tpu.memory_space<vmem>>, vector<1x16xf32>,
          %swap3A_450 = vector.shape_cast %swap3A_449 : vector<1x16xf32> to vector<16xf32>
          %swap3A_451 = vector.shape_cast %scan3A_437#1 : vector<16xf32> to vector<1x16xf32>
          tpu.vector_store %arg9[%swap3A_447, %swap3A_448], %swap3A_451 {strides = array<i32>} : memref<80x128xf32, #tpu.memory_space<vmem>>, vector<1x16xf32>,
          %swap3A_452 = arith.index_cast %get3A_441 : i32 to index
          %swap3A_453 = arith.constant 32 : index
          %swap3A_454 = tpu.vector_load %arg9[%swap3A_452, %swap3A_453] {strides = array<i32>} : memref<80x128xf32, #tpu.memory_space<vmem>>, vector<1x16xf32>,
          %swap3A_455 = vector.shape_cast %swap3A_454 : vector<1x16xf32> to vector<16xf32>
          %swap3A_456 = vector.shape_cast %scan3A_437#2 : vector<16xf32> to vector<1x16xf32>
          tpu.vector_store %arg9[%swap3A_452, %swap3A_453], %swap3A_456 {strides = array<i32>} : memref<80x128xf32, #tpu.memory_space<vmem>>, vector<1x16xf32>,
          %swap3A_457 = arith.index_cast %get3A_441 : i32 to index
          %swap3A_458 = arith.constant 48 : index
          %swap3A_459 = tpu.vector_load %arg9[%swap3A_457, %swap3A_458] {strides = array<i32>} : memref<80x128xf32, #tpu.memory_space<vmem>>, vector<1x16xf32>,
          %swap3A_460 = vector.shape_cast %swap3A_459 : vector<1x16xf32> to vector<16xf32>
          %swap3A_461 = vector.shape_cast %scan3A_437#3 : vector<16xf32> to vector<1x16xf32>
          tpu.vector_store %arg9[%swap3A_457, %swap3A_458], %swap3A_461 {strides = array<i32>} : memref<80x128xf32, #tpu.memory_space<vmem>>, vector<1x16xf32>,
          %swap3A_462 = arith.index_cast %get3A_441 : i32 to index
          %swap3A_463 = arith.constant 64 : index
          %swap3A_464 = tpu.vector_load %arg9[%swap3A_462, %swap3A_463] {strides = array<i32>} : memref<80x128xf32, #tpu.memory_space<vmem>>, vector<1x16xf32>,
          %swap3A_465 = vector.shape_cast %swap3A_464 : vector<1x16xf32> to vector<16xf32>
          %swap3A_466 = vector.shape_cast %scan3A_437#4 : vector<16xf32> to vector<1x16xf32>
          tpu.vector_store %arg9[%swap3A_462, %swap3A_463], %swap3A_466 {strides = array<i32>} : memref<80x128xf32, #tpu.memory_space<vmem>>, vector<1x16xf32>,
          %swap3A_467 = arith.index_cast %get3A_441 : i32 to index
          %swap3A_468 = arith.constant 80 : index
          %swap3A_469 = tpu.vector_load %arg9[%swap3A_467, %swap3A_468] {strides = array<i32>} : memref<80x128xf32, #tpu.memory_space<vmem>>, vector<1x16xf32>,
          %swap3A_470 = vector.shape_cast %swap3A_469 : vector<1x16xf32> to vector<16xf32>
          %swap3A_471 = vector.shape_cast %scan3A_437#5 : vector<16xf32> to vector<1x16xf32>
          tpu.vector_store %arg9[%swap3A_467, %swap3A_468], %swap3A_471 {strides = array<i32>} : memref<80x128xf32, #tpu.memory_space<vmem>>, vector<1x16xf32>,
          %swap3A_472 = arith.index_cast %get3A_441 : i32 to index
          %swap3A_473 = arith.constant 96 : index
          %swap3A_474 = tpu.vector_load %arg9[%swap3A_472, %swap3A_473] {strides = array<i32>} : memref<80x128xf32, #tpu.memory_space<vmem>>, vector<1x16xf32>,
          %swap3A_475 = vector.shape_cast %swap3A_474 : vector<1x16xf32> to vector<16xf32>
          %swap3A_476 = vector.shape_cast %scan3A_437#6 : vector<16xf32> to vector<1x16xf32>
          tpu.vector_store %arg9[%swap3A_472, %swap3A_473], %swap3A_476 {strides = array<i32>} : memref<80x128xf32, #tpu.memory_space<vmem>>, vector<1x16xf32>,
          %swap3A_477 = arith.index_cast %get3A_441 : i32 to index
          %swap3A_478 = arith.constant 112 : index
          %swap3A_479 = tpu.vector_load %arg9[%swap3A_477, %swap3A_478] {strides = array<i32>} : memref<80x128xf32, #tpu.memory_space<vmem>>, vector<1x16xf32>,
          %swap3A_480 = vector.shape_cast %swap3A_479 : vector<1x16xf32> to vector<16xf32>
          %swap3A_481 = vector.shape_cast %scan3A_437#7 : vector<16xf32> to vector<1x16xf32>
          tpu.vector_store %arg9[%swap3A_477, %swap3A_478], %swap3A_481 {strides = array<i32>} : memref<80x128xf32, #tpu.memory_space<vmem>>, vector<1x16xf32>,
          %jit3A_482 = arith.constant 16 : i32
          %div3A_483 = arith.divsi %get3A_441, %jit3A_482 : i32
          %sign3A_484 = arith.constant 0 : i32
          %sign3A_485 = arith.cmpi sgt, %get3A_441, %sign3A_484 : i32
          %sign3A_486 = arith.extui %sign3A_485 : i1 to i32
          %sign3A_487 = arith.constant 0 : i32
          %sign3A_488 = arith.cmpi slt, %get3A_441, %sign3A_487 : i32
          %sign3A_489 = arith.extui %sign3A_488 : i1 to i32
          %sign3A_490 = arith.subi %sign3A_486, %sign3A_489 : i32
          %sign3A_491 = arith.constant 0 : i32
          %sign3A_492 = arith.cmpi sgt, %jit3A_482, %sign3A_491 : i32
          %sign3A_493 = arith.extui %sign3A_492 : i1 to i32
          %sign3A_494 = arith.constant 0 : i32
          %sign3A_495 = arith.cmpi slt, %jit3A_482, %sign3A_494 : i32
          %sign3A_496 = arith.extui %sign3A_495 : i1 to i32
          %sign3A_497 = arith.subi %sign3A_493, %sign3A_496 : i32
          %ne3A_498 = arith.cmpi ne, %sign3A_490, %sign3A_497 : i32
          %rem3A_499 = arith.remsi %get3A_441, %jit3A_482 : i32
          %ne3A_500 = arith.constant 0 : i32
          %ne3A_501 = arith.cmpi ne, %rem3A_499, %ne3A_500 : i32
          %and3A_502 = arith.andi %ne3A_498, %ne3A_501 : i1
          %sub3A_503 = arith.constant 1 : i32
          %sub3A_504 = arith.subi %div3A_483, %sub3A_503 : i32
          %select_n3A_505 = arith.select %and3A_502, %sub3A_504, %div3A_483 : i32
          %mul3A_506 = arith.constant 16 : i32
          %mul3A_507 = arith.muli %select_n3A_505, %mul3A_506 : i32
          %sub3A_508 = arith.subi %get3A_441, %mul3A_507 : i32
          %get3A_509 = arith.constant 0 : i32
          %get3A_510 = arith.index_cast %get3A_509 : i32 to index
          %get3A_511 = arith.index_cast %mul3A_507 : i32 to index
          %get3A_512 = tpu.vector_load %arg10[%get3A_510, %get3A_511] {strides = array<i32>} : memref<8x80xi32, #tpu.memory_space<vmem>>, vector<1x16xi32>,
          %get3A_513 = vector.shape_cast %get3A_512 : vector<1x16xi32> to vector<16xi32>
          %iota3A = tpu.iota {dimensions = array<i32: 0>} : vector<16xi32>
          %eq3A_514 = vector.broadcast %sub3A_508 : i32 to vector<16xi32>
          %eq3A_515 = arith.cmpi eq, %iota3A, %eq3A_514 : vector<16xi32>
          %broadcast_in_dim3A_516 = vector.broadcast %squeeze3A : i32 to vector<16xi32>
          %select_n3A_517 = arith.select %eq3A_515, %broadcast_in_dim3A_516, %get3A_513 : vector<16xi1>, vector<16xi32>
          %swap3A_518 = arith.constant 0 : i32
          %swap3A_519 = arith.index_cast %swap3A_518 : i32 to index
          %swap3A_520 = arith.index_cast %mul3A_507 : i32 to index
          %swap3A_521 = tpu.vector_load %arg10[%swap3A_519, %swap3A_520] {strides = array<i32>} : memref<8x80xi32, #tpu.memory_space<vmem>>, vector<1x16xi32>,
          %swap3A_522 = vector.shape_cast %swap3A_521 : vector<1x16xi32> to vector<16xi32>
          %swap3A_523 = vector.shape_cast %select_n3A_517 : vector<16xi32> to vector<1x16xi32>
          tpu.vector_store %arg10[%swap3A_519, %swap3A_520], %swap3A_523 {strides = array<i32>} : memref<8x80xi32, #tpu.memory_space<vmem>>, vector<1x16xi32>,
          %add3A_524 = arith.constant 1 : i32
          %add3A_525 = arith.addi %get3A_441, %add3A_524 : i32
          %swap3A_526 = arith.constant 6 : i32
          %swap3A_527 = arith.index_cast %swap3A_526 : i32 to index
          %swap3A_528 = memref.load %arg11[%swap3A_527] : memref<7xi32, #tpu.memory_space<smem>>
          memref.store %add3A_525, %arg11[%swap3A_527] : memref<7xi32, #tpu.memory_space<smem>>
          %swap3A_529 = arith.constant 0 : i32
          %swap3A_530 = arith.constant 2 : i32
          %swap3A_531 = arith.index_cast %swap3A_530 : i32 to index
          %swap3A_532 = memref.load %arg11[%swap3A_531] : memref<7xi32, #tpu.memory_space<smem>>
          memref.store %swap3A_529, %arg11[%swap3A_531] : memref<7xi32, #tpu.memory_space<smem>>
        } else {
        }
        %ne3A_429 = arith.cmpi ne, %squeeze3A, %squeeze3A_424 : i32
        %convert_element_type3A_430 = arith.extui %ne3A_429 : i1 to i32
        %cond3A_431 = arith.constant 0 : i32
        %cond3A_432 = arith.cmpi ne, %convert_element_type3A_430, %cond3A_431 : i32
        scf.if %cond3A_432 {
          %add3A_433 = arith.addi %sub3A_31, %add3A_359 : i32
          %dma_start3A_434 = arith.constant 2 : i32
          %dma_start3A_435 = arith.constant 0 : i32
          %dma_start3A_436 = arith.constant 0 : i32
          %dma_start3A_437 = tpu.memref_slice %arg7[%dma_start3A_434, %dma_start3A_435, %dma_start3A_436] : memref<6x128x128xf32, #tpu.memory_space<vmem>> -> memref<1x128x128xf32, #tpu.memory_space<vmem>>
          %dma_start3A_438 = tpu.memref_squeeze %dma_start3A_437 : memref<1x128x128xf32, #tpu.memory_space<vmem>> -> memref<128x128xf32, #tpu.memory_space<vmem>>
          %dma_start3A_439 = arith.constant 0 : i32
          %dma_start3A_440 = tpu.memref_slice %arg8[%add3A_433, %dma_start3A_439] : memref<88x128xi32, #tpu.memory_space<vmem>> -> memref<1x128xi32, #tpu.memory_space<vmem>>
          %dma_start3A_441 = tpu.memref_squeeze %dma_start3A_440 : memref<1x128xi32, #tpu.memory_space<vmem>> -> memref<128xi32, #tpu.memory_space<vmem>>
          %dma_start3A_442 = arith.constant 0 : i32
          %dma_start3A_443 = arith.constant 0 : i32
          %dma_start3A_444 = tpu.memref_slice %arg6[%dma_start3A_442, %dma_start3A_443] : memref<1024x128xf32, #tpu.memory_space<vmem_shared>> -> memref<1024x128xf32, #tpu.memory_space<vmem_shared>>
          tpu.enqueue_indirect_dma source(%dma_start3A_438 : memref<128x128xf32, #tpu.memory_space<vmem>>) target(%dma_start3A_444 : memref<1024x128xf32, #tpu.memory_space<vmem_shared>>) offsets(%dma_start3A_441 : memref<128xi32, #tpu.memory_space<vmem>>) semaphore(%arg20 : memref<!tpu.dma_semaphore, #tpu.memory_space<semaphore_mem>>) {add = true}
          %swap3A_445 = arith.constant 1 : i32
          %swap3A_446 = arith.constant 2 : i32
          %swap3A_447 = arith.index_cast %swap3A_446 : i32 to index
          %swap3A_448 = memref.load %arg11[%swap3A_447] : memref<7xi32, #tpu.memory_space<smem>>
          memref.store %swap3A_445, %arg11[%swap3A_447] : memref<7xi32, #tpu.memory_space<smem>>
        } else {
        }
      } else {
      }
      %mul3A_364 = arith.constant 6 : i32
      %mul3A_365 = arith.muli %mul3A_364, %while3A_339 : i32
      %add3A_366 = arith.constant 3 : i32
      %add3A_367 = arith.addi %mul3A_365, %add3A_366 : i32
      %lt3A_368 = arith.cmpi slt, %add3A_367, %add3A_6 : i32
      %convert_element_type3A_369 = arith.extui %lt3A_368 : i1 to i32
      %cond3A_370 = arith.constant 0 : i32
      %cond3A_371 = arith.cmpi ne, %convert_element_type3A_369, %cond3A_370 : i32
      scf.if %cond3A_371 {
        %ge3A_388 = arith.constant 1 : i32
        %ge3A_389 = arith.cmpi sge, %add3A_367, %ge3A_388 : i32
        %convert_element_type3A_390 = arith.extui %ge3A_389 : i1 to i32
        %cond3A_391 = arith.constant 0 : i32
        %cond3A_392 = arith.cmpi ne, %convert_element_type3A_390, %cond3A_391 : i32
        scf.if %cond3A_392 {
          %sub3A_433 = arith.constant 1 : i32
          %sub3A_434 = arith.subi %add3A_367, %sub3A_433 : i32
          %get3A_435 = arith.constant 2 : i32
          %get3A_436 = arith.index_cast %get3A_435 : i32 to index
          %get3A_437 = memref.load %arg11[%get3A_436] : memref<7xi32, #tpu.memory_space<smem>>
          %eq3A_438 = arith.constant 1 : i32
          %eq3A_439 = arith.cmpi eq, %get3A_437, %eq3A_438 : i32
          %convert_element_type3A_440 = arith.extui %eq3A_439 : i1 to i32
          %cond3A_441 = arith.constant 0 : i32
          %cond3A_442 = arith.cmpi ne, %convert_element_type3A_440, %cond3A_441 : i32
          scf.if %cond3A_442 {
            %add3A_443 = arith.addi %sub3A_31, %sub3A_434 : i32
            %dma_wait3A_444 = arith.constant 2 : i32
            %dma_wait3A_445 = arith.constant 0 : i32
            %dma_wait3A_446 = arith.constant 0 : i32
            %dma_wait3A_447 = tpu.memref_slice %arg7[%dma_wait3A_444, %dma_wait3A_445, %dma_wait3A_446] : memref<6x128x128xf32, #tpu.memory_space<vmem>> -> memref<1x128x128xf32, #tpu.memory_space<vmem>>
            %dma_wait3A_448 = tpu.memref_squeeze %dma_wait3A_447 : memref<1x128x128xf32, #tpu.memory_space<vmem>> -> memref<128x128xf32, #tpu.memory_space<vmem>>
            %dma_wait3A_449 = arith.constant 0 : i32
            %dma_wait3A_450 = tpu.memref_slice %arg8[%add3A_443, %dma_wait3A_449] : memref<88x128xi32, #tpu.memory_space<vmem>> -> memref<1x128xi32, #tpu.memory_space<vmem>>
            %dma_wait3A_451 = tpu.memref_squeeze %dma_wait3A_450 : memref<1x128xi32, #tpu.memory_space<vmem>> -> memref<128xi32, #tpu.memory_space<vmem>>
            %dma_wait3A_452 = arith.constant 0 : i32
            %dma_wait3A_453 = arith.constant 0 : i32
            %dma_wait3A_454 = tpu.memref_slice %arg6[%dma_wait3A_452, %dma_wait3A_453] : memref<1024x128xf32, #tpu.memory_space<vmem_shared>> -> memref<1024x128xf32, #tpu.memory_space<vmem_shared>>
            tpu.wait_indirect_dma semaphore(%arg20 : memref<!tpu.dma_semaphore, #tpu.memory_space<semaphore_mem>>) src(%dma_wait3A_448 : memref<128x128xf32, #tpu.memory_space<vmem>>) dst(%dma_wait3A_454 : memref<1024x128xf32, #tpu.memory_space<vmem_shared>>)
          } else {
          }
        } else {
        }
        %add3A_393 = arith.constant 5 : i32
        %add3A_394 = arith.addi %add3A_367, %add3A_393 : i32
        %lt3A_395 = arith.cmpi slt, %add3A_394, %add3A_6 : i32
        %convert_element_type3A_396 = arith.extui %lt3A_395 : i1 to i32
        %cond3A_397 = arith.constant 0 : i32
        %cond3A_398 = arith.cmpi ne, %convert_element_type3A_396, %cond3A_397 : i32
        scf.if %cond3A_398 {
          %add3A_433 = arith.constant 5 : i32
          %add3A_434 = arith.addi %add3A_367, %add3A_433 : i32
          %add3A_435 = arith.addi %add3A_10, %add3A_434 : i32
          %mul3A_436 = arith.constant 128 : i32
          %mul3A_437 = arith.muli %add3A_435, %mul3A_436 : i32
          %dma_start3A_438 = arith.constant 2 : i32
          %dma_start3A_439 = arith.constant 0 : i32
          %dma_start3A_440 = arith.constant 0 : i32
          %dma_start3A_441 = tpu.memref_slice %arg7[%dma_start3A_438, %dma_start3A_439, %dma_start3A_440] : memref<6x128x128xf32, #tpu.memory_space<vmem>> -> memref<1x128x128xf32, #tpu.memory_space<vmem>>
          %dma_start3A_442 = tpu.memref_squeeze %dma_start3A_441 : memref<1x128x128xf32, #tpu.memory_space<vmem>> -> memref<128x128xf32, #tpu.memory_space<vmem>>
          %dma_start3A_443 = arith.constant 0 : i32
          %dma_start3A_444 = tpu.memref_slice %arg3[%mul3A_437, %dma_start3A_443] : memref<320000x128xf32, #tpu.memory_space<hbm>> -> memref<128x128xf32, #tpu.memory_space<hbm>>
          %dma_start3A_445 = arith.constant 0 : i32
          %dma_start3A_446 = arith.constant 0 : i32
          %dma_start3A_447 = tpu.memref_slice %arg7[%dma_start3A_438, %dma_start3A_445, %dma_start3A_446] : memref<6x128x128xf32, #tpu.memory_space<vmem>> -> memref<1x128x128xf32, #tpu.memory_space<vmem>>
          %dma_start3A_448 = tpu.memref_squeeze %dma_start3A_447 : memref<1x128x128xf32, #tpu.memory_space<vmem>> -> memref<128x128xf32, #tpu.memory_space<vmem>>
          %dma_start3A_449 = arith.constant 0 : i32
          %dma_start3A_450 = tpu.memref_slice %arg3[%mul3A_437, %dma_start3A_449] : memref<320000x128xf32, #tpu.memory_space<hbm>> -> memref<128x128xf32, #tpu.memory_space<hbm>>
          tpu.enqueue_dma source(%dma_start3A_450 : memref<128x128xf32, #tpu.memory_space<hbm>>) target(%dma_start3A_448 : memref<128x128xf32, #tpu.memory_space<vmem>>) target_semaphore(%arg14 : memref<!tpu.dma_semaphore, #tpu.memory_space<semaphore_mem>>)
        } else {
        }
        %add3A_399 = arith.addi %add3A_10, %add3A_367 : i32
        %mul3A_400 = arith.constant 128 : i32
        %mul3A_401 = arith.muli %add3A_399, %mul3A_400 : i32
        %dma_wait3A = arith.constant 3 : i32
        %dma_wait3A_402 = arith.constant 0 : i32
        %dma_wait3A_403 = arith.constant 0 : i32
        %dma_wait3A_404 = tpu.memref_slice %arg7[%dma_wait3A, %dma_wait3A_402, %dma_wait3A_403] : memref<6x128x128xf32, #tpu.memory_space<vmem>> -> memref<1x128x128xf32, #tpu.memory_space<vmem>>
        %dma_wait3A_405 = tpu.memref_squeeze %dma_wait3A_404 : memref<1x128x128xf32, #tpu.memory_space<vmem>> -> memref<128x128xf32, #tpu.memory_space<vmem>>
        %dma_wait3A_406 = arith.constant 0 : i32
        %dma_wait3A_407 = tpu.memref_slice %arg3[%mul3A_401, %dma_wait3A_406] : memref<320000x128xf32, #tpu.memory_space<hbm>> -> memref<128x128xf32, #tpu.memory_space<hbm>>
        %dma_wait3A_408 = arith.constant 0 : i32
        %dma_wait3A_409 = arith.constant 0 : i32
        %dma_wait3A_410 = tpu.memref_slice %arg7[%dma_wait3A, %dma_wait3A_408, %dma_wait3A_409] : memref<6x128x128xf32, #tpu.memory_space<vmem>> -> memref<1x128x128xf32, #tpu.memory_space<vmem>>
        %dma_wait3A_411 = tpu.memref_squeeze %dma_wait3A_410 : memref<1x128x128xf32, #tpu.memory_space<vmem>> -> memref<128x128xf32, #tpu.memory_space<vmem>>
        %dma_wait3A_412 = arith.constant 0 : i32
        %dma_wait3A_413 = tpu.memref_slice %arg3[%mul3A_401, %dma_wait3A_412] : memref<320000x128xf32, #tpu.memory_space<hbm>> -> memref<128x128xf32, #tpu.memory_space<hbm>>
        tpu.wait_dma2 semaphore(%arg15 : memref<!tpu.dma_semaphore, #tpu.memory_space<semaphore_mem>>) src(%dma_wait3A_413 : memref<128x128xf32, #tpu.memory_space<hbm>>) dst(%dma_wait3A_411 : memref<128x128xf32, #tpu.memory_space<vmem>>)
        %add3A_414 = arith.addi %sub3A_31, %add3A_367 : i32
        %get3A = arith.index_cast %add3A_414 : i32 to index
        %get3A_415 = arith.constant 0 : index
        %get3A_416 = tpu.vector_load %arg8[%get3A, %get3A_415] {strides = array<i32>} : memref<88x128xi32, #tpu.memory_space<vmem>>, vector<1x16xi32>,
        %get3A_417 = vector.shape_cast %get3A_416 : vector<1x16xi32> to vector<16xi32>
        %slice3A = vector.extract_strided_slice %get3A_417 {offsets = [0], sizes = [1], strides = [1]} : vector<16xi32> to vector<1xi32>
        %squeeze3A = vector.extract %slice3A[0] : i32 from vector<1xi32>
        %add3A_418 = arith.addi %sub3A_31, %add3A_367 : i32
        %get3A_419 = arith.index_cast %add3A_418 : i32 to index
        %get3A_420 = arith.constant 112 : index
        %get3A_421 = tpu.vector_load %arg8[%get3A_419, %get3A_420] {strides = array<i32>} : memref<88x128xi32, #tpu.memory_space<vmem>>, vector<1x16xi32>,
        %get3A_422 = vector.shape_cast %get3A_421 : vector<1x16xi32> to vector<16xi32>
        %slice3A_423 = vector.extract_strided_slice %get3A_422 {offsets = [15], sizes = [1], strides = [1]} : vector<16xi32> to vector<1xi32>
        %squeeze3A_424 = vector.extract %slice3A_423[0] : i32 from vector<1xi32>
        %eq3A_425 = arith.cmpi eq, %squeeze3A, %squeeze3A_424 : i32
        %convert_element_type3A_426 = arith.extui %eq3A_425 : i1 to i32
        %cond3A_427 = arith.constant 0 : i32
        %cond3A_428 = arith.cmpi ne, %convert_element_type3A_426, %cond3A_427 : i32
        scf.if %cond3A_428 {
          %scan3A_433 = arith.constant 0 : i32
          %scan3A_434 = arith.constant 64 : i32
          %scan3A_435 = arith.addi %scan3A_433, %scan3A_434 : i32
          %scan3A_436 = arith.constant 1 : i32
          %scan3A_437:8 = scf.for %scan3A_533 = %scan3A_433 to %scan3A_435 step %scan3A_436 iter_args(%scan3A_534 = %broadcast_in_dim3A_32, %scan3A_535 = %broadcast_in_dim3A_32, %scan3A_536 = %broadcast_in_dim3A_32, %scan3A_537 = %broadcast_in_dim3A_32, %scan3A_538 = %broadcast_in_dim3A_32, %scan3A_539 = %broadcast_in_dim3A_32, %scan3A_540 = %broadcast_in_dim3A_32, %scan3A_541 = %broadcast_in_dim3A_32) -> (vector<16xf32>, vector<16xf32>, vector<16xf32>, vector<16xf32>, vector<16xf32>, vector<16xf32>, vector<16xf32>, vector<16xf32>)  : i32 {
            %mul3A_542 = arith.constant 2 : i32
            %mul3A_543 = arith.muli %mul3A_542, %scan3A_533 : i32
            %get3A_544 = arith.constant 3 : i32
            %get3A_545 = arith.index_cast %get3A_544 : i32 to index
            %get3A_546 = arith.index_cast %mul3A_543 : i32 to index
            %get3A_547 = arith.constant 0 : index
            %get3A_548 = tpu.vector_load %arg7[%get3A_545, %get3A_546, %get3A_547] {strides = array<i32>} : memref<6x128x128xf32, #tpu.memory_space<vmem>>, vector<1x1x16xf32>,
            %get3A_549 = vector.shape_cast %get3A_548 : vector<1x1x16xf32> to vector<16xf32>
            %mul3A_550 = arith.constant 2 : i32
            %mul3A_551 = arith.muli %mul3A_550, %scan3A_533 : i32
            %add3A_552 = arith.constant 1 : i32
            %add3A_553 = arith.addi %mul3A_551, %add3A_552 : i32
            %get3A_554 = arith.constant 3 : i32
            %get3A_555 = arith.index_cast %get3A_554 : i32 to index
            %get3A_556 = arith.index_cast %add3A_553 : i32 to index
            %get3A_557 = arith.constant 0 : index
            %get3A_558 = tpu.vector_load %arg7[%get3A_555, %get3A_556, %get3A_557] {strides = array<i32>} : memref<6x128x128xf32, #tpu.memory_space<vmem>>, vector<1x1x16xf32>,
            %get3A_559 = vector.shape_cast %get3A_558 : vector<1x1x16xf32> to vector<16xf32>
            %add3A_560 = arith.addf %get3A_549, %get3A_559 : vector<16xf32>
            %add3A_561 = arith.addf %scan3A_534, %add3A_560 : vector<16xf32>
            %mul3A_562 = arith.constant 2 : i32
            %mul3A_563 = arith.muli %mul3A_562, %scan3A_533 : i32
            %get3A_564 = arith.constant 3 : i32
            %get3A_565 = arith.index_cast %get3A_564 : i32 to index
            %get3A_566 = arith.index_cast %mul3A_563 : i32 to index
            %get3A_567 = arith.constant 16 : index
            %get3A_568 = tpu.vector_load %arg7[%get3A_565, %get3A_566, %get3A_567] {strides = array<i32>} : memref<6x128x128xf32, #tpu.memory_space<vmem>>, vector<1x1x16xf32>,
            %get3A_569 = vector.shape_cast %get3A_568 : vector<1x1x16xf32> to vector<16xf32>
            %mul3A_570 = arith.constant 2 : i32
            %mul3A_571 = arith.muli %mul3A_570, %scan3A_533 : i32
            %add3A_572 = arith.constant 1 : i32
            %add3A_573 = arith.addi %mul3A_571, %add3A_572 : i32
            %get3A_574 = arith.constant 3 : i32
            %get3A_575 = arith.index_cast %get3A_574 : i32 to index
            %get3A_576 = arith.index_cast %add3A_573 : i32 to index
            %get3A_577 = arith.constant 16 : index
            %get3A_578 = tpu.vector_load %arg7[%get3A_575, %get3A_576, %get3A_577] {strides = array<i32>} : memref<6x128x128xf32, #tpu.memory_space<vmem>>, vector<1x1x16xf32>,
            %get3A_579 = vector.shape_cast %get3A_578 : vector<1x1x16xf32> to vector<16xf32>
            %add3A_580 = arith.addf %get3A_569, %get3A_579 : vector<16xf32>
            %add3A_581 = arith.addf %scan3A_535, %add3A_580 : vector<16xf32>
            %mul3A_582 = arith.constant 2 : i32
            %mul3A_583 = arith.muli %mul3A_582, %scan3A_533 : i32
            %get3A_584 = arith.constant 3 : i32
            %get3A_585 = arith.index_cast %get3A_584 : i32 to index
            %get3A_586 = arith.index_cast %mul3A_583 : i32 to index
            %get3A_587 = arith.constant 32 : index
            %get3A_588 = tpu.vector_load %arg7[%get3A_585, %get3A_586, %get3A_587] {strides = array<i32>} : memref<6x128x128xf32, #tpu.memory_space<vmem>>, vector<1x1x16xf32>,
            %get3A_589 = vector.shape_cast %get3A_588 : vector<1x1x16xf32> to vector<16xf32>
            %mul3A_590 = arith.constant 2 : i32
            %mul3A_591 = arith.muli %mul3A_590, %scan3A_533 : i32
            %add3A_592 = arith.constant 1 : i32
            %add3A_593 = arith.addi %mul3A_591, %add3A_592 : i32
            %get3A_594 = arith.constant 3 : i32
            %get3A_595 = arith.index_cast %get3A_594 : i32 to index
            %get3A_596 = arith.index_cast %add3A_593 : i32 to index
            %get3A_597 = arith.constant 32 : index
            %get3A_598 = tpu.vector_load %arg7[%get3A_595, %get3A_596, %get3A_597] {strides = array<i32>} : memref<6x128x128xf32, #tpu.memory_space<vmem>>, vector<1x1x16xf32>,
            %get3A_599 = vector.shape_cast %get3A_598 : vector<1x1x16xf32> to vector<16xf32>
            %add3A_600 = arith.addf %get3A_589, %get3A_599 : vector<16xf32>
            %add3A_601 = arith.addf %scan3A_536, %add3A_600 : vector<16xf32>
            %mul3A_602 = arith.constant 2 : i32
            %mul3A_603 = arith.muli %mul3A_602, %scan3A_533 : i32
            %get3A_604 = arith.constant 3 : i32
            %get3A_605 = arith.index_cast %get3A_604 : i32 to index
            %get3A_606 = arith.index_cast %mul3A_603 : i32 to index
            %get3A_607 = arith.constant 48 : index
            %get3A_608 = tpu.vector_load %arg7[%get3A_605, %get3A_606, %get3A_607] {strides = array<i32>} : memref<6x128x128xf32, #tpu.memory_space<vmem>>, vector<1x1x16xf32>,
            %get3A_609 = vector.shape_cast %get3A_608 : vector<1x1x16xf32> to vector<16xf32>
            %mul3A_610 = arith.constant 2 : i32
            %mul3A_611 = arith.muli %mul3A_610, %scan3A_533 : i32
            %add3A_612 = arith.constant 1 : i32
            %add3A_613 = arith.addi %mul3A_611, %add3A_612 : i32
            %get3A_614 = arith.constant 3 : i32
            %get3A_615 = arith.index_cast %get3A_614 : i32 to index
            %get3A_616 = arith.index_cast %add3A_613 : i32 to index
            %get3A_617 = arith.constant 48 : index
            %get3A_618 = tpu.vector_load %arg7[%get3A_615, %get3A_616, %get3A_617] {strides = array<i32>} : memref<6x128x128xf32, #tpu.memory_space<vmem>>, vector<1x1x16xf32>,
            %get3A_619 = vector.shape_cast %get3A_618 : vector<1x1x16xf32> to vector<16xf32>
            %add3A_620 = arith.addf %get3A_609, %get3A_619 : vector<16xf32>
            %add3A_621 = arith.addf %scan3A_537, %add3A_620 : vector<16xf32>
            %mul3A_622 = arith.constant 2 : i32
            %mul3A_623 = arith.muli %mul3A_622, %scan3A_533 : i32
            %get3A_624 = arith.constant 3 : i32
            %get3A_625 = arith.index_cast %get3A_624 : i32 to index
            %get3A_626 = arith.index_cast %mul3A_623 : i32 to index
            %get3A_627 = arith.constant 64 : index
            %get3A_628 = tpu.vector_load %arg7[%get3A_625, %get3A_626, %get3A_627] {strides = array<i32>} : memref<6x128x128xf32, #tpu.memory_space<vmem>>, vector<1x1x16xf32>,
            %get3A_629 = vector.shape_cast %get3A_628 : vector<1x1x16xf32> to vector<16xf32>
            %mul3A_630 = arith.constant 2 : i32
            %mul3A_631 = arith.muli %mul3A_630, %scan3A_533 : i32
            %add3A_632 = arith.constant 1 : i32
            %add3A_633 = arith.addi %mul3A_631, %add3A_632 : i32
            %get3A_634 = arith.constant 3 : i32
            %get3A_635 = arith.index_cast %get3A_634 : i32 to index
            %get3A_636 = arith.index_cast %add3A_633 : i32 to index
            %get3A_637 = arith.constant 64 : index
            %get3A_638 = tpu.vector_load %arg7[%get3A_635, %get3A_636, %get3A_637] {strides = array<i32>} : memref<6x128x128xf32, #tpu.memory_space<vmem>>, vector<1x1x16xf32>,
            %get3A_639 = vector.shape_cast %get3A_638 : vector<1x1x16xf32> to vector<16xf32>
            %add3A_640 = arith.addf %get3A_629, %get3A_639 : vector<16xf32>
            %add3A_641 = arith.addf %scan3A_538, %add3A_640 : vector<16xf32>
            %mul3A_642 = arith.constant 2 : i32
            %mul3A_643 = arith.muli %mul3A_642, %scan3A_533 : i32
            %get3A_644 = arith.constant 3 : i32
            %get3A_645 = arith.index_cast %get3A_644 : i32 to index
            %get3A_646 = arith.index_cast %mul3A_643 : i32 to index
            %get3A_647 = arith.constant 80 : index
            %get3A_648 = tpu.vector_load %arg7[%get3A_645, %get3A_646, %get3A_647] {strides = array<i32>} : memref<6x128x128xf32, #tpu.memory_space<vmem>>, vector<1x1x16xf32>,
            %get3A_649 = vector.shape_cast %get3A_648 : vector<1x1x16xf32> to vector<16xf32>
            %mul3A_650 = arith.constant 2 : i32
            %mul3A_651 = arith.muli %mul3A_650, %scan3A_533 : i32
            %add3A_652 = arith.constant 1 : i32
            %add3A_653 = arith.addi %mul3A_651, %add3A_652 : i32
            %get3A_654 = arith.constant 3 : i32
            %get3A_655 = arith.index_cast %get3A_654 : i32 to index
            %get3A_656 = arith.index_cast %add3A_653 : i32 to index
            %get3A_657 = arith.constant 80 : index
            %get3A_658 = tpu.vector_load %arg7[%get3A_655, %get3A_656, %get3A_657] {strides = array<i32>} : memref<6x128x128xf32, #tpu.memory_space<vmem>>, vector<1x1x16xf32>,
            %get3A_659 = vector.shape_cast %get3A_658 : vector<1x1x16xf32> to vector<16xf32>
            %add3A_660 = arith.addf %get3A_649, %get3A_659 : vector<16xf32>
            %add3A_661 = arith.addf %scan3A_539, %add3A_660 : vector<16xf32>
            %mul3A_662 = arith.constant 2 : i32
            %mul3A_663 = arith.muli %mul3A_662, %scan3A_533 : i32
            %get3A_664 = arith.constant 3 : i32
            %get3A_665 = arith.index_cast %get3A_664 : i32 to index
            %get3A_666 = arith.index_cast %mul3A_663 : i32 to index
            %get3A_667 = arith.constant 96 : index
            %get3A_668 = tpu.vector_load %arg7[%get3A_665, %get3A_666, %get3A_667] {strides = array<i32>} : memref<6x128x128xf32, #tpu.memory_space<vmem>>, vector<1x1x16xf32>,
            %get3A_669 = vector.shape_cast %get3A_668 : vector<1x1x16xf32> to vector<16xf32>
            %mul3A_670 = arith.constant 2 : i32
            %mul3A_671 = arith.muli %mul3A_670, %scan3A_533 : i32
            %add3A_672 = arith.constant 1 : i32
            %add3A_673 = arith.addi %mul3A_671, %add3A_672 : i32
            %get3A_674 = arith.constant 3 : i32
            %get3A_675 = arith.index_cast %get3A_674 : i32 to index
            %get3A_676 = arith.index_cast %add3A_673 : i32 to index
            %get3A_677 = arith.constant 96 : index
            %get3A_678 = tpu.vector_load %arg7[%get3A_675, %get3A_676, %get3A_677] {strides = array<i32>} : memref<6x128x128xf32, #tpu.memory_space<vmem>>, vector<1x1x16xf32>,
            %get3A_679 = vector.shape_cast %get3A_678 : vector<1x1x16xf32> to vector<16xf32>
            %add3A_680 = arith.addf %get3A_669, %get3A_679 : vector<16xf32>
            %add3A_681 = arith.addf %scan3A_540, %add3A_680 : vector<16xf32>
            %mul3A_682 = arith.constant 2 : i32
            %mul3A_683 = arith.muli %mul3A_682, %scan3A_533 : i32
            %get3A_684 = arith.constant 3 : i32
            %get3A_685 = arith.index_cast %get3A_684 : i32 to index
            %get3A_686 = arith.index_cast %mul3A_683 : i32 to index
            %get3A_687 = arith.constant 112 : index
            %get3A_688 = tpu.vector_load %arg7[%get3A_685, %get3A_686, %get3A_687] {strides = array<i32>} : memref<6x128x128xf32, #tpu.memory_space<vmem>>, vector<1x1x16xf32>,
            %get3A_689 = vector.shape_cast %get3A_688 : vector<1x1x16xf32> to vector<16xf32>
            %mul3A_690 = arith.constant 2 : i32
            %mul3A_691 = arith.muli %mul3A_690, %scan3A_533 : i32
            %add3A_692 = arith.constant 1 : i32
            %add3A_693 = arith.addi %mul3A_691, %add3A_692 : i32
            %get3A_694 = arith.constant 3 : i32
            %get3A_695 = arith.index_cast %get3A_694 : i32 to index
            %get3A_696 = arith.index_cast %add3A_693 : i32 to index
            %get3A_697 = arith.constant 112 : index
            %get3A_698 = tpu.vector_load %arg7[%get3A_695, %get3A_696, %get3A_697] {strides = array<i32>} : memref<6x128x128xf32, #tpu.memory_space<vmem>>, vector<1x1x16xf32>,
            %get3A_699 = vector.shape_cast %get3A_698 : vector<1x1x16xf32> to vector<16xf32>
            %add3A_700 = arith.addf %get3A_689, %get3A_699 : vector<16xf32>
            %add3A_701 = arith.addf %scan3A_541, %add3A_700 : vector<16xf32>
            scf.yield %add3A_561, %add3A_581, %add3A_601, %add3A_621, %add3A_641, %add3A_661, %add3A_681, %add3A_701 : vector<16xf32>, vector<16xf32>, vector<16xf32>, vector<16xf32>, vector<16xf32>, vector<16xf32>, vector<16xf32>, vector<16xf32>
          }
          %scan3A_438 = arith.constant 64 : i32
          %get3A_439 = arith.constant 6 : i32
          %get3A_440 = arith.index_cast %get3A_439 : i32 to index
          %get3A_441 = memref.load %arg11[%get3A_440] : memref<7xi32, #tpu.memory_space<smem>>
          %swap3A_442 = arith.index_cast %get3A_441 : i32 to index
          %swap3A_443 = arith.constant 0 : index
          %swap3A_444 = tpu.vector_load %arg9[%swap3A_442, %swap3A_443] {strides = array<i32>} : memref<80x128xf32, #tpu.memory_space<vmem>>, vector<1x16xf32>,
          %swap3A_445 = vector.shape_cast %swap3A_444 : vector<1x16xf32> to vector<16xf32>
          %swap3A_446 = vector.shape_cast %scan3A_437#0 : vector<16xf32> to vector<1x16xf32>
          tpu.vector_store %arg9[%swap3A_442, %swap3A_443], %swap3A_446 {strides = array<i32>} : memref<80x128xf32, #tpu.memory_space<vmem>>, vector<1x16xf32>,
          %swap3A_447 = arith.index_cast %get3A_441 : i32 to index
          %swap3A_448 = arith.constant 16 : index
          %swap3A_449 = tpu.vector_load %arg9[%swap3A_447, %swap3A_448] {strides = array<i32>} : memref<80x128xf32, #tpu.memory_space<vmem>>, vector<1x16xf32>,
          %swap3A_450 = vector.shape_cast %swap3A_449 : vector<1x16xf32> to vector<16xf32>
          %swap3A_451 = vector.shape_cast %scan3A_437#1 : vector<16xf32> to vector<1x16xf32>
          tpu.vector_store %arg9[%swap3A_447, %swap3A_448], %swap3A_451 {strides = array<i32>} : memref<80x128xf32, #tpu.memory_space<vmem>>, vector<1x16xf32>,
          %swap3A_452 = arith.index_cast %get3A_441 : i32 to index
          %swap3A_453 = arith.constant 32 : index
          %swap3A_454 = tpu.vector_load %arg9[%swap3A_452, %swap3A_453] {strides = array<i32>} : memref<80x128xf32, #tpu.memory_space<vmem>>, vector<1x16xf32>,
          %swap3A_455 = vector.shape_cast %swap3A_454 : vector<1x16xf32> to vector<16xf32>
          %swap3A_456 = vector.shape_cast %scan3A_437#2 : vector<16xf32> to vector<1x16xf32>
          tpu.vector_store %arg9[%swap3A_452, %swap3A_453], %swap3A_456 {strides = array<i32>} : memref<80x128xf32, #tpu.memory_space<vmem>>, vector<1x16xf32>,
          %swap3A_457 = arith.index_cast %get3A_441 : i32 to index
          %swap3A_458 = arith.constant 48 : index
          %swap3A_459 = tpu.vector_load %arg9[%swap3A_457, %swap3A_458] {strides = array<i32>} : memref<80x128xf32, #tpu.memory_space<vmem>>, vector<1x16xf32>,
          %swap3A_460 = vector.shape_cast %swap3A_459 : vector<1x16xf32> to vector<16xf32>
          %swap3A_461 = vector.shape_cast %scan3A_437#3 : vector<16xf32> to vector<1x16xf32>
          tpu.vector_store %arg9[%swap3A_457, %swap3A_458], %swap3A_461 {strides = array<i32>} : memref<80x128xf32, #tpu.memory_space<vmem>>, vector<1x16xf32>,
          %swap3A_462 = arith.index_cast %get3A_441 : i32 to index
          %swap3A_463 = arith.constant 64 : index
          %swap3A_464 = tpu.vector_load %arg9[%swap3A_462, %swap3A_463] {strides = array<i32>} : memref<80x128xf32, #tpu.memory_space<vmem>>, vector<1x16xf32>,
          %swap3A_465 = vector.shape_cast %swap3A_464 : vector<1x16xf32> to vector<16xf32>
          %swap3A_466 = vector.shape_cast %scan3A_437#4 : vector<16xf32> to vector<1x16xf32>
          tpu.vector_store %arg9[%swap3A_462, %swap3A_463], %swap3A_466 {strides = array<i32>} : memref<80x128xf32, #tpu.memory_space<vmem>>, vector<1x16xf32>,
          %swap3A_467 = arith.index_cast %get3A_441 : i32 to index
          %swap3A_468 = arith.constant 80 : index
          %swap3A_469 = tpu.vector_load %arg9[%swap3A_467, %swap3A_468] {strides = array<i32>} : memref<80x128xf32, #tpu.memory_space<vmem>>, vector<1x16xf32>,
          %swap3A_470 = vector.shape_cast %swap3A_469 : vector<1x16xf32> to vector<16xf32>
          %swap3A_471 = vector.shape_cast %scan3A_437#5 : vector<16xf32> to vector<1x16xf32>
          tpu.vector_store %arg9[%swap3A_467, %swap3A_468], %swap3A_471 {strides = array<i32>} : memref<80x128xf32, #tpu.memory_space<vmem>>, vector<1x16xf32>,
          %swap3A_472 = arith.index_cast %get3A_441 : i32 to index
          %swap3A_473 = arith.constant 96 : index
          %swap3A_474 = tpu.vector_load %arg9[%swap3A_472, %swap3A_473] {strides = array<i32>} : memref<80x128xf32, #tpu.memory_space<vmem>>, vector<1x16xf32>,
          %swap3A_475 = vector.shape_cast %swap3A_474 : vector<1x16xf32> to vector<16xf32>
          %swap3A_476 = vector.shape_cast %scan3A_437#6 : vector<16xf32> to vector<1x16xf32>
          tpu.vector_store %arg9[%swap3A_472, %swap3A_473], %swap3A_476 {strides = array<i32>} : memref<80x128xf32, #tpu.memory_space<vmem>>, vector<1x16xf32>,
          %swap3A_477 = arith.index_cast %get3A_441 : i32 to index
          %swap3A_478 = arith.constant 112 : index
          %swap3A_479 = tpu.vector_load %arg9[%swap3A_477, %swap3A_478] {strides = array<i32>} : memref<80x128xf32, #tpu.memory_space<vmem>>, vector<1x16xf32>,
          %swap3A_480 = vector.shape_cast %swap3A_479 : vector<1x16xf32> to vector<16xf32>
          %swap3A_481 = vector.shape_cast %scan3A_437#7 : vector<16xf32> to vector<1x16xf32>
          tpu.vector_store %arg9[%swap3A_477, %swap3A_478], %swap3A_481 {strides = array<i32>} : memref<80x128xf32, #tpu.memory_space<vmem>>, vector<1x16xf32>,
          %jit3A_482 = arith.constant 16 : i32
          %div3A_483 = arith.divsi %get3A_441, %jit3A_482 : i32
          %sign3A_484 = arith.constant 0 : i32
          %sign3A_485 = arith.cmpi sgt, %get3A_441, %sign3A_484 : i32
          %sign3A_486 = arith.extui %sign3A_485 : i1 to i32
          %sign3A_487 = arith.constant 0 : i32
          %sign3A_488 = arith.cmpi slt, %get3A_441, %sign3A_487 : i32
          %sign3A_489 = arith.extui %sign3A_488 : i1 to i32
          %sign3A_490 = arith.subi %sign3A_486, %sign3A_489 : i32
          %sign3A_491 = arith.constant 0 : i32
          %sign3A_492 = arith.cmpi sgt, %jit3A_482, %sign3A_491 : i32
          %sign3A_493 = arith.extui %sign3A_492 : i1 to i32
          %sign3A_494 = arith.constant 0 : i32
          %sign3A_495 = arith.cmpi slt, %jit3A_482, %sign3A_494 : i32
          %sign3A_496 = arith.extui %sign3A_495 : i1 to i32
          %sign3A_497 = arith.subi %sign3A_493, %sign3A_496 : i32
          %ne3A_498 = arith.cmpi ne, %sign3A_490, %sign3A_497 : i32
          %rem3A_499 = arith.remsi %get3A_441, %jit3A_482 : i32
          %ne3A_500 = arith.constant 0 : i32
          %ne3A_501 = arith.cmpi ne, %rem3A_499, %ne3A_500 : i32
          %and3A_502 = arith.andi %ne3A_498, %ne3A_501 : i1
          %sub3A_503 = arith.constant 1 : i32
          %sub3A_504 = arith.subi %div3A_483, %sub3A_503 : i32
          %select_n3A_505 = arith.select %and3A_502, %sub3A_504, %div3A_483 : i32
          %mul3A_506 = arith.constant 16 : i32
          %mul3A_507 = arith.muli %select_n3A_505, %mul3A_506 : i32
          %sub3A_508 = arith.subi %get3A_441, %mul3A_507 : i32
          %get3A_509 = arith.constant 0 : i32
          %get3A_510 = arith.index_cast %get3A_509 : i32 to index
          %get3A_511 = arith.index_cast %mul3A_507 : i32 to index
          %get3A_512 = tpu.vector_load %arg10[%get3A_510, %get3A_511] {strides = array<i32>} : memref<8x80xi32, #tpu.memory_space<vmem>>, vector<1x16xi32>,
          %get3A_513 = vector.shape_cast %get3A_512 : vector<1x16xi32> to vector<16xi32>
          %iota3A = tpu.iota {dimensions = array<i32: 0>} : vector<16xi32>
          %eq3A_514 = vector.broadcast %sub3A_508 : i32 to vector<16xi32>
          %eq3A_515 = arith.cmpi eq, %iota3A, %eq3A_514 : vector<16xi32>
          %broadcast_in_dim3A_516 = vector.broadcast %squeeze3A : i32 to vector<16xi32>
          %select_n3A_517 = arith.select %eq3A_515, %broadcast_in_dim3A_516, %get3A_513 : vector<16xi1>, vector<16xi32>
          %swap3A_518 = arith.constant 0 : i32
          %swap3A_519 = arith.index_cast %swap3A_518 : i32 to index
          %swap3A_520 = arith.index_cast %mul3A_507 : i32 to index
          %swap3A_521 = tpu.vector_load %arg10[%swap3A_519, %swap3A_520] {strides = array<i32>} : memref<8x80xi32, #tpu.memory_space<vmem>>, vector<1x16xi32>,
          %swap3A_522 = vector.shape_cast %swap3A_521 : vector<1x16xi32> to vector<16xi32>
          %swap3A_523 = vector.shape_cast %select_n3A_517 : vector<16xi32> to vector<1x16xi32>
          tpu.vector_store %arg10[%swap3A_519, %swap3A_520], %swap3A_523 {strides = array<i32>} : memref<8x80xi32, #tpu.memory_space<vmem>>, vector<1x16xi32>,
          %add3A_524 = arith.constant 1 : i32
          %add3A_525 = arith.addi %get3A_441, %add3A_524 : i32
          %swap3A_526 = arith.constant 6 : i32
          %swap3A_527 = arith.index_cast %swap3A_526 : i32 to index
          %swap3A_528 = memref.load %arg11[%swap3A_527] : memref<7xi32, #tpu.memory_space<smem>>
          memref.store %add3A_525, %arg11[%swap3A_527] : memref<7xi32, #tpu.memory_space<smem>>
          %swap3A_529 = arith.constant 0 : i32
          %swap3A_530 = arith.constant 3 : i32
          %swap3A_531 = arith.index_cast %swap3A_530 : i32 to index
          %swap3A_532 = memref.load %arg11[%swap3A_531] : memref<7xi32, #tpu.memory_space<smem>>
          memref.store %swap3A_529, %arg11[%swap3A_531] : memref<7xi32, #tpu.memory_space<smem>>
        } else {
        }
        %ne3A_429 = arith.cmpi ne, %squeeze3A, %squeeze3A_424 : i32
        %convert_element_type3A_430 = arith.extui %ne3A_429 : i1 to i32
        %cond3A_431 = arith.constant 0 : i32
        %cond3A_432 = arith.cmpi ne, %convert_element_type3A_430, %cond3A_431 : i32
        scf.if %cond3A_432 {
          %add3A_433 = arith.addi %sub3A_31, %add3A_367 : i32
          %dma_start3A_434 = arith.constant 3 : i32
          %dma_start3A_435 = arith.constant 0 : i32
          %dma_start3A_436 = arith.constant 0 : i32
          %dma_start3A_437 = tpu.memref_slice %arg7[%dma_start3A_434, %dma_start3A_435, %dma_start3A_436] : memref<6x128x128xf32, #tpu.memory_space<vmem>> -> memref<1x128x128xf32, #tpu.memory_space<vmem>>
          %dma_start3A_438 = tpu.memref_squeeze %dma_start3A_437 : memref<1x128x128xf32, #tpu.memory_space<vmem>> -> memref<128x128xf32, #tpu.memory_space<vmem>>
          %dma_start3A_439 = arith.constant 0 : i32
          %dma_start3A_440 = tpu.memref_slice %arg8[%add3A_433, %dma_start3A_439] : memref<88x128xi32, #tpu.memory_space<vmem>> -> memref<1x128xi32, #tpu.memory_space<vmem>>
          %dma_start3A_441 = tpu.memref_squeeze %dma_start3A_440 : memref<1x128xi32, #tpu.memory_space<vmem>> -> memref<128xi32, #tpu.memory_space<vmem>>
          %dma_start3A_442 = arith.constant 0 : i32
          %dma_start3A_443 = arith.constant 0 : i32
          %dma_start3A_444 = tpu.memref_slice %arg6[%dma_start3A_442, %dma_start3A_443] : memref<1024x128xf32, #tpu.memory_space<vmem_shared>> -> memref<1024x128xf32, #tpu.memory_space<vmem_shared>>
          tpu.enqueue_indirect_dma source(%dma_start3A_438 : memref<128x128xf32, #tpu.memory_space<vmem>>) target(%dma_start3A_444 : memref<1024x128xf32, #tpu.memory_space<vmem_shared>>) offsets(%dma_start3A_441 : memref<128xi32, #tpu.memory_space<vmem>>) semaphore(%arg21 : memref<!tpu.dma_semaphore, #tpu.memory_space<semaphore_mem>>) {add = true}
          %swap3A_445 = arith.constant 1 : i32
          %swap3A_446 = arith.constant 3 : i32
          %swap3A_447 = arith.index_cast %swap3A_446 : i32 to index
          %swap3A_448 = memref.load %arg11[%swap3A_447] : memref<7xi32, #tpu.memory_space<smem>>
          memref.store %swap3A_445, %arg11[%swap3A_447] : memref<7xi32, #tpu.memory_space<smem>>
        } else {
        }
      } else {
      }
      %mul3A_372 = arith.constant 6 : i32
      %mul3A_373 = arith.muli %mul3A_372, %while3A_339 : i32
      %add3A_374 = arith.constant 4 : i32
      %add3A_375 = arith.addi %mul3A_373, %add3A_374 : i32
      %lt3A_376 = arith.cmpi slt, %add3A_375, %add3A_6 : i32
      %convert_element_type3A_377 = arith.extui %lt3A_376 : i1 to i32
      %cond3A_378 = arith.constant 0 : i32
      %cond3A_379 = arith.cmpi ne, %convert_element_type3A_377, %cond3A_378 : i32
      scf.if %cond3A_379 {
        %ge3A_388 = arith.constant 1 : i32
        %ge3A_389 = arith.cmpi sge, %add3A_375, %ge3A_388 : i32
        %convert_element_type3A_390 = arith.extui %ge3A_389 : i1 to i32
        %cond3A_391 = arith.constant 0 : i32
        %cond3A_392 = arith.cmpi ne, %convert_element_type3A_390, %cond3A_391 : i32
        scf.if %cond3A_392 {
          %sub3A_433 = arith.constant 1 : i32
          %sub3A_434 = arith.subi %add3A_375, %sub3A_433 : i32
          %get3A_435 = arith.constant 3 : i32
          %get3A_436 = arith.index_cast %get3A_435 : i32 to index
          %get3A_437 = memref.load %arg11[%get3A_436] : memref<7xi32, #tpu.memory_space<smem>>
          %eq3A_438 = arith.constant 1 : i32
          %eq3A_439 = arith.cmpi eq, %get3A_437, %eq3A_438 : i32
          %convert_element_type3A_440 = arith.extui %eq3A_439 : i1 to i32
          %cond3A_441 = arith.constant 0 : i32
          %cond3A_442 = arith.cmpi ne, %convert_element_type3A_440, %cond3A_441 : i32
          scf.if %cond3A_442 {
            %add3A_443 = arith.addi %sub3A_31, %sub3A_434 : i32
            %dma_wait3A_444 = arith.constant 3 : i32
            %dma_wait3A_445 = arith.constant 0 : i32
            %dma_wait3A_446 = arith.constant 0 : i32
            %dma_wait3A_447 = tpu.memref_slice %arg7[%dma_wait3A_444, %dma_wait3A_445, %dma_wait3A_446] : memref<6x128x128xf32, #tpu.memory_space<vmem>> -> memref<1x128x128xf32, #tpu.memory_space<vmem>>
            %dma_wait3A_448 = tpu.memref_squeeze %dma_wait3A_447 : memref<1x128x128xf32, #tpu.memory_space<vmem>> -> memref<128x128xf32, #tpu.memory_space<vmem>>
            %dma_wait3A_449 = arith.constant 0 : i32
            %dma_wait3A_450 = tpu.memref_slice %arg8[%add3A_443, %dma_wait3A_449] : memref<88x128xi32, #tpu.memory_space<vmem>> -> memref<1x128xi32, #tpu.memory_space<vmem>>
            %dma_wait3A_451 = tpu.memref_squeeze %dma_wait3A_450 : memref<1x128xi32, #tpu.memory_space<vmem>> -> memref<128xi32, #tpu.memory_space<vmem>>
            %dma_wait3A_452 = arith.constant 0 : i32
            %dma_wait3A_453 = arith.constant 0 : i32
            %dma_wait3A_454 = tpu.memref_slice %arg6[%dma_wait3A_452, %dma_wait3A_453] : memref<1024x128xf32, #tpu.memory_space<vmem_shared>> -> memref<1024x128xf32, #tpu.memory_space<vmem_shared>>
            tpu.wait_indirect_dma semaphore(%arg21 : memref<!tpu.dma_semaphore, #tpu.memory_space<semaphore_mem>>) src(%dma_wait3A_448 : memref<128x128xf32, #tpu.memory_space<vmem>>) dst(%dma_wait3A_454 : memref<1024x128xf32, #tpu.memory_space<vmem_shared>>)
          } else {
          }
        } else {
        }
        %add3A_393 = arith.constant 5 : i32
        %add3A_394 = arith.addi %add3A_375, %add3A_393 : i32
        %lt3A_395 = arith.cmpi slt, %add3A_394, %add3A_6 : i32
        %convert_element_type3A_396 = arith.extui %lt3A_395 : i1 to i32
        %cond3A_397 = arith.constant 0 : i32
        %cond3A_398 = arith.cmpi ne, %convert_element_type3A_396, %cond3A_397 : i32
        scf.if %cond3A_398 {
          %add3A_433 = arith.constant 5 : i32
          %add3A_434 = arith.addi %add3A_375, %add3A_433 : i32
          %add3A_435 = arith.addi %add3A_10, %add3A_434 : i32
          %mul3A_436 = arith.constant 128 : i32
          %mul3A_437 = arith.muli %add3A_435, %mul3A_436 : i32
          %dma_start3A_438 = arith.constant 3 : i32
          %dma_start3A_439 = arith.constant 0 : i32
          %dma_start3A_440 = arith.constant 0 : i32
          %dma_start3A_441 = tpu.memref_slice %arg7[%dma_start3A_438, %dma_start3A_439, %dma_start3A_440] : memref<6x128x128xf32, #tpu.memory_space<vmem>> -> memref<1x128x128xf32, #tpu.memory_space<vmem>>
          %dma_start3A_442 = tpu.memref_squeeze %dma_start3A_441 : memref<1x128x128xf32, #tpu.memory_space<vmem>> -> memref<128x128xf32, #tpu.memory_space<vmem>>
          %dma_start3A_443 = arith.constant 0 : i32
          %dma_start3A_444 = tpu.memref_slice %arg3[%mul3A_437, %dma_start3A_443] : memref<320000x128xf32, #tpu.memory_space<hbm>> -> memref<128x128xf32, #tpu.memory_space<hbm>>
          %dma_start3A_445 = arith.constant 0 : i32
          %dma_start3A_446 = arith.constant 0 : i32
          %dma_start3A_447 = tpu.memref_slice %arg7[%dma_start3A_438, %dma_start3A_445, %dma_start3A_446] : memref<6x128x128xf32, #tpu.memory_space<vmem>> -> memref<1x128x128xf32, #tpu.memory_space<vmem>>
          %dma_start3A_448 = tpu.memref_squeeze %dma_start3A_447 : memref<1x128x128xf32, #tpu.memory_space<vmem>> -> memref<128x128xf32, #tpu.memory_space<vmem>>
          %dma_start3A_449 = arith.constant 0 : i32
          %dma_start3A_450 = tpu.memref_slice %arg3[%mul3A_437, %dma_start3A_449] : memref<320000x128xf32, #tpu.memory_space<hbm>> -> memref<128x128xf32, #tpu.memory_space<hbm>>
          tpu.enqueue_dma source(%dma_start3A_450 : memref<128x128xf32, #tpu.memory_space<hbm>>) target(%dma_start3A_448 : memref<128x128xf32, #tpu.memory_space<vmem>>) target_semaphore(%arg15 : memref<!tpu.dma_semaphore, #tpu.memory_space<semaphore_mem>>)
        } else {
        }
        %add3A_399 = arith.addi %add3A_10, %add3A_375 : i32
        %mul3A_400 = arith.constant 128 : i32
        %mul3A_401 = arith.muli %add3A_399, %mul3A_400 : i32
        %dma_wait3A = arith.constant 4 : i32
        %dma_wait3A_402 = arith.constant 0 : i32
        %dma_wait3A_403 = arith.constant 0 : i32
        %dma_wait3A_404 = tpu.memref_slice %arg7[%dma_wait3A, %dma_wait3A_402, %dma_wait3A_403] : memref<6x128x128xf32, #tpu.memory_space<vmem>> -> memref<1x128x128xf32, #tpu.memory_space<vmem>>
        %dma_wait3A_405 = tpu.memref_squeeze %dma_wait3A_404 : memref<1x128x128xf32, #tpu.memory_space<vmem>> -> memref<128x128xf32, #tpu.memory_space<vmem>>
        %dma_wait3A_406 = arith.constant 0 : i32
        %dma_wait3A_407 = tpu.memref_slice %arg3[%mul3A_401, %dma_wait3A_406] : memref<320000x128xf32, #tpu.memory_space<hbm>> -> memref<128x128xf32, #tpu.memory_space<hbm>>
        %dma_wait3A_408 = arith.constant 0 : i32
        %dma_wait3A_409 = arith.constant 0 : i32
        %dma_wait3A_410 = tpu.memref_slice %arg7[%dma_wait3A, %dma_wait3A_408, %dma_wait3A_409] : memref<6x128x128xf32, #tpu.memory_space<vmem>> -> memref<1x128x128xf32, #tpu.memory_space<vmem>>
        %dma_wait3A_411 = tpu.memref_squeeze %dma_wait3A_410 : memref<1x128x128xf32, #tpu.memory_space<vmem>> -> memref<128x128xf32, #tpu.memory_space<vmem>>
        %dma_wait3A_412 = arith.constant 0 : i32
        %dma_wait3A_413 = tpu.memref_slice %arg3[%mul3A_401, %dma_wait3A_412] : memref<320000x128xf32, #tpu.memory_space<hbm>> -> memref<128x128xf32, #tpu.memory_space<hbm>>
        tpu.wait_dma2 semaphore(%arg16 : memref<!tpu.dma_semaphore, #tpu.memory_space<semaphore_mem>>) src(%dma_wait3A_413 : memref<128x128xf32, #tpu.memory_space<hbm>>) dst(%dma_wait3A_411 : memref<128x128xf32, #tpu.memory_space<vmem>>)
        %add3A_414 = arith.addi %sub3A_31, %add3A_375 : i32
        %get3A = arith.index_cast %add3A_414 : i32 to index
        %get3A_415 = arith.constant 0 : index
        %get3A_416 = tpu.vector_load %arg8[%get3A, %get3A_415] {strides = array<i32>} : memref<88x128xi32, #tpu.memory_space<vmem>>, vector<1x16xi32>,
        %get3A_417 = vector.shape_cast %get3A_416 : vector<1x16xi32> to vector<16xi32>
        %slice3A = vector.extract_strided_slice %get3A_417 {offsets = [0], sizes = [1], strides = [1]} : vector<16xi32> to vector<1xi32>
        %squeeze3A = vector.extract %slice3A[0] : i32 from vector<1xi32>
        %add3A_418 = arith.addi %sub3A_31, %add3A_375 : i32
        %get3A_419 = arith.index_cast %add3A_418 : i32 to index
        %get3A_420 = arith.constant 112 : index
        %get3A_421 = tpu.vector_load %arg8[%get3A_419, %get3A_420] {strides = array<i32>} : memref<88x128xi32, #tpu.memory_space<vmem>>, vector<1x16xi32>,
        %get3A_422 = vector.shape_cast %get3A_421 : vector<1x16xi32> to vector<16xi32>
        %slice3A_423 = vector.extract_strided_slice %get3A_422 {offsets = [15], sizes = [1], strides = [1]} : vector<16xi32> to vector<1xi32>
        %squeeze3A_424 = vector.extract %slice3A_423[0] : i32 from vector<1xi32>
        %eq3A_425 = arith.cmpi eq, %squeeze3A, %squeeze3A_424 : i32
        %convert_element_type3A_426 = arith.extui %eq3A_425 : i1 to i32
        %cond3A_427 = arith.constant 0 : i32
        %cond3A_428 = arith.cmpi ne, %convert_element_type3A_426, %cond3A_427 : i32
        scf.if %cond3A_428 {
          %scan3A_433 = arith.constant 0 : i32
          %scan3A_434 = arith.constant 64 : i32
          %scan3A_435 = arith.addi %scan3A_433, %scan3A_434 : i32
          %scan3A_436 = arith.constant 1 : i32
          %scan3A_437:8 = scf.for %scan3A_533 = %scan3A_433 to %scan3A_435 step %scan3A_436 iter_args(%scan3A_534 = %broadcast_in_dim3A_32, %scan3A_535 = %broadcast_in_dim3A_32, %scan3A_536 = %broadcast_in_dim3A_32, %scan3A_537 = %broadcast_in_dim3A_32, %scan3A_538 = %broadcast_in_dim3A_32, %scan3A_539 = %broadcast_in_dim3A_32, %scan3A_540 = %broadcast_in_dim3A_32, %scan3A_541 = %broadcast_in_dim3A_32) -> (vector<16xf32>, vector<16xf32>, vector<16xf32>, vector<16xf32>, vector<16xf32>, vector<16xf32>, vector<16xf32>, vector<16xf32>)  : i32 {
            %mul3A_542 = arith.constant 2 : i32
            %mul3A_543 = arith.muli %mul3A_542, %scan3A_533 : i32
            %get3A_544 = arith.constant 4 : i32
            %get3A_545 = arith.index_cast %get3A_544 : i32 to index
            %get3A_546 = arith.index_cast %mul3A_543 : i32 to index
            %get3A_547 = arith.constant 0 : index
            %get3A_548 = tpu.vector_load %arg7[%get3A_545, %get3A_546, %get3A_547] {strides = array<i32>} : memref<6x128x128xf32, #tpu.memory_space<vmem>>, vector<1x1x16xf32>,
            %get3A_549 = vector.shape_cast %get3A_548 : vector<1x1x16xf32> to vector<16xf32>
            %mul3A_550 = arith.constant 2 : i32
            %mul3A_551 = arith.muli %mul3A_550, %scan3A_533 : i32
            %add3A_552 = arith.constant 1 : i32
            %add3A_553 = arith.addi %mul3A_551, %add3A_552 : i32
            %get3A_554 = arith.constant 4 : i32
            %get3A_555 = arith.index_cast %get3A_554 : i32 to index
            %get3A_556 = arith.index_cast %add3A_553 : i32 to index
            %get3A_557 = arith.constant 0 : index
            %get3A_558 = tpu.vector_load %arg7[%get3A_555, %get3A_556, %get3A_557] {strides = array<i32>} : memref<6x128x128xf32, #tpu.memory_space<vmem>>, vector<1x1x16xf32>,
            %get3A_559 = vector.shape_cast %get3A_558 : vector<1x1x16xf32> to vector<16xf32>
            %add3A_560 = arith.addf %get3A_549, %get3A_559 : vector<16xf32>
            %add3A_561 = arith.addf %scan3A_534, %add3A_560 : vector<16xf32>
            %mul3A_562 = arith.constant 2 : i32
            %mul3A_563 = arith.muli %mul3A_562, %scan3A_533 : i32
            %get3A_564 = arith.constant 4 : i32
            %get3A_565 = arith.index_cast %get3A_564 : i32 to index
            %get3A_566 = arith.index_cast %mul3A_563 : i32 to index
            %get3A_567 = arith.constant 16 : index
            %get3A_568 = tpu.vector_load %arg7[%get3A_565, %get3A_566, %get3A_567] {strides = array<i32>} : memref<6x128x128xf32, #tpu.memory_space<vmem>>, vector<1x1x16xf32>,
            %get3A_569 = vector.shape_cast %get3A_568 : vector<1x1x16xf32> to vector<16xf32>
            %mul3A_570 = arith.constant 2 : i32
            %mul3A_571 = arith.muli %mul3A_570, %scan3A_533 : i32
            %add3A_572 = arith.constant 1 : i32
            %add3A_573 = arith.addi %mul3A_571, %add3A_572 : i32
            %get3A_574 = arith.constant 4 : i32
            %get3A_575 = arith.index_cast %get3A_574 : i32 to index
            %get3A_576 = arith.index_cast %add3A_573 : i32 to index
            %get3A_577 = arith.constant 16 : index
            %get3A_578 = tpu.vector_load %arg7[%get3A_575, %get3A_576, %get3A_577] {strides = array<i32>} : memref<6x128x128xf32, #tpu.memory_space<vmem>>, vector<1x1x16xf32>,
            %get3A_579 = vector.shape_cast %get3A_578 : vector<1x1x16xf32> to vector<16xf32>
            %add3A_580 = arith.addf %get3A_569, %get3A_579 : vector<16xf32>
            %add3A_581 = arith.addf %scan3A_535, %add3A_580 : vector<16xf32>
            %mul3A_582 = arith.constant 2 : i32
            %mul3A_583 = arith.muli %mul3A_582, %scan3A_533 : i32
            %get3A_584 = arith.constant 4 : i32
            %get3A_585 = arith.index_cast %get3A_584 : i32 to index
            %get3A_586 = arith.index_cast %mul3A_583 : i32 to index
            %get3A_587 = arith.constant 32 : index
            %get3A_588 = tpu.vector_load %arg7[%get3A_585, %get3A_586, %get3A_587] {strides = array<i32>} : memref<6x128x128xf32, #tpu.memory_space<vmem>>, vector<1x1x16xf32>,
            %get3A_589 = vector.shape_cast %get3A_588 : vector<1x1x16xf32> to vector<16xf32>
            %mul3A_590 = arith.constant 2 : i32
            %mul3A_591 = arith.muli %mul3A_590, %scan3A_533 : i32
            %add3A_592 = arith.constant 1 : i32
            %add3A_593 = arith.addi %mul3A_591, %add3A_592 : i32
            %get3A_594 = arith.constant 4 : i32
            %get3A_595 = arith.index_cast %get3A_594 : i32 to index
            %get3A_596 = arith.index_cast %add3A_593 : i32 to index
            %get3A_597 = arith.constant 32 : index
            %get3A_598 = tpu.vector_load %arg7[%get3A_595, %get3A_596, %get3A_597] {strides = array<i32>} : memref<6x128x128xf32, #tpu.memory_space<vmem>>, vector<1x1x16xf32>,
            %get3A_599 = vector.shape_cast %get3A_598 : vector<1x1x16xf32> to vector<16xf32>
            %add3A_600 = arith.addf %get3A_589, %get3A_599 : vector<16xf32>
            %add3A_601 = arith.addf %scan3A_536, %add3A_600 : vector<16xf32>
            %mul3A_602 = arith.constant 2 : i32
            %mul3A_603 = arith.muli %mul3A_602, %scan3A_533 : i32
            %get3A_604 = arith.constant 4 : i32
            %get3A_605 = arith.index_cast %get3A_604 : i32 to index
            %get3A_606 = arith.index_cast %mul3A_603 : i32 to index
            %get3A_607 = arith.constant 48 : index
            %get3A_608 = tpu.vector_load %arg7[%get3A_605, %get3A_606, %get3A_607] {strides = array<i32>} : memref<6x128x128xf32, #tpu.memory_space<vmem>>, vector<1x1x16xf32>,
            %get3A_609 = vector.shape_cast %get3A_608 : vector<1x1x16xf32> to vector<16xf32>
            %mul3A_610 = arith.constant 2 : i32
            %mul3A_611 = arith.muli %mul3A_610, %scan3A_533 : i32
            %add3A_612 = arith.constant 1 : i32
            %add3A_613 = arith.addi %mul3A_611, %add3A_612 : i32
            %get3A_614 = arith.constant 4 : i32
            %get3A_615 = arith.index_cast %get3A_614 : i32 to index
            %get3A_616 = arith.index_cast %add3A_613 : i32 to index
            %get3A_617 = arith.constant 48 : index
            %get3A_618 = tpu.vector_load %arg7[%get3A_615, %get3A_616, %get3A_617] {strides = array<i32>} : memref<6x128x128xf32, #tpu.memory_space<vmem>>, vector<1x1x16xf32>,
            %get3A_619 = vector.shape_cast %get3A_618 : vector<1x1x16xf32> to vector<16xf32>
            %add3A_620 = arith.addf %get3A_609, %get3A_619 : vector<16xf32>
            %add3A_621 = arith.addf %scan3A_537, %add3A_620 : vector<16xf32>
            %mul3A_622 = arith.constant 2 : i32
            %mul3A_623 = arith.muli %mul3A_622, %scan3A_533 : i32
            %get3A_624 = arith.constant 4 : i32
            %get3A_625 = arith.index_cast %get3A_624 : i32 to index
            %get3A_626 = arith.index_cast %mul3A_623 : i32 to index
            %get3A_627 = arith.constant 64 : index
            %get3A_628 = tpu.vector_load %arg7[%get3A_625, %get3A_626, %get3A_627] {strides = array<i32>} : memref<6x128x128xf32, #tpu.memory_space<vmem>>, vector<1x1x16xf32>,
            %get3A_629 = vector.shape_cast %get3A_628 : vector<1x1x16xf32> to vector<16xf32>
            %mul3A_630 = arith.constant 2 : i32
            %mul3A_631 = arith.muli %mul3A_630, %scan3A_533 : i32
            %add3A_632 = arith.constant 1 : i32
            %add3A_633 = arith.addi %mul3A_631, %add3A_632 : i32
            %get3A_634 = arith.constant 4 : i32
            %get3A_635 = arith.index_cast %get3A_634 : i32 to index
            %get3A_636 = arith.index_cast %add3A_633 : i32 to index
            %get3A_637 = arith.constant 64 : index
            %get3A_638 = tpu.vector_load %arg7[%get3A_635, %get3A_636, %get3A_637] {strides = array<i32>} : memref<6x128x128xf32, #tpu.memory_space<vmem>>, vector<1x1x16xf32>,
            %get3A_639 = vector.shape_cast %get3A_638 : vector<1x1x16xf32> to vector<16xf32>
            %add3A_640 = arith.addf %get3A_629, %get3A_639 : vector<16xf32>
            %add3A_641 = arith.addf %scan3A_538, %add3A_640 : vector<16xf32>
            %mul3A_642 = arith.constant 2 : i32
            %mul3A_643 = arith.muli %mul3A_642, %scan3A_533 : i32
            %get3A_644 = arith.constant 4 : i32
            %get3A_645 = arith.index_cast %get3A_644 : i32 to index
            %get3A_646 = arith.index_cast %mul3A_643 : i32 to index
            %get3A_647 = arith.constant 80 : index
            %get3A_648 = tpu.vector_load %arg7[%get3A_645, %get3A_646, %get3A_647] {strides = array<i32>} : memref<6x128x128xf32, #tpu.memory_space<vmem>>, vector<1x1x16xf32>,
            %get3A_649 = vector.shape_cast %get3A_648 : vector<1x1x16xf32> to vector<16xf32>
            %mul3A_650 = arith.constant 2 : i32
            %mul3A_651 = arith.muli %mul3A_650, %scan3A_533 : i32
            %add3A_652 = arith.constant 1 : i32
            %add3A_653 = arith.addi %mul3A_651, %add3A_652 : i32
            %get3A_654 = arith.constant 4 : i32
            %get3A_655 = arith.index_cast %get3A_654 : i32 to index
            %get3A_656 = arith.index_cast %add3A_653 : i32 to index
            %get3A_657 = arith.constant 80 : index
            %get3A_658 = tpu.vector_load %arg7[%get3A_655, %get3A_656, %get3A_657] {strides = array<i32>} : memref<6x128x128xf32, #tpu.memory_space<vmem>>, vector<1x1x16xf32>,
            %get3A_659 = vector.shape_cast %get3A_658 : vector<1x1x16xf32> to vector<16xf32>
            %add3A_660 = arith.addf %get3A_649, %get3A_659 : vector<16xf32>
            %add3A_661 = arith.addf %scan3A_539, %add3A_660 : vector<16xf32>
            %mul3A_662 = arith.constant 2 : i32
            %mul3A_663 = arith.muli %mul3A_662, %scan3A_533 : i32
            %get3A_664 = arith.constant 4 : i32
            %get3A_665 = arith.index_cast %get3A_664 : i32 to index
            %get3A_666 = arith.index_cast %mul3A_663 : i32 to index
            %get3A_667 = arith.constant 96 : index
            %get3A_668 = tpu.vector_load %arg7[%get3A_665, %get3A_666, %get3A_667] {strides = array<i32>} : memref<6x128x128xf32, #tpu.memory_space<vmem>>, vector<1x1x16xf32>,
            %get3A_669 = vector.shape_cast %get3A_668 : vector<1x1x16xf32> to vector<16xf32>
            %mul3A_670 = arith.constant 2 : i32
            %mul3A_671 = arith.muli %mul3A_670, %scan3A_533 : i32
            %add3A_672 = arith.constant 1 : i32
            %add3A_673 = arith.addi %mul3A_671, %add3A_672 : i32
            %get3A_674 = arith.constant 4 : i32
            %get3A_675 = arith.index_cast %get3A_674 : i32 to index
            %get3A_676 = arith.index_cast %add3A_673 : i32 to index
            %get3A_677 = arith.constant 96 : index
            %get3A_678 = tpu.vector_load %arg7[%get3A_675, %get3A_676, %get3A_677] {strides = array<i32>} : memref<6x128x128xf32, #tpu.memory_space<vmem>>, vector<1x1x16xf32>,
            %get3A_679 = vector.shape_cast %get3A_678 : vector<1x1x16xf32> to vector<16xf32>
            %add3A_680 = arith.addf %get3A_669, %get3A_679 : vector<16xf32>
            %add3A_681 = arith.addf %scan3A_540, %add3A_680 : vector<16xf32>
            %mul3A_682 = arith.constant 2 : i32
            %mul3A_683 = arith.muli %mul3A_682, %scan3A_533 : i32
            %get3A_684 = arith.constant 4 : i32
            %get3A_685 = arith.index_cast %get3A_684 : i32 to index
            %get3A_686 = arith.index_cast %mul3A_683 : i32 to index
            %get3A_687 = arith.constant 112 : index
            %get3A_688 = tpu.vector_load %arg7[%get3A_685, %get3A_686, %get3A_687] {strides = array<i32>} : memref<6x128x128xf32, #tpu.memory_space<vmem>>, vector<1x1x16xf32>,
            %get3A_689 = vector.shape_cast %get3A_688 : vector<1x1x16xf32> to vector<16xf32>
            %mul3A_690 = arith.constant 2 : i32
            %mul3A_691 = arith.muli %mul3A_690, %scan3A_533 : i32
            %add3A_692 = arith.constant 1 : i32
            %add3A_693 = arith.addi %mul3A_691, %add3A_692 : i32
            %get3A_694 = arith.constant 4 : i32
            %get3A_695 = arith.index_cast %get3A_694 : i32 to index
            %get3A_696 = arith.index_cast %add3A_693 : i32 to index
            %get3A_697 = arith.constant 112 : index
            %get3A_698 = tpu.vector_load %arg7[%get3A_695, %get3A_696, %get3A_697] {strides = array<i32>} : memref<6x128x128xf32, #tpu.memory_space<vmem>>, vector<1x1x16xf32>,
            %get3A_699 = vector.shape_cast %get3A_698 : vector<1x1x16xf32> to vector<16xf32>
            %add3A_700 = arith.addf %get3A_689, %get3A_699 : vector<16xf32>
            %add3A_701 = arith.addf %scan3A_541, %add3A_700 : vector<16xf32>
            scf.yield %add3A_561, %add3A_581, %add3A_601, %add3A_621, %add3A_641, %add3A_661, %add3A_681, %add3A_701 : vector<16xf32>, vector<16xf32>, vector<16xf32>, vector<16xf32>, vector<16xf32>, vector<16xf32>, vector<16xf32>, vector<16xf32>
          }
          %scan3A_438 = arith.constant 64 : i32
          %get3A_439 = arith.constant 6 : i32
          %get3A_440 = arith.index_cast %get3A_439 : i32 to index
          %get3A_441 = memref.load %arg11[%get3A_440] : memref<7xi32, #tpu.memory_space<smem>>
          %swap3A_442 = arith.index_cast %get3A_441 : i32 to index
          %swap3A_443 = arith.constant 0 : index
          %swap3A_444 = tpu.vector_load %arg9[%swap3A_442, %swap3A_443] {strides = array<i32>} : memref<80x128xf32, #tpu.memory_space<vmem>>, vector<1x16xf32>,
          %swap3A_445 = vector.shape_cast %swap3A_444 : vector<1x16xf32> to vector<16xf32>
          %swap3A_446 = vector.shape_cast %scan3A_437#0 : vector<16xf32> to vector<1x16xf32>
          tpu.vector_store %arg9[%swap3A_442, %swap3A_443], %swap3A_446 {strides = array<i32>} : memref<80x128xf32, #tpu.memory_space<vmem>>, vector<1x16xf32>,
          %swap3A_447 = arith.index_cast %get3A_441 : i32 to index
          %swap3A_448 = arith.constant 16 : index
          %swap3A_449 = tpu.vector_load %arg9[%swap3A_447, %swap3A_448] {strides = array<i32>} : memref<80x128xf32, #tpu.memory_space<vmem>>, vector<1x16xf32>,
          %swap3A_450 = vector.shape_cast %swap3A_449 : vector<1x16xf32> to vector<16xf32>
          %swap3A_451 = vector.shape_cast %scan3A_437#1 : vector<16xf32> to vector<1x16xf32>
          tpu.vector_store %arg9[%swap3A_447, %swap3A_448], %swap3A_451 {strides = array<i32>} : memref<80x128xf32, #tpu.memory_space<vmem>>, vector<1x16xf32>,
          %swap3A_452 = arith.index_cast %get3A_441 : i32 to index
          %swap3A_453 = arith.constant 32 : index
          %swap3A_454 = tpu.vector_load %arg9[%swap3A_452, %swap3A_453] {strides = array<i32>} : memref<80x128xf32, #tpu.memory_space<vmem>>, vector<1x16xf32>,
          %swap3A_455 = vector.shape_cast %swap3A_454 : vector<1x16xf32> to vector<16xf32>
          %swap3A_456 = vector.shape_cast %scan3A_437#2 : vector<16xf32> to vector<1x16xf32>
          tpu.vector_store %arg9[%swap3A_452, %swap3A_453], %swap3A_456 {strides = array<i32>} : memref<80x128xf32, #tpu.memory_space<vmem>>, vector<1x16xf32>,
          %swap3A_457 = arith.index_cast %get3A_441 : i32 to index
          %swap3A_458 = arith.constant 48 : index
          %swap3A_459 = tpu.vector_load %arg9[%swap3A_457, %swap3A_458] {strides = array<i32>} : memref<80x128xf32, #tpu.memory_space<vmem>>, vector<1x16xf32>,
          %swap3A_460 = vector.shape_cast %swap3A_459 : vector<1x16xf32> to vector<16xf32>
          %swap3A_461 = vector.shape_cast %scan3A_437#3 : vector<16xf32> to vector<1x16xf32>
          tpu.vector_store %arg9[%swap3A_457, %swap3A_458], %swap3A_461 {strides = array<i32>} : memref<80x128xf32, #tpu.memory_space<vmem>>, vector<1x16xf32>,
          %swap3A_462 = arith.index_cast %get3A_441 : i32 to index
          %swap3A_463 = arith.constant 64 : index
          %swap3A_464 = tpu.vector_load %arg9[%swap3A_462, %swap3A_463] {strides = array<i32>} : memref<80x128xf32, #tpu.memory_space<vmem>>, vector<1x16xf32>,
          %swap3A_465 = vector.shape_cast %swap3A_464 : vector<1x16xf32> to vector<16xf32>
          %swap3A_466 = vector.shape_cast %scan3A_437#4 : vector<16xf32> to vector<1x16xf32>
          tpu.vector_store %arg9[%swap3A_462, %swap3A_463], %swap3A_466 {strides = array<i32>} : memref<80x128xf32, #tpu.memory_space<vmem>>, vector<1x16xf32>,
          %swap3A_467 = arith.index_cast %get3A_441 : i32 to index
          %swap3A_468 = arith.constant 80 : index
          %swap3A_469 = tpu.vector_load %arg9[%swap3A_467, %swap3A_468] {strides = array<i32>} : memref<80x128xf32, #tpu.memory_space<vmem>>, vector<1x16xf32>,
          %swap3A_470 = vector.shape_cast %swap3A_469 : vector<1x16xf32> to vector<16xf32>
          %swap3A_471 = vector.shape_cast %scan3A_437#5 : vector<16xf32> to vector<1x16xf32>
          tpu.vector_store %arg9[%swap3A_467, %swap3A_468], %swap3A_471 {strides = array<i32>} : memref<80x128xf32, #tpu.memory_space<vmem>>, vector<1x16xf32>,
          %swap3A_472 = arith.index_cast %get3A_441 : i32 to index
          %swap3A_473 = arith.constant 96 : index
          %swap3A_474 = tpu.vector_load %arg9[%swap3A_472, %swap3A_473] {strides = array<i32>} : memref<80x128xf32, #tpu.memory_space<vmem>>, vector<1x16xf32>,
          %swap3A_475 = vector.shape_cast %swap3A_474 : vector<1x16xf32> to vector<16xf32>
          %swap3A_476 = vector.shape_cast %scan3A_437#6 : vector<16xf32> to vector<1x16xf32>
          tpu.vector_store %arg9[%swap3A_472, %swap3A_473], %swap3A_476 {strides = array<i32>} : memref<80x128xf32, #tpu.memory_space<vmem>>, vector<1x16xf32>,
          %swap3A_477 = arith.index_cast %get3A_441 : i32 to index
          %swap3A_478 = arith.constant 112 : index
          %swap3A_479 = tpu.vector_load %arg9[%swap3A_477, %swap3A_478] {strides = array<i32>} : memref<80x128xf32, #tpu.memory_space<vmem>>, vector<1x16xf32>,
          %swap3A_480 = vector.shape_cast %swap3A_479 : vector<1x16xf32> to vector<16xf32>
          %swap3A_481 = vector.shape_cast %scan3A_437#7 : vector<16xf32> to vector<1x16xf32>
          tpu.vector_store %arg9[%swap3A_477, %swap3A_478], %swap3A_481 {strides = array<i32>} : memref<80x128xf32, #tpu.memory_space<vmem>>, vector<1x16xf32>,
          %jit3A_482 = arith.constant 16 : i32
          %div3A_483 = arith.divsi %get3A_441, %jit3A_482 : i32
          %sign3A_484 = arith.constant 0 : i32
          %sign3A_485 = arith.cmpi sgt, %get3A_441, %sign3A_484 : i32
          %sign3A_486 = arith.extui %sign3A_485 : i1 to i32
          %sign3A_487 = arith.constant 0 : i32
          %sign3A_488 = arith.cmpi slt, %get3A_441, %sign3A_487 : i32
          %sign3A_489 = arith.extui %sign3A_488 : i1 to i32
          %sign3A_490 = arith.subi %sign3A_486, %sign3A_489 : i32
          %sign3A_491 = arith.constant 0 : i32
          %sign3A_492 = arith.cmpi sgt, %jit3A_482, %sign3A_491 : i32
          %sign3A_493 = arith.extui %sign3A_492 : i1 to i32
          %sign3A_494 = arith.constant 0 : i32
          %sign3A_495 = arith.cmpi slt, %jit3A_482, %sign3A_494 : i32
          %sign3A_496 = arith.extui %sign3A_495 : i1 to i32
          %sign3A_497 = arith.subi %sign3A_493, %sign3A_496 : i32
          %ne3A_498 = arith.cmpi ne, %sign3A_490, %sign3A_497 : i32
          %rem3A_499 = arith.remsi %get3A_441, %jit3A_482 : i32
          %ne3A_500 = arith.constant 0 : i32
          %ne3A_501 = arith.cmpi ne, %rem3A_499, %ne3A_500 : i32
          %and3A_502 = arith.andi %ne3A_498, %ne3A_501 : i1
          %sub3A_503 = arith.constant 1 : i32
          %sub3A_504 = arith.subi %div3A_483, %sub3A_503 : i32
          %select_n3A_505 = arith.select %and3A_502, %sub3A_504, %div3A_483 : i32
          %mul3A_506 = arith.constant 16 : i32
          %mul3A_507 = arith.muli %select_n3A_505, %mul3A_506 : i32
          %sub3A_508 = arith.subi %get3A_441, %mul3A_507 : i32
          %get3A_509 = arith.constant 0 : i32
          %get3A_510 = arith.index_cast %get3A_509 : i32 to index
          %get3A_511 = arith.index_cast %mul3A_507 : i32 to index
          %get3A_512 = tpu.vector_load %arg10[%get3A_510, %get3A_511] {strides = array<i32>} : memref<8x80xi32, #tpu.memory_space<vmem>>, vector<1x16xi32>,
          %get3A_513 = vector.shape_cast %get3A_512 : vector<1x16xi32> to vector<16xi32>
          %iota3A = tpu.iota {dimensions = array<i32: 0>} : vector<16xi32>
          %eq3A_514 = vector.broadcast %sub3A_508 : i32 to vector<16xi32>
          %eq3A_515 = arith.cmpi eq, %iota3A, %eq3A_514 : vector<16xi32>
          %broadcast_in_dim3A_516 = vector.broadcast %squeeze3A : i32 to vector<16xi32>
          %select_n3A_517 = arith.select %eq3A_515, %broadcast_in_dim3A_516, %get3A_513 : vector<16xi1>, vector<16xi32>
          %swap3A_518 = arith.constant 0 : i32
          %swap3A_519 = arith.index_cast %swap3A_518 : i32 to index
          %swap3A_520 = arith.index_cast %mul3A_507 : i32 to index
          %swap3A_521 = tpu.vector_load %arg10[%swap3A_519, %swap3A_520] {strides = array<i32>} : memref<8x80xi32, #tpu.memory_space<vmem>>, vector<1x16xi32>,
          %swap3A_522 = vector.shape_cast %swap3A_521 : vector<1x16xi32> to vector<16xi32>
          %swap3A_523 = vector.shape_cast %select_n3A_517 : vector<16xi32> to vector<1x16xi32>
          tpu.vector_store %arg10[%swap3A_519, %swap3A_520], %swap3A_523 {strides = array<i32>} : memref<8x80xi32, #tpu.memory_space<vmem>>, vector<1x16xi32>,
          %add3A_524 = arith.constant 1 : i32
          %add3A_525 = arith.addi %get3A_441, %add3A_524 : i32
          %swap3A_526 = arith.constant 6 : i32
          %swap3A_527 = arith.index_cast %swap3A_526 : i32 to index
          %swap3A_528 = memref.load %arg11[%swap3A_527] : memref<7xi32, #tpu.memory_space<smem>>
          memref.store %add3A_525, %arg11[%swap3A_527] : memref<7xi32, #tpu.memory_space<smem>>
          %swap3A_529 = arith.constant 0 : i32
          %swap3A_530 = arith.constant 4 : i32
          %swap3A_531 = arith.index_cast %swap3A_530 : i32 to index
          %swap3A_532 = memref.load %arg11[%swap3A_531] : memref<7xi32, #tpu.memory_space<smem>>
          memref.store %swap3A_529, %arg11[%swap3A_531] : memref<7xi32, #tpu.memory_space<smem>>
        } else {
        }
        %ne3A_429 = arith.cmpi ne, %squeeze3A, %squeeze3A_424 : i32
        %convert_element_type3A_430 = arith.extui %ne3A_429 : i1 to i32
        %cond3A_431 = arith.constant 0 : i32
        %cond3A_432 = arith.cmpi ne, %convert_element_type3A_430, %cond3A_431 : i32
        scf.if %cond3A_432 {
          %add3A_433 = arith.addi %sub3A_31, %add3A_375 : i32
          %dma_start3A_434 = arith.constant 4 : i32
          %dma_start3A_435 = arith.constant 0 : i32
          %dma_start3A_436 = arith.constant 0 : i32
          %dma_start3A_437 = tpu.memref_slice %arg7[%dma_start3A_434, %dma_start3A_435, %dma_start3A_436] : memref<6x128x128xf32, #tpu.memory_space<vmem>> -> memref<1x128x128xf32, #tpu.memory_space<vmem>>
          %dma_start3A_438 = tpu.memref_squeeze %dma_start3A_437 : memref<1x128x128xf32, #tpu.memory_space<vmem>> -> memref<128x128xf32, #tpu.memory_space<vmem>>
          %dma_start3A_439 = arith.constant 0 : i32
          %dma_start3A_440 = tpu.memref_slice %arg8[%add3A_433, %dma_start3A_439] : memref<88x128xi32, #tpu.memory_space<vmem>> -> memref<1x128xi32, #tpu.memory_space<vmem>>
          %dma_start3A_441 = tpu.memref_squeeze %dma_start3A_440 : memref<1x128xi32, #tpu.memory_space<vmem>> -> memref<128xi32, #tpu.memory_space<vmem>>
          %dma_start3A_442 = arith.constant 0 : i32
          %dma_start3A_443 = arith.constant 0 : i32
          %dma_start3A_444 = tpu.memref_slice %arg6[%dma_start3A_442, %dma_start3A_443] : memref<1024x128xf32, #tpu.memory_space<vmem_shared>> -> memref<1024x128xf32, #tpu.memory_space<vmem_shared>>
          tpu.enqueue_indirect_dma source(%dma_start3A_438 : memref<128x128xf32, #tpu.memory_space<vmem>>) target(%dma_start3A_444 : memref<1024x128xf32, #tpu.memory_space<vmem_shared>>) offsets(%dma_start3A_441 : memref<128xi32, #tpu.memory_space<vmem>>) semaphore(%arg22 : memref<!tpu.dma_semaphore, #tpu.memory_space<semaphore_mem>>) {add = true}
          %swap3A_445 = arith.constant 1 : i32
          %swap3A_446 = arith.constant 4 : i32
          %swap3A_447 = arith.index_cast %swap3A_446 : i32 to index
          %swap3A_448 = memref.load %arg11[%swap3A_447] : memref<7xi32, #tpu.memory_space<smem>>
          memref.store %swap3A_445, %arg11[%swap3A_447] : memref<7xi32, #tpu.memory_space<smem>>
        } else {
        }
      } else {
      }
      %mul3A_380 = arith.constant 6 : i32
      %mul3A_381 = arith.muli %mul3A_380, %while3A_339 : i32
      %add3A_382 = arith.constant 5 : i32
      %add3A_383 = arith.addi %mul3A_381, %add3A_382 : i32
      %lt3A_384 = arith.cmpi slt, %add3A_383, %add3A_6 : i32
      %convert_element_type3A_385 = arith.extui %lt3A_384 : i1 to i32
      %cond3A_386 = arith.constant 0 : i32
      %cond3A_387 = arith.cmpi ne, %convert_element_type3A_385, %cond3A_386 : i32
      scf.if %cond3A_387 {
        %ge3A_388 = arith.constant 1 : i32
        %ge3A_389 = arith.cmpi sge, %add3A_383, %ge3A_388 : i32
        %convert_element_type3A_390 = arith.extui %ge3A_389 : i1 to i32
        %cond3A_391 = arith.constant 0 : i32
        %cond3A_392 = arith.cmpi ne, %convert_element_type3A_390, %cond3A_391 : i32
        scf.if %cond3A_392 {
          %sub3A_433 = arith.constant 1 : i32
          %sub3A_434 = arith.subi %add3A_383, %sub3A_433 : i32
          %get3A_435 = arith.constant 4 : i32
          %get3A_436 = arith.index_cast %get3A_435 : i32 to index
          %get3A_437 = memref.load %arg11[%get3A_436] : memref<7xi32, #tpu.memory_space<smem>>
          %eq3A_438 = arith.constant 1 : i32
          %eq3A_439 = arith.cmpi eq, %get3A_437, %eq3A_438 : i32
          %convert_element_type3A_440 = arith.extui %eq3A_439 : i1 to i32
          %cond3A_441 = arith.constant 0 : i32
          %cond3A_442 = arith.cmpi ne, %convert_element_type3A_440, %cond3A_441 : i32
          scf.if %cond3A_442 {
            %add3A_443 = arith.addi %sub3A_31, %sub3A_434 : i32
            %dma_wait3A_444 = arith.constant 4 : i32
            %dma_wait3A_445 = arith.constant 0 : i32
            %dma_wait3A_446 = arith.constant 0 : i32
            %dma_wait3A_447 = tpu.memref_slice %arg7[%dma_wait3A_444, %dma_wait3A_445, %dma_wait3A_446] : memref<6x128x128xf32, #tpu.memory_space<vmem>> -> memref<1x128x128xf32, #tpu.memory_space<vmem>>
            %dma_wait3A_448 = tpu.memref_squeeze %dma_wait3A_447 : memref<1x128x128xf32, #tpu.memory_space<vmem>> -> memref<128x128xf32, #tpu.memory_space<vmem>>
            %dma_wait3A_449 = arith.constant 0 : i32
            %dma_wait3A_450 = tpu.memref_slice %arg8[%add3A_443, %dma_wait3A_449] : memref<88x128xi32, #tpu.memory_space<vmem>> -> memref<1x128xi32, #tpu.memory_space<vmem>>
            %dma_wait3A_451 = tpu.memref_squeeze %dma_wait3A_450 : memref<1x128xi32, #tpu.memory_space<vmem>> -> memref<128xi32, #tpu.memory_space<vmem>>
            %dma_wait3A_452 = arith.constant 0 : i32
            %dma_wait3A_453 = arith.constant 0 : i32
            %dma_wait3A_454 = tpu.memref_slice %arg6[%dma_wait3A_452, %dma_wait3A_453] : memref<1024x128xf32, #tpu.memory_space<vmem_shared>> -> memref<1024x128xf32, #tpu.memory_space<vmem_shared>>
            tpu.wait_indirect_dma semaphore(%arg22 : memref<!tpu.dma_semaphore, #tpu.memory_space<semaphore_mem>>) src(%dma_wait3A_448 : memref<128x128xf32, #tpu.memory_space<vmem>>) dst(%dma_wait3A_454 : memref<1024x128xf32, #tpu.memory_space<vmem_shared>>)
          } else {
          }
        } else {
        }
        %add3A_393 = arith.constant 5 : i32
        %add3A_394 = arith.addi %add3A_383, %add3A_393 : i32
        %lt3A_395 = arith.cmpi slt, %add3A_394, %add3A_6 : i32
        %convert_element_type3A_396 = arith.extui %lt3A_395 : i1 to i32
        %cond3A_397 = arith.constant 0 : i32
        %cond3A_398 = arith.cmpi ne, %convert_element_type3A_396, %cond3A_397 : i32
        scf.if %cond3A_398 {
          %add3A_433 = arith.constant 5 : i32
          %add3A_434 = arith.addi %add3A_383, %add3A_433 : i32
          %add3A_435 = arith.addi %add3A_10, %add3A_434 : i32
          %mul3A_436 = arith.constant 128 : i32
          %mul3A_437 = arith.muli %add3A_435, %mul3A_436 : i32
          %dma_start3A_438 = arith.constant 4 : i32
          %dma_start3A_439 = arith.constant 0 : i32
          %dma_start3A_440 = arith.constant 0 : i32
          %dma_start3A_441 = tpu.memref_slice %arg7[%dma_start3A_438, %dma_start3A_439, %dma_start3A_440] : memref<6x128x128xf32, #tpu.memory_space<vmem>> -> memref<1x128x128xf32, #tpu.memory_space<vmem>>
          %dma_start3A_442 = tpu.memref_squeeze %dma_start3A_441 : memref<1x128x128xf32, #tpu.memory_space<vmem>> -> memref<128x128xf32, #tpu.memory_space<vmem>>
          %dma_start3A_443 = arith.constant 0 : i32
          %dma_start3A_444 = tpu.memref_slice %arg3[%mul3A_437, %dma_start3A_443] : memref<320000x128xf32, #tpu.memory_space<hbm>> -> memref<128x128xf32, #tpu.memory_space<hbm>>
          %dma_start3A_445 = arith.constant 0 : i32
          %dma_start3A_446 = arith.constant 0 : i32
          %dma_start3A_447 = tpu.memref_slice %arg7[%dma_start3A_438, %dma_start3A_445, %dma_start3A_446] : memref<6x128x128xf32, #tpu.memory_space<vmem>> -> memref<1x128x128xf32, #tpu.memory_space<vmem>>
          %dma_start3A_448 = tpu.memref_squeeze %dma_start3A_447 : memref<1x128x128xf32, #tpu.memory_space<vmem>> -> memref<128x128xf32, #tpu.memory_space<vmem>>
          %dma_start3A_449 = arith.constant 0 : i32
          %dma_start3A_450 = tpu.memref_slice %arg3[%mul3A_437, %dma_start3A_449] : memref<320000x128xf32, #tpu.memory_space<hbm>> -> memref<128x128xf32, #tpu.memory_space<hbm>>
          tpu.enqueue_dma source(%dma_start3A_450 : memref<128x128xf32, #tpu.memory_space<hbm>>) target(%dma_start3A_448 : memref<128x128xf32, #tpu.memory_space<vmem>>) target_semaphore(%arg16 : memref<!tpu.dma_semaphore, #tpu.memory_space<semaphore_mem>>)
        } else {
        }
        %add3A_399 = arith.addi %add3A_10, %add3A_383 : i32
        %mul3A_400 = arith.constant 128 : i32
        %mul3A_401 = arith.muli %add3A_399, %mul3A_400 : i32
        %dma_wait3A = arith.constant 5 : i32
        %dma_wait3A_402 = arith.constant 0 : i32
        %dma_wait3A_403 = arith.constant 0 : i32
        %dma_wait3A_404 = tpu.memref_slice %arg7[%dma_wait3A, %dma_wait3A_402, %dma_wait3A_403] : memref<6x128x128xf32, #tpu.memory_space<vmem>> -> memref<1x128x128xf32, #tpu.memory_space<vmem>>
        %dma_wait3A_405 = tpu.memref_squeeze %dma_wait3A_404 : memref<1x128x128xf32, #tpu.memory_space<vmem>> -> memref<128x128xf32, #tpu.memory_space<vmem>>
        %dma_wait3A_406 = arith.constant 0 : i32
        %dma_wait3A_407 = tpu.memref_slice %arg3[%mul3A_401, %dma_wait3A_406] : memref<320000x128xf32, #tpu.memory_space<hbm>> -> memref<128x128xf32, #tpu.memory_space<hbm>>
        %dma_wait3A_408 = arith.constant 0 : i32
        %dma_wait3A_409 = arith.constant 0 : i32
        %dma_wait3A_410 = tpu.memref_slice %arg7[%dma_wait3A, %dma_wait3A_408, %dma_wait3A_409] : memref<6x128x128xf32, #tpu.memory_space<vmem>> -> memref<1x128x128xf32, #tpu.memory_space<vmem>>
        %dma_wait3A_411 = tpu.memref_squeeze %dma_wait3A_410 : memref<1x128x128xf32, #tpu.memory_space<vmem>> -> memref<128x128xf32, #tpu.memory_space<vmem>>
        %dma_wait3A_412 = arith.constant 0 : i32
        %dma_wait3A_413 = tpu.memref_slice %arg3[%mul3A_401, %dma_wait3A_412] : memref<320000x128xf32, #tpu.memory_space<hbm>> -> memref<128x128xf32, #tpu.memory_space<hbm>>
        tpu.wait_dma2 semaphore(%arg17 : memref<!tpu.dma_semaphore, #tpu.memory_space<semaphore_mem>>) src(%dma_wait3A_413 : memref<128x128xf32, #tpu.memory_space<hbm>>) dst(%dma_wait3A_411 : memref<128x128xf32, #tpu.memory_space<vmem>>)
        %add3A_414 = arith.addi %sub3A_31, %add3A_383 : i32
        %get3A = arith.index_cast %add3A_414 : i32 to index
        %get3A_415 = arith.constant 0 : index
        %get3A_416 = tpu.vector_load %arg8[%get3A, %get3A_415] {strides = array<i32>} : memref<88x128xi32, #tpu.memory_space<vmem>>, vector<1x16xi32>,
        %get3A_417 = vector.shape_cast %get3A_416 : vector<1x16xi32> to vector<16xi32>
        %slice3A = vector.extract_strided_slice %get3A_417 {offsets = [0], sizes = [1], strides = [1]} : vector<16xi32> to vector<1xi32>
        %squeeze3A = vector.extract %slice3A[0] : i32 from vector<1xi32>
        %add3A_418 = arith.addi %sub3A_31, %add3A_383 : i32
        %get3A_419 = arith.index_cast %add3A_418 : i32 to index
        %get3A_420 = arith.constant 112 : index
        %get3A_421 = tpu.vector_load %arg8[%get3A_419, %get3A_420] {strides = array<i32>} : memref<88x128xi32, #tpu.memory_space<vmem>>, vector<1x16xi32>,
        %get3A_422 = vector.shape_cast %get3A_421 : vector<1x16xi32> to vector<16xi32>
        %slice3A_423 = vector.extract_strided_slice %get3A_422 {offsets = [15], sizes = [1], strides = [1]} : vector<16xi32> to vector<1xi32>
        %squeeze3A_424 = vector.extract %slice3A_423[0] : i32 from vector<1xi32>
        %eq3A_425 = arith.cmpi eq, %squeeze3A, %squeeze3A_424 : i32
        %convert_element_type3A_426 = arith.extui %eq3A_425 : i1 to i32
        %cond3A_427 = arith.constant 0 : i32
        %cond3A_428 = arith.cmpi ne, %convert_element_type3A_426, %cond3A_427 : i32
        scf.if %cond3A_428 {
          %scan3A_433 = arith.constant 0 : i32
          %scan3A_434 = arith.constant 64 : i32
          %scan3A_435 = arith.addi %scan3A_433, %scan3A_434 : i32
          %scan3A_436 = arith.constant 1 : i32
          %scan3A_437:8 = scf.for %scan3A_533 = %scan3A_433 to %scan3A_435 step %scan3A_436 iter_args(%scan3A_534 = %broadcast_in_dim3A_32, %scan3A_535 = %broadcast_in_dim3A_32, %scan3A_536 = %broadcast_in_dim3A_32, %scan3A_537 = %broadcast_in_dim3A_32, %scan3A_538 = %broadcast_in_dim3A_32, %scan3A_539 = %broadcast_in_dim3A_32, %scan3A_540 = %broadcast_in_dim3A_32, %scan3A_541 = %broadcast_in_dim3A_32) -> (vector<16xf32>, vector<16xf32>, vector<16xf32>, vector<16xf32>, vector<16xf32>, vector<16xf32>, vector<16xf32>, vector<16xf32>)  : i32 {
            %mul3A_542 = arith.constant 2 : i32
            %mul3A_543 = arith.muli %mul3A_542, %scan3A_533 : i32
            %get3A_544 = arith.constant 5 : i32
            %get3A_545 = arith.index_cast %get3A_544 : i32 to index
            %get3A_546 = arith.index_cast %mul3A_543 : i32 to index
            %get3A_547 = arith.constant 0 : index
            %get3A_548 = tpu.vector_load %arg7[%get3A_545, %get3A_546, %get3A_547] {strides = array<i32>} : memref<6x128x128xf32, #tpu.memory_space<vmem>>, vector<1x1x16xf32>,
            %get3A_549 = vector.shape_cast %get3A_548 : vector<1x1x16xf32> to vector<16xf32>
            %mul3A_550 = arith.constant 2 : i32
            %mul3A_551 = arith.muli %mul3A_550, %scan3A_533 : i32
            %add3A_552 = arith.constant 1 : i32
            %add3A_553 = arith.addi %mul3A_551, %add3A_552 : i32
            %get3A_554 = arith.constant 5 : i32
            %get3A_555 = arith.index_cast %get3A_554 : i32 to index
            %get3A_556 = arith.index_cast %add3A_553 : i32 to index
            %get3A_557 = arith.constant 0 : index
            %get3A_558 = tpu.vector_load %arg7[%get3A_555, %get3A_556, %get3A_557] {strides = array<i32>} : memref<6x128x128xf32, #tpu.memory_space<vmem>>, vector<1x1x16xf32>,
            %get3A_559 = vector.shape_cast %get3A_558 : vector<1x1x16xf32> to vector<16xf32>
            %add3A_560 = arith.addf %get3A_549, %get3A_559 : vector<16xf32>
            %add3A_561 = arith.addf %scan3A_534, %add3A_560 : vector<16xf32>
            %mul3A_562 = arith.constant 2 : i32
            %mul3A_563 = arith.muli %mul3A_562, %scan3A_533 : i32
            %get3A_564 = arith.constant 5 : i32
            %get3A_565 = arith.index_cast %get3A_564 : i32 to index
            %get3A_566 = arith.index_cast %mul3A_563 : i32 to index
            %get3A_567 = arith.constant 16 : index
            %get3A_568 = tpu.vector_load %arg7[%get3A_565, %get3A_566, %get3A_567] {strides = array<i32>} : memref<6x128x128xf32, #tpu.memory_space<vmem>>, vector<1x1x16xf32>,
            %get3A_569 = vector.shape_cast %get3A_568 : vector<1x1x16xf32> to vector<16xf32>
            %mul3A_570 = arith.constant 2 : i32
            %mul3A_571 = arith.muli %mul3A_570, %scan3A_533 : i32
            %add3A_572 = arith.constant 1 : i32
            %add3A_573 = arith.addi %mul3A_571, %add3A_572 : i32
            %get3A_574 = arith.constant 5 : i32
            %get3A_575 = arith.index_cast %get3A_574 : i32 to index
            %get3A_576 = arith.index_cast %add3A_573 : i32 to index
            %get3A_577 = arith.constant 16 : index
            %get3A_578 = tpu.vector_load %arg7[%get3A_575, %get3A_576, %get3A_577] {strides = array<i32>} : memref<6x128x128xf32, #tpu.memory_space<vmem>>, vector<1x1x16xf32>,
            %get3A_579 = vector.shape_cast %get3A_578 : vector<1x1x16xf32> to vector<16xf32>
            %add3A_580 = arith.addf %get3A_569, %get3A_579 : vector<16xf32>
            %add3A_581 = arith.addf %scan3A_535, %add3A_580 : vector<16xf32>
            %mul3A_582 = arith.constant 2 : i32
            %mul3A_583 = arith.muli %mul3A_582, %scan3A_533 : i32
            %get3A_584 = arith.constant 5 : i32
            %get3A_585 = arith.index_cast %get3A_584 : i32 to index
            %get3A_586 = arith.index_cast %mul3A_583 : i32 to index
            %get3A_587 = arith.constant 32 : index
            %get3A_588 = tpu.vector_load %arg7[%get3A_585, %get3A_586, %get3A_587] {strides = array<i32>} : memref<6x128x128xf32, #tpu.memory_space<vmem>>, vector<1x1x16xf32>,
            %get3A_589 = vector.shape_cast %get3A_588 : vector<1x1x16xf32> to vector<16xf32>
            %mul3A_590 = arith.constant 2 : i32
            %mul3A_591 = arith.muli %mul3A_590, %scan3A_533 : i32
            %add3A_592 = arith.constant 1 : i32
            %add3A_593 = arith.addi %mul3A_591, %add3A_592 : i32
            %get3A_594 = arith.constant 5 : i32
            %get3A_595 = arith.index_cast %get3A_594 : i32 to index
            %get3A_596 = arith.index_cast %add3A_593 : i32 to index
            %get3A_597 = arith.constant 32 : index
            %get3A_598 = tpu.vector_load %arg7[%get3A_595, %get3A_596, %get3A_597] {strides = array<i32>} : memref<6x128x128xf32, #tpu.memory_space<vmem>>, vector<1x1x16xf32>,
            %get3A_599 = vector.shape_cast %get3A_598 : vector<1x1x16xf32> to vector<16xf32>
            %add3A_600 = arith.addf %get3A_589, %get3A_599 : vector<16xf32>
            %add3A_601 = arith.addf %scan3A_536, %add3A_600 : vector<16xf32>
            %mul3A_602 = arith.constant 2 : i32
            %mul3A_603 = arith.muli %mul3A_602, %scan3A_533 : i32
            %get3A_604 = arith.constant 5 : i32
            %get3A_605 = arith.index_cast %get3A_604 : i32 to index
            %get3A_606 = arith.index_cast %mul3A_603 : i32 to index
            %get3A_607 = arith.constant 48 : index
            %get3A_608 = tpu.vector_load %arg7[%get3A_605, %get3A_606, %get3A_607] {strides = array<i32>} : memref<6x128x128xf32, #tpu.memory_space<vmem>>, vector<1x1x16xf32>,
            %get3A_609 = vector.shape_cast %get3A_608 : vector<1x1x16xf32> to vector<16xf32>
            %mul3A_610 = arith.constant 2 : i32
            %mul3A_611 = arith.muli %mul3A_610, %scan3A_533 : i32
            %add3A_612 = arith.constant 1 : i32
            %add3A_613 = arith.addi %mul3A_611, %add3A_612 : i32
            %get3A_614 = arith.constant 5 : i32
            %get3A_615 = arith.index_cast %get3A_614 : i32 to index
            %get3A_616 = arith.index_cast %add3A_613 : i32 to index
            %get3A_617 = arith.constant 48 : index
            %get3A_618 = tpu.vector_load %arg7[%get3A_615, %get3A_616, %get3A_617] {strides = array<i32>} : memref<6x128x128xf32, #tpu.memory_space<vmem>>, vector<1x1x16xf32>,
            %get3A_619 = vector.shape_cast %get3A_618 : vector<1x1x16xf32> to vector<16xf32>
            %add3A_620 = arith.addf %get3A_609, %get3A_619 : vector<16xf32>
            %add3A_621 = arith.addf %scan3A_537, %add3A_620 : vector<16xf32>
            %mul3A_622 = arith.constant 2 : i32
            %mul3A_623 = arith.muli %mul3A_622, %scan3A_533 : i32
            %get3A_624 = arith.constant 5 : i32
            %get3A_625 = arith.index_cast %get3A_624 : i32 to index
            %get3A_626 = arith.index_cast %mul3A_623 : i32 to index
            %get3A_627 = arith.constant 64 : index
            %get3A_628 = tpu.vector_load %arg7[%get3A_625, %get3A_626, %get3A_627] {strides = array<i32>} : memref<6x128x128xf32, #tpu.memory_space<vmem>>, vector<1x1x16xf32>,
            %get3A_629 = vector.shape_cast %get3A_628 : vector<1x1x16xf32> to vector<16xf32>
            %mul3A_630 = arith.constant 2 : i32
            %mul3A_631 = arith.muli %mul3A_630, %scan3A_533 : i32
            %add3A_632 = arith.constant 1 : i32
            %add3A_633 = arith.addi %mul3A_631, %add3A_632 : i32
            %get3A_634 = arith.constant 5 : i32
            %get3A_635 = arith.index_cast %get3A_634 : i32 to index
            %get3A_636 = arith.index_cast %add3A_633 : i32 to index
            %get3A_637 = arith.constant 64 : index
            %get3A_638 = tpu.vector_load %arg7[%get3A_635, %get3A_636, %get3A_637] {strides = array<i32>} : memref<6x128x128xf32, #tpu.memory_space<vmem>>, vector<1x1x16xf32>,
            %get3A_639 = vector.shape_cast %get3A_638 : vector<1x1x16xf32> to vector<16xf32>
            %add3A_640 = arith.addf %get3A_629, %get3A_639 : vector<16xf32>
            %add3A_641 = arith.addf %scan3A_538, %add3A_640 : vector<16xf32>
            %mul3A_642 = arith.constant 2 : i32
            %mul3A_643 = arith.muli %mul3A_642, %scan3A_533 : i32
            %get3A_644 = arith.constant 5 : i32
            %get3A_645 = arith.index_cast %get3A_644 : i32 to index
            %get3A_646 = arith.index_cast %mul3A_643 : i32 to index
            %get3A_647 = arith.constant 80 : index
            %get3A_648 = tpu.vector_load %arg7[%get3A_645, %get3A_646, %get3A_647] {strides = array<i32>} : memref<6x128x128xf32, #tpu.memory_space<vmem>>, vector<1x1x16xf32>,
            %get3A_649 = vector.shape_cast %get3A_648 : vector<1x1x16xf32> to vector<16xf32>
            %mul3A_650 = arith.constant 2 : i32
            %mul3A_651 = arith.muli %mul3A_650, %scan3A_533 : i32
            %add3A_652 = arith.constant 1 : i32
            %add3A_653 = arith.addi %mul3A_651, %add3A_652 : i32
            %get3A_654 = arith.constant 5 : i32
            %get3A_655 = arith.index_cast %get3A_654 : i32 to index
            %get3A_656 = arith.index_cast %add3A_653 : i32 to index
            %get3A_657 = arith.constant 80 : index
            %get3A_658 = tpu.vector_load %arg7[%get3A_655, %get3A_656, %get3A_657] {strides = array<i32>} : memref<6x128x128xf32, #tpu.memory_space<vmem>>, vector<1x1x16xf32>,
            %get3A_659 = vector.shape_cast %get3A_658 : vector<1x1x16xf32> to vector<16xf32>
            %add3A_660 = arith.addf %get3A_649, %get3A_659 : vector<16xf32>
            %add3A_661 = arith.addf %scan3A_539, %add3A_660 : vector<16xf32>
            %mul3A_662 = arith.constant 2 : i32
            %mul3A_663 = arith.muli %mul3A_662, %scan3A_533 : i32
            %get3A_664 = arith.constant 5 : i32
            %get3A_665 = arith.index_cast %get3A_664 : i32 to index
            %get3A_666 = arith.index_cast %mul3A_663 : i32 to index
            %get3A_667 = arith.constant 96 : index
            %get3A_668 = tpu.vector_load %arg7[%get3A_665, %get3A_666, %get3A_667] {strides = array<i32>} : memref<6x128x128xf32, #tpu.memory_space<vmem>>, vector<1x1x16xf32>,
            %get3A_669 = vector.shape_cast %get3A_668 : vector<1x1x16xf32> to vector<16xf32>
            %mul3A_670 = arith.constant 2 : i32
            %mul3A_671 = arith.muli %mul3A_670, %scan3A_533 : i32
            %add3A_672 = arith.constant 1 : i32
            %add3A_673 = arith.addi %mul3A_671, %add3A_672 : i32
            %get3A_674 = arith.constant 5 : i32
            %get3A_675 = arith.index_cast %get3A_674 : i32 to index
            %get3A_676 = arith.index_cast %add3A_673 : i32 to index
            %get3A_677 = arith.constant 96 : index
            %get3A_678 = tpu.vector_load %arg7[%get3A_675, %get3A_676, %get3A_677] {strides = array<i32>} : memref<6x128x128xf32, #tpu.memory_space<vmem>>, vector<1x1x16xf32>,
            %get3A_679 = vector.shape_cast %get3A_678 : vector<1x1x16xf32> to vector<16xf32>
            %add3A_680 = arith.addf %get3A_669, %get3A_679 : vector<16xf32>
            %add3A_681 = arith.addf %scan3A_540, %add3A_680 : vector<16xf32>
            %mul3A_682 = arith.constant 2 : i32
            %mul3A_683 = arith.muli %mul3A_682, %scan3A_533 : i32
            %get3A_684 = arith.constant 5 : i32
            %get3A_685 = arith.index_cast %get3A_684 : i32 to index
            %get3A_686 = arith.index_cast %mul3A_683 : i32 to index
            %get3A_687 = arith.constant 112 : index
            %get3A_688 = tpu.vector_load %arg7[%get3A_685, %get3A_686, %get3A_687] {strides = array<i32>} : memref<6x128x128xf32, #tpu.memory_space<vmem>>, vector<1x1x16xf32>,
            %get3A_689 = vector.shape_cast %get3A_688 : vector<1x1x16xf32> to vector<16xf32>
            %mul3A_690 = arith.constant 2 : i32
            %mul3A_691 = arith.muli %mul3A_690, %scan3A_533 : i32
            %add3A_692 = arith.constant 1 : i32
            %add3A_693 = arith.addi %mul3A_691, %add3A_692 : i32
            %get3A_694 = arith.constant 5 : i32
            %get3A_695 = arith.index_cast %get3A_694 : i32 to index
            %get3A_696 = arith.index_cast %add3A_693 : i32 to index
            %get3A_697 = arith.constant 112 : index
            %get3A_698 = tpu.vector_load %arg7[%get3A_695, %get3A_696, %get3A_697] {strides = array<i32>} : memref<6x128x128xf32, #tpu.memory_space<vmem>>, vector<1x1x16xf32>,
            %get3A_699 = vector.shape_cast %get3A_698 : vector<1x1x16xf32> to vector<16xf32>
            %add3A_700 = arith.addf %get3A_689, %get3A_699 : vector<16xf32>
            %add3A_701 = arith.addf %scan3A_541, %add3A_700 : vector<16xf32>
            scf.yield %add3A_561, %add3A_581, %add3A_601, %add3A_621, %add3A_641, %add3A_661, %add3A_681, %add3A_701 : vector<16xf32>, vector<16xf32>, vector<16xf32>, vector<16xf32>, vector<16xf32>, vector<16xf32>, vector<16xf32>, vector<16xf32>
          }
          %scan3A_438 = arith.constant 64 : i32
          %get3A_439 = arith.constant 6 : i32
          %get3A_440 = arith.index_cast %get3A_439 : i32 to index
          %get3A_441 = memref.load %arg11[%get3A_440] : memref<7xi32, #tpu.memory_space<smem>>
          %swap3A_442 = arith.index_cast %get3A_441 : i32 to index
          %swap3A_443 = arith.constant 0 : index
          %swap3A_444 = tpu.vector_load %arg9[%swap3A_442, %swap3A_443] {strides = array<i32>} : memref<80x128xf32, #tpu.memory_space<vmem>>, vector<1x16xf32>,
          %swap3A_445 = vector.shape_cast %swap3A_444 : vector<1x16xf32> to vector<16xf32>
          %swap3A_446 = vector.shape_cast %scan3A_437#0 : vector<16xf32> to vector<1x16xf32>
          tpu.vector_store %arg9[%swap3A_442, %swap3A_443], %swap3A_446 {strides = array<i32>} : memref<80x128xf32, #tpu.memory_space<vmem>>, vector<1x16xf32>,
          %swap3A_447 = arith.index_cast %get3A_441 : i32 to index
          %swap3A_448 = arith.constant 16 : index
          %swap3A_449 = tpu.vector_load %arg9[%swap3A_447, %swap3A_448] {strides = array<i32>} : memref<80x128xf32, #tpu.memory_space<vmem>>, vector<1x16xf32>,
          %swap3A_450 = vector.shape_cast %swap3A_449 : vector<1x16xf32> to vector<16xf32>
          %swap3A_451 = vector.shape_cast %scan3A_437#1 : vector<16xf32> to vector<1x16xf32>
          tpu.vector_store %arg9[%swap3A_447, %swap3A_448], %swap3A_451 {strides = array<i32>} : memref<80x128xf32, #tpu.memory_space<vmem>>, vector<1x16xf32>,
          %swap3A_452 = arith.index_cast %get3A_441 : i32 to index
          %swap3A_453 = arith.constant 32 : index
          %swap3A_454 = tpu.vector_load %arg9[%swap3A_452, %swap3A_453] {strides = array<i32>} : memref<80x128xf32, #tpu.memory_space<vmem>>, vector<1x16xf32>,
          %swap3A_455 = vector.shape_cast %swap3A_454 : vector<1x16xf32> to vector<16xf32>
          %swap3A_456 = vector.shape_cast %scan3A_437#2 : vector<16xf32> to vector<1x16xf32>
          tpu.vector_store %arg9[%swap3A_452, %swap3A_453], %swap3A_456 {strides = array<i32>} : memref<80x128xf32, #tpu.memory_space<vmem>>, vector<1x16xf32>,
          %swap3A_457 = arith.index_cast %get3A_441 : i32 to index
          %swap3A_458 = arith.constant 48 : index
          %swap3A_459 = tpu.vector_load %arg9[%swap3A_457, %swap3A_458] {strides = array<i32>} : memref<80x128xf32, #tpu.memory_space<vmem>>, vector<1x16xf32>,
          %swap3A_460 = vector.shape_cast %swap3A_459 : vector<1x16xf32> to vector<16xf32>
          %swap3A_461 = vector.shape_cast %scan3A_437#3 : vector<16xf32> to vector<1x16xf32>
          tpu.vector_store %arg9[%swap3A_457, %swap3A_458], %swap3A_461 {strides = array<i32>} : memref<80x128xf32, #tpu.memory_space<vmem>>, vector<1x16xf32>,
          %swap3A_462 = arith.index_cast %get3A_441 : i32 to index
          %swap3A_463 = arith.constant 64 : index
          %swap3A_464 = tpu.vector_load %arg9[%swap3A_462, %swap3A_463] {strides = array<i32>} : memref<80x128xf32, #tpu.memory_space<vmem>>, vector<1x16xf32>,
          %swap3A_465 = vector.shape_cast %swap3A_464 : vector<1x16xf32> to vector<16xf32>
          %swap3A_466 = vector.shape_cast %scan3A_437#4 : vector<16xf32> to vector<1x16xf32>
          tpu.vector_store %arg9[%swap3A_462, %swap3A_463], %swap3A_466 {strides = array<i32>} : memref<80x128xf32, #tpu.memory_space<vmem>>, vector<1x16xf32>,
          %swap3A_467 = arith.index_cast %get3A_441 : i32 to index
          %swap3A_468 = arith.constant 80 : index
          %swap3A_469 = tpu.vector_load %arg9[%swap3A_467, %swap3A_468] {strides = array<i32>} : memref<80x128xf32, #tpu.memory_space<vmem>>, vector<1x16xf32>,
          %swap3A_470 = vector.shape_cast %swap3A_469 : vector<1x16xf32> to vector<16xf32>
          %swap3A_471 = vector.shape_cast %scan3A_437#5 : vector<16xf32> to vector<1x16xf32>
          tpu.vector_store %arg9[%swap3A_467, %swap3A_468], %swap3A_471 {strides = array<i32>} : memref<80x128xf32, #tpu.memory_space<vmem>>, vector<1x16xf32>,
          %swap3A_472 = arith.index_cast %get3A_441 : i32 to index
          %swap3A_473 = arith.constant 96 : index
          %swap3A_474 = tpu.vector_load %arg9[%swap3A_472, %swap3A_473] {strides = array<i32>} : memref<80x128xf32, #tpu.memory_space<vmem>>, vector<1x16xf32>,
          %swap3A_475 = vector.shape_cast %swap3A_474 : vector<1x16xf32> to vector<16xf32>
          %swap3A_476 = vector.shape_cast %scan3A_437#6 : vector<16xf32> to vector<1x16xf32>
          tpu.vector_store %arg9[%swap3A_472, %swap3A_473], %swap3A_476 {strides = array<i32>} : memref<80x128xf32, #tpu.memory_space<vmem>>, vector<1x16xf32>,
          %swap3A_477 = arith.index_cast %get3A_441 : i32 to index
          %swap3A_478 = arith.constant 112 : index
          %swap3A_479 = tpu.vector_load %arg9[%swap3A_477, %swap3A_478] {strides = array<i32>} : memref<80x128xf32, #tpu.memory_space<vmem>>, vector<1x16xf32>,
          %swap3A_480 = vector.shape_cast %swap3A_479 : vector<1x16xf32> to vector<16xf32>
          %swap3A_481 = vector.shape_cast %scan3A_437#7 : vector<16xf32> to vector<1x16xf32>
          tpu.vector_store %arg9[%swap3A_477, %swap3A_478], %swap3A_481 {strides = array<i32>} : memref<80x128xf32, #tpu.memory_space<vmem>>, vector<1x16xf32>,
          %jit3A_482 = arith.constant 16 : i32
          %div3A_483 = arith.divsi %get3A_441, %jit3A_482 : i32
          %sign3A_484 = arith.constant 0 : i32
          %sign3A_485 = arith.cmpi sgt, %get3A_441, %sign3A_484 : i32
          %sign3A_486 = arith.extui %sign3A_485 : i1 to i32
          %sign3A_487 = arith.constant 0 : i32
          %sign3A_488 = arith.cmpi slt, %get3A_441, %sign3A_487 : i32
          %sign3A_489 = arith.extui %sign3A_488 : i1 to i32
          %sign3A_490 = arith.subi %sign3A_486, %sign3A_489 : i32
          %sign3A_491 = arith.constant 0 : i32
          %sign3A_492 = arith.cmpi sgt, %jit3A_482, %sign3A_491 : i32
          %sign3A_493 = arith.extui %sign3A_492 : i1 to i32
          %sign3A_494 = arith.constant 0 : i32
          %sign3A_495 = arith.cmpi slt, %jit3A_482, %sign3A_494 : i32
          %sign3A_496 = arith.extui %sign3A_495 : i1 to i32
          %sign3A_497 = arith.subi %sign3A_493, %sign3A_496 : i32
          %ne3A_498 = arith.cmpi ne, %sign3A_490, %sign3A_497 : i32
          %rem3A_499 = arith.remsi %get3A_441, %jit3A_482 : i32
          %ne3A_500 = arith.constant 0 : i32
          %ne3A_501 = arith.cmpi ne, %rem3A_499, %ne3A_500 : i32
          %and3A_502 = arith.andi %ne3A_498, %ne3A_501 : i1
          %sub3A_503 = arith.constant 1 : i32
          %sub3A_504 = arith.subi %div3A_483, %sub3A_503 : i32
          %select_n3A_505 = arith.select %and3A_502, %sub3A_504, %div3A_483 : i32
          %mul3A_506 = arith.constant 16 : i32
          %mul3A_507 = arith.muli %select_n3A_505, %mul3A_506 : i32
          %sub3A_508 = arith.subi %get3A_441, %mul3A_507 : i32
          %get3A_509 = arith.constant 0 : i32
          %get3A_510 = arith.index_cast %get3A_509 : i32 to index
          %get3A_511 = arith.index_cast %mul3A_507 : i32 to index
          %get3A_512 = tpu.vector_load %arg10[%get3A_510, %get3A_511] {strides = array<i32>} : memref<8x80xi32, #tpu.memory_space<vmem>>, vector<1x16xi32>,
          %get3A_513 = vector.shape_cast %get3A_512 : vector<1x16xi32> to vector<16xi32>
          %iota3A = tpu.iota {dimensions = array<i32: 0>} : vector<16xi32>
          %eq3A_514 = vector.broadcast %sub3A_508 : i32 to vector<16xi32>
          %eq3A_515 = arith.cmpi eq, %iota3A, %eq3A_514 : vector<16xi32>
          %broadcast_in_dim3A_516 = vector.broadcast %squeeze3A : i32 to vector<16xi32>
          %select_n3A_517 = arith.select %eq3A_515, %broadcast_in_dim3A_516, %get3A_513 : vector<16xi1>, vector<16xi32>
          %swap3A_518 = arith.constant 0 : i32
          %swap3A_519 = arith.index_cast %swap3A_518 : i32 to index
          %swap3A_520 = arith.index_cast %mul3A_507 : i32 to index
          %swap3A_521 = tpu.vector_load %arg10[%swap3A_519, %swap3A_520] {strides = array<i32>} : memref<8x80xi32, #tpu.memory_space<vmem>>, vector<1x16xi32>,
          %swap3A_522 = vector.shape_cast %swap3A_521 : vector<1x16xi32> to vector<16xi32>
          %swap3A_523 = vector.shape_cast %select_n3A_517 : vector<16xi32> to vector<1x16xi32>
          tpu.vector_store %arg10[%swap3A_519, %swap3A_520], %swap3A_523 {strides = array<i32>} : memref<8x80xi32, #tpu.memory_space<vmem>>, vector<1x16xi32>,
          %add3A_524 = arith.constant 1 : i32
          %add3A_525 = arith.addi %get3A_441, %add3A_524 : i32
          %swap3A_526 = arith.constant 6 : i32
          %swap3A_527 = arith.index_cast %swap3A_526 : i32 to index
          %swap3A_528 = memref.load %arg11[%swap3A_527] : memref<7xi32, #tpu.memory_space<smem>>
          memref.store %add3A_525, %arg11[%swap3A_527] : memref<7xi32, #tpu.memory_space<smem>>
          %swap3A_529 = arith.constant 0 : i32
          %swap3A_530 = arith.constant 5 : i32
          %swap3A_531 = arith.index_cast %swap3A_530 : i32 to index
          %swap3A_532 = memref.load %arg11[%swap3A_531] : memref<7xi32, #tpu.memory_space<smem>>
          memref.store %swap3A_529, %arg11[%swap3A_531] : memref<7xi32, #tpu.memory_space<smem>>
        } else {
        }
        %ne3A_429 = arith.cmpi ne, %squeeze3A, %squeeze3A_424 : i32
        %convert_element_type3A_430 = arith.extui %ne3A_429 : i1 to i32
        %cond3A_431 = arith.constant 0 : i32
        %cond3A_432 = arith.cmpi ne, %convert_element_type3A_430, %cond3A_431 : i32
        scf.if %cond3A_432 {
          %add3A_433 = arith.addi %sub3A_31, %add3A_383 : i32
          %dma_start3A_434 = arith.constant 5 : i32
          %dma_start3A_435 = arith.constant 0 : i32
          %dma_start3A_436 = arith.constant 0 : i32
          %dma_start3A_437 = tpu.memref_slice %arg7[%dma_start3A_434, %dma_start3A_435, %dma_start3A_436] : memref<6x128x128xf32, #tpu.memory_space<vmem>> -> memref<1x128x128xf32, #tpu.memory_space<vmem>>
          %dma_start3A_438 = tpu.memref_squeeze %dma_start3A_437 : memref<1x128x128xf32, #tpu.memory_space<vmem>> -> memref<128x128xf32, #tpu.memory_space<vmem>>
          %dma_start3A_439 = arith.constant 0 : i32
          %dma_start3A_440 = tpu.memref_slice %arg8[%add3A_433, %dma_start3A_439] : memref<88x128xi32, #tpu.memory_space<vmem>> -> memref<1x128xi32, #tpu.memory_space<vmem>>
          %dma_start3A_441 = tpu.memref_squeeze %dma_start3A_440 : memref<1x128xi32, #tpu.memory_space<vmem>> -> memref<128xi32, #tpu.memory_space<vmem>>
          %dma_start3A_442 = arith.constant 0 : i32
          %dma_start3A_443 = arith.constant 0 : i32
          %dma_start3A_444 = tpu.memref_slice %arg6[%dma_start3A_442, %dma_start3A_443] : memref<1024x128xf32, #tpu.memory_space<vmem_shared>> -> memref<1024x128xf32, #tpu.memory_space<vmem_shared>>
          tpu.enqueue_indirect_dma source(%dma_start3A_438 : memref<128x128xf32, #tpu.memory_space<vmem>>) target(%dma_start3A_444 : memref<1024x128xf32, #tpu.memory_space<vmem_shared>>) offsets(%dma_start3A_441 : memref<128xi32, #tpu.memory_space<vmem>>) semaphore(%arg23 : memref<!tpu.dma_semaphore, #tpu.memory_space<semaphore_mem>>) {add = true}
          %swap3A_445 = arith.constant 1 : i32
          %swap3A_446 = arith.constant 5 : i32
          %swap3A_447 = arith.index_cast %swap3A_446 : i32 to index
          %swap3A_448 = memref.load %arg11[%swap3A_447] : memref<7xi32, #tpu.memory_space<smem>>
          memref.store %swap3A_445, %arg11[%swap3A_447] : memref<7xi32, #tpu.memory_space<smem>>
        } else {
        }
      } else {
      }
    }
    %while3A_193 = arith.constant 1 : i32
    scf.for %while3A_339 = %while3A_191 to %while3A_187 step %while3A_193  : i32 {
      %mul3A_340 = arith.constant 6 : i32
      %mul3A_341 = arith.muli %mul3A_340, %while3A_339 : i32
      %add3A_342 = arith.constant 0 : i32
      %add3A_343 = arith.addi %mul3A_341, %add3A_342 : i32
      %lt3A_344 = arith.cmpi slt, %add3A_343, %add3A_6 : i32
      %convert_element_type3A_345 = arith.extui %lt3A_344 : i1 to i32
      %cond3A_346 = arith.constant 0 : i32
      %cond3A_347 = arith.cmpi ne, %convert_element_type3A_345, %cond3A_346 : i32
      scf.if %cond3A_347 {
        %ge3A_388 = arith.constant 1 : i32
        %ge3A_389 = arith.cmpi sge, %add3A_343, %ge3A_388 : i32
        %convert_element_type3A_390 = arith.extui %ge3A_389 : i1 to i32
        %cond3A_391 = arith.constant 0 : i32
        %cond3A_392 = arith.cmpi ne, %convert_element_type3A_390, %cond3A_391 : i32
        scf.if %cond3A_392 {
          %sub3A_433 = arith.constant 1 : i32
          %sub3A_434 = arith.subi %add3A_343, %sub3A_433 : i32
          %get3A_435 = arith.constant 5 : i32
          %get3A_436 = arith.index_cast %get3A_435 : i32 to index
          %get3A_437 = memref.load %arg11[%get3A_436] : memref<7xi32, #tpu.memory_space<smem>>
          %eq3A_438 = arith.constant 1 : i32
          %eq3A_439 = arith.cmpi eq, %get3A_437, %eq3A_438 : i32
          %convert_element_type3A_440 = arith.extui %eq3A_439 : i1 to i32
          %cond3A_441 = arith.constant 0 : i32
          %cond3A_442 = arith.cmpi ne, %convert_element_type3A_440, %cond3A_441 : i32
          scf.if %cond3A_442 {
            %add3A_443 = arith.addi %sub3A_31, %sub3A_434 : i32
            %dma_wait3A_444 = arith.constant 5 : i32
            %dma_wait3A_445 = arith.constant 0 : i32
            %dma_wait3A_446 = arith.constant 0 : i32
            %dma_wait3A_447 = tpu.memref_slice %arg7[%dma_wait3A_444, %dma_wait3A_445, %dma_wait3A_446] : memref<6x128x128xf32, #tpu.memory_space<vmem>> -> memref<1x128x128xf32, #tpu.memory_space<vmem>>
            %dma_wait3A_448 = tpu.memref_squeeze %dma_wait3A_447 : memref<1x128x128xf32, #tpu.memory_space<vmem>> -> memref<128x128xf32, #tpu.memory_space<vmem>>
            %dma_wait3A_449 = arith.constant 0 : i32
            %dma_wait3A_450 = tpu.memref_slice %arg8[%add3A_443, %dma_wait3A_449] : memref<88x128xi32, #tpu.memory_space<vmem>> -> memref<1x128xi32, #tpu.memory_space<vmem>>
            %dma_wait3A_451 = tpu.memref_squeeze %dma_wait3A_450 : memref<1x128xi32, #tpu.memory_space<vmem>> -> memref<128xi32, #tpu.memory_space<vmem>>
            %dma_wait3A_452 = arith.constant 0 : i32
            %dma_wait3A_453 = arith.constant 0 : i32
            %dma_wait3A_454 = tpu.memref_slice %arg6[%dma_wait3A_452, %dma_wait3A_453] : memref<1024x128xf32, #tpu.memory_space<vmem_shared>> -> memref<1024x128xf32, #tpu.memory_space<vmem_shared>>
            tpu.wait_indirect_dma semaphore(%arg23 : memref<!tpu.dma_semaphore, #tpu.memory_space<semaphore_mem>>) src(%dma_wait3A_448 : memref<128x128xf32, #tpu.memory_space<vmem>>) dst(%dma_wait3A_454 : memref<1024x128xf32, #tpu.memory_space<vmem_shared>>)
          } else {
          }
        } else {
        }
        %add3A_393 = arith.constant 5 : i32
        %add3A_394 = arith.addi %add3A_343, %add3A_393 : i32
        %lt3A_395 = arith.cmpi slt, %add3A_394, %add3A_6 : i32
        %convert_element_type3A_396 = arith.extui %lt3A_395 : i1 to i32
        %cond3A_397 = arith.constant 0 : i32
        %cond3A_398 = arith.cmpi ne, %convert_element_type3A_396, %cond3A_397 : i32
        scf.if %cond3A_398 {
          %add3A_433 = arith.constant 5 : i32
          %add3A_434 = arith.addi %add3A_343, %add3A_433 : i32
          %add3A_435 = arith.addi %add3A_10, %add3A_434 : i32
          %mul3A_436 = arith.constant 128 : i32
          %mul3A_437 = arith.muli %add3A_435, %mul3A_436 : i32
          %dma_start3A_438 = arith.constant 5 : i32
          %dma_start3A_439 = arith.constant 0 : i32
          %dma_start3A_440 = arith.constant 0 : i32
          %dma_start3A_441 = tpu.memref_slice %arg7[%dma_start3A_438, %dma_start3A_439, %dma_start3A_440] : memref<6x128x128xf32, #tpu.memory_space<vmem>> -> memref<1x128x128xf32, #tpu.memory_space<vmem>>
          %dma_start3A_442 = tpu.memref_squeeze %dma_start3A_441 : memref<1x128x128xf32, #tpu.memory_space<vmem>> -> memref<128x128xf32, #tpu.memory_space<vmem>>
          %dma_start3A_443 = arith.constant 0 : i32
          %dma_start3A_444 = tpu.memref_slice %arg3[%mul3A_437, %dma_start3A_443] : memref<320000x128xf32, #tpu.memory_space<hbm>> -> memref<128x128xf32, #tpu.memory_space<hbm>>
          %dma_start3A_445 = arith.constant 0 : i32
          %dma_start3A_446 = arith.constant 0 : i32
          %dma_start3A_447 = tpu.memref_slice %arg7[%dma_start3A_438, %dma_start3A_445, %dma_start3A_446] : memref<6x128x128xf32, #tpu.memory_space<vmem>> -> memref<1x128x128xf32, #tpu.memory_space<vmem>>
          %dma_start3A_448 = tpu.memref_squeeze %dma_start3A_447 : memref<1x128x128xf32, #tpu.memory_space<vmem>> -> memref<128x128xf32, #tpu.memory_space<vmem>>
          %dma_start3A_449 = arith.constant 0 : i32
          %dma_start3A_450 = tpu.memref_slice %arg3[%mul3A_437, %dma_start3A_449] : memref<320000x128xf32, #tpu.memory_space<hbm>> -> memref<128x128xf32, #tpu.memory_space<hbm>>
          tpu.enqueue_dma source(%dma_start3A_450 : memref<128x128xf32, #tpu.memory_space<hbm>>) target(%dma_start3A_448 : memref<128x128xf32, #tpu.memory_space<vmem>>) target_semaphore(%arg17 : memref<!tpu.dma_semaphore, #tpu.memory_space<semaphore_mem>>)
        } else {
        }
        %add3A_399 = arith.addi %add3A_10, %add3A_343 : i32
        %mul3A_400 = arith.constant 128 : i32
        %mul3A_401 = arith.muli %add3A_399, %mul3A_400 : i32
        %dma_wait3A = arith.constant 0 : i32
        %dma_wait3A_402 = arith.constant 0 : i32
        %dma_wait3A_403 = arith.constant 0 : i32
        %dma_wait3A_404 = tpu.memref_slice %arg7[%dma_wait3A, %dma_wait3A_402, %dma_wait3A_403] : memref<6x128x128xf32, #tpu.memory_space<vmem>> -> memref<1x128x128xf32, #tpu.memory_space<vmem>>
        %dma_wait3A_405 = tpu.memref_squeeze %dma_wait3A_404 : memref<1x128x128xf32, #tpu.memory_space<vmem>> -> memref<128x128xf32, #tpu.memory_space<vmem>>
        %dma_wait3A_406 = arith.constant 0 : i32
        %dma_wait3A_407 = tpu.memref_slice %arg3[%mul3A_401, %dma_wait3A_406] : memref<320000x128xf32, #tpu.memory_space<hbm>> -> memref<128x128xf32, #tpu.memory_space<hbm>>
        %dma_wait3A_408 = arith.constant 0 : i32
        %dma_wait3A_409 = arith.constant 0 : i32
        %dma_wait3A_410 = tpu.memref_slice %arg7[%dma_wait3A, %dma_wait3A_408, %dma_wait3A_409] : memref<6x128x128xf32, #tpu.memory_space<vmem>> -> memref<1x128x128xf32, #tpu.memory_space<vmem>>
        %dma_wait3A_411 = tpu.memref_squeeze %dma_wait3A_410 : memref<1x128x128xf32, #tpu.memory_space<vmem>> -> memref<128x128xf32, #tpu.memory_space<vmem>>
        %dma_wait3A_412 = arith.constant 0 : i32
        %dma_wait3A_413 = tpu.memref_slice %arg3[%mul3A_401, %dma_wait3A_412] : memref<320000x128xf32, #tpu.memory_space<hbm>> -> memref<128x128xf32, #tpu.memory_space<hbm>>
        tpu.wait_dma2 semaphore(%arg12 : memref<!tpu.dma_semaphore, #tpu.memory_space<semaphore_mem>>) src(%dma_wait3A_413 : memref<128x128xf32, #tpu.memory_space<hbm>>) dst(%dma_wait3A_411 : memref<128x128xf32, #tpu.memory_space<vmem>>)
        %add3A_414 = arith.addi %sub3A_31, %add3A_343 : i32
        %get3A = arith.index_cast %add3A_414 : i32 to index
        %get3A_415 = arith.constant 0 : index
        %get3A_416 = tpu.vector_load %arg8[%get3A, %get3A_415] {strides = array<i32>} : memref<88x128xi32, #tpu.memory_space<vmem>>, vector<1x16xi32>,
        %get3A_417 = vector.shape_cast %get3A_416 : vector<1x16xi32> to vector<16xi32>
        %slice3A = vector.extract_strided_slice %get3A_417 {offsets = [0], sizes = [1], strides = [1]} : vector<16xi32> to vector<1xi32>
        %squeeze3A = vector.extract %slice3A[0] : i32 from vector<1xi32>
        %add3A_418 = arith.addi %sub3A_31, %add3A_343 : i32
        %get3A_419 = arith.index_cast %add3A_418 : i32 to index
        %get3A_420 = arith.constant 112 : index
        %get3A_421 = tpu.vector_load %arg8[%get3A_419, %get3A_420] {strides = array<i32>} : memref<88x128xi32, #tpu.memory_space<vmem>>, vector<1x16xi32>,
        %get3A_422 = vector.shape_cast %get3A_421 : vector<1x16xi32> to vector<16xi32>
        %slice3A_423 = vector.extract_strided_slice %get3A_422 {offsets = [15], sizes = [1], strides = [1]} : vector<16xi32> to vector<1xi32>
        %squeeze3A_424 = vector.extract %slice3A_423[0] : i32 from vector<1xi32>
        %eq3A_425 = arith.cmpi eq, %squeeze3A, %squeeze3A_424 : i32
        %convert_element_type3A_426 = arith.extui %eq3A_425 : i1 to i32
        %cond3A_427 = arith.constant 0 : i32
        %cond3A_428 = arith.cmpi ne, %convert_element_type3A_426, %cond3A_427 : i32
        scf.if %cond3A_428 {
          %scan3A_433 = arith.constant 0 : i32
          %scan3A_434 = arith.constant 64 : i32
          %scan3A_435 = arith.addi %scan3A_433, %scan3A_434 : i32
          %scan3A_436 = arith.constant 1 : i32
          %scan3A_437:8 = scf.for %scan3A_533 = %scan3A_433 to %scan3A_435 step %scan3A_436 iter_args(%scan3A_534 = %broadcast_in_dim3A_32, %scan3A_535 = %broadcast_in_dim3A_32, %scan3A_536 = %broadcast_in_dim3A_32, %scan3A_537 = %broadcast_in_dim3A_32, %scan3A_538 = %broadcast_in_dim3A_32, %scan3A_539 = %broadcast_in_dim3A_32, %scan3A_540 = %broadcast_in_dim3A_32, %scan3A_541 = %broadcast_in_dim3A_32) -> (vector<16xf32>, vector<16xf32>, vector<16xf32>, vector<16xf32>, vector<16xf32>, vector<16xf32>, vector<16xf32>, vector<16xf32>)  : i32 {
            %mul3A_542 = arith.constant 2 : i32
            %mul3A_543 = arith.muli %mul3A_542, %scan3A_533 : i32
            %get3A_544 = arith.constant 0 : i32
            %get3A_545 = arith.index_cast %get3A_544 : i32 to index
            %get3A_546 = arith.index_cast %mul3A_543 : i32 to index
            %get3A_547 = arith.constant 0 : index
            %get3A_548 = tpu.vector_load %arg7[%get3A_545, %get3A_546, %get3A_547] {strides = array<i32>} : memref<6x128x128xf32, #tpu.memory_space<vmem>>, vector<1x1x16xf32>,
            %get3A_549 = vector.shape_cast %get3A_548 : vector<1x1x16xf32> to vector<16xf32>
            %mul3A_550 = arith.constant 2 : i32
            %mul3A_551 = arith.muli %mul3A_550, %scan3A_533 : i32
            %add3A_552 = arith.constant 1 : i32
            %add3A_553 = arith.addi %mul3A_551, %add3A_552 : i32
            %get3A_554 = arith.constant 0 : i32
            %get3A_555 = arith.index_cast %get3A_554 : i32 to index
            %get3A_556 = arith.index_cast %add3A_553 : i32 to index
            %get3A_557 = arith.constant 0 : index
            %get3A_558 = tpu.vector_load %arg7[%get3A_555, %get3A_556, %get3A_557] {strides = array<i32>} : memref<6x128x128xf32, #tpu.memory_space<vmem>>, vector<1x1x16xf32>,
            %get3A_559 = vector.shape_cast %get3A_558 : vector<1x1x16xf32> to vector<16xf32>
            %add3A_560 = arith.addf %get3A_549, %get3A_559 : vector<16xf32>
            %add3A_561 = arith.addf %scan3A_534, %add3A_560 : vector<16xf32>
            %mul3A_562 = arith.constant 2 : i32
            %mul3A_563 = arith.muli %mul3A_562, %scan3A_533 : i32
            %get3A_564 = arith.constant 0 : i32
            %get3A_565 = arith.index_cast %get3A_564 : i32 to index
            %get3A_566 = arith.index_cast %mul3A_563 : i32 to index
            %get3A_567 = arith.constant 16 : index
            %get3A_568 = tpu.vector_load %arg7[%get3A_565, %get3A_566, %get3A_567] {strides = array<i32>} : memref<6x128x128xf32, #tpu.memory_space<vmem>>, vector<1x1x16xf32>,
            %get3A_569 = vector.shape_cast %get3A_568 : vector<1x1x16xf32> to vector<16xf32>
            %mul3A_570 = arith.constant 2 : i32
            %mul3A_571 = arith.muli %mul3A_570, %scan3A_533 : i32
            %add3A_572 = arith.constant 1 : i32
            %add3A_573 = arith.addi %mul3A_571, %add3A_572 : i32
            %get3A_574 = arith.constant 0 : i32
            %get3A_575 = arith.index_cast %get3A_574 : i32 to index
            %get3A_576 = arith.index_cast %add3A_573 : i32 to index
            %get3A_577 = arith.constant 16 : index
            %get3A_578 = tpu.vector_load %arg7[%get3A_575, %get3A_576, %get3A_577] {strides = array<i32>} : memref<6x128x128xf32, #tpu.memory_space<vmem>>, vector<1x1x16xf32>,
            %get3A_579 = vector.shape_cast %get3A_578 : vector<1x1x16xf32> to vector<16xf32>
            %add3A_580 = arith.addf %get3A_569, %get3A_579 : vector<16xf32>
            %add3A_581 = arith.addf %scan3A_535, %add3A_580 : vector<16xf32>
            %mul3A_582 = arith.constant 2 : i32
            %mul3A_583 = arith.muli %mul3A_582, %scan3A_533 : i32
            %get3A_584 = arith.constant 0 : i32
            %get3A_585 = arith.index_cast %get3A_584 : i32 to index
            %get3A_586 = arith.index_cast %mul3A_583 : i32 to index
            %get3A_587 = arith.constant 32 : index
            %get3A_588 = tpu.vector_load %arg7[%get3A_585, %get3A_586, %get3A_587] {strides = array<i32>} : memref<6x128x128xf32, #tpu.memory_space<vmem>>, vector<1x1x16xf32>,
            %get3A_589 = vector.shape_cast %get3A_588 : vector<1x1x16xf32> to vector<16xf32>
            %mul3A_590 = arith.constant 2 : i32
            %mul3A_591 = arith.muli %mul3A_590, %scan3A_533 : i32
            %add3A_592 = arith.constant 1 : i32
            %add3A_593 = arith.addi %mul3A_591, %add3A_592 : i32
            %get3A_594 = arith.constant 0 : i32
            %get3A_595 = arith.index_cast %get3A_594 : i32 to index
            %get3A_596 = arith.index_cast %add3A_593 : i32 to index
            %get3A_597 = arith.constant 32 : index
            %get3A_598 = tpu.vector_load %arg7[%get3A_595, %get3A_596, %get3A_597] {strides = array<i32>} : memref<6x128x128xf32, #tpu.memory_space<vmem>>, vector<1x1x16xf32>,
            %get3A_599 = vector.shape_cast %get3A_598 : vector<1x1x16xf32> to vector<16xf32>
            %add3A_600 = arith.addf %get3A_589, %get3A_599 : vector<16xf32>
            %add3A_601 = arith.addf %scan3A_536, %add3A_600 : vector<16xf32>
            %mul3A_602 = arith.constant 2 : i32
            %mul3A_603 = arith.muli %mul3A_602, %scan3A_533 : i32
            %get3A_604 = arith.constant 0 : i32
            %get3A_605 = arith.index_cast %get3A_604 : i32 to index
            %get3A_606 = arith.index_cast %mul3A_603 : i32 to index
            %get3A_607 = arith.constant 48 : index
            %get3A_608 = tpu.vector_load %arg7[%get3A_605, %get3A_606, %get3A_607] {strides = array<i32>} : memref<6x128x128xf32, #tpu.memory_space<vmem>>, vector<1x1x16xf32>,
            %get3A_609 = vector.shape_cast %get3A_608 : vector<1x1x16xf32> to vector<16xf32>
            %mul3A_610 = arith.constant 2 : i32
            %mul3A_611 = arith.muli %mul3A_610, %scan3A_533 : i32
            %add3A_612 = arith.constant 1 : i32
            %add3A_613 = arith.addi %mul3A_611, %add3A_612 : i32
            %get3A_614 = arith.constant 0 : i32
            %get3A_615 = arith.index_cast %get3A_614 : i32 to index
            %get3A_616 = arith.index_cast %add3A_613 : i32 to index
            %get3A_617 = arith.constant 48 : index
            %get3A_618 = tpu.vector_load %arg7[%get3A_615, %get3A_616, %get3A_617] {strides = array<i32>} : memref<6x128x128xf32, #tpu.memory_space<vmem>>, vector<1x1x16xf32>,
            %get3A_619 = vector.shape_cast %get3A_618 : vector<1x1x16xf32> to vector<16xf32>
            %add3A_620 = arith.addf %get3A_609, %get3A_619 : vector<16xf32>
            %add3A_621 = arith.addf %scan3A_537, %add3A_620 : vector<16xf32>
            %mul3A_622 = arith.constant 2 : i32
            %mul3A_623 = arith.muli %mul3A_622, %scan3A_533 : i32
            %get3A_624 = arith.constant 0 : i32
            %get3A_625 = arith.index_cast %get3A_624 : i32 to index
            %get3A_626 = arith.index_cast %mul3A_623 : i32 to index
            %get3A_627 = arith.constant 64 : index
            %get3A_628 = tpu.vector_load %arg7[%get3A_625, %get3A_626, %get3A_627] {strides = array<i32>} : memref<6x128x128xf32, #tpu.memory_space<vmem>>, vector<1x1x16xf32>,
            %get3A_629 = vector.shape_cast %get3A_628 : vector<1x1x16xf32> to vector<16xf32>
            %mul3A_630 = arith.constant 2 : i32
            %mul3A_631 = arith.muli %mul3A_630, %scan3A_533 : i32
            %add3A_632 = arith.constant 1 : i32
            %add3A_633 = arith.addi %mul3A_631, %add3A_632 : i32
            %get3A_634 = arith.constant 0 : i32
            %get3A_635 = arith.index_cast %get3A_634 : i32 to index
            %get3A_636 = arith.index_cast %add3A_633 : i32 to index
            %get3A_637 = arith.constant 64 : index
            %get3A_638 = tpu.vector_load %arg7[%get3A_635, %get3A_636, %get3A_637] {strides = array<i32>} : memref<6x128x128xf32, #tpu.memory_space<vmem>>, vector<1x1x16xf32>,
            %get3A_639 = vector.shape_cast %get3A_638 : vector<1x1x16xf32> to vector<16xf32>
            %add3A_640 = arith.addf %get3A_629, %get3A_639 : vector<16xf32>
            %add3A_641 = arith.addf %scan3A_538, %add3A_640 : vector<16xf32>
            %mul3A_642 = arith.constant 2 : i32
            %mul3A_643 = arith.muli %mul3A_642, %scan3A_533 : i32
            %get3A_644 = arith.constant 0 : i32
            %get3A_645 = arith.index_cast %get3A_644 : i32 to index
            %get3A_646 = arith.index_cast %mul3A_643 : i32 to index
            %get3A_647 = arith.constant 80 : index
            %get3A_648 = tpu.vector_load %arg7[%get3A_645, %get3A_646, %get3A_647] {strides = array<i32>} : memref<6x128x128xf32, #tpu.memory_space<vmem>>, vector<1x1x16xf32>,
            %get3A_649 = vector.shape_cast %get3A_648 : vector<1x1x16xf32> to vector<16xf32>
            %mul3A_650 = arith.constant 2 : i32
            %mul3A_651 = arith.muli %mul3A_650, %scan3A_533 : i32
            %add3A_652 = arith.constant 1 : i32
            %add3A_653 = arith.addi %mul3A_651, %add3A_652 : i32
            %get3A_654 = arith.constant 0 : i32
            %get3A_655 = arith.index_cast %get3A_654 : i32 to index
            %get3A_656 = arith.index_cast %add3A_653 : i32 to index
            %get3A_657 = arith.constant 80 : index
            %get3A_658 = tpu.vector_load %arg7[%get3A_655, %get3A_656, %get3A_657] {strides = array<i32>} : memref<6x128x128xf32, #tpu.memory_space<vmem>>, vector<1x1x16xf32>,
            %get3A_659 = vector.shape_cast %get3A_658 : vector<1x1x16xf32> to vector<16xf32>
            %add3A_660 = arith.addf %get3A_649, %get3A_659 : vector<16xf32>
            %add3A_661 = arith.addf %scan3A_539, %add3A_660 : vector<16xf32>
            %mul3A_662 = arith.constant 2 : i32
            %mul3A_663 = arith.muli %mul3A_662, %scan3A_533 : i32
            %get3A_664 = arith.constant 0 : i32
            %get3A_665 = arith.index_cast %get3A_664 : i32 to index
            %get3A_666 = arith.index_cast %mul3A_663 : i32 to index
            %get3A_667 = arith.constant 96 : index
            %get3A_668 = tpu.vector_load %arg7[%get3A_665, %get3A_666, %get3A_667] {strides = array<i32>} : memref<6x128x128xf32, #tpu.memory_space<vmem>>, vector<1x1x16xf32>,
            %get3A_669 = vector.shape_cast %get3A_668 : vector<1x1x16xf32> to vector<16xf32>
            %mul3A_670 = arith.constant 2 : i32
            %mul3A_671 = arith.muli %mul3A_670, %scan3A_533 : i32
            %add3A_672 = arith.constant 1 : i32
            %add3A_673 = arith.addi %mul3A_671, %add3A_672 : i32
            %get3A_674 = arith.constant 0 : i32
            %get3A_675 = arith.index_cast %get3A_674 : i32 to index
            %get3A_676 = arith.index_cast %add3A_673 : i32 to index
            %get3A_677 = arith.constant 96 : index
            %get3A_678 = tpu.vector_load %arg7[%get3A_675, %get3A_676, %get3A_677] {strides = array<i32>} : memref<6x128x128xf32, #tpu.memory_space<vmem>>, vector<1x1x16xf32>,
            %get3A_679 = vector.shape_cast %get3A_678 : vector<1x1x16xf32> to vector<16xf32>
            %add3A_680 = arith.addf %get3A_669, %get3A_679 : vector<16xf32>
            %add3A_681 = arith.addf %scan3A_540, %add3A_680 : vector<16xf32>
            %mul3A_682 = arith.constant 2 : i32
            %mul3A_683 = arith.muli %mul3A_682, %scan3A_533 : i32
            %get3A_684 = arith.constant 0 : i32
            %get3A_685 = arith.index_cast %get3A_684 : i32 to index
            %get3A_686 = arith.index_cast %mul3A_683 : i32 to index
            %get3A_687 = arith.constant 112 : index
            %get3A_688 = tpu.vector_load %arg7[%get3A_685, %get3A_686, %get3A_687] {strides = array<i32>} : memref<6x128x128xf32, #tpu.memory_space<vmem>>, vector<1x1x16xf32>,
            %get3A_689 = vector.shape_cast %get3A_688 : vector<1x1x16xf32> to vector<16xf32>
            %mul3A_690 = arith.constant 2 : i32
            %mul3A_691 = arith.muli %mul3A_690, %scan3A_533 : i32
            %add3A_692 = arith.constant 1 : i32
            %add3A_693 = arith.addi %mul3A_691, %add3A_692 : i32
            %get3A_694 = arith.constant 0 : i32
            %get3A_695 = arith.index_cast %get3A_694 : i32 to index
            %get3A_696 = arith.index_cast %add3A_693 : i32 to index
            %get3A_697 = arith.constant 112 : index
            %get3A_698 = tpu.vector_load %arg7[%get3A_695, %get3A_696, %get3A_697] {strides = array<i32>} : memref<6x128x128xf32, #tpu.memory_space<vmem>>, vector<1x1x16xf32>,
            %get3A_699 = vector.shape_cast %get3A_698 : vector<1x1x16xf32> to vector<16xf32>
            %add3A_700 = arith.addf %get3A_689, %get3A_699 : vector<16xf32>
            %add3A_701 = arith.addf %scan3A_541, %add3A_700 : vector<16xf32>
            scf.yield %add3A_561, %add3A_581, %add3A_601, %add3A_621, %add3A_641, %add3A_661, %add3A_681, %add3A_701 : vector<16xf32>, vector<16xf32>, vector<16xf32>, vector<16xf32>, vector<16xf32>, vector<16xf32>, vector<16xf32>, vector<16xf32>
          }
          %scan3A_438 = arith.constant 64 : i32
          %get3A_439 = arith.constant 6 : i32
          %get3A_440 = arith.index_cast %get3A_439 : i32 to index
          %get3A_441 = memref.load %arg11[%get3A_440] : memref<7xi32, #tpu.memory_space<smem>>
          %swap3A_442 = arith.index_cast %get3A_441 : i32 to index
          %swap3A_443 = arith.constant 0 : index
          %swap3A_444 = tpu.vector_load %arg9[%swap3A_442, %swap3A_443] {strides = array<i32>} : memref<80x128xf32, #tpu.memory_space<vmem>>, vector<1x16xf32>,
          %swap3A_445 = vector.shape_cast %swap3A_444 : vector<1x16xf32> to vector<16xf32>
          %swap3A_446 = vector.shape_cast %scan3A_437#0 : vector<16xf32> to vector<1x16xf32>
          tpu.vector_store %arg9[%swap3A_442, %swap3A_443], %swap3A_446 {strides = array<i32>} : memref<80x128xf32, #tpu.memory_space<vmem>>, vector<1x16xf32>,
          %swap3A_447 = arith.index_cast %get3A_441 : i32 to index
          %swap3A_448 = arith.constant 16 : index
          %swap3A_449 = tpu.vector_load %arg9[%swap3A_447, %swap3A_448] {strides = array<i32>} : memref<80x128xf32, #tpu.memory_space<vmem>>, vector<1x16xf32>,
          %swap3A_450 = vector.shape_cast %swap3A_449 : vector<1x16xf32> to vector<16xf32>
          %swap3A_451 = vector.shape_cast %scan3A_437#1 : vector<16xf32> to vector<1x16xf32>
          tpu.vector_store %arg9[%swap3A_447, %swap3A_448], %swap3A_451 {strides = array<i32>} : memref<80x128xf32, #tpu.memory_space<vmem>>, vector<1x16xf32>,
          %swap3A_452 = arith.index_cast %get3A_441 : i32 to index
          %swap3A_453 = arith.constant 32 : index
          %swap3A_454 = tpu.vector_load %arg9[%swap3A_452, %swap3A_453] {strides = array<i32>} : memref<80x128xf32, #tpu.memory_space<vmem>>, vector<1x16xf32>,
          %swap3A_455 = vector.shape_cast %swap3A_454 : vector<1x16xf32> to vector<16xf32>
          %swap3A_456 = vector.shape_cast %scan3A_437#2 : vector<16xf32> to vector<1x16xf32>
          tpu.vector_store %arg9[%swap3A_452, %swap3A_453], %swap3A_456 {strides = array<i32>} : memref<80x128xf32, #tpu.memory_space<vmem>>, vector<1x16xf32>,
          %swap3A_457 = arith.index_cast %get3A_441 : i32 to index
          %swap3A_458 = arith.constant 48 : index
          %swap3A_459 = tpu.vector_load %arg9[%swap3A_457, %swap3A_458] {strides = array<i32>} : memref<80x128xf32, #tpu.memory_space<vmem>>, vector<1x16xf32>,
          %swap3A_460 = vector.shape_cast %swap3A_459 : vector<1x16xf32> to vector<16xf32>
          %swap3A_461 = vector.shape_cast %scan3A_437#3 : vector<16xf32> to vector<1x16xf32>
          tpu.vector_store %arg9[%swap3A_457, %swap3A_458], %swap3A_461 {strides = array<i32>} : memref<80x128xf32, #tpu.memory_space<vmem>>, vector<1x16xf32>,
          %swap3A_462 = arith.index_cast %get3A_441 : i32 to index
          %swap3A_463 = arith.constant 64 : index
          %swap3A_464 = tpu.vector_load %arg9[%swap3A_462, %swap3A_463] {strides = array<i32>} : memref<80x128xf32, #tpu.memory_space<vmem>>, vector<1x16xf32>,
          %swap3A_465 = vector.shape_cast %swap3A_464 : vector<1x16xf32> to vector<16xf32>
          %swap3A_466 = vector.shape_cast %scan3A_437#4 : vector<16xf32> to vector<1x16xf32>
          tpu.vector_store %arg9[%swap3A_462, %swap3A_463], %swap3A_466 {strides = array<i32>} : memref<80x128xf32, #tpu.memory_space<vmem>>, vector<1x16xf32>,
          %swap3A_467 = arith.index_cast %get3A_441 : i32 to index
          %swap3A_468 = arith.constant 80 : index
          %swap3A_469 = tpu.vector_load %arg9[%swap3A_467, %swap3A_468] {strides = array<i32>} : memref<80x128xf32, #tpu.memory_space<vmem>>, vector<1x16xf32>,
          %swap3A_470 = vector.shape_cast %swap3A_469 : vector<1x16xf32> to vector<16xf32>
          %swap3A_471 = vector.shape_cast %scan3A_437#5 : vector<16xf32> to vector<1x16xf32>
          tpu.vector_store %arg9[%swap3A_467, %swap3A_468], %swap3A_471 {strides = array<i32>} : memref<80x128xf32, #tpu.memory_space<vmem>>, vector<1x16xf32>,
          %swap3A_472 = arith.index_cast %get3A_441 : i32 to index
          %swap3A_473 = arith.constant 96 : index
          %swap3A_474 = tpu.vector_load %arg9[%swap3A_472, %swap3A_473] {strides = array<i32>} : memref<80x128xf32, #tpu.memory_space<vmem>>, vector<1x16xf32>,
          %swap3A_475 = vector.shape_cast %swap3A_474 : vector<1x16xf32> to vector<16xf32>
          %swap3A_476 = vector.shape_cast %scan3A_437#6 : vector<16xf32> to vector<1x16xf32>
          tpu.vector_store %arg9[%swap3A_472, %swap3A_473], %swap3A_476 {strides = array<i32>} : memref<80x128xf32, #tpu.memory_space<vmem>>, vector<1x16xf32>,
          %swap3A_477 = arith.index_cast %get3A_441 : i32 to index
          %swap3A_478 = arith.constant 112 : index
          %swap3A_479 = tpu.vector_load %arg9[%swap3A_477, %swap3A_478] {strides = array<i32>} : memref<80x128xf32, #tpu.memory_space<vmem>>, vector<1x16xf32>,
          %swap3A_480 = vector.shape_cast %swap3A_479 : vector<1x16xf32> to vector<16xf32>
          %swap3A_481 = vector.shape_cast %scan3A_437#7 : vector<16xf32> to vector<1x16xf32>
          tpu.vector_store %arg9[%swap3A_477, %swap3A_478], %swap3A_481 {strides = array<i32>} : memref<80x128xf32, #tpu.memory_space<vmem>>, vector<1x16xf32>,
          %jit3A_482 = arith.constant 16 : i32
          %div3A_483 = arith.divsi %get3A_441, %jit3A_482 : i32
          %sign3A_484 = arith.constant 0 : i32
          %sign3A_485 = arith.cmpi sgt, %get3A_441, %sign3A_484 : i32
          %sign3A_486 = arith.extui %sign3A_485 : i1 to i32
          %sign3A_487 = arith.constant 0 : i32
          %sign3A_488 = arith.cmpi slt, %get3A_441, %sign3A_487 : i32
          %sign3A_489 = arith.extui %sign3A_488 : i1 to i32
          %sign3A_490 = arith.subi %sign3A_486, %sign3A_489 : i32
          %sign3A_491 = arith.constant 0 : i32
          %sign3A_492 = arith.cmpi sgt, %jit3A_482, %sign3A_491 : i32
          %sign3A_493 = arith.extui %sign3A_492 : i1 to i32
          %sign3A_494 = arith.constant 0 : i32
          %sign3A_495 = arith.cmpi slt, %jit3A_482, %sign3A_494 : i32
          %sign3A_496 = arith.extui %sign3A_495 : i1 to i32
          %sign3A_497 = arith.subi %sign3A_493, %sign3A_496 : i32
          %ne3A_498 = arith.cmpi ne, %sign3A_490, %sign3A_497 : i32
          %rem3A_499 = arith.remsi %get3A_441, %jit3A_482 : i32
          %ne3A_500 = arith.constant 0 : i32
          %ne3A_501 = arith.cmpi ne, %rem3A_499, %ne3A_500 : i32
          %and3A_502 = arith.andi %ne3A_498, %ne3A_501 : i1
          %sub3A_503 = arith.constant 1 : i32
          %sub3A_504 = arith.subi %div3A_483, %sub3A_503 : i32
          %select_n3A_505 = arith.select %and3A_502, %sub3A_504, %div3A_483 : i32
          %mul3A_506 = arith.constant 16 : i32
          %mul3A_507 = arith.muli %select_n3A_505, %mul3A_506 : i32
          %sub3A_508 = arith.subi %get3A_441, %mul3A_507 : i32
          %get3A_509 = arith.constant 0 : i32
          %get3A_510 = arith.index_cast %get3A_509 : i32 to index
          %get3A_511 = arith.index_cast %mul3A_507 : i32 to index
          %get3A_512 = tpu.vector_load %arg10[%get3A_510, %get3A_511] {strides = array<i32>} : memref<8x80xi32, #tpu.memory_space<vmem>>, vector<1x16xi32>,
          %get3A_513 = vector.shape_cast %get3A_512 : vector<1x16xi32> to vector<16xi32>
          %iota3A = tpu.iota {dimensions = array<i32: 0>} : vector<16xi32>
          %eq3A_514 = vector.broadcast %sub3A_508 : i32 to vector<16xi32>
          %eq3A_515 = arith.cmpi eq, %iota3A, %eq3A_514 : vector<16xi32>
          %broadcast_in_dim3A_516 = vector.broadcast %squeeze3A : i32 to vector<16xi32>
          %select_n3A_517 = arith.select %eq3A_515, %broadcast_in_dim3A_516, %get3A_513 : vector<16xi1>, vector<16xi32>
          %swap3A_518 = arith.constant 0 : i32
          %swap3A_519 = arith.index_cast %swap3A_518 : i32 to index
          %swap3A_520 = arith.index_cast %mul3A_507 : i32 to index
          %swap3A_521 = tpu.vector_load %arg10[%swap3A_519, %swap3A_520] {strides = array<i32>} : memref<8x80xi32, #tpu.memory_space<vmem>>, vector<1x16xi32>,
          %swap3A_522 = vector.shape_cast %swap3A_521 : vector<1x16xi32> to vector<16xi32>
          %swap3A_523 = vector.shape_cast %select_n3A_517 : vector<16xi32> to vector<1x16xi32>
          tpu.vector_store %arg10[%swap3A_519, %swap3A_520], %swap3A_523 {strides = array<i32>} : memref<8x80xi32, #tpu.memory_space<vmem>>, vector<1x16xi32>,
          %add3A_524 = arith.constant 1 : i32
          %add3A_525 = arith.addi %get3A_441, %add3A_524 : i32
          %swap3A_526 = arith.constant 6 : i32
          %swap3A_527 = arith.index_cast %swap3A_526 : i32 to index
          %swap3A_528 = memref.load %arg11[%swap3A_527] : memref<7xi32, #tpu.memory_space<smem>>
          memref.store %add3A_525, %arg11[%swap3A_527] : memref<7xi32, #tpu.memory_space<smem>>
          %swap3A_529 = arith.constant 0 : i32
          %swap3A_530 = arith.constant 0 : i32
          %swap3A_531 = arith.index_cast %swap3A_530 : i32 to index
          %swap3A_532 = memref.load %arg11[%swap3A_531] : memref<7xi32, #tpu.memory_space<smem>>
          memref.store %swap3A_529, %arg11[%swap3A_531] : memref<7xi32, #tpu.memory_space<smem>>
        } else {
        }
        %ne3A_429 = arith.cmpi ne, %squeeze3A, %squeeze3A_424 : i32
        %convert_element_type3A_430 = arith.extui %ne3A_429 : i1 to i32
        %cond3A_431 = arith.constant 0 : i32
        %cond3A_432 = arith.cmpi ne, %convert_element_type3A_430, %cond3A_431 : i32
        scf.if %cond3A_432 {
          %add3A_433 = arith.addi %sub3A_31, %add3A_343 : i32
          %dma_start3A_434 = arith.constant 0 : i32
          %dma_start3A_435 = arith.constant 0 : i32
          %dma_start3A_436 = arith.constant 0 : i32
          %dma_start3A_437 = tpu.memref_slice %arg7[%dma_start3A_434, %dma_start3A_435, %dma_start3A_436] : memref<6x128x128xf32, #tpu.memory_space<vmem>> -> memref<1x128x128xf32, #tpu.memory_space<vmem>>
          %dma_start3A_438 = tpu.memref_squeeze %dma_start3A_437 : memref<1x128x128xf32, #tpu.memory_space<vmem>> -> memref<128x128xf32, #tpu.memory_space<vmem>>
          %dma_start3A_439 = arith.constant 0 : i32
          %dma_start3A_440 = tpu.memref_slice %arg8[%add3A_433, %dma_start3A_439] : memref<88x128xi32, #tpu.memory_space<vmem>> -> memref<1x128xi32, #tpu.memory_space<vmem>>
          %dma_start3A_441 = tpu.memref_squeeze %dma_start3A_440 : memref<1x128xi32, #tpu.memory_space<vmem>> -> memref<128xi32, #tpu.memory_space<vmem>>
          %dma_start3A_442 = arith.constant 0 : i32
          %dma_start3A_443 = arith.constant 0 : i32
          %dma_start3A_444 = tpu.memref_slice %arg6[%dma_start3A_442, %dma_start3A_443] : memref<1024x128xf32, #tpu.memory_space<vmem_shared>> -> memref<1024x128xf32, #tpu.memory_space<vmem_shared>>
          tpu.enqueue_indirect_dma source(%dma_start3A_438 : memref<128x128xf32, #tpu.memory_space<vmem>>) target(%dma_start3A_444 : memref<1024x128xf32, #tpu.memory_space<vmem_shared>>) offsets(%dma_start3A_441 : memref<128xi32, #tpu.memory_space<vmem>>) semaphore(%arg18 : memref<!tpu.dma_semaphore, #tpu.memory_space<semaphore_mem>>) {add = true}
          %swap3A_445 = arith.constant 1 : i32
          %swap3A_446 = arith.constant 0 : i32
          %swap3A_447 = arith.index_cast %swap3A_446 : i32 to index
          %swap3A_448 = memref.load %arg11[%swap3A_447] : memref<7xi32, #tpu.memory_space<smem>>
          memref.store %swap3A_445, %arg11[%swap3A_447] : memref<7xi32, #tpu.memory_space<smem>>
        } else {
        }
      } else {
      }
      %mul3A_348 = arith.constant 6 : i32
      %mul3A_349 = arith.muli %mul3A_348, %while3A_339 : i32
      %add3A_350 = arith.constant 1 : i32
      %add3A_351 = arith.addi %mul3A_349, %add3A_350 : i32
      %lt3A_352 = arith.cmpi slt, %add3A_351, %add3A_6 : i32
      %convert_element_type3A_353 = arith.extui %lt3A_352 : i1 to i32
      %cond3A_354 = arith.constant 0 : i32
      %cond3A_355 = arith.cmpi ne, %convert_element_type3A_353, %cond3A_354 : i32
      scf.if %cond3A_355 {
        %ge3A_388 = arith.constant 1 : i32
        %ge3A_389 = arith.cmpi sge, %add3A_351, %ge3A_388 : i32
        %convert_element_type3A_390 = arith.extui %ge3A_389 : i1 to i32
        %cond3A_391 = arith.constant 0 : i32
        %cond3A_392 = arith.cmpi ne, %convert_element_type3A_390, %cond3A_391 : i32
        scf.if %cond3A_392 {
          %sub3A_433 = arith.constant 1 : i32
          %sub3A_434 = arith.subi %add3A_351, %sub3A_433 : i32
          %get3A_435 = arith.constant 0 : i32
          %get3A_436 = arith.index_cast %get3A_435 : i32 to index
          %get3A_437 = memref.load %arg11[%get3A_436] : memref<7xi32, #tpu.memory_space<smem>>
          %eq3A_438 = arith.constant 1 : i32
          %eq3A_439 = arith.cmpi eq, %get3A_437, %eq3A_438 : i32
          %convert_element_type3A_440 = arith.extui %eq3A_439 : i1 to i32
          %cond3A_441 = arith.constant 0 : i32
          %cond3A_442 = arith.cmpi ne, %convert_element_type3A_440, %cond3A_441 : i32
          scf.if %cond3A_442 {
            %add3A_443 = arith.addi %sub3A_31, %sub3A_434 : i32
            %dma_wait3A_444 = arith.constant 0 : i32
            %dma_wait3A_445 = arith.constant 0 : i32
            %dma_wait3A_446 = arith.constant 0 : i32
            %dma_wait3A_447 = tpu.memref_slice %arg7[%dma_wait3A_444, %dma_wait3A_445, %dma_wait3A_446] : memref<6x128x128xf32, #tpu.memory_space<vmem>> -> memref<1x128x128xf32, #tpu.memory_space<vmem>>
            %dma_wait3A_448 = tpu.memref_squeeze %dma_wait3A_447 : memref<1x128x128xf32, #tpu.memory_space<vmem>> -> memref<128x128xf32, #tpu.memory_space<vmem>>
            %dma_wait3A_449 = arith.constant 0 : i32
            %dma_wait3A_450 = tpu.memref_slice %arg8[%add3A_443, %dma_wait3A_449] : memref<88x128xi32, #tpu.memory_space<vmem>> -> memref<1x128xi32, #tpu.memory_space<vmem>>
            %dma_wait3A_451 = tpu.memref_squeeze %dma_wait3A_450 : memref<1x128xi32, #tpu.memory_space<vmem>> -> memref<128xi32, #tpu.memory_space<vmem>>
            %dma_wait3A_452 = arith.constant 0 : i32
            %dma_wait3A_453 = arith.constant 0 : i32
            %dma_wait3A_454 = tpu.memref_slice %arg6[%dma_wait3A_452, %dma_wait3A_453] : memref<1024x128xf32, #tpu.memory_space<vmem_shared>> -> memref<1024x128xf32, #tpu.memory_space<vmem_shared>>
            tpu.wait_indirect_dma semaphore(%arg18 : memref<!tpu.dma_semaphore, #tpu.memory_space<semaphore_mem>>) src(%dma_wait3A_448 : memref<128x128xf32, #tpu.memory_space<vmem>>) dst(%dma_wait3A_454 : memref<1024x128xf32, #tpu.memory_space<vmem_shared>>)
          } else {
          }
        } else {
        }
        %add3A_393 = arith.constant 5 : i32
        %add3A_394 = arith.addi %add3A_351, %add3A_393 : i32
        %lt3A_395 = arith.cmpi slt, %add3A_394, %add3A_6 : i32
        %convert_element_type3A_396 = arith.extui %lt3A_395 : i1 to i32
        %cond3A_397 = arith.constant 0 : i32
        %cond3A_398 = arith.cmpi ne, %convert_element_type3A_396, %cond3A_397 : i32
        scf.if %cond3A_398 {
          %add3A_433 = arith.constant 5 : i32
          %add3A_434 = arith.addi %add3A_351, %add3A_433 : i32
          %add3A_435 = arith.addi %add3A_10, %add3A_434 : i32
          %mul3A_436 = arith.constant 128 : i32
          %mul3A_437 = arith.muli %add3A_435, %mul3A_436 : i32
          %dma_start3A_438 = arith.constant 0 : i32
          %dma_start3A_439 = arith.constant 0 : i32
          %dma_start3A_440 = arith.constant 0 : i32
          %dma_start3A_441 = tpu.memref_slice %arg7[%dma_start3A_438, %dma_start3A_439, %dma_start3A_440] : memref<6x128x128xf32, #tpu.memory_space<vmem>> -> memref<1x128x128xf32, #tpu.memory_space<vmem>>
          %dma_start3A_442 = tpu.memref_squeeze %dma_start3A_441 : memref<1x128x128xf32, #tpu.memory_space<vmem>> -> memref<128x128xf32, #tpu.memory_space<vmem>>
          %dma_start3A_443 = arith.constant 0 : i32
          %dma_start3A_444 = tpu.memref_slice %arg3[%mul3A_437, %dma_start3A_443] : memref<320000x128xf32, #tpu.memory_space<hbm>> -> memref<128x128xf32, #tpu.memory_space<hbm>>
          %dma_start3A_445 = arith.constant 0 : i32
          %dma_start3A_446 = arith.constant 0 : i32
          %dma_start3A_447 = tpu.memref_slice %arg7[%dma_start3A_438, %dma_start3A_445, %dma_start3A_446] : memref<6x128x128xf32, #tpu.memory_space<vmem>> -> memref<1x128x128xf32, #tpu.memory_space<vmem>>
          %dma_start3A_448 = tpu.memref_squeeze %dma_start3A_447 : memref<1x128x128xf32, #tpu.memory_space<vmem>> -> memref<128x128xf32, #tpu.memory_space<vmem>>
          %dma_start3A_449 = arith.constant 0 : i32
          %dma_start3A_450 = tpu.memref_slice %arg3[%mul3A_437, %dma_start3A_449] : memref<320000x128xf32, #tpu.memory_space<hbm>> -> memref<128x128xf32, #tpu.memory_space<hbm>>
          tpu.enqueue_dma source(%dma_start3A_450 : memref<128x128xf32, #tpu.memory_space<hbm>>) target(%dma_start3A_448 : memref<128x128xf32, #tpu.memory_space<vmem>>) target_semaphore(%arg12 : memref<!tpu.dma_semaphore, #tpu.memory_space<semaphore_mem>>)
        } else {
        }
        %add3A_399 = arith.addi %add3A_10, %add3A_351 : i32
        %mul3A_400 = arith.constant 128 : i32
        %mul3A_401 = arith.muli %add3A_399, %mul3A_400 : i32
        %dma_wait3A = arith.constant 1 : i32
        %dma_wait3A_402 = arith.constant 0 : i32
        %dma_wait3A_403 = arith.constant 0 : i32
        %dma_wait3A_404 = tpu.memref_slice %arg7[%dma_wait3A, %dma_wait3A_402, %dma_wait3A_403] : memref<6x128x128xf32, #tpu.memory_space<vmem>> -> memref<1x128x128xf32, #tpu.memory_space<vmem>>
        %dma_wait3A_405 = tpu.memref_squeeze %dma_wait3A_404 : memref<1x128x128xf32, #tpu.memory_space<vmem>> -> memref<128x128xf32, #tpu.memory_space<vmem>>
        %dma_wait3A_406 = arith.constant 0 : i32
        %dma_wait3A_407 = tpu.memref_slice %arg3[%mul3A_401, %dma_wait3A_406] : memref<320000x128xf32, #tpu.memory_space<hbm>> -> memref<128x128xf32, #tpu.memory_space<hbm>>
        %dma_wait3A_408 = arith.constant 0 : i32
        %dma_wait3A_409 = arith.constant 0 : i32
        %dma_wait3A_410 = tpu.memref_slice %arg7[%dma_wait3A, %dma_wait3A_408, %dma_wait3A_409] : memref<6x128x128xf32, #tpu.memory_space<vmem>> -> memref<1x128x128xf32, #tpu.memory_space<vmem>>
        %dma_wait3A_411 = tpu.memref_squeeze %dma_wait3A_410 : memref<1x128x128xf32, #tpu.memory_space<vmem>> -> memref<128x128xf32, #tpu.memory_space<vmem>>
        %dma_wait3A_412 = arith.constant 0 : i32
        %dma_wait3A_413 = tpu.memref_slice %arg3[%mul3A_401, %dma_wait3A_412] : memref<320000x128xf32, #tpu.memory_space<hbm>> -> memref<128x128xf32, #tpu.memory_space<hbm>>
        tpu.wait_dma2 semaphore(%arg13 : memref<!tpu.dma_semaphore, #tpu.memory_space<semaphore_mem>>) src(%dma_wait3A_413 : memref<128x128xf32, #tpu.memory_space<hbm>>) dst(%dma_wait3A_411 : memref<128x128xf32, #tpu.memory_space<vmem>>)
        %add3A_414 = arith.addi %sub3A_31, %add3A_351 : i32
        %get3A = arith.index_cast %add3A_414 : i32 to index
        %get3A_415 = arith.constant 0 : index
        %get3A_416 = tpu.vector_load %arg8[%get3A, %get3A_415] {strides = array<i32>} : memref<88x128xi32, #tpu.memory_space<vmem>>, vector<1x16xi32>,
        %get3A_417 = vector.shape_cast %get3A_416 : vector<1x16xi32> to vector<16xi32>
        %slice3A = vector.extract_strided_slice %get3A_417 {offsets = [0], sizes = [1], strides = [1]} : vector<16xi32> to vector<1xi32>
        %squeeze3A = vector.extract %slice3A[0] : i32 from vector<1xi32>
        %add3A_418 = arith.addi %sub3A_31, %add3A_351 : i32
        %get3A_419 = arith.index_cast %add3A_418 : i32 to index
        %get3A_420 = arith.constant 112 : index
        %get3A_421 = tpu.vector_load %arg8[%get3A_419, %get3A_420] {strides = array<i32>} : memref<88x128xi32, #tpu.memory_space<vmem>>, vector<1x16xi32>,
        %get3A_422 = vector.shape_cast %get3A_421 : vector<1x16xi32> to vector<16xi32>
        %slice3A_423 = vector.extract_strided_slice %get3A_422 {offsets = [15], sizes = [1], strides = [1]} : vector<16xi32> to vector<1xi32>
        %squeeze3A_424 = vector.extract %slice3A_423[0] : i32 from vector<1xi32>
        %eq3A_425 = arith.cmpi eq, %squeeze3A, %squeeze3A_424 : i32
        %convert_element_type3A_426 = arith.extui %eq3A_425 : i1 to i32
        %cond3A_427 = arith.constant 0 : i32
        %cond3A_428 = arith.cmpi ne, %convert_element_type3A_426, %cond3A_427 : i32
        scf.if %cond3A_428 {
          %scan3A_433 = arith.constant 0 : i32
          %scan3A_434 = arith.constant 64 : i32
          %scan3A_435 = arith.addi %scan3A_433, %scan3A_434 : i32
          %scan3A_436 = arith.constant 1 : i32
          %scan3A_437:8 = scf.for %scan3A_533 = %scan3A_433 to %scan3A_435 step %scan3A_436 iter_args(%scan3A_534 = %broadcast_in_dim3A_32, %scan3A_535 = %broadcast_in_dim3A_32, %scan3A_536 = %broadcast_in_dim3A_32, %scan3A_537 = %broadcast_in_dim3A_32, %scan3A_538 = %broadcast_in_dim3A_32, %scan3A_539 = %broadcast_in_dim3A_32, %scan3A_540 = %broadcast_in_dim3A_32, %scan3A_541 = %broadcast_in_dim3A_32) -> (vector<16xf32>, vector<16xf32>, vector<16xf32>, vector<16xf32>, vector<16xf32>, vector<16xf32>, vector<16xf32>, vector<16xf32>)  : i32 {
            %mul3A_542 = arith.constant 2 : i32
            %mul3A_543 = arith.muli %mul3A_542, %scan3A_533 : i32
            %get3A_544 = arith.constant 1 : i32
            %get3A_545 = arith.index_cast %get3A_544 : i32 to index
            %get3A_546 = arith.index_cast %mul3A_543 : i32 to index
            %get3A_547 = arith.constant 0 : index
            %get3A_548 = tpu.vector_load %arg7[%get3A_545, %get3A_546, %get3A_547] {strides = array<i32>} : memref<6x128x128xf32, #tpu.memory_space<vmem>>, vector<1x1x16xf32>,
            %get3A_549 = vector.shape_cast %get3A_548 : vector<1x1x16xf32> to vector<16xf32>
            %mul3A_550 = arith.constant 2 : i32
            %mul3A_551 = arith.muli %mul3A_550, %scan3A_533 : i32
            %add3A_552 = arith.constant 1 : i32
            %add3A_553 = arith.addi %mul3A_551, %add3A_552 : i32
            %get3A_554 = arith.constant 1 : i32
            %get3A_555 = arith.index_cast %get3A_554 : i32 to index
            %get3A_556 = arith.index_cast %add3A_553 : i32 to index
            %get3A_557 = arith.constant 0 : index
            %get3A_558 = tpu.vector_load %arg7[%get3A_555, %get3A_556, %get3A_557] {strides = array<i32>} : memref<6x128x128xf32, #tpu.memory_space<vmem>>, vector<1x1x16xf32>,
            %get3A_559 = vector.shape_cast %get3A_558 : vector<1x1x16xf32> to vector<16xf32>
            %add3A_560 = arith.addf %get3A_549, %get3A_559 : vector<16xf32>
            %add3A_561 = arith.addf %scan3A_534, %add3A_560 : vector<16xf32>
            %mul3A_562 = arith.constant 2 : i32
            %mul3A_563 = arith.muli %mul3A_562, %scan3A_533 : i32
            %get3A_564 = arith.constant 1 : i32
            %get3A_565 = arith.index_cast %get3A_564 : i32 to index
            %get3A_566 = arith.index_cast %mul3A_563 : i32 to index
            %get3A_567 = arith.constant 16 : index
            %get3A_568 = tpu.vector_load %arg7[%get3A_565, %get3A_566, %get3A_567] {strides = array<i32>} : memref<6x128x128xf32, #tpu.memory_space<vmem>>, vector<1x1x16xf32>,
            %get3A_569 = vector.shape_cast %get3A_568 : vector<1x1x16xf32> to vector<16xf32>
            %mul3A_570 = arith.constant 2 : i32
            %mul3A_571 = arith.muli %mul3A_570, %scan3A_533 : i32
            %add3A_572 = arith.constant 1 : i32
            %add3A_573 = arith.addi %mul3A_571, %add3A_572 : i32
            %get3A_574 = arith.constant 1 : i32
            %get3A_575 = arith.index_cast %get3A_574 : i32 to index
            %get3A_576 = arith.index_cast %add3A_573 : i32 to index
            %get3A_577 = arith.constant 16 : index
            %get3A_578 = tpu.vector_load %arg7[%get3A_575, %get3A_576, %get3A_577] {strides = array<i32>} : memref<6x128x128xf32, #tpu.memory_space<vmem>>, vector<1x1x16xf32>,
            %get3A_579 = vector.shape_cast %get3A_578 : vector<1x1x16xf32> to vector<16xf32>
            %add3A_580 = arith.addf %get3A_569, %get3A_579 : vector<16xf32>
            %add3A_581 = arith.addf %scan3A_535, %add3A_580 : vector<16xf32>
            %mul3A_582 = arith.constant 2 : i32
            %mul3A_583 = arith.muli %mul3A_582, %scan3A_533 : i32
            %get3A_584 = arith.constant 1 : i32
            %get3A_585 = arith.index_cast %get3A_584 : i32 to index
            %get3A_586 = arith.index_cast %mul3A_583 : i32 to index
            %get3A_587 = arith.constant 32 : index
            %get3A_588 = tpu.vector_load %arg7[%get3A_585, %get3A_586, %get3A_587] {strides = array<i32>} : memref<6x128x128xf32, #tpu.memory_space<vmem>>, vector<1x1x16xf32>,
            %get3A_589 = vector.shape_cast %get3A_588 : vector<1x1x16xf32> to vector<16xf32>
            %mul3A_590 = arith.constant 2 : i32
            %mul3A_591 = arith.muli %mul3A_590, %scan3A_533 : i32
            %add3A_592 = arith.constant 1 : i32
            %add3A_593 = arith.addi %mul3A_591, %add3A_592 : i32
            %get3A_594 = arith.constant 1 : i32
            %get3A_595 = arith.index_cast %get3A_594 : i32 to index
            %get3A_596 = arith.index_cast %add3A_593 : i32 to index
            %get3A_597 = arith.constant 32 : index
            %get3A_598 = tpu.vector_load %arg7[%get3A_595, %get3A_596, %get3A_597] {strides = array<i32>} : memref<6x128x128xf32, #tpu.memory_space<vmem>>, vector<1x1x16xf32>,
            %get3A_599 = vector.shape_cast %get3A_598 : vector<1x1x16xf32> to vector<16xf32>
            %add3A_600 = arith.addf %get3A_589, %get3A_599 : vector<16xf32>
            %add3A_601 = arith.addf %scan3A_536, %add3A_600 : vector<16xf32>
            %mul3A_602 = arith.constant 2 : i32
            %mul3A_603 = arith.muli %mul3A_602, %scan3A_533 : i32
            %get3A_604 = arith.constant 1 : i32
            %get3A_605 = arith.index_cast %get3A_604 : i32 to index
            %get3A_606 = arith.index_cast %mul3A_603 : i32 to index
            %get3A_607 = arith.constant 48 : index
            %get3A_608 = tpu.vector_load %arg7[%get3A_605, %get3A_606, %get3A_607] {strides = array<i32>} : memref<6x128x128xf32, #tpu.memory_space<vmem>>, vector<1x1x16xf32>,
            %get3A_609 = vector.shape_cast %get3A_608 : vector<1x1x16xf32> to vector<16xf32>
            %mul3A_610 = arith.constant 2 : i32
            %mul3A_611 = arith.muli %mul3A_610, %scan3A_533 : i32
            %add3A_612 = arith.constant 1 : i32
            %add3A_613 = arith.addi %mul3A_611, %add3A_612 : i32
            %get3A_614 = arith.constant 1 : i32
            %get3A_615 = arith.index_cast %get3A_614 : i32 to index
            %get3A_616 = arith.index_cast %add3A_613 : i32 to index
            %get3A_617 = arith.constant 48 : index
            %get3A_618 = tpu.vector_load %arg7[%get3A_615, %get3A_616, %get3A_617] {strides = array<i32>} : memref<6x128x128xf32, #tpu.memory_space<vmem>>, vector<1x1x16xf32>,
            %get3A_619 = vector.shape_cast %get3A_618 : vector<1x1x16xf32> to vector<16xf32>
            %add3A_620 = arith.addf %get3A_609, %get3A_619 : vector<16xf32>
            %add3A_621 = arith.addf %scan3A_537, %add3A_620 : vector<16xf32>
            %mul3A_622 = arith.constant 2 : i32
            %mul3A_623 = arith.muli %mul3A_622, %scan3A_533 : i32
            %get3A_624 = arith.constant 1 : i32
            %get3A_625 = arith.index_cast %get3A_624 : i32 to index
            %get3A_626 = arith.index_cast %mul3A_623 : i32 to index
            %get3A_627 = arith.constant 64 : index
            %get3A_628 = tpu.vector_load %arg7[%get3A_625, %get3A_626, %get3A_627] {strides = array<i32>} : memref<6x128x128xf32, #tpu.memory_space<vmem>>, vector<1x1x16xf32>,
            %get3A_629 = vector.shape_cast %get3A_628 : vector<1x1x16xf32> to vector<16xf32>
            %mul3A_630 = arith.constant 2 : i32
            %mul3A_631 = arith.muli %mul3A_630, %scan3A_533 : i32
            %add3A_632 = arith.constant 1 : i32
            %add3A_633 = arith.addi %mul3A_631, %add3A_632 : i32
            %get3A_634 = arith.constant 1 : i32
            %get3A_635 = arith.index_cast %get3A_634 : i32 to index
            %get3A_636 = arith.index_cast %add3A_633 : i32 to index
            %get3A_637 = arith.constant 64 : index
            %get3A_638 = tpu.vector_load %arg7[%get3A_635, %get3A_636, %get3A_637] {strides = array<i32>} : memref<6x128x128xf32, #tpu.memory_space<vmem>>, vector<1x1x16xf32>,
            %get3A_639 = vector.shape_cast %get3A_638 : vector<1x1x16xf32> to vector<16xf32>
            %add3A_640 = arith.addf %get3A_629, %get3A_639 : vector<16xf32>
            %add3A_641 = arith.addf %scan3A_538, %add3A_640 : vector<16xf32>
            %mul3A_642 = arith.constant 2 : i32
            %mul3A_643 = arith.muli %mul3A_642, %scan3A_533 : i32
            %get3A_644 = arith.constant 1 : i32
            %get3A_645 = arith.index_cast %get3A_644 : i32 to index
            %get3A_646 = arith.index_cast %mul3A_643 : i32 to index
            %get3A_647 = arith.constant 80 : index
            %get3A_648 = tpu.vector_load %arg7[%get3A_645, %get3A_646, %get3A_647] {strides = array<i32>} : memref<6x128x128xf32, #tpu.memory_space<vmem>>, vector<1x1x16xf32>,
            %get3A_649 = vector.shape_cast %get3A_648 : vector<1x1x16xf32> to vector<16xf32>
            %mul3A_650 = arith.constant 2 : i32
            %mul3A_651 = arith.muli %mul3A_650, %scan3A_533 : i32
            %add3A_652 = arith.constant 1 : i32
            %add3A_653 = arith.addi %mul3A_651, %add3A_652 : i32
            %get3A_654 = arith.constant 1 : i32
            %get3A_655 = arith.index_cast %get3A_654 : i32 to index
            %get3A_656 = arith.index_cast %add3A_653 : i32 to index
            %get3A_657 = arith.constant 80 : index
            %get3A_658 = tpu.vector_load %arg7[%get3A_655, %get3A_656, %get3A_657] {strides = array<i32>} : memref<6x128x128xf32, #tpu.memory_space<vmem>>, vector<1x1x16xf32>,
            %get3A_659 = vector.shape_cast %get3A_658 : vector<1x1x16xf32> to vector<16xf32>
            %add3A_660 = arith.addf %get3A_649, %get3A_659 : vector<16xf32>
            %add3A_661 = arith.addf %scan3A_539, %add3A_660 : vector<16xf32>
            %mul3A_662 = arith.constant 2 : i32
            %mul3A_663 = arith.muli %mul3A_662, %scan3A_533 : i32
            %get3A_664 = arith.constant 1 : i32
            %get3A_665 = arith.index_cast %get3A_664 : i32 to index
            %get3A_666 = arith.index_cast %mul3A_663 : i32 to index
            %get3A_667 = arith.constant 96 : index
            %get3A_668 = tpu.vector_load %arg7[%get3A_665, %get3A_666, %get3A_667] {strides = array<i32>} : memref<6x128x128xf32, #tpu.memory_space<vmem>>, vector<1x1x16xf32>,
            %get3A_669 = vector.shape_cast %get3A_668 : vector<1x1x16xf32> to vector<16xf32>
            %mul3A_670 = arith.constant 2 : i32
            %mul3A_671 = arith.muli %mul3A_670, %scan3A_533 : i32
            %add3A_672 = arith.constant 1 : i32
            %add3A_673 = arith.addi %mul3A_671, %add3A_672 : i32
            %get3A_674 = arith.constant 1 : i32
            %get3A_675 = arith.index_cast %get3A_674 : i32 to index
            %get3A_676 = arith.index_cast %add3A_673 : i32 to index
            %get3A_677 = arith.constant 96 : index
            %get3A_678 = tpu.vector_load %arg7[%get3A_675, %get3A_676, %get3A_677] {strides = array<i32>} : memref<6x128x128xf32, #tpu.memory_space<vmem>>, vector<1x1x16xf32>,
            %get3A_679 = vector.shape_cast %get3A_678 : vector<1x1x16xf32> to vector<16xf32>
            %add3A_680 = arith.addf %get3A_669, %get3A_679 : vector<16xf32>
            %add3A_681 = arith.addf %scan3A_540, %add3A_680 : vector<16xf32>
            %mul3A_682 = arith.constant 2 : i32
            %mul3A_683 = arith.muli %mul3A_682, %scan3A_533 : i32
            %get3A_684 = arith.constant 1 : i32
            %get3A_685 = arith.index_cast %get3A_684 : i32 to index
            %get3A_686 = arith.index_cast %mul3A_683 : i32 to index
            %get3A_687 = arith.constant 112 : index
            %get3A_688 = tpu.vector_load %arg7[%get3A_685, %get3A_686, %get3A_687] {strides = array<i32>} : memref<6x128x128xf32, #tpu.memory_space<vmem>>, vector<1x1x16xf32>,
            %get3A_689 = vector.shape_cast %get3A_688 : vector<1x1x16xf32> to vector<16xf32>
            %mul3A_690 = arith.constant 2 : i32
            %mul3A_691 = arith.muli %mul3A_690, %scan3A_533 : i32
            %add3A_692 = arith.constant 1 : i32
            %add3A_693 = arith.addi %mul3A_691, %add3A_692 : i32
            %get3A_694 = arith.constant 1 : i32
            %get3A_695 = arith.index_cast %get3A_694 : i32 to index
            %get3A_696 = arith.index_cast %add3A_693 : i32 to index
            %get3A_697 = arith.constant 112 : index
            %get3A_698 = tpu.vector_load %arg7[%get3A_695, %get3A_696, %get3A_697] {strides = array<i32>} : memref<6x128x128xf32, #tpu.memory_space<vmem>>, vector<1x1x16xf32>,
            %get3A_699 = vector.shape_cast %get3A_698 : vector<1x1x16xf32> to vector<16xf32>
            %add3A_700 = arith.addf %get3A_689, %get3A_699 : vector<16xf32>
            %add3A_701 = arith.addf %scan3A_541, %add3A_700 : vector<16xf32>
            scf.yield %add3A_561, %add3A_581, %add3A_601, %add3A_621, %add3A_641, %add3A_661, %add3A_681, %add3A_701 : vector<16xf32>, vector<16xf32>, vector<16xf32>, vector<16xf32>, vector<16xf32>, vector<16xf32>, vector<16xf32>, vector<16xf32>
          }
          %scan3A_438 = arith.constant 64 : i32
          %get3A_439 = arith.constant 6 : i32
          %get3A_440 = arith.index_cast %get3A_439 : i32 to index
          %get3A_441 = memref.load %arg11[%get3A_440] : memref<7xi32, #tpu.memory_space<smem>>
          %swap3A_442 = arith.index_cast %get3A_441 : i32 to index
          %swap3A_443 = arith.constant 0 : index
          %swap3A_444 = tpu.vector_load %arg9[%swap3A_442, %swap3A_443] {strides = array<i32>} : memref<80x128xf32, #tpu.memory_space<vmem>>, vector<1x16xf32>,
          %swap3A_445 = vector.shape_cast %swap3A_444 : vector<1x16xf32> to vector<16xf32>
          %swap3A_446 = vector.shape_cast %scan3A_437#0 : vector<16xf32> to vector<1x16xf32>
          tpu.vector_store %arg9[%swap3A_442, %swap3A_443], %swap3A_446 {strides = array<i32>} : memref<80x128xf32, #tpu.memory_space<vmem>>, vector<1x16xf32>,
          %swap3A_447 = arith.index_cast %get3A_441 : i32 to index
          %swap3A_448 = arith.constant 16 : index
          %swap3A_449 = tpu.vector_load %arg9[%swap3A_447, %swap3A_448] {strides = array<i32>} : memref<80x128xf32, #tpu.memory_space<vmem>>, vector<1x16xf32>,
          %swap3A_450 = vector.shape_cast %swap3A_449 : vector<1x16xf32> to vector<16xf32>
          %swap3A_451 = vector.shape_cast %scan3A_437#1 : vector<16xf32> to vector<1x16xf32>
          tpu.vector_store %arg9[%swap3A_447, %swap3A_448], %swap3A_451 {strides = array<i32>} : memref<80x128xf32, #tpu.memory_space<vmem>>, vector<1x16xf32>,
          %swap3A_452 = arith.index_cast %get3A_441 : i32 to index
          %swap3A_453 = arith.constant 32 : index
          %swap3A_454 = tpu.vector_load %arg9[%swap3A_452, %swap3A_453] {strides = array<i32>} : memref<80x128xf32, #tpu.memory_space<vmem>>, vector<1x16xf32>,
          %swap3A_455 = vector.shape_cast %swap3A_454 : vector<1x16xf32> to vector<16xf32>
          %swap3A_456 = vector.shape_cast %scan3A_437#2 : vector<16xf32> to vector<1x16xf32>
          tpu.vector_store %arg9[%swap3A_452, %swap3A_453], %swap3A_456 {strides = array<i32>} : memref<80x128xf32, #tpu.memory_space<vmem>>, vector<1x16xf32>,
          %swap3A_457 = arith.index_cast %get3A_441 : i32 to index
          %swap3A_458 = arith.constant 48 : index
          %swap3A_459 = tpu.vector_load %arg9[%swap3A_457, %swap3A_458] {strides = array<i32>} : memref<80x128xf32, #tpu.memory_space<vmem>>, vector<1x16xf32>,
          %swap3A_460 = vector.shape_cast %swap3A_459 : vector<1x16xf32> to vector<16xf32>
          %swap3A_461 = vector.shape_cast %scan3A_437#3 : vector<16xf32> to vector<1x16xf32>
          tpu.vector_store %arg9[%swap3A_457, %swap3A_458], %swap3A_461 {strides = array<i32>} : memref<80x128xf32, #tpu.memory_space<vmem>>, vector<1x16xf32>,
          %swap3A_462 = arith.index_cast %get3A_441 : i32 to index
          %swap3A_463 = arith.constant 64 : index
          %swap3A_464 = tpu.vector_load %arg9[%swap3A_462, %swap3A_463] {strides = array<i32>} : memref<80x128xf32, #tpu.memory_space<vmem>>, vector<1x16xf32>,
          %swap3A_465 = vector.shape_cast %swap3A_464 : vector<1x16xf32> to vector<16xf32>
          %swap3A_466 = vector.shape_cast %scan3A_437#4 : vector<16xf32> to vector<1x16xf32>
          tpu.vector_store %arg9[%swap3A_462, %swap3A_463], %swap3A_466 {strides = array<i32>} : memref<80x128xf32, #tpu.memory_space<vmem>>, vector<1x16xf32>,
          %swap3A_467 = arith.index_cast %get3A_441 : i32 to index
          %swap3A_468 = arith.constant 80 : index
          %swap3A_469 = tpu.vector_load %arg9[%swap3A_467, %swap3A_468] {strides = array<i32>} : memref<80x128xf32, #tpu.memory_space<vmem>>, vector<1x16xf32>,
          %swap3A_470 = vector.shape_cast %swap3A_469 : vector<1x16xf32> to vector<16xf32>
          %swap3A_471 = vector.shape_cast %scan3A_437#5 : vector<16xf32> to vector<1x16xf32>
          tpu.vector_store %arg9[%swap3A_467, %swap3A_468], %swap3A_471 {strides = array<i32>} : memref<80x128xf32, #tpu.memory_space<vmem>>, vector<1x16xf32>,
          %swap3A_472 = arith.index_cast %get3A_441 : i32 to index
          %swap3A_473 = arith.constant 96 : index
          %swap3A_474 = tpu.vector_load %arg9[%swap3A_472, %swap3A_473] {strides = array<i32>} : memref<80x128xf32, #tpu.memory_space<vmem>>, vector<1x16xf32>,
          %swap3A_475 = vector.shape_cast %swap3A_474 : vector<1x16xf32> to vector<16xf32>
          %swap3A_476 = vector.shape_cast %scan3A_437#6 : vector<16xf32> to vector<1x16xf32>
          tpu.vector_store %arg9[%swap3A_472, %swap3A_473], %swap3A_476 {strides = array<i32>} : memref<80x128xf32, #tpu.memory_space<vmem>>, vector<1x16xf32>,
          %swap3A_477 = arith.index_cast %get3A_441 : i32 to index
          %swap3A_478 = arith.constant 112 : index
          %swap3A_479 = tpu.vector_load %arg9[%swap3A_477, %swap3A_478] {strides = array<i32>} : memref<80x128xf32, #tpu.memory_space<vmem>>, vector<1x16xf32>,
          %swap3A_480 = vector.shape_cast %swap3A_479 : vector<1x16xf32> to vector<16xf32>
          %swap3A_481 = vector.shape_cast %scan3A_437#7 : vector<16xf32> to vector<1x16xf32>
          tpu.vector_store %arg9[%swap3A_477, %swap3A_478], %swap3A_481 {strides = array<i32>} : memref<80x128xf32, #tpu.memory_space<vmem>>, vector<1x16xf32>,
          %jit3A_482 = arith.constant 16 : i32
          %div3A_483 = arith.divsi %get3A_441, %jit3A_482 : i32
          %sign3A_484 = arith.constant 0 : i32
          %sign3A_485 = arith.cmpi sgt, %get3A_441, %sign3A_484 : i32
          %sign3A_486 = arith.extui %sign3A_485 : i1 to i32
          %sign3A_487 = arith.constant 0 : i32
          %sign3A_488 = arith.cmpi slt, %get3A_441, %sign3A_487 : i32
          %sign3A_489 = arith.extui %sign3A_488 : i1 to i32
          %sign3A_490 = arith.subi %sign3A_486, %sign3A_489 : i32
          %sign3A_491 = arith.constant 0 : i32
          %sign3A_492 = arith.cmpi sgt, %jit3A_482, %sign3A_491 : i32
          %sign3A_493 = arith.extui %sign3A_492 : i1 to i32
          %sign3A_494 = arith.constant 0 : i32
          %sign3A_495 = arith.cmpi slt, %jit3A_482, %sign3A_494 : i32
          %sign3A_496 = arith.extui %sign3A_495 : i1 to i32
          %sign3A_497 = arith.subi %sign3A_493, %sign3A_496 : i32
          %ne3A_498 = arith.cmpi ne, %sign3A_490, %sign3A_497 : i32
          %rem3A_499 = arith.remsi %get3A_441, %jit3A_482 : i32
          %ne3A_500 = arith.constant 0 : i32
          %ne3A_501 = arith.cmpi ne, %rem3A_499, %ne3A_500 : i32
          %and3A_502 = arith.andi %ne3A_498, %ne3A_501 : i1
          %sub3A_503 = arith.constant 1 : i32
          %sub3A_504 = arith.subi %div3A_483, %sub3A_503 : i32
          %select_n3A_505 = arith.select %and3A_502, %sub3A_504, %div3A_483 : i32
          %mul3A_506 = arith.constant 16 : i32
          %mul3A_507 = arith.muli %select_n3A_505, %mul3A_506 : i32
          %sub3A_508 = arith.subi %get3A_441, %mul3A_507 : i32
          %get3A_509 = arith.constant 0 : i32
          %get3A_510 = arith.index_cast %get3A_509 : i32 to index
          %get3A_511 = arith.index_cast %mul3A_507 : i32 to index
          %get3A_512 = tpu.vector_load %arg10[%get3A_510, %get3A_511] {strides = array<i32>} : memref<8x80xi32, #tpu.memory_space<vmem>>, vector<1x16xi32>,
          %get3A_513 = vector.shape_cast %get3A_512 : vector<1x16xi32> to vector<16xi32>
          %iota3A = tpu.iota {dimensions = array<i32: 0>} : vector<16xi32>
          %eq3A_514 = vector.broadcast %sub3A_508 : i32 to vector<16xi32>
          %eq3A_515 = arith.cmpi eq, %iota3A, %eq3A_514 : vector<16xi32>
          %broadcast_in_dim3A_516 = vector.broadcast %squeeze3A : i32 to vector<16xi32>
          %select_n3A_517 = arith.select %eq3A_515, %broadcast_in_dim3A_516, %get3A_513 : vector<16xi1>, vector<16xi32>
          %swap3A_518 = arith.constant 0 : i32
          %swap3A_519 = arith.index_cast %swap3A_518 : i32 to index
          %swap3A_520 = arith.index_cast %mul3A_507 : i32 to index
          %swap3A_521 = tpu.vector_load %arg10[%swap3A_519, %swap3A_520] {strides = array<i32>} : memref<8x80xi32, #tpu.memory_space<vmem>>, vector<1x16xi32>,
          %swap3A_522 = vector.shape_cast %swap3A_521 : vector<1x16xi32> to vector<16xi32>
          %swap3A_523 = vector.shape_cast %select_n3A_517 : vector<16xi32> to vector<1x16xi32>
          tpu.vector_store %arg10[%swap3A_519, %swap3A_520], %swap3A_523 {strides = array<i32>} : memref<8x80xi32, #tpu.memory_space<vmem>>, vector<1x16xi32>,
          %add3A_524 = arith.constant 1 : i32
          %add3A_525 = arith.addi %get3A_441, %add3A_524 : i32
          %swap3A_526 = arith.constant 6 : i32
          %swap3A_527 = arith.index_cast %swap3A_526 : i32 to index
          %swap3A_528 = memref.load %arg11[%swap3A_527] : memref<7xi32, #tpu.memory_space<smem>>
          memref.store %add3A_525, %arg11[%swap3A_527] : memref<7xi32, #tpu.memory_space<smem>>
          %swap3A_529 = arith.constant 0 : i32
          %swap3A_530 = arith.constant 1 : i32
          %swap3A_531 = arith.index_cast %swap3A_530 : i32 to index
          %swap3A_532 = memref.load %arg11[%swap3A_531] : memref<7xi32, #tpu.memory_space<smem>>
          memref.store %swap3A_529, %arg11[%swap3A_531] : memref<7xi32, #tpu.memory_space<smem>>
        } else {
        }
        %ne3A_429 = arith.cmpi ne, %squeeze3A, %squeeze3A_424 : i32
        %convert_element_type3A_430 = arith.extui %ne3A_429 : i1 to i32
        %cond3A_431 = arith.constant 0 : i32
        %cond3A_432 = arith.cmpi ne, %convert_element_type3A_430, %cond3A_431 : i32
        scf.if %cond3A_432 {
          %add3A_433 = arith.addi %sub3A_31, %add3A_351 : i32
          %dma_start3A_434 = arith.constant 1 : i32
          %dma_start3A_435 = arith.constant 0 : i32
          %dma_start3A_436 = arith.constant 0 : i32
          %dma_start3A_437 = tpu.memref_slice %arg7[%dma_start3A_434, %dma_start3A_435, %dma_start3A_436] : memref<6x128x128xf32, #tpu.memory_space<vmem>> -> memref<1x128x128xf32, #tpu.memory_space<vmem>>
          %dma_start3A_438 = tpu.memref_squeeze %dma_start3A_437 : memref<1x128x128xf32, #tpu.memory_space<vmem>> -> memref<128x128xf32, #tpu.memory_space<vmem>>
          %dma_start3A_439 = arith.constant 0 : i32
          %dma_start3A_440 = tpu.memref_slice %arg8[%add3A_433, %dma_start3A_439] : memref<88x128xi32, #tpu.memory_space<vmem>> -> memref<1x128xi32, #tpu.memory_space<vmem>>
          %dma_start3A_441 = tpu.memref_squeeze %dma_start3A_440 : memref<1x128xi32, #tpu.memory_space<vmem>> -> memref<128xi32, #tpu.memory_space<vmem>>
          %dma_start3A_442 = arith.constant 0 : i32
          %dma_start3A_443 = arith.constant 0 : i32
          %dma_start3A_444 = tpu.memref_slice %arg6[%dma_start3A_442, %dma_start3A_443] : memref<1024x128xf32, #tpu.memory_space<vmem_shared>> -> memref<1024x128xf32, #tpu.memory_space<vmem_shared>>
          tpu.enqueue_indirect_dma source(%dma_start3A_438 : memref<128x128xf32, #tpu.memory_space<vmem>>) target(%dma_start3A_444 : memref<1024x128xf32, #tpu.memory_space<vmem_shared>>) offsets(%dma_start3A_441 : memref<128xi32, #tpu.memory_space<vmem>>) semaphore(%arg19 : memref<!tpu.dma_semaphore, #tpu.memory_space<semaphore_mem>>) {add = true}
          %swap3A_445 = arith.constant 1 : i32
          %swap3A_446 = arith.constant 1 : i32
          %swap3A_447 = arith.index_cast %swap3A_446 : i32 to index
          %swap3A_448 = memref.load %arg11[%swap3A_447] : memref<7xi32, #tpu.memory_space<smem>>
          memref.store %swap3A_445, %arg11[%swap3A_447] : memref<7xi32, #tpu.memory_space<smem>>
        } else {
        }
      } else {
      }
      %mul3A_356 = arith.constant 6 : i32
      %mul3A_357 = arith.muli %mul3A_356, %while3A_339 : i32
      %add3A_358 = arith.constant 2 : i32
      %add3A_359 = arith.addi %mul3A_357, %add3A_358 : i32
      %lt3A_360 = arith.cmpi slt, %add3A_359, %add3A_6 : i32
      %convert_element_type3A_361 = arith.extui %lt3A_360 : i1 to i32
      %cond3A_362 = arith.constant 0 : i32
      %cond3A_363 = arith.cmpi ne, %convert_element_type3A_361, %cond3A_362 : i32
      scf.if %cond3A_363 {
        %ge3A_388 = arith.constant 1 : i32
        %ge3A_389 = arith.cmpi sge, %add3A_359, %ge3A_388 : i32
        %convert_element_type3A_390 = arith.extui %ge3A_389 : i1 to i32
        %cond3A_391 = arith.constant 0 : i32
        %cond3A_392 = arith.cmpi ne, %convert_element_type3A_390, %cond3A_391 : i32
        scf.if %cond3A_392 {
          %sub3A_433 = arith.constant 1 : i32
          %sub3A_434 = arith.subi %add3A_359, %sub3A_433 : i32
          %get3A_435 = arith.constant 1 : i32
          %get3A_436 = arith.index_cast %get3A_435 : i32 to index
          %get3A_437 = memref.load %arg11[%get3A_436] : memref<7xi32, #tpu.memory_space<smem>>
          %eq3A_438 = arith.constant 1 : i32
          %eq3A_439 = arith.cmpi eq, %get3A_437, %eq3A_438 : i32
          %convert_element_type3A_440 = arith.extui %eq3A_439 : i1 to i32
          %cond3A_441 = arith.constant 0 : i32
          %cond3A_442 = arith.cmpi ne, %convert_element_type3A_440, %cond3A_441 : i32
          scf.if %cond3A_442 {
            %add3A_443 = arith.addi %sub3A_31, %sub3A_434 : i32
            %dma_wait3A_444 = arith.constant 1 : i32
            %dma_wait3A_445 = arith.constant 0 : i32
            %dma_wait3A_446 = arith.constant 0 : i32
            %dma_wait3A_447 = tpu.memref_slice %arg7[%dma_wait3A_444, %dma_wait3A_445, %dma_wait3A_446] : memref<6x128x128xf32, #tpu.memory_space<vmem>> -> memref<1x128x128xf32, #tpu.memory_space<vmem>>
            %dma_wait3A_448 = tpu.memref_squeeze %dma_wait3A_447 : memref<1x128x128xf32, #tpu.memory_space<vmem>> -> memref<128x128xf32, #tpu.memory_space<vmem>>
            %dma_wait3A_449 = arith.constant 0 : i32
            %dma_wait3A_450 = tpu.memref_slice %arg8[%add3A_443, %dma_wait3A_449] : memref<88x128xi32, #tpu.memory_space<vmem>> -> memref<1x128xi32, #tpu.memory_space<vmem>>
            %dma_wait3A_451 = tpu.memref_squeeze %dma_wait3A_450 : memref<1x128xi32, #tpu.memory_space<vmem>> -> memref<128xi32, #tpu.memory_space<vmem>>
            %dma_wait3A_452 = arith.constant 0 : i32
            %dma_wait3A_453 = arith.constant 0 : i32
            %dma_wait3A_454 = tpu.memref_slice %arg6[%dma_wait3A_452, %dma_wait3A_453] : memref<1024x128xf32, #tpu.memory_space<vmem_shared>> -> memref<1024x128xf32, #tpu.memory_space<vmem_shared>>
            tpu.wait_indirect_dma semaphore(%arg19 : memref<!tpu.dma_semaphore, #tpu.memory_space<semaphore_mem>>) src(%dma_wait3A_448 : memref<128x128xf32, #tpu.memory_space<vmem>>) dst(%dma_wait3A_454 : memref<1024x128xf32, #tpu.memory_space<vmem_shared>>)
          } else {
          }
        } else {
        }
        %add3A_393 = arith.constant 5 : i32
        %add3A_394 = arith.addi %add3A_359, %add3A_393 : i32
        %lt3A_395 = arith.cmpi slt, %add3A_394, %add3A_6 : i32
        %convert_element_type3A_396 = arith.extui %lt3A_395 : i1 to i32
        %cond3A_397 = arith.constant 0 : i32
        %cond3A_398 = arith.cmpi ne, %convert_element_type3A_396, %cond3A_397 : i32
        scf.if %cond3A_398 {
          %add3A_433 = arith.constant 5 : i32
          %add3A_434 = arith.addi %add3A_359, %add3A_433 : i32
          %add3A_435 = arith.addi %add3A_10, %add3A_434 : i32
          %mul3A_436 = arith.constant 128 : i32
          %mul3A_437 = arith.muli %add3A_435, %mul3A_436 : i32
          %dma_start3A_438 = arith.constant 1 : i32
          %dma_start3A_439 = arith.constant 0 : i32
          %dma_start3A_440 = arith.constant 0 : i32
          %dma_start3A_441 = tpu.memref_slice %arg7[%dma_start3A_438, %dma_start3A_439, %dma_start3A_440] : memref<6x128x128xf32, #tpu.memory_space<vmem>> -> memref<1x128x128xf32, #tpu.memory_space<vmem>>
          %dma_start3A_442 = tpu.memref_squeeze %dma_start3A_441 : memref<1x128x128xf32, #tpu.memory_space<vmem>> -> memref<128x128xf32, #tpu.memory_space<vmem>>
          %dma_start3A_443 = arith.constant 0 : i32
          %dma_start3A_444 = tpu.memref_slice %arg3[%mul3A_437, %dma_start3A_443] : memref<320000x128xf32, #tpu.memory_space<hbm>> -> memref<128x128xf32, #tpu.memory_space<hbm>>
          %dma_start3A_445 = arith.constant 0 : i32
          %dma_start3A_446 = arith.constant 0 : i32
          %dma_start3A_447 = tpu.memref_slice %arg7[%dma_start3A_438, %dma_start3A_445, %dma_start3A_446] : memref<6x128x128xf32, #tpu.memory_space<vmem>> -> memref<1x128x128xf32, #tpu.memory_space<vmem>>
          %dma_start3A_448 = tpu.memref_squeeze %dma_start3A_447 : memref<1x128x128xf32, #tpu.memory_space<vmem>> -> memref<128x128xf32, #tpu.memory_space<vmem>>
          %dma_start3A_449 = arith.constant 0 : i32
          %dma_start3A_450 = tpu.memref_slice %arg3[%mul3A_437, %dma_start3A_449] : memref<320000x128xf32, #tpu.memory_space<hbm>> -> memref<128x128xf32, #tpu.memory_space<hbm>>
          tpu.enqueue_dma source(%dma_start3A_450 : memref<128x128xf32, #tpu.memory_space<hbm>>) target(%dma_start3A_448 : memref<128x128xf32, #tpu.memory_space<vmem>>) target_semaphore(%arg13 : memref<!tpu.dma_semaphore, #tpu.memory_space<semaphore_mem>>)
        } else {
        }
        %add3A_399 = arith.addi %add3A_10, %add3A_359 : i32
        %mul3A_400 = arith.constant 128 : i32
        %mul3A_401 = arith.muli %add3A_399, %mul3A_400 : i32
        %dma_wait3A = arith.constant 2 : i32
        %dma_wait3A_402 = arith.constant 0 : i32
        %dma_wait3A_403 = arith.constant 0 : i32
        %dma_wait3A_404 = tpu.memref_slice %arg7[%dma_wait3A, %dma_wait3A_402, %dma_wait3A_403] : memref<6x128x128xf32, #tpu.memory_space<vmem>> -> memref<1x128x128xf32, #tpu.memory_space<vmem>>
        %dma_wait3A_405 = tpu.memref_squeeze %dma_wait3A_404 : memref<1x128x128xf32, #tpu.memory_space<vmem>> -> memref<128x128xf32, #tpu.memory_space<vmem>>
        %dma_wait3A_406 = arith.constant 0 : i32
        %dma_wait3A_407 = tpu.memref_slice %arg3[%mul3A_401, %dma_wait3A_406] : memref<320000x128xf32, #tpu.memory_space<hbm>> -> memref<128x128xf32, #tpu.memory_space<hbm>>
        %dma_wait3A_408 = arith.constant 0 : i32
        %dma_wait3A_409 = arith.constant 0 : i32
        %dma_wait3A_410 = tpu.memref_slice %arg7[%dma_wait3A, %dma_wait3A_408, %dma_wait3A_409] : memref<6x128x128xf32, #tpu.memory_space<vmem>> -> memref<1x128x128xf32, #tpu.memory_space<vmem>>
        %dma_wait3A_411 = tpu.memref_squeeze %dma_wait3A_410 : memref<1x128x128xf32, #tpu.memory_space<vmem>> -> memref<128x128xf32, #tpu.memory_space<vmem>>
        %dma_wait3A_412 = arith.constant 0 : i32
        %dma_wait3A_413 = tpu.memref_slice %arg3[%mul3A_401, %dma_wait3A_412] : memref<320000x128xf32, #tpu.memory_space<hbm>> -> memref<128x128xf32, #tpu.memory_space<hbm>>
        tpu.wait_dma2 semaphore(%arg14 : memref<!tpu.dma_semaphore, #tpu.memory_space<semaphore_mem>>) src(%dma_wait3A_413 : memref<128x128xf32, #tpu.memory_space<hbm>>) dst(%dma_wait3A_411 : memref<128x128xf32, #tpu.memory_space<vmem>>)
        %add3A_414 = arith.addi %sub3A_31, %add3A_359 : i32
        %get3A = arith.index_cast %add3A_414 : i32 to index
        %get3A_415 = arith.constant 0 : index
        %get3A_416 = tpu.vector_load %arg8[%get3A, %get3A_415] {strides = array<i32>} : memref<88x128xi32, #tpu.memory_space<vmem>>, vector<1x16xi32>,
        %get3A_417 = vector.shape_cast %get3A_416 : vector<1x16xi32> to vector<16xi32>
        %slice3A = vector.extract_strided_slice %get3A_417 {offsets = [0], sizes = [1], strides = [1]} : vector<16xi32> to vector<1xi32>
        %squeeze3A = vector.extract %slice3A[0] : i32 from vector<1xi32>
        %add3A_418 = arith.addi %sub3A_31, %add3A_359 : i32
        %get3A_419 = arith.index_cast %add3A_418 : i32 to index
        %get3A_420 = arith.constant 112 : index
        %get3A_421 = tpu.vector_load %arg8[%get3A_419, %get3A_420] {strides = array<i32>} : memref<88x128xi32, #tpu.memory_space<vmem>>, vector<1x16xi32>,
        %get3A_422 = vector.shape_cast %get3A_421 : vector<1x16xi32> to vector<16xi32>
        %slice3A_423 = vector.extract_strided_slice %get3A_422 {offsets = [15], sizes = [1], strides = [1]} : vector<16xi32> to vector<1xi32>
        %squeeze3A_424 = vector.extract %slice3A_423[0] : i32 from vector<1xi32>
        %eq3A_425 = arith.cmpi eq, %squeeze3A, %squeeze3A_424 : i32
        %convert_element_type3A_426 = arith.extui %eq3A_425 : i1 to i32
        %cond3A_427 = arith.constant 0 : i32
        %cond3A_428 = arith.cmpi ne, %convert_element_type3A_426, %cond3A_427 : i32
        scf.if %cond3A_428 {
          %scan3A_433 = arith.constant 0 : i32
          %scan3A_434 = arith.constant 64 : i32
          %scan3A_435 = arith.addi %scan3A_433, %scan3A_434 : i32
          %scan3A_436 = arith.constant 1 : i32
          %scan3A_437:8 = scf.for %scan3A_533 = %scan3A_433 to %scan3A_435 step %scan3A_436 iter_args(%scan3A_534 = %broadcast_in_dim3A_32, %scan3A_535 = %broadcast_in_dim3A_32, %scan3A_536 = %broadcast_in_dim3A_32, %scan3A_537 = %broadcast_in_dim3A_32, %scan3A_538 = %broadcast_in_dim3A_32, %scan3A_539 = %broadcast_in_dim3A_32, %scan3A_540 = %broadcast_in_dim3A_32, %scan3A_541 = %broadcast_in_dim3A_32) -> (vector<16xf32>, vector<16xf32>, vector<16xf32>, vector<16xf32>, vector<16xf32>, vector<16xf32>, vector<16xf32>, vector<16xf32>)  : i32 {
            %mul3A_542 = arith.constant 2 : i32
            %mul3A_543 = arith.muli %mul3A_542, %scan3A_533 : i32
            %get3A_544 = arith.constant 2 : i32
            %get3A_545 = arith.index_cast %get3A_544 : i32 to index
            %get3A_546 = arith.index_cast %mul3A_543 : i32 to index
            %get3A_547 = arith.constant 0 : index
            %get3A_548 = tpu.vector_load %arg7[%get3A_545, %get3A_546, %get3A_547] {strides = array<i32>} : memref<6x128x128xf32, #tpu.memory_space<vmem>>, vector<1x1x16xf32>,
            %get3A_549 = vector.shape_cast %get3A_548 : vector<1x1x16xf32> to vector<16xf32>
            %mul3A_550 = arith.constant 2 : i32
            %mul3A_551 = arith.muli %mul3A_550, %scan3A_533 : i32
            %add3A_552 = arith.constant 1 : i32
            %add3A_553 = arith.addi %mul3A_551, %add3A_552 : i32
            %get3A_554 = arith.constant 2 : i32
            %get3A_555 = arith.index_cast %get3A_554 : i32 to index
            %get3A_556 = arith.index_cast %add3A_553 : i32 to index
            %get3A_557 = arith.constant 0 : index
            %get3A_558 = tpu.vector_load %arg7[%get3A_555, %get3A_556, %get3A_557] {strides = array<i32>} : memref<6x128x128xf32, #tpu.memory_space<vmem>>, vector<1x1x16xf32>,
            %get3A_559 = vector.shape_cast %get3A_558 : vector<1x1x16xf32> to vector<16xf32>
            %add3A_560 = arith.addf %get3A_549, %get3A_559 : vector<16xf32>
            %add3A_561 = arith.addf %scan3A_534, %add3A_560 : vector<16xf32>
            %mul3A_562 = arith.constant 2 : i32
            %mul3A_563 = arith.muli %mul3A_562, %scan3A_533 : i32
            %get3A_564 = arith.constant 2 : i32
            %get3A_565 = arith.index_cast %get3A_564 : i32 to index
            %get3A_566 = arith.index_cast %mul3A_563 : i32 to index
            %get3A_567 = arith.constant 16 : index
            %get3A_568 = tpu.vector_load %arg7[%get3A_565, %get3A_566, %get3A_567] {strides = array<i32>} : memref<6x128x128xf32, #tpu.memory_space<vmem>>, vector<1x1x16xf32>,
            %get3A_569 = vector.shape_cast %get3A_568 : vector<1x1x16xf32> to vector<16xf32>
            %mul3A_570 = arith.constant 2 : i32
            %mul3A_571 = arith.muli %mul3A_570, %scan3A_533 : i32
            %add3A_572 = arith.constant 1 : i32
            %add3A_573 = arith.addi %mul3A_571, %add3A_572 : i32
            %get3A_574 = arith.constant 2 : i32
            %get3A_575 = arith.index_cast %get3A_574 : i32 to index
            %get3A_576 = arith.index_cast %add3A_573 : i32 to index
            %get3A_577 = arith.constant 16 : index
            %get3A_578 = tpu.vector_load %arg7[%get3A_575, %get3A_576, %get3A_577] {strides = array<i32>} : memref<6x128x128xf32, #tpu.memory_space<vmem>>, vector<1x1x16xf32>,
            %get3A_579 = vector.shape_cast %get3A_578 : vector<1x1x16xf32> to vector<16xf32>
            %add3A_580 = arith.addf %get3A_569, %get3A_579 : vector<16xf32>
            %add3A_581 = arith.addf %scan3A_535, %add3A_580 : vector<16xf32>
            %mul3A_582 = arith.constant 2 : i32
            %mul3A_583 = arith.muli %mul3A_582, %scan3A_533 : i32
            %get3A_584 = arith.constant 2 : i32
            %get3A_585 = arith.index_cast %get3A_584 : i32 to index
            %get3A_586 = arith.index_cast %mul3A_583 : i32 to index
            %get3A_587 = arith.constant 32 : index
            %get3A_588 = tpu.vector_load %arg7[%get3A_585, %get3A_586, %get3A_587] {strides = array<i32>} : memref<6x128x128xf32, #tpu.memory_space<vmem>>, vector<1x1x16xf32>,
            %get3A_589 = vector.shape_cast %get3A_588 : vector<1x1x16xf32> to vector<16xf32>
            %mul3A_590 = arith.constant 2 : i32
            %mul3A_591 = arith.muli %mul3A_590, %scan3A_533 : i32
            %add3A_592 = arith.constant 1 : i32
            %add3A_593 = arith.addi %mul3A_591, %add3A_592 : i32
            %get3A_594 = arith.constant 2 : i32
            %get3A_595 = arith.index_cast %get3A_594 : i32 to index
            %get3A_596 = arith.index_cast %add3A_593 : i32 to index
            %get3A_597 = arith.constant 32 : index
            %get3A_598 = tpu.vector_load %arg7[%get3A_595, %get3A_596, %get3A_597] {strides = array<i32>} : memref<6x128x128xf32, #tpu.memory_space<vmem>>, vector<1x1x16xf32>,
            %get3A_599 = vector.shape_cast %get3A_598 : vector<1x1x16xf32> to vector<16xf32>
            %add3A_600 = arith.addf %get3A_589, %get3A_599 : vector<16xf32>
            %add3A_601 = arith.addf %scan3A_536, %add3A_600 : vector<16xf32>
            %mul3A_602 = arith.constant 2 : i32
            %mul3A_603 = arith.muli %mul3A_602, %scan3A_533 : i32
            %get3A_604 = arith.constant 2 : i32
            %get3A_605 = arith.index_cast %get3A_604 : i32 to index
            %get3A_606 = arith.index_cast %mul3A_603 : i32 to index
            %get3A_607 = arith.constant 48 : index
            %get3A_608 = tpu.vector_load %arg7[%get3A_605, %get3A_606, %get3A_607] {strides = array<i32>} : memref<6x128x128xf32, #tpu.memory_space<vmem>>, vector<1x1x16xf32>,
            %get3A_609 = vector.shape_cast %get3A_608 : vector<1x1x16xf32> to vector<16xf32>
            %mul3A_610 = arith.constant 2 : i32
            %mul3A_611 = arith.muli %mul3A_610, %scan3A_533 : i32
            %add3A_612 = arith.constant 1 : i32
            %add3A_613 = arith.addi %mul3A_611, %add3A_612 : i32
            %get3A_614 = arith.constant 2 : i32
            %get3A_615 = arith.index_cast %get3A_614 : i32 to index
            %get3A_616 = arith.index_cast %add3A_613 : i32 to index
            %get3A_617 = arith.constant 48 : index
            %get3A_618 = tpu.vector_load %arg7[%get3A_615, %get3A_616, %get3A_617] {strides = array<i32>} : memref<6x128x128xf32, #tpu.memory_space<vmem>>, vector<1x1x16xf32>,
            %get3A_619 = vector.shape_cast %get3A_618 : vector<1x1x16xf32> to vector<16xf32>
            %add3A_620 = arith.addf %get3A_609, %get3A_619 : vector<16xf32>
            %add3A_621 = arith.addf %scan3A_537, %add3A_620 : vector<16xf32>
            %mul3A_622 = arith.constant 2 : i32
            %mul3A_623 = arith.muli %mul3A_622, %scan3A_533 : i32
            %get3A_624 = arith.constant 2 : i32
            %get3A_625 = arith.index_cast %get3A_624 : i32 to index
            %get3A_626 = arith.index_cast %mul3A_623 : i32 to index
            %get3A_627 = arith.constant 64 : index
            %get3A_628 = tpu.vector_load %arg7[%get3A_625, %get3A_626, %get3A_627] {strides = array<i32>} : memref<6x128x128xf32, #tpu.memory_space<vmem>>, vector<1x1x16xf32>,
            %get3A_629 = vector.shape_cast %get3A_628 : vector<1x1x16xf32> to vector<16xf32>
            %mul3A_630 = arith.constant 2 : i32
            %mul3A_631 = arith.muli %mul3A_630, %scan3A_533 : i32
            %add3A_632 = arith.constant 1 : i32
            %add3A_633 = arith.addi %mul3A_631, %add3A_632 : i32
            %get3A_634 = arith.constant 2 : i32
            %get3A_635 = arith.index_cast %get3A_634 : i32 to index
            %get3A_636 = arith.index_cast %add3A_633 : i32 to index
            %get3A_637 = arith.constant 64 : index
            %get3A_638 = tpu.vector_load %arg7[%get3A_635, %get3A_636, %get3A_637] {strides = array<i32>} : memref<6x128x128xf32, #tpu.memory_space<vmem>>, vector<1x1x16xf32>,
            %get3A_639 = vector.shape_cast %get3A_638 : vector<1x1x16xf32> to vector<16xf32>
            %add3A_640 = arith.addf %get3A_629, %get3A_639 : vector<16xf32>
            %add3A_641 = arith.addf %scan3A_538, %add3A_640 : vector<16xf32>
            %mul3A_642 = arith.constant 2 : i32
            %mul3A_643 = arith.muli %mul3A_642, %scan3A_533 : i32
            %get3A_644 = arith.constant 2 : i32
            %get3A_645 = arith.index_cast %get3A_644 : i32 to index
            %get3A_646 = arith.index_cast %mul3A_643 : i32 to index
            %get3A_647 = arith.constant 80 : index
            %get3A_648 = tpu.vector_load %arg7[%get3A_645, %get3A_646, %get3A_647] {strides = array<i32>} : memref<6x128x128xf32, #tpu.memory_space<vmem>>, vector<1x1x16xf32>,
            %get3A_649 = vector.shape_cast %get3A_648 : vector<1x1x16xf32> to vector<16xf32>
            %mul3A_650 = arith.constant 2 : i32
            %mul3A_651 = arith.muli %mul3A_650, %scan3A_533 : i32
            %add3A_652 = arith.constant 1 : i32
            %add3A_653 = arith.addi %mul3A_651, %add3A_652 : i32
            %get3A_654 = arith.constant 2 : i32
            %get3A_655 = arith.index_cast %get3A_654 : i32 to index
            %get3A_656 = arith.index_cast %add3A_653 : i32 to index
            %get3A_657 = arith.constant 80 : index
            %get3A_658 = tpu.vector_load %arg7[%get3A_655, %get3A_656, %get3A_657] {strides = array<i32>} : memref<6x128x128xf32, #tpu.memory_space<vmem>>, vector<1x1x16xf32>,
            %get3A_659 = vector.shape_cast %get3A_658 : vector<1x1x16xf32> to vector<16xf32>
            %add3A_660 = arith.addf %get3A_649, %get3A_659 : vector<16xf32>
            %add3A_661 = arith.addf %scan3A_539, %add3A_660 : vector<16xf32>
            %mul3A_662 = arith.constant 2 : i32
            %mul3A_663 = arith.muli %mul3A_662, %scan3A_533 : i32
            %get3A_664 = arith.constant 2 : i32
            %get3A_665 = arith.index_cast %get3A_664 : i32 to index
            %get3A_666 = arith.index_cast %mul3A_663 : i32 to index
            %get3A_667 = arith.constant 96 : index
            %get3A_668 = tpu.vector_load %arg7[%get3A_665, %get3A_666, %get3A_667] {strides = array<i32>} : memref<6x128x128xf32, #tpu.memory_space<vmem>>, vector<1x1x16xf32>,
            %get3A_669 = vector.shape_cast %get3A_668 : vector<1x1x16xf32> to vector<16xf32>
            %mul3A_670 = arith.constant 2 : i32
            %mul3A_671 = arith.muli %mul3A_670, %scan3A_533 : i32
            %add3A_672 = arith.constant 1 : i32
            %add3A_673 = arith.addi %mul3A_671, %add3A_672 : i32
            %get3A_674 = arith.constant 2 : i32
            %get3A_675 = arith.index_cast %get3A_674 : i32 to index
            %get3A_676 = arith.index_cast %add3A_673 : i32 to index
            %get3A_677 = arith.constant 96 : index
            %get3A_678 = tpu.vector_load %arg7[%get3A_675, %get3A_676, %get3A_677] {strides = array<i32>} : memref<6x128x128xf32, #tpu.memory_space<vmem>>, vector<1x1x16xf32>,
            %get3A_679 = vector.shape_cast %get3A_678 : vector<1x1x16xf32> to vector<16xf32>
            %add3A_680 = arith.addf %get3A_669, %get3A_679 : vector<16xf32>
            %add3A_681 = arith.addf %scan3A_540, %add3A_680 : vector<16xf32>
            %mul3A_682 = arith.constant 2 : i32
            %mul3A_683 = arith.muli %mul3A_682, %scan3A_533 : i32
            %get3A_684 = arith.constant 2 : i32
            %get3A_685 = arith.index_cast %get3A_684 : i32 to index
            %get3A_686 = arith.index_cast %mul3A_683 : i32 to index
            %get3A_687 = arith.constant 112 : index
            %get3A_688 = tpu.vector_load %arg7[%get3A_685, %get3A_686, %get3A_687] {strides = array<i32>} : memref<6x128x128xf32, #tpu.memory_space<vmem>>, vector<1x1x16xf32>,
            %get3A_689 = vector.shape_cast %get3A_688 : vector<1x1x16xf32> to vector<16xf32>
            %mul3A_690 = arith.constant 2 : i32
            %mul3A_691 = arith.muli %mul3A_690, %scan3A_533 : i32
            %add3A_692 = arith.constant 1 : i32
            %add3A_693 = arith.addi %mul3A_691, %add3A_692 : i32
            %get3A_694 = arith.constant 2 : i32
            %get3A_695 = arith.index_cast %get3A_694 : i32 to index
            %get3A_696 = arith.index_cast %add3A_693 : i32 to index
            %get3A_697 = arith.constant 112 : index
            %get3A_698 = tpu.vector_load %arg7[%get3A_695, %get3A_696, %get3A_697] {strides = array<i32>} : memref<6x128x128xf32, #tpu.memory_space<vmem>>, vector<1x1x16xf32>,
            %get3A_699 = vector.shape_cast %get3A_698 : vector<1x1x16xf32> to vector<16xf32>
            %add3A_700 = arith.addf %get3A_689, %get3A_699 : vector<16xf32>
            %add3A_701 = arith.addf %scan3A_541, %add3A_700 : vector<16xf32>
            scf.yield %add3A_561, %add3A_581, %add3A_601, %add3A_621, %add3A_641, %add3A_661, %add3A_681, %add3A_701 : vector<16xf32>, vector<16xf32>, vector<16xf32>, vector<16xf32>, vector<16xf32>, vector<16xf32>, vector<16xf32>, vector<16xf32>
          }
          %scan3A_438 = arith.constant 64 : i32
          %get3A_439 = arith.constant 6 : i32
          %get3A_440 = arith.index_cast %get3A_439 : i32 to index
          %get3A_441 = memref.load %arg11[%get3A_440] : memref<7xi32, #tpu.memory_space<smem>>
          %swap3A_442 = arith.index_cast %get3A_441 : i32 to index
          %swap3A_443 = arith.constant 0 : index
          %swap3A_444 = tpu.vector_load %arg9[%swap3A_442, %swap3A_443] {strides = array<i32>} : memref<80x128xf32, #tpu.memory_space<vmem>>, vector<1x16xf32>,
          %swap3A_445 = vector.shape_cast %swap3A_444 : vector<1x16xf32> to vector<16xf32>
          %swap3A_446 = vector.shape_cast %scan3A_437#0 : vector<16xf32> to vector<1x16xf32>
          tpu.vector_store %arg9[%swap3A_442, %swap3A_443], %swap3A_446 {strides = array<i32>} : memref<80x128xf32, #tpu.memory_space<vmem>>, vector<1x16xf32>,
          %swap3A_447 = arith.index_cast %get3A_441 : i32 to index
          %swap3A_448 = arith.constant 16 : index
          %swap3A_449 = tpu.vector_load %arg9[%swap3A_447, %swap3A_448] {strides = array<i32>} : memref<80x128xf32, #tpu.memory_space<vmem>>, vector<1x16xf32>,
          %swap3A_450 = vector.shape_cast %swap3A_449 : vector<1x16xf32> to vector<16xf32>
          %swap3A_451 = vector.shape_cast %scan3A_437#1 : vector<16xf32> to vector<1x16xf32>
          tpu.vector_store %arg9[%swap3A_447, %swap3A_448], %swap3A_451 {strides = array<i32>} : memref<80x128xf32, #tpu.memory_space<vmem>>, vector<1x16xf32>,
          %swap3A_452 = arith.index_cast %get3A_441 : i32 to index
          %swap3A_453 = arith.constant 32 : index
          %swap3A_454 = tpu.vector_load %arg9[%swap3A_452, %swap3A_453] {strides = array<i32>} : memref<80x128xf32, #tpu.memory_space<vmem>>, vector<1x16xf32>,
          %swap3A_455 = vector.shape_cast %swap3A_454 : vector<1x16xf32> to vector<16xf32>
          %swap3A_456 = vector.shape_cast %scan3A_437#2 : vector<16xf32> to vector<1x16xf32>
          tpu.vector_store %arg9[%swap3A_452, %swap3A_453], %swap3A_456 {strides = array<i32>} : memref<80x128xf32, #tpu.memory_space<vmem>>, vector<1x16xf32>,
          %swap3A_457 = arith.index_cast %get3A_441 : i32 to index
          %swap3A_458 = arith.constant 48 : index
          %swap3A_459 = tpu.vector_load %arg9[%swap3A_457, %swap3A_458] {strides = array<i32>} : memref<80x128xf32, #tpu.memory_space<vmem>>, vector<1x16xf32>,
          %swap3A_460 = vector.shape_cast %swap3A_459 : vector<1x16xf32> to vector<16xf32>
          %swap3A_461 = vector.shape_cast %scan3A_437#3 : vector<16xf32> to vector<1x16xf32>
          tpu.vector_store %arg9[%swap3A_457, %swap3A_458], %swap3A_461 {strides = array<i32>} : memref<80x128xf32, #tpu.memory_space<vmem>>, vector<1x16xf32>,
          %swap3A_462 = arith.index_cast %get3A_441 : i32 to index
          %swap3A_463 = arith.constant 64 : index
          %swap3A_464 = tpu.vector_load %arg9[%swap3A_462, %swap3A_463] {strides = array<i32>} : memref<80x128xf32, #tpu.memory_space<vmem>>, vector<1x16xf32>,
          %swap3A_465 = vector.shape_cast %swap3A_464 : vector<1x16xf32> to vector<16xf32>
          %swap3A_466 = vector.shape_cast %scan3A_437#4 : vector<16xf32> to vector<1x16xf32>
          tpu.vector_store %arg9[%swap3A_462, %swap3A_463], %swap3A_466 {strides = array<i32>} : memref<80x128xf32, #tpu.memory_space<vmem>>, vector<1x16xf32>,
          %swap3A_467 = arith.index_cast %get3A_441 : i32 to index
          %swap3A_468 = arith.constant 80 : index
          %swap3A_469 = tpu.vector_load %arg9[%swap3A_467, %swap3A_468] {strides = array<i32>} : memref<80x128xf32, #tpu.memory_space<vmem>>, vector<1x16xf32>,
          %swap3A_470 = vector.shape_cast %swap3A_469 : vector<1x16xf32> to vector<16xf32>
          %swap3A_471 = vector.shape_cast %scan3A_437#5 : vector<16xf32> to vector<1x16xf32>
          tpu.vector_store %arg9[%swap3A_467, %swap3A_468], %swap3A_471 {strides = array<i32>} : memref<80x128xf32, #tpu.memory_space<vmem>>, vector<1x16xf32>,
          %swap3A_472 = arith.index_cast %get3A_441 : i32 to index
          %swap3A_473 = arith.constant 96 : index
          %swap3A_474 = tpu.vector_load %arg9[%swap3A_472, %swap3A_473] {strides = array<i32>} : memref<80x128xf32, #tpu.memory_space<vmem>>, vector<1x16xf32>,
          %swap3A_475 = vector.shape_cast %swap3A_474 : vector<1x16xf32> to vector<16xf32>
          %swap3A_476 = vector.shape_cast %scan3A_437#6 : vector<16xf32> to vector<1x16xf32>
          tpu.vector_store %arg9[%swap3A_472, %swap3A_473], %swap3A_476 {strides = array<i32>} : memref<80x128xf32, #tpu.memory_space<vmem>>, vector<1x16xf32>,
          %swap3A_477 = arith.index_cast %get3A_441 : i32 to index
          %swap3A_478 = arith.constant 112 : index
          %swap3A_479 = tpu.vector_load %arg9[%swap3A_477, %swap3A_478] {strides = array<i32>} : memref<80x128xf32, #tpu.memory_space<vmem>>, vector<1x16xf32>,
          %swap3A_480 = vector.shape_cast %swap3A_479 : vector<1x16xf32> to vector<16xf32>
          %swap3A_481 = vector.shape_cast %scan3A_437#7 : vector<16xf32> to vector<1x16xf32>
          tpu.vector_store %arg9[%swap3A_477, %swap3A_478], %swap3A_481 {strides = array<i32>} : memref<80x128xf32, #tpu.memory_space<vmem>>, vector<1x16xf32>,
          %jit3A_482 = arith.constant 16 : i32
          %div3A_483 = arith.divsi %get3A_441, %jit3A_482 : i32
          %sign3A_484 = arith.constant 0 : i32
          %sign3A_485 = arith.cmpi sgt, %get3A_441, %sign3A_484 : i32
          %sign3A_486 = arith.extui %sign3A_485 : i1 to i32
          %sign3A_487 = arith.constant 0 : i32
          %sign3A_488 = arith.cmpi slt, %get3A_441, %sign3A_487 : i32
          %sign3A_489 = arith.extui %sign3A_488 : i1 to i32
          %sign3A_490 = arith.subi %sign3A_486, %sign3A_489 : i32
          %sign3A_491 = arith.constant 0 : i32
          %sign3A_492 = arith.cmpi sgt, %jit3A_482, %sign3A_491 : i32
          %sign3A_493 = arith.extui %sign3A_492 : i1 to i32
          %sign3A_494 = arith.constant 0 : i32
          %sign3A_495 = arith.cmpi slt, %jit3A_482, %sign3A_494 : i32
          %sign3A_496 = arith.extui %sign3A_495 : i1 to i32
          %sign3A_497 = arith.subi %sign3A_493, %sign3A_496 : i32
          %ne3A_498 = arith.cmpi ne, %sign3A_490, %sign3A_497 : i32
          %rem3A_499 = arith.remsi %get3A_441, %jit3A_482 : i32
          %ne3A_500 = arith.constant 0 : i32
          %ne3A_501 = arith.cmpi ne, %rem3A_499, %ne3A_500 : i32
          %and3A_502 = arith.andi %ne3A_498, %ne3A_501 : i1
          %sub3A_503 = arith.constant 1 : i32
          %sub3A_504 = arith.subi %div3A_483, %sub3A_503 : i32
          %select_n3A_505 = arith.select %and3A_502, %sub3A_504, %div3A_483 : i32
          %mul3A_506 = arith.constant 16 : i32
          %mul3A_507 = arith.muli %select_n3A_505, %mul3A_506 : i32
          %sub3A_508 = arith.subi %get3A_441, %mul3A_507 : i32
          %get3A_509 = arith.constant 0 : i32
          %get3A_510 = arith.index_cast %get3A_509 : i32 to index
          %get3A_511 = arith.index_cast %mul3A_507 : i32 to index
          %get3A_512 = tpu.vector_load %arg10[%get3A_510, %get3A_511] {strides = array<i32>} : memref<8x80xi32, #tpu.memory_space<vmem>>, vector<1x16xi32>,
          %get3A_513 = vector.shape_cast %get3A_512 : vector<1x16xi32> to vector<16xi32>
          %iota3A = tpu.iota {dimensions = array<i32: 0>} : vector<16xi32>
          %eq3A_514 = vector.broadcast %sub3A_508 : i32 to vector<16xi32>
          %eq3A_515 = arith.cmpi eq, %iota3A, %eq3A_514 : vector<16xi32>
          %broadcast_in_dim3A_516 = vector.broadcast %squeeze3A : i32 to vector<16xi32>
          %select_n3A_517 = arith.select %eq3A_515, %broadcast_in_dim3A_516, %get3A_513 : vector<16xi1>, vector<16xi32>
          %swap3A_518 = arith.constant 0 : i32
          %swap3A_519 = arith.index_cast %swap3A_518 : i32 to index
          %swap3A_520 = arith.index_cast %mul3A_507 : i32 to index
          %swap3A_521 = tpu.vector_load %arg10[%swap3A_519, %swap3A_520] {strides = array<i32>} : memref<8x80xi32, #tpu.memory_space<vmem>>, vector<1x16xi32>,
          %swap3A_522 = vector.shape_cast %swap3A_521 : vector<1x16xi32> to vector<16xi32>
          %swap3A_523 = vector.shape_cast %select_n3A_517 : vector<16xi32> to vector<1x16xi32>
          tpu.vector_store %arg10[%swap3A_519, %swap3A_520], %swap3A_523 {strides = array<i32>} : memref<8x80xi32, #tpu.memory_space<vmem>>, vector<1x16xi32>,
          %add3A_524 = arith.constant 1 : i32
          %add3A_525 = arith.addi %get3A_441, %add3A_524 : i32
          %swap3A_526 = arith.constant 6 : i32
          %swap3A_527 = arith.index_cast %swap3A_526 : i32 to index
          %swap3A_528 = memref.load %arg11[%swap3A_527] : memref<7xi32, #tpu.memory_space<smem>>
          memref.store %add3A_525, %arg11[%swap3A_527] : memref<7xi32, #tpu.memory_space<smem>>
          %swap3A_529 = arith.constant 0 : i32
          %swap3A_530 = arith.constant 2 : i32
          %swap3A_531 = arith.index_cast %swap3A_530 : i32 to index
          %swap3A_532 = memref.load %arg11[%swap3A_531] : memref<7xi32, #tpu.memory_space<smem>>
          memref.store %swap3A_529, %arg11[%swap3A_531] : memref<7xi32, #tpu.memory_space<smem>>
        } else {
        }
        %ne3A_429 = arith.cmpi ne, %squeeze3A, %squeeze3A_424 : i32
        %convert_element_type3A_430 = arith.extui %ne3A_429 : i1 to i32
        %cond3A_431 = arith.constant 0 : i32
        %cond3A_432 = arith.cmpi ne, %convert_element_type3A_430, %cond3A_431 : i32
        scf.if %cond3A_432 {
          %add3A_433 = arith.addi %sub3A_31, %add3A_359 : i32
          %dma_start3A_434 = arith.constant 2 : i32
          %dma_start3A_435 = arith.constant 0 : i32
          %dma_start3A_436 = arith.constant 0 : i32
          %dma_start3A_437 = tpu.memref_slice %arg7[%dma_start3A_434, %dma_start3A_435, %dma_start3A_436] : memref<6x128x128xf32, #tpu.memory_space<vmem>> -> memref<1x128x128xf32, #tpu.memory_space<vmem>>
          %dma_start3A_438 = tpu.memref_squeeze %dma_start3A_437 : memref<1x128x128xf32, #tpu.memory_space<vmem>> -> memref<128x128xf32, #tpu.memory_space<vmem>>
          %dma_start3A_439 = arith.constant 0 : i32
          %dma_start3A_440 = tpu.memref_slice %arg8[%add3A_433, %dma_start3A_439] : memref<88x128xi32, #tpu.memory_space<vmem>> -> memref<1x128xi32, #tpu.memory_space<vmem>>
          %dma_start3A_441 = tpu.memref_squeeze %dma_start3A_440 : memref<1x128xi32, #tpu.memory_space<vmem>> -> memref<128xi32, #tpu.memory_space<vmem>>
          %dma_start3A_442 = arith.constant 0 : i32
          %dma_start3A_443 = arith.constant 0 : i32
          %dma_start3A_444 = tpu.memref_slice %arg6[%dma_start3A_442, %dma_start3A_443] : memref<1024x128xf32, #tpu.memory_space<vmem_shared>> -> memref<1024x128xf32, #tpu.memory_space<vmem_shared>>
          tpu.enqueue_indirect_dma source(%dma_start3A_438 : memref<128x128xf32, #tpu.memory_space<vmem>>) target(%dma_start3A_444 : memref<1024x128xf32, #tpu.memory_space<vmem_shared>>) offsets(%dma_start3A_441 : memref<128xi32, #tpu.memory_space<vmem>>) semaphore(%arg20 : memref<!tpu.dma_semaphore, #tpu.memory_space<semaphore_mem>>) {add = true}
          %swap3A_445 = arith.constant 1 : i32
          %swap3A_446 = arith.constant 2 : i32
          %swap3A_447 = arith.index_cast %swap3A_446 : i32 to index
          %swap3A_448 = memref.load %arg11[%swap3A_447] : memref<7xi32, #tpu.memory_space<smem>>
          memref.store %swap3A_445, %arg11[%swap3A_447] : memref<7xi32, #tpu.memory_space<smem>>
        } else {
        }
      } else {
      }
      %mul3A_364 = arith.constant 6 : i32
      %mul3A_365 = arith.muli %mul3A_364, %while3A_339 : i32
      %add3A_366 = arith.constant 3 : i32
      %add3A_367 = arith.addi %mul3A_365, %add3A_366 : i32
      %lt3A_368 = arith.cmpi slt, %add3A_367, %add3A_6 : i32
      %convert_element_type3A_369 = arith.extui %lt3A_368 : i1 to i32
      %cond3A_370 = arith.constant 0 : i32
      %cond3A_371 = arith.cmpi ne, %convert_element_type3A_369, %cond3A_370 : i32
      scf.if %cond3A_371 {
        %ge3A_388 = arith.constant 1 : i32
        %ge3A_389 = arith.cmpi sge, %add3A_367, %ge3A_388 : i32
        %convert_element_type3A_390 = arith.extui %ge3A_389 : i1 to i32
        %cond3A_391 = arith.constant 0 : i32
        %cond3A_392 = arith.cmpi ne, %convert_element_type3A_390, %cond3A_391 : i32
        scf.if %cond3A_392 {
          %sub3A_433 = arith.constant 1 : i32
          %sub3A_434 = arith.subi %add3A_367, %sub3A_433 : i32
          %get3A_435 = arith.constant 2 : i32
          %get3A_436 = arith.index_cast %get3A_435 : i32 to index
          %get3A_437 = memref.load %arg11[%get3A_436] : memref<7xi32, #tpu.memory_space<smem>>
          %eq3A_438 = arith.constant 1 : i32
          %eq3A_439 = arith.cmpi eq, %get3A_437, %eq3A_438 : i32
          %convert_element_type3A_440 = arith.extui %eq3A_439 : i1 to i32
          %cond3A_441 = arith.constant 0 : i32
          %cond3A_442 = arith.cmpi ne, %convert_element_type3A_440, %cond3A_441 : i32
          scf.if %cond3A_442 {
            %add3A_443 = arith.addi %sub3A_31, %sub3A_434 : i32
            %dma_wait3A_444 = arith.constant 2 : i32
            %dma_wait3A_445 = arith.constant 0 : i32
            %dma_wait3A_446 = arith.constant 0 : i32
            %dma_wait3A_447 = tpu.memref_slice %arg7[%dma_wait3A_444, %dma_wait3A_445, %dma_wait3A_446] : memref<6x128x128xf32, #tpu.memory_space<vmem>> -> memref<1x128x128xf32, #tpu.memory_space<vmem>>
            %dma_wait3A_448 = tpu.memref_squeeze %dma_wait3A_447 : memref<1x128x128xf32, #tpu.memory_space<vmem>> -> memref<128x128xf32, #tpu.memory_space<vmem>>
            %dma_wait3A_449 = arith.constant 0 : i32
            %dma_wait3A_450 = tpu.memref_slice %arg8[%add3A_443, %dma_wait3A_449] : memref<88x128xi32, #tpu.memory_space<vmem>> -> memref<1x128xi32, #tpu.memory_space<vmem>>
            %dma_wait3A_451 = tpu.memref_squeeze %dma_wait3A_450 : memref<1x128xi32, #tpu.memory_space<vmem>> -> memref<128xi32, #tpu.memory_space<vmem>>
            %dma_wait3A_452 = arith.constant 0 : i32
            %dma_wait3A_453 = arith.constant 0 : i32
            %dma_wait3A_454 = tpu.memref_slice %arg6[%dma_wait3A_452, %dma_wait3A_453] : memref<1024x128xf32, #tpu.memory_space<vmem_shared>> -> memref<1024x128xf32, #tpu.memory_space<vmem_shared>>
            tpu.wait_indirect_dma semaphore(%arg20 : memref<!tpu.dma_semaphore, #tpu.memory_space<semaphore_mem>>) src(%dma_wait3A_448 : memref<128x128xf32, #tpu.memory_space<vmem>>) dst(%dma_wait3A_454 : memref<1024x128xf32, #tpu.memory_space<vmem_shared>>)
          } else {
          }
        } else {
        }
        %add3A_393 = arith.constant 5 : i32
        %add3A_394 = arith.addi %add3A_367, %add3A_393 : i32
        %lt3A_395 = arith.cmpi slt, %add3A_394, %add3A_6 : i32
        %convert_element_type3A_396 = arith.extui %lt3A_395 : i1 to i32
        %cond3A_397 = arith.constant 0 : i32
        %cond3A_398 = arith.cmpi ne, %convert_element_type3A_396, %cond3A_397 : i32
        scf.if %cond3A_398 {
          %add3A_433 = arith.constant 5 : i32
          %add3A_434 = arith.addi %add3A_367, %add3A_433 : i32
          %add3A_435 = arith.addi %add3A_10, %add3A_434 : i32
          %mul3A_436 = arith.constant 128 : i32
          %mul3A_437 = arith.muli %add3A_435, %mul3A_436 : i32
          %dma_start3A_438 = arith.constant 2 : i32
          %dma_start3A_439 = arith.constant 0 : i32
          %dma_start3A_440 = arith.constant 0 : i32
          %dma_start3A_441 = tpu.memref_slice %arg7[%dma_start3A_438, %dma_start3A_439, %dma_start3A_440] : memref<6x128x128xf32, #tpu.memory_space<vmem>> -> memref<1x128x128xf32, #tpu.memory_space<vmem>>
          %dma_start3A_442 = tpu.memref_squeeze %dma_start3A_441 : memref<1x128x128xf32, #tpu.memory_space<vmem>> -> memref<128x128xf32, #tpu.memory_space<vmem>>
          %dma_start3A_443 = arith.constant 0 : i32
          %dma_start3A_444 = tpu.memref_slice %arg3[%mul3A_437, %dma_start3A_443] : memref<320000x128xf32, #tpu.memory_space<hbm>> -> memref<128x128xf32, #tpu.memory_space<hbm>>
          %dma_start3A_445 = arith.constant 0 : i32
          %dma_start3A_446 = arith.constant 0 : i32
          %dma_start3A_447 = tpu.memref_slice %arg7[%dma_start3A_438, %dma_start3A_445, %dma_start3A_446] : memref<6x128x128xf32, #tpu.memory_space<vmem>> -> memref<1x128x128xf32, #tpu.memory_space<vmem>>
          %dma_start3A_448 = tpu.memref_squeeze %dma_start3A_447 : memref<1x128x128xf32, #tpu.memory_space<vmem>> -> memref<128x128xf32, #tpu.memory_space<vmem>>
          %dma_start3A_449 = arith.constant 0 : i32
          %dma_start3A_450 = tpu.memref_slice %arg3[%mul3A_437, %dma_start3A_449] : memref<320000x128xf32, #tpu.memory_space<hbm>> -> memref<128x128xf32, #tpu.memory_space<hbm>>
          tpu.enqueue_dma source(%dma_start3A_450 : memref<128x128xf32, #tpu.memory_space<hbm>>) target(%dma_start3A_448 : memref<128x128xf32, #tpu.memory_space<vmem>>) target_semaphore(%arg14 : memref<!tpu.dma_semaphore, #tpu.memory_space<semaphore_mem>>)
        } else {
        }
        %add3A_399 = arith.addi %add3A_10, %add3A_367 : i32
        %mul3A_400 = arith.constant 128 : i32
        %mul3A_401 = arith.muli %add3A_399, %mul3A_400 : i32
        %dma_wait3A = arith.constant 3 : i32
        %dma_wait3A_402 = arith.constant 0 : i32
        %dma_wait3A_403 = arith.constant 0 : i32
        %dma_wait3A_404 = tpu.memref_slice %arg7[%dma_wait3A, %dma_wait3A_402, %dma_wait3A_403] : memref<6x128x128xf32, #tpu.memory_space<vmem>> -> memref<1x128x128xf32, #tpu.memory_space<vmem>>
        %dma_wait3A_405 = tpu.memref_squeeze %dma_wait3A_404 : memref<1x128x128xf32, #tpu.memory_space<vmem>> -> memref<128x128xf32, #tpu.memory_space<vmem>>
        %dma_wait3A_406 = arith.constant 0 : i32
        %dma_wait3A_407 = tpu.memref_slice %arg3[%mul3A_401, %dma_wait3A_406] : memref<320000x128xf32, #tpu.memory_space<hbm>> -> memref<128x128xf32, #tpu.memory_space<hbm>>
        %dma_wait3A_408 = arith.constant 0 : i32
        %dma_wait3A_409 = arith.constant 0 : i32
        %dma_wait3A_410 = tpu.memref_slice %arg7[%dma_wait3A, %dma_wait3A_408, %dma_wait3A_409] : memref<6x128x128xf32, #tpu.memory_space<vmem>> -> memref<1x128x128xf32, #tpu.memory_space<vmem>>
        %dma_wait3A_411 = tpu.memref_squeeze %dma_wait3A_410 : memref<1x128x128xf32, #tpu.memory_space<vmem>> -> memref<128x128xf32, #tpu.memory_space<vmem>>
        %dma_wait3A_412 = arith.constant 0 : i32
        %dma_wait3A_413 = tpu.memref_slice %arg3[%mul3A_401, %dma_wait3A_412] : memref<320000x128xf32, #tpu.memory_space<hbm>> -> memref<128x128xf32, #tpu.memory_space<hbm>>
        tpu.wait_dma2 semaphore(%arg15 : memref<!tpu.dma_semaphore, #tpu.memory_space<semaphore_mem>>) src(%dma_wait3A_413 : memref<128x128xf32, #tpu.memory_space<hbm>>) dst(%dma_wait3A_411 : memref<128x128xf32, #tpu.memory_space<vmem>>)
        %add3A_414 = arith.addi %sub3A_31, %add3A_367 : i32
        %get3A = arith.index_cast %add3A_414 : i32 to index
        %get3A_415 = arith.constant 0 : index
        %get3A_416 = tpu.vector_load %arg8[%get3A, %get3A_415] {strides = array<i32>} : memref<88x128xi32, #tpu.memory_space<vmem>>, vector<1x16xi32>,
        %get3A_417 = vector.shape_cast %get3A_416 : vector<1x16xi32> to vector<16xi32>
        %slice3A = vector.extract_strided_slice %get3A_417 {offsets = [0], sizes = [1], strides = [1]} : vector<16xi32> to vector<1xi32>
        %squeeze3A = vector.extract %slice3A[0] : i32 from vector<1xi32>
        %add3A_418 = arith.addi %sub3A_31, %add3A_367 : i32
        %get3A_419 = arith.index_cast %add3A_418 : i32 to index
        %get3A_420 = arith.constant 112 : index
        %get3A_421 = tpu.vector_load %arg8[%get3A_419, %get3A_420] {strides = array<i32>} : memref<88x128xi32, #tpu.memory_space<vmem>>, vector<1x16xi32>,
        %get3A_422 = vector.shape_cast %get3A_421 : vector<1x16xi32> to vector<16xi32>
        %slice3A_423 = vector.extract_strided_slice %get3A_422 {offsets = [15], sizes = [1], strides = [1]} : vector<16xi32> to vector<1xi32>
        %squeeze3A_424 = vector.extract %slice3A_423[0] : i32 from vector<1xi32>
        %eq3A_425 = arith.cmpi eq, %squeeze3A, %squeeze3A_424 : i32
        %convert_element_type3A_426 = arith.extui %eq3A_425 : i1 to i32
        %cond3A_427 = arith.constant 0 : i32
        %cond3A_428 = arith.cmpi ne, %convert_element_type3A_426, %cond3A_427 : i32
        scf.if %cond3A_428 {
          %scan3A_433 = arith.constant 0 : i32
          %scan3A_434 = arith.constant 64 : i32
          %scan3A_435 = arith.addi %scan3A_433, %scan3A_434 : i32
          %scan3A_436 = arith.constant 1 : i32
          %scan3A_437:8 = scf.for %scan3A_533 = %scan3A_433 to %scan3A_435 step %scan3A_436 iter_args(%scan3A_534 = %broadcast_in_dim3A_32, %scan3A_535 = %broadcast_in_dim3A_32, %scan3A_536 = %broadcast_in_dim3A_32, %scan3A_537 = %broadcast_in_dim3A_32, %scan3A_538 = %broadcast_in_dim3A_32, %scan3A_539 = %broadcast_in_dim3A_32, %scan3A_540 = %broadcast_in_dim3A_32, %scan3A_541 = %broadcast_in_dim3A_32) -> (vector<16xf32>, vector<16xf32>, vector<16xf32>, vector<16xf32>, vector<16xf32>, vector<16xf32>, vector<16xf32>, vector<16xf32>)  : i32 {
            %mul3A_542 = arith.constant 2 : i32
            %mul3A_543 = arith.muli %mul3A_542, %scan3A_533 : i32
            %get3A_544 = arith.constant 3 : i32
            %get3A_545 = arith.index_cast %get3A_544 : i32 to index
            %get3A_546 = arith.index_cast %mul3A_543 : i32 to index
            %get3A_547 = arith.constant 0 : index
            %get3A_548 = tpu.vector_load %arg7[%get3A_545, %get3A_546, %get3A_547] {strides = array<i32>} : memref<6x128x128xf32, #tpu.memory_space<vmem>>, vector<1x1x16xf32>,
            %get3A_549 = vector.shape_cast %get3A_548 : vector<1x1x16xf32> to vector<16xf32>
            %mul3A_550 = arith.constant 2 : i32
            %mul3A_551 = arith.muli %mul3A_550, %scan3A_533 : i32
            %add3A_552 = arith.constant 1 : i32
            %add3A_553 = arith.addi %mul3A_551, %add3A_552 : i32
            %get3A_554 = arith.constant 3 : i32
            %get3A_555 = arith.index_cast %get3A_554 : i32 to index
            %get3A_556 = arith.index_cast %add3A_553 : i32 to index
            %get3A_557 = arith.constant 0 : index
            %get3A_558 = tpu.vector_load %arg7[%get3A_555, %get3A_556, %get3A_557] {strides = array<i32>} : memref<6x128x128xf32, #tpu.memory_space<vmem>>, vector<1x1x16xf32>,
            %get3A_559 = vector.shape_cast %get3A_558 : vector<1x1x16xf32> to vector<16xf32>
            %add3A_560 = arith.addf %get3A_549, %get3A_559 : vector<16xf32>
            %add3A_561 = arith.addf %scan3A_534, %add3A_560 : vector<16xf32>
            %mul3A_562 = arith.constant 2 : i32
            %mul3A_563 = arith.muli %mul3A_562, %scan3A_533 : i32
            %get3A_564 = arith.constant 3 : i32
            %get3A_565 = arith.index_cast %get3A_564 : i32 to index
            %get3A_566 = arith.index_cast %mul3A_563 : i32 to index
            %get3A_567 = arith.constant 16 : index
            %get3A_568 = tpu.vector_load %arg7[%get3A_565, %get3A_566, %get3A_567] {strides = array<i32>} : memref<6x128x128xf32, #tpu.memory_space<vmem>>, vector<1x1x16xf32>,
            %get3A_569 = vector.shape_cast %get3A_568 : vector<1x1x16xf32> to vector<16xf32>
            %mul3A_570 = arith.constant 2 : i32
            %mul3A_571 = arith.muli %mul3A_570, %scan3A_533 : i32
            %add3A_572 = arith.constant 1 : i32
            %add3A_573 = arith.addi %mul3A_571, %add3A_572 : i32
            %get3A_574 = arith.constant 3 : i32
            %get3A_575 = arith.index_cast %get3A_574 : i32 to index
            %get3A_576 = arith.index_cast %add3A_573 : i32 to index
            %get3A_577 = arith.constant 16 : index
            %get3A_578 = tpu.vector_load %arg7[%get3A_575, %get3A_576, %get3A_577] {strides = array<i32>} : memref<6x128x128xf32, #tpu.memory_space<vmem>>, vector<1x1x16xf32>,
            %get3A_579 = vector.shape_cast %get3A_578 : vector<1x1x16xf32> to vector<16xf32>
            %add3A_580 = arith.addf %get3A_569, %get3A_579 : vector<16xf32>
            %add3A_581 = arith.addf %scan3A_535, %add3A_580 : vector<16xf32>
            %mul3A_582 = arith.constant 2 : i32
            %mul3A_583 = arith.muli %mul3A_582, %scan3A_533 : i32
            %get3A_584 = arith.constant 3 : i32
            %get3A_585 = arith.index_cast %get3A_584 : i32 to index
            %get3A_586 = arith.index_cast %mul3A_583 : i32 to index
            %get3A_587 = arith.constant 32 : index
            %get3A_588 = tpu.vector_load %arg7[%get3A_585, %get3A_586, %get3A_587] {strides = array<i32>} : memref<6x128x128xf32, #tpu.memory_space<vmem>>, vector<1x1x16xf32>,
            %get3A_589 = vector.shape_cast %get3A_588 : vector<1x1x16xf32> to vector<16xf32>
            %mul3A_590 = arith.constant 2 : i32
            %mul3A_591 = arith.muli %mul3A_590, %scan3A_533 : i32
            %add3A_592 = arith.constant 1 : i32
            %add3A_593 = arith.addi %mul3A_591, %add3A_592 : i32
            %get3A_594 = arith.constant 3 : i32
            %get3A_595 = arith.index_cast %get3A_594 : i32 to index
            %get3A_596 = arith.index_cast %add3A_593 : i32 to index
            %get3A_597 = arith.constant 32 : index
            %get3A_598 = tpu.vector_load %arg7[%get3A_595, %get3A_596, %get3A_597] {strides = array<i32>} : memref<6x128x128xf32, #tpu.memory_space<vmem>>, vector<1x1x16xf32>,
            %get3A_599 = vector.shape_cast %get3A_598 : vector<1x1x16xf32> to vector<16xf32>
            %add3A_600 = arith.addf %get3A_589, %get3A_599 : vector<16xf32>
            %add3A_601 = arith.addf %scan3A_536, %add3A_600 : vector<16xf32>
            %mul3A_602 = arith.constant 2 : i32
            %mul3A_603 = arith.muli %mul3A_602, %scan3A_533 : i32
            %get3A_604 = arith.constant 3 : i32
            %get3A_605 = arith.index_cast %get3A_604 : i32 to index
            %get3A_606 = arith.index_cast %mul3A_603 : i32 to index
            %get3A_607 = arith.constant 48 : index
            %get3A_608 = tpu.vector_load %arg7[%get3A_605, %get3A_606, %get3A_607] {strides = array<i32>} : memref<6x128x128xf32, #tpu.memory_space<vmem>>, vector<1x1x16xf32>,
            %get3A_609 = vector.shape_cast %get3A_608 : vector<1x1x16xf32> to vector<16xf32>
            %mul3A_610 = arith.constant 2 : i32
            %mul3A_611 = arith.muli %mul3A_610, %scan3A_533 : i32
            %add3A_612 = arith.constant 1 : i32
            %add3A_613 = arith.addi %mul3A_611, %add3A_612 : i32
            %get3A_614 = arith.constant 3 : i32
            %get3A_615 = arith.index_cast %get3A_614 : i32 to index
            %get3A_616 = arith.index_cast %add3A_613 : i32 to index
            %get3A_617 = arith.constant 48 : index
            %get3A_618 = tpu.vector_load %arg7[%get3A_615, %get3A_616, %get3A_617] {strides = array<i32>} : memref<6x128x128xf32, #tpu.memory_space<vmem>>, vector<1x1x16xf32>,
            %get3A_619 = vector.shape_cast %get3A_618 : vector<1x1x16xf32> to vector<16xf32>
            %add3A_620 = arith.addf %get3A_609, %get3A_619 : vector<16xf32>
            %add3A_621 = arith.addf %scan3A_537, %add3A_620 : vector<16xf32>
            %mul3A_622 = arith.constant 2 : i32
            %mul3A_623 = arith.muli %mul3A_622, %scan3A_533 : i32
            %get3A_624 = arith.constant 3 : i32
            %get3A_625 = arith.index_cast %get3A_624 : i32 to index
            %get3A_626 = arith.index_cast %mul3A_623 : i32 to index
            %get3A_627 = arith.constant 64 : index
            %get3A_628 = tpu.vector_load %arg7[%get3A_625, %get3A_626, %get3A_627] {strides = array<i32>} : memref<6x128x128xf32, #tpu.memory_space<vmem>>, vector<1x1x16xf32>,
            %get3A_629 = vector.shape_cast %get3A_628 : vector<1x1x16xf32> to vector<16xf32>
            %mul3A_630 = arith.constant 2 : i32
            %mul3A_631 = arith.muli %mul3A_630, %scan3A_533 : i32
            %add3A_632 = arith.constant 1 : i32
            %add3A_633 = arith.addi %mul3A_631, %add3A_632 : i32
            %get3A_634 = arith.constant 3 : i32
            %get3A_635 = arith.index_cast %get3A_634 : i32 to index
            %get3A_636 = arith.index_cast %add3A_633 : i32 to index
            %get3A_637 = arith.constant 64 : index
            %get3A_638 = tpu.vector_load %arg7[%get3A_635, %get3A_636, %get3A_637] {strides = array<i32>} : memref<6x128x128xf32, #tpu.memory_space<vmem>>, vector<1x1x16xf32>,
            %get3A_639 = vector.shape_cast %get3A_638 : vector<1x1x16xf32> to vector<16xf32>
            %add3A_640 = arith.addf %get3A_629, %get3A_639 : vector<16xf32>
            %add3A_641 = arith.addf %scan3A_538, %add3A_640 : vector<16xf32>
            %mul3A_642 = arith.constant 2 : i32
            %mul3A_643 = arith.muli %mul3A_642, %scan3A_533 : i32
            %get3A_644 = arith.constant 3 : i32
            %get3A_645 = arith.index_cast %get3A_644 : i32 to index
            %get3A_646 = arith.index_cast %mul3A_643 : i32 to index
            %get3A_647 = arith.constant 80 : index
            %get3A_648 = tpu.vector_load %arg7[%get3A_645, %get3A_646, %get3A_647] {strides = array<i32>} : memref<6x128x128xf32, #tpu.memory_space<vmem>>, vector<1x1x16xf32>,
            %get3A_649 = vector.shape_cast %get3A_648 : vector<1x1x16xf32> to vector<16xf32>
            %mul3A_650 = arith.constant 2 : i32
            %mul3A_651 = arith.muli %mul3A_650, %scan3A_533 : i32
            %add3A_652 = arith.constant 1 : i32
            %add3A_653 = arith.addi %mul3A_651, %add3A_652 : i32
            %get3A_654 = arith.constant 3 : i32
            %get3A_655 = arith.index_cast %get3A_654 : i32 to index
            %get3A_656 = arith.index_cast %add3A_653 : i32 to index
            %get3A_657 = arith.constant 80 : index
            %get3A_658 = tpu.vector_load %arg7[%get3A_655, %get3A_656, %get3A_657] {strides = array<i32>} : memref<6x128x128xf32, #tpu.memory_space<vmem>>, vector<1x1x16xf32>,
            %get3A_659 = vector.shape_cast %get3A_658 : vector<1x1x16xf32> to vector<16xf32>
            %add3A_660 = arith.addf %get3A_649, %get3A_659 : vector<16xf32>
            %add3A_661 = arith.addf %scan3A_539, %add3A_660 : vector<16xf32>
            %mul3A_662 = arith.constant 2 : i32
            %mul3A_663 = arith.muli %mul3A_662, %scan3A_533 : i32
            %get3A_664 = arith.constant 3 : i32
            %get3A_665 = arith.index_cast %get3A_664 : i32 to index
            %get3A_666 = arith.index_cast %mul3A_663 : i32 to index
            %get3A_667 = arith.constant 96 : index
            %get3A_668 = tpu.vector_load %arg7[%get3A_665, %get3A_666, %get3A_667] {strides = array<i32>} : memref<6x128x128xf32, #tpu.memory_space<vmem>>, vector<1x1x16xf32>,
            %get3A_669 = vector.shape_cast %get3A_668 : vector<1x1x16xf32> to vector<16xf32>
            %mul3A_670 = arith.constant 2 : i32
            %mul3A_671 = arith.muli %mul3A_670, %scan3A_533 : i32
            %add3A_672 = arith.constant 1 : i32
            %add3A_673 = arith.addi %mul3A_671, %add3A_672 : i32
            %get3A_674 = arith.constant 3 : i32
            %get3A_675 = arith.index_cast %get3A_674 : i32 to index
            %get3A_676 = arith.index_cast %add3A_673 : i32 to index
            %get3A_677 = arith.constant 96 : index
            %get3A_678 = tpu.vector_load %arg7[%get3A_675, %get3A_676, %get3A_677] {strides = array<i32>} : memref<6x128x128xf32, #tpu.memory_space<vmem>>, vector<1x1x16xf32>,
            %get3A_679 = vector.shape_cast %get3A_678 : vector<1x1x16xf32> to vector<16xf32>
            %add3A_680 = arith.addf %get3A_669, %get3A_679 : vector<16xf32>
            %add3A_681 = arith.addf %scan3A_540, %add3A_680 : vector<16xf32>
            %mul3A_682 = arith.constant 2 : i32
            %mul3A_683 = arith.muli %mul3A_682, %scan3A_533 : i32
            %get3A_684 = arith.constant 3 : i32
            %get3A_685 = arith.index_cast %get3A_684 : i32 to index
            %get3A_686 = arith.index_cast %mul3A_683 : i32 to index
            %get3A_687 = arith.constant 112 : index
            %get3A_688 = tpu.vector_load %arg7[%get3A_685, %get3A_686, %get3A_687] {strides = array<i32>} : memref<6x128x128xf32, #tpu.memory_space<vmem>>, vector<1x1x16xf32>,
            %get3A_689 = vector.shape_cast %get3A_688 : vector<1x1x16xf32> to vector<16xf32>
            %mul3A_690 = arith.constant 2 : i32
            %mul3A_691 = arith.muli %mul3A_690, %scan3A_533 : i32
            %add3A_692 = arith.constant 1 : i32
            %add3A_693 = arith.addi %mul3A_691, %add3A_692 : i32
            %get3A_694 = arith.constant 3 : i32
            %get3A_695 = arith.index_cast %get3A_694 : i32 to index
            %get3A_696 = arith.index_cast %add3A_693 : i32 to index
            %get3A_697 = arith.constant 112 : index
            %get3A_698 = tpu.vector_load %arg7[%get3A_695, %get3A_696, %get3A_697] {strides = array<i32>} : memref<6x128x128xf32, #tpu.memory_space<vmem>>, vector<1x1x16xf32>,
            %get3A_699 = vector.shape_cast %get3A_698 : vector<1x1x16xf32> to vector<16xf32>
            %add3A_700 = arith.addf %get3A_689, %get3A_699 : vector<16xf32>
            %add3A_701 = arith.addf %scan3A_541, %add3A_700 : vector<16xf32>
            scf.yield %add3A_561, %add3A_581, %add3A_601, %add3A_621, %add3A_641, %add3A_661, %add3A_681, %add3A_701 : vector<16xf32>, vector<16xf32>, vector<16xf32>, vector<16xf32>, vector<16xf32>, vector<16xf32>, vector<16xf32>, vector<16xf32>
          }
          %scan3A_438 = arith.constant 64 : i32
          %get3A_439 = arith.constant 6 : i32
          %get3A_440 = arith.index_cast %get3A_439 : i32 to index
          %get3A_441 = memref.load %arg11[%get3A_440] : memref<7xi32, #tpu.memory_space<smem>>
          %swap3A_442 = arith.index_cast %get3A_441 : i32 to index
          %swap3A_443 = arith.constant 0 : index
          %swap3A_444 = tpu.vector_load %arg9[%swap3A_442, %swap3A_443] {strides = array<i32>} : memref<80x128xf32, #tpu.memory_space<vmem>>, vector<1x16xf32>,
          %swap3A_445 = vector.shape_cast %swap3A_444 : vector<1x16xf32> to vector<16xf32>
          %swap3A_446 = vector.shape_cast %scan3A_437#0 : vector<16xf32> to vector<1x16xf32>
          tpu.vector_store %arg9[%swap3A_442, %swap3A_443], %swap3A_446 {strides = array<i32>} : memref<80x128xf32, #tpu.memory_space<vmem>>, vector<1x16xf32>,
          %swap3A_447 = arith.index_cast %get3A_441 : i32 to index
          %swap3A_448 = arith.constant 16 : index
          %swap3A_449 = tpu.vector_load %arg9[%swap3A_447, %swap3A_448] {strides = array<i32>} : memref<80x128xf32, #tpu.memory_space<vmem>>, vector<1x16xf32>,
          %swap3A_450 = vector.shape_cast %swap3A_449 : vector<1x16xf32> to vector<16xf32>
          %swap3A_451 = vector.shape_cast %scan3A_437#1 : vector<16xf32> to vector<1x16xf32>
          tpu.vector_store %arg9[%swap3A_447, %swap3A_448], %swap3A_451 {strides = array<i32>} : memref<80x128xf32, #tpu.memory_space<vmem>>, vector<1x16xf32>,
          %swap3A_452 = arith.index_cast %get3A_441 : i32 to index
          %swap3A_453 = arith.constant 32 : index
          %swap3A_454 = tpu.vector_load %arg9[%swap3A_452, %swap3A_453] {strides = array<i32>} : memref<80x128xf32, #tpu.memory_space<vmem>>, vector<1x16xf32>,
          %swap3A_455 = vector.shape_cast %swap3A_454 : vector<1x16xf32> to vector<16xf32>
          %swap3A_456 = vector.shape_cast %scan3A_437#2 : vector<16xf32> to vector<1x16xf32>
          tpu.vector_store %arg9[%swap3A_452, %swap3A_453], %swap3A_456 {strides = array<i32>} : memref<80x128xf32, #tpu.memory_space<vmem>>, vector<1x16xf32>,
          %swap3A_457 = arith.index_cast %get3A_441 : i32 to index
          %swap3A_458 = arith.constant 48 : index
          %swap3A_459 = tpu.vector_load %arg9[%swap3A_457, %swap3A_458] {strides = array<i32>} : memref<80x128xf32, #tpu.memory_space<vmem>>, vector<1x16xf32>,
          %swap3A_460 = vector.shape_cast %swap3A_459 : vector<1x16xf32> to vector<16xf32>
          %swap3A_461 = vector.shape_cast %scan3A_437#3 : vector<16xf32> to vector<1x16xf32>
          tpu.vector_store %arg9[%swap3A_457, %swap3A_458], %swap3A_461 {strides = array<i32>} : memref<80x128xf32, #tpu.memory_space<vmem>>, vector<1x16xf32>,
          %swap3A_462 = arith.index_cast %get3A_441 : i32 to index
          %swap3A_463 = arith.constant 64 : index
          %swap3A_464 = tpu.vector_load %arg9[%swap3A_462, %swap3A_463] {strides = array<i32>} : memref<80x128xf32, #tpu.memory_space<vmem>>, vector<1x16xf32>,
          %swap3A_465 = vector.shape_cast %swap3A_464 : vector<1x16xf32> to vector<16xf32>
          %swap3A_466 = vector.shape_cast %scan3A_437#4 : vector<16xf32> to vector<1x16xf32>
          tpu.vector_store %arg9[%swap3A_462, %swap3A_463], %swap3A_466 {strides = array<i32>} : memref<80x128xf32, #tpu.memory_space<vmem>>, vector<1x16xf32>,
          %swap3A_467 = arith.index_cast %get3A_441 : i32 to index
          %swap3A_468 = arith.constant 80 : index
          %swap3A_469 = tpu.vector_load %arg9[%swap3A_467, %swap3A_468] {strides = array<i32>} : memref<80x128xf32, #tpu.memory_space<vmem>>, vector<1x16xf32>,
          %swap3A_470 = vector.shape_cast %swap3A_469 : vector<1x16xf32> to vector<16xf32>
          %swap3A_471 = vector.shape_cast %scan3A_437#5 : vector<16xf32> to vector<1x16xf32>
          tpu.vector_store %arg9[%swap3A_467, %swap3A_468], %swap3A_471 {strides = array<i32>} : memref<80x128xf32, #tpu.memory_space<vmem>>, vector<1x16xf32>,
          %swap3A_472 = arith.index_cast %get3A_441 : i32 to index
          %swap3A_473 = arith.constant 96 : index
          %swap3A_474 = tpu.vector_load %arg9[%swap3A_472, %swap3A_473] {strides = array<i32>} : memref<80x128xf32, #tpu.memory_space<vmem>>, vector<1x16xf32>,
          %swap3A_475 = vector.shape_cast %swap3A_474 : vector<1x16xf32> to vector<16xf32>
          %swap3A_476 = vector.shape_cast %scan3A_437#6 : vector<16xf32> to vector<1x16xf32>
          tpu.vector_store %arg9[%swap3A_472, %swap3A_473], %swap3A_476 {strides = array<i32>} : memref<80x128xf32, #tpu.memory_space<vmem>>, vector<1x16xf32>,
          %swap3A_477 = arith.index_cast %get3A_441 : i32 to index
          %swap3A_478 = arith.constant 112 : index
          %swap3A_479 = tpu.vector_load %arg9[%swap3A_477, %swap3A_478] {strides = array<i32>} : memref<80x128xf32, #tpu.memory_space<vmem>>, vector<1x16xf32>,
          %swap3A_480 = vector.shape_cast %swap3A_479 : vector<1x16xf32> to vector<16xf32>
          %swap3A_481 = vector.shape_cast %scan3A_437#7 : vector<16xf32> to vector<1x16xf32>
          tpu.vector_store %arg9[%swap3A_477, %swap3A_478], %swap3A_481 {strides = array<i32>} : memref<80x128xf32, #tpu.memory_space<vmem>>, vector<1x16xf32>,
          %jit3A_482 = arith.constant 16 : i32
          %div3A_483 = arith.divsi %get3A_441, %jit3A_482 : i32
          %sign3A_484 = arith.constant 0 : i32
          %sign3A_485 = arith.cmpi sgt, %get3A_441, %sign3A_484 : i32
          %sign3A_486 = arith.extui %sign3A_485 : i1 to i32
          %sign3A_487 = arith.constant 0 : i32
          %sign3A_488 = arith.cmpi slt, %get3A_441, %sign3A_487 : i32
          %sign3A_489 = arith.extui %sign3A_488 : i1 to i32
          %sign3A_490 = arith.subi %sign3A_486, %sign3A_489 : i32
          %sign3A_491 = arith.constant 0 : i32
          %sign3A_492 = arith.cmpi sgt, %jit3A_482, %sign3A_491 : i32
          %sign3A_493 = arith.extui %sign3A_492 : i1 to i32
          %sign3A_494 = arith.constant 0 : i32
          %sign3A_495 = arith.cmpi slt, %jit3A_482, %sign3A_494 : i32
          %sign3A_496 = arith.extui %sign3A_495 : i1 to i32
          %sign3A_497 = arith.subi %sign3A_493, %sign3A_496 : i32
          %ne3A_498 = arith.cmpi ne, %sign3A_490, %sign3A_497 : i32
          %rem3A_499 = arith.remsi %get3A_441, %jit3A_482 : i32
          %ne3A_500 = arith.constant 0 : i32
          %ne3A_501 = arith.cmpi ne, %rem3A_499, %ne3A_500 : i32
          %and3A_502 = arith.andi %ne3A_498, %ne3A_501 : i1
          %sub3A_503 = arith.constant 1 : i32
          %sub3A_504 = arith.subi %div3A_483, %sub3A_503 : i32
          %select_n3A_505 = arith.select %and3A_502, %sub3A_504, %div3A_483 : i32
          %mul3A_506 = arith.constant 16 : i32
          %mul3A_507 = arith.muli %select_n3A_505, %mul3A_506 : i32
          %sub3A_508 = arith.subi %get3A_441, %mul3A_507 : i32
          %get3A_509 = arith.constant 0 : i32
          %get3A_510 = arith.index_cast %get3A_509 : i32 to index
          %get3A_511 = arith.index_cast %mul3A_507 : i32 to index
          %get3A_512 = tpu.vector_load %arg10[%get3A_510, %get3A_511] {strides = array<i32>} : memref<8x80xi32, #tpu.memory_space<vmem>>, vector<1x16xi32>,
          %get3A_513 = vector.shape_cast %get3A_512 : vector<1x16xi32> to vector<16xi32>
          %iota3A = tpu.iota {dimensions = array<i32: 0>} : vector<16xi32>
          %eq3A_514 = vector.broadcast %sub3A_508 : i32 to vector<16xi32>
          %eq3A_515 = arith.cmpi eq, %iota3A, %eq3A_514 : vector<16xi32>
          %broadcast_in_dim3A_516 = vector.broadcast %squeeze3A : i32 to vector<16xi32>
          %select_n3A_517 = arith.select %eq3A_515, %broadcast_in_dim3A_516, %get3A_513 : vector<16xi1>, vector<16xi32>
          %swap3A_518 = arith.constant 0 : i32
          %swap3A_519 = arith.index_cast %swap3A_518 : i32 to index
          %swap3A_520 = arith.index_cast %mul3A_507 : i32 to index
          %swap3A_521 = tpu.vector_load %arg10[%swap3A_519, %swap3A_520] {strides = array<i32>} : memref<8x80xi32, #tpu.memory_space<vmem>>, vector<1x16xi32>,
          %swap3A_522 = vector.shape_cast %swap3A_521 : vector<1x16xi32> to vector<16xi32>
          %swap3A_523 = vector.shape_cast %select_n3A_517 : vector<16xi32> to vector<1x16xi32>
          tpu.vector_store %arg10[%swap3A_519, %swap3A_520], %swap3A_523 {strides = array<i32>} : memref<8x80xi32, #tpu.memory_space<vmem>>, vector<1x16xi32>,
          %add3A_524 = arith.constant 1 : i32
          %add3A_525 = arith.addi %get3A_441, %add3A_524 : i32
          %swap3A_526 = arith.constant 6 : i32
          %swap3A_527 = arith.index_cast %swap3A_526 : i32 to index
          %swap3A_528 = memref.load %arg11[%swap3A_527] : memref<7xi32, #tpu.memory_space<smem>>
          memref.store %add3A_525, %arg11[%swap3A_527] : memref<7xi32, #tpu.memory_space<smem>>
          %swap3A_529 = arith.constant 0 : i32
          %swap3A_530 = arith.constant 3 : i32
          %swap3A_531 = arith.index_cast %swap3A_530 : i32 to index
          %swap3A_532 = memref.load %arg11[%swap3A_531] : memref<7xi32, #tpu.memory_space<smem>>
          memref.store %swap3A_529, %arg11[%swap3A_531] : memref<7xi32, #tpu.memory_space<smem>>
        } else {
        }
        %ne3A_429 = arith.cmpi ne, %squeeze3A, %squeeze3A_424 : i32
        %convert_element_type3A_430 = arith.extui %ne3A_429 : i1 to i32
        %cond3A_431 = arith.constant 0 : i32
        %cond3A_432 = arith.cmpi ne, %convert_element_type3A_430, %cond3A_431 : i32
        scf.if %cond3A_432 {
          %add3A_433 = arith.addi %sub3A_31, %add3A_367 : i32
          %dma_start3A_434 = arith.constant 3 : i32
          %dma_start3A_435 = arith.constant 0 : i32
          %dma_start3A_436 = arith.constant 0 : i32
          %dma_start3A_437 = tpu.memref_slice %arg7[%dma_start3A_434, %dma_start3A_435, %dma_start3A_436] : memref<6x128x128xf32, #tpu.memory_space<vmem>> -> memref<1x128x128xf32, #tpu.memory_space<vmem>>
          %dma_start3A_438 = tpu.memref_squeeze %dma_start3A_437 : memref<1x128x128xf32, #tpu.memory_space<vmem>> -> memref<128x128xf32, #tpu.memory_space<vmem>>
          %dma_start3A_439 = arith.constant 0 : i32
          %dma_start3A_440 = tpu.memref_slice %arg8[%add3A_433, %dma_start3A_439] : memref<88x128xi32, #tpu.memory_space<vmem>> -> memref<1x128xi32, #tpu.memory_space<vmem>>
          %dma_start3A_441 = tpu.memref_squeeze %dma_start3A_440 : memref<1x128xi32, #tpu.memory_space<vmem>> -> memref<128xi32, #tpu.memory_space<vmem>>
          %dma_start3A_442 = arith.constant 0 : i32
          %dma_start3A_443 = arith.constant 0 : i32
          %dma_start3A_444 = tpu.memref_slice %arg6[%dma_start3A_442, %dma_start3A_443] : memref<1024x128xf32, #tpu.memory_space<vmem_shared>> -> memref<1024x128xf32, #tpu.memory_space<vmem_shared>>
          tpu.enqueue_indirect_dma source(%dma_start3A_438 : memref<128x128xf32, #tpu.memory_space<vmem>>) target(%dma_start3A_444 : memref<1024x128xf32, #tpu.memory_space<vmem_shared>>) offsets(%dma_start3A_441 : memref<128xi32, #tpu.memory_space<vmem>>) semaphore(%arg21 : memref<!tpu.dma_semaphore, #tpu.memory_space<semaphore_mem>>) {add = true}
          %swap3A_445 = arith.constant 1 : i32
          %swap3A_446 = arith.constant 3 : i32
          %swap3A_447 = arith.index_cast %swap3A_446 : i32 to index
          %swap3A_448 = memref.load %arg11[%swap3A_447] : memref<7xi32, #tpu.memory_space<smem>>
          memref.store %swap3A_445, %arg11[%swap3A_447] : memref<7xi32, #tpu.memory_space<smem>>
        } else {
        }
      } else {
      }
      %mul3A_372 = arith.constant 6 : i32
      %mul3A_373 = arith.muli %mul3A_372, %while3A_339 : i32
      %add3A_374 = arith.constant 4 : i32
      %add3A_375 = arith.addi %mul3A_373, %add3A_374 : i32
      %lt3A_376 = arith.cmpi slt, %add3A_375, %add3A_6 : i32
      %convert_element_type3A_377 = arith.extui %lt3A_376 : i1 to i32
      %cond3A_378 = arith.constant 0 : i32
      %cond3A_379 = arith.cmpi ne, %convert_element_type3A_377, %cond3A_378 : i32
      scf.if %cond3A_379 {
        %ge3A_388 = arith.constant 1 : i32
        %ge3A_389 = arith.cmpi sge, %add3A_375, %ge3A_388 : i32
        %convert_element_type3A_390 = arith.extui %ge3A_389 : i1 to i32
        %cond3A_391 = arith.constant 0 : i32
        %cond3A_392 = arith.cmpi ne, %convert_element_type3A_390, %cond3A_391 : i32
        scf.if %cond3A_392 {
          %sub3A_433 = arith.constant 1 : i32
          %sub3A_434 = arith.subi %add3A_375, %sub3A_433 : i32
          %get3A_435 = arith.constant 3 : i32
          %get3A_436 = arith.index_cast %get3A_435 : i32 to index
          %get3A_437 = memref.load %arg11[%get3A_436] : memref<7xi32, #tpu.memory_space<smem>>
          %eq3A_438 = arith.constant 1 : i32
          %eq3A_439 = arith.cmpi eq, %get3A_437, %eq3A_438 : i32
          %convert_element_type3A_440 = arith.extui %eq3A_439 : i1 to i32
          %cond3A_441 = arith.constant 0 : i32
          %cond3A_442 = arith.cmpi ne, %convert_element_type3A_440, %cond3A_441 : i32
          scf.if %cond3A_442 {
            %add3A_443 = arith.addi %sub3A_31, %sub3A_434 : i32
            %dma_wait3A_444 = arith.constant 3 : i32
            %dma_wait3A_445 = arith.constant 0 : i32
            %dma_wait3A_446 = arith.constant 0 : i32
            %dma_wait3A_447 = tpu.memref_slice %arg7[%dma_wait3A_444, %dma_wait3A_445, %dma_wait3A_446] : memref<6x128x128xf32, #tpu.memory_space<vmem>> -> memref<1x128x128xf32, #tpu.memory_space<vmem>>
            %dma_wait3A_448 = tpu.memref_squeeze %dma_wait3A_447 : memref<1x128x128xf32, #tpu.memory_space<vmem>> -> memref<128x128xf32, #tpu.memory_space<vmem>>
            %dma_wait3A_449 = arith.constant 0 : i32
            %dma_wait3A_450 = tpu.memref_slice %arg8[%add3A_443, %dma_wait3A_449] : memref<88x128xi32, #tpu.memory_space<vmem>> -> memref<1x128xi32, #tpu.memory_space<vmem>>
            %dma_wait3A_451 = tpu.memref_squeeze %dma_wait3A_450 : memref<1x128xi32, #tpu.memory_space<vmem>> -> memref<128xi32, #tpu.memory_space<vmem>>
            %dma_wait3A_452 = arith.constant 0 : i32
            %dma_wait3A_453 = arith.constant 0 : i32
            %dma_wait3A_454 = tpu.memref_slice %arg6[%dma_wait3A_452, %dma_wait3A_453] : memref<1024x128xf32, #tpu.memory_space<vmem_shared>> -> memref<1024x128xf32, #tpu.memory_space<vmem_shared>>
            tpu.wait_indirect_dma semaphore(%arg21 : memref<!tpu.dma_semaphore, #tpu.memory_space<semaphore_mem>>) src(%dma_wait3A_448 : memref<128x128xf32, #tpu.memory_space<vmem>>) dst(%dma_wait3A_454 : memref<1024x128xf32, #tpu.memory_space<vmem_shared>>)
          } else {
          }
        } else {
        }
        %add3A_393 = arith.constant 5 : i32
        %add3A_394 = arith.addi %add3A_375, %add3A_393 : i32
        %lt3A_395 = arith.cmpi slt, %add3A_394, %add3A_6 : i32
        %convert_element_type3A_396 = arith.extui %lt3A_395 : i1 to i32
        %cond3A_397 = arith.constant 0 : i32
        %cond3A_398 = arith.cmpi ne, %convert_element_type3A_396, %cond3A_397 : i32
        scf.if %cond3A_398 {
          %add3A_433 = arith.constant 5 : i32
          %add3A_434 = arith.addi %add3A_375, %add3A_433 : i32
          %add3A_435 = arith.addi %add3A_10, %add3A_434 : i32
          %mul3A_436 = arith.constant 128 : i32
          %mul3A_437 = arith.muli %add3A_435, %mul3A_436 : i32
          %dma_start3A_438 = arith.constant 3 : i32
          %dma_start3A_439 = arith.constant 0 : i32
          %dma_start3A_440 = arith.constant 0 : i32
          %dma_start3A_441 = tpu.memref_slice %arg7[%dma_start3A_438, %dma_start3A_439, %dma_start3A_440] : memref<6x128x128xf32, #tpu.memory_space<vmem>> -> memref<1x128x128xf32, #tpu.memory_space<vmem>>
          %dma_start3A_442 = tpu.memref_squeeze %dma_start3A_441 : memref<1x128x128xf32, #tpu.memory_space<vmem>> -> memref<128x128xf32, #tpu.memory_space<vmem>>
          %dma_start3A_443 = arith.constant 0 : i32
          %dma_start3A_444 = tpu.memref_slice %arg3[%mul3A_437, %dma_start3A_443] : memref<320000x128xf32, #tpu.memory_space<hbm>> -> memref<128x128xf32, #tpu.memory_space<hbm>>
          %dma_start3A_445 = arith.constant 0 : i32
          %dma_start3A_446 = arith.constant 0 : i32
          %dma_start3A_447 = tpu.memref_slice %arg7[%dma_start3A_438, %dma_start3A_445, %dma_start3A_446] : memref<6x128x128xf32, #tpu.memory_space<vmem>> -> memref<1x128x128xf32, #tpu.memory_space<vmem>>
          %dma_start3A_448 = tpu.memref_squeeze %dma_start3A_447 : memref<1x128x128xf32, #tpu.memory_space<vmem>> -> memref<128x128xf32, #tpu.memory_space<vmem>>
          %dma_start3A_449 = arith.constant 0 : i32
          %dma_start3A_450 = tpu.memref_slice %arg3[%mul3A_437, %dma_start3A_449] : memref<320000x128xf32, #tpu.memory_space<hbm>> -> memref<128x128xf32, #tpu.memory_space<hbm>>
          tpu.enqueue_dma source(%dma_start3A_450 : memref<128x128xf32, #tpu.memory_space<hbm>>) target(%dma_start3A_448 : memref<128x128xf32, #tpu.memory_space<vmem>>) target_semaphore(%arg15 : memref<!tpu.dma_semaphore, #tpu.memory_space<semaphore_mem>>)
        } else {
        }
        %add3A_399 = arith.addi %add3A_10, %add3A_375 : i32
        %mul3A_400 = arith.constant 128 : i32
        %mul3A_401 = arith.muli %add3A_399, %mul3A_400 : i32
        %dma_wait3A = arith.constant 4 : i32
        %dma_wait3A_402 = arith.constant 0 : i32
        %dma_wait3A_403 = arith.constant 0 : i32
        %dma_wait3A_404 = tpu.memref_slice %arg7[%dma_wait3A, %dma_wait3A_402, %dma_wait3A_403] : memref<6x128x128xf32, #tpu.memory_space<vmem>> -> memref<1x128x128xf32, #tpu.memory_space<vmem>>
        %dma_wait3A_405 = tpu.memref_squeeze %dma_wait3A_404 : memref<1x128x128xf32, #tpu.memory_space<vmem>> -> memref<128x128xf32, #tpu.memory_space<vmem>>
        %dma_wait3A_406 = arith.constant 0 : i32
        %dma_wait3A_407 = tpu.memref_slice %arg3[%mul3A_401, %dma_wait3A_406] : memref<320000x128xf32, #tpu.memory_space<hbm>> -> memref<128x128xf32, #tpu.memory_space<hbm>>
        %dma_wait3A_408 = arith.constant 0 : i32
        %dma_wait3A_409 = arith.constant 0 : i32
        %dma_wait3A_410 = tpu.memref_slice %arg7[%dma_wait3A, %dma_wait3A_408, %dma_wait3A_409] : memref<6x128x128xf32, #tpu.memory_space<vmem>> -> memref<1x128x128xf32, #tpu.memory_space<vmem>>
        %dma_wait3A_411 = tpu.memref_squeeze %dma_wait3A_410 : memref<1x128x128xf32, #tpu.memory_space<vmem>> -> memref<128x128xf32, #tpu.memory_space<vmem>>
        %dma_wait3A_412 = arith.constant 0 : i32
        %dma_wait3A_413 = tpu.memref_slice %arg3[%mul3A_401, %dma_wait3A_412] : memref<320000x128xf32, #tpu.memory_space<hbm>> -> memref<128x128xf32, #tpu.memory_space<hbm>>
        tpu.wait_dma2 semaphore(%arg16 : memref<!tpu.dma_semaphore, #tpu.memory_space<semaphore_mem>>) src(%dma_wait3A_413 : memref<128x128xf32, #tpu.memory_space<hbm>>) dst(%dma_wait3A_411 : memref<128x128xf32, #tpu.memory_space<vmem>>)
        %add3A_414 = arith.addi %sub3A_31, %add3A_375 : i32
        %get3A = arith.index_cast %add3A_414 : i32 to index
        %get3A_415 = arith.constant 0 : index
        %get3A_416 = tpu.vector_load %arg8[%get3A, %get3A_415] {strides = array<i32>} : memref<88x128xi32, #tpu.memory_space<vmem>>, vector<1x16xi32>,
        %get3A_417 = vector.shape_cast %get3A_416 : vector<1x16xi32> to vector<16xi32>
        %slice3A = vector.extract_strided_slice %get3A_417 {offsets = [0], sizes = [1], strides = [1]} : vector<16xi32> to vector<1xi32>
        %squeeze3A = vector.extract %slice3A[0] : i32 from vector<1xi32>
        %add3A_418 = arith.addi %sub3A_31, %add3A_375 : i32
        %get3A_419 = arith.index_cast %add3A_418 : i32 to index
        %get3A_420 = arith.constant 112 : index
        %get3A_421 = tpu.vector_load %arg8[%get3A_419, %get3A_420] {strides = array<i32>} : memref<88x128xi32, #tpu.memory_space<vmem>>, vector<1x16xi32>,
        %get3A_422 = vector.shape_cast %get3A_421 : vector<1x16xi32> to vector<16xi32>
        %slice3A_423 = vector.extract_strided_slice %get3A_422 {offsets = [15], sizes = [1], strides = [1]} : vector<16xi32> to vector<1xi32>
        %squeeze3A_424 = vector.extract %slice3A_423[0] : i32 from vector<1xi32>
        %eq3A_425 = arith.cmpi eq, %squeeze3A, %squeeze3A_424 : i32
        %convert_element_type3A_426 = arith.extui %eq3A_425 : i1 to i32
        %cond3A_427 = arith.constant 0 : i32
        %cond3A_428 = arith.cmpi ne, %convert_element_type3A_426, %cond3A_427 : i32
        scf.if %cond3A_428 {
          %scan3A_433 = arith.constant 0 : i32
          %scan3A_434 = arith.constant 64 : i32
          %scan3A_435 = arith.addi %scan3A_433, %scan3A_434 : i32
          %scan3A_436 = arith.constant 1 : i32
          %scan3A_437:8 = scf.for %scan3A_533 = %scan3A_433 to %scan3A_435 step %scan3A_436 iter_args(%scan3A_534 = %broadcast_in_dim3A_32, %scan3A_535 = %broadcast_in_dim3A_32, %scan3A_536 = %broadcast_in_dim3A_32, %scan3A_537 = %broadcast_in_dim3A_32, %scan3A_538 = %broadcast_in_dim3A_32, %scan3A_539 = %broadcast_in_dim3A_32, %scan3A_540 = %broadcast_in_dim3A_32, %scan3A_541 = %broadcast_in_dim3A_32) -> (vector<16xf32>, vector<16xf32>, vector<16xf32>, vector<16xf32>, vector<16xf32>, vector<16xf32>, vector<16xf32>, vector<16xf32>)  : i32 {
            %mul3A_542 = arith.constant 2 : i32
            %mul3A_543 = arith.muli %mul3A_542, %scan3A_533 : i32
            %get3A_544 = arith.constant 4 : i32
            %get3A_545 = arith.index_cast %get3A_544 : i32 to index
            %get3A_546 = arith.index_cast %mul3A_543 : i32 to index
            %get3A_547 = arith.constant 0 : index
            %get3A_548 = tpu.vector_load %arg7[%get3A_545, %get3A_546, %get3A_547] {strides = array<i32>} : memref<6x128x128xf32, #tpu.memory_space<vmem>>, vector<1x1x16xf32>,
            %get3A_549 = vector.shape_cast %get3A_548 : vector<1x1x16xf32> to vector<16xf32>
            %mul3A_550 = arith.constant 2 : i32
            %mul3A_551 = arith.muli %mul3A_550, %scan3A_533 : i32
            %add3A_552 = arith.constant 1 : i32
            %add3A_553 = arith.addi %mul3A_551, %add3A_552 : i32
            %get3A_554 = arith.constant 4 : i32
            %get3A_555 = arith.index_cast %get3A_554 : i32 to index
            %get3A_556 = arith.index_cast %add3A_553 : i32 to index
            %get3A_557 = arith.constant 0 : index
            %get3A_558 = tpu.vector_load %arg7[%get3A_555, %get3A_556, %get3A_557] {strides = array<i32>} : memref<6x128x128xf32, #tpu.memory_space<vmem>>, vector<1x1x16xf32>,
            %get3A_559 = vector.shape_cast %get3A_558 : vector<1x1x16xf32> to vector<16xf32>
            %add3A_560 = arith.addf %get3A_549, %get3A_559 : vector<16xf32>
            %add3A_561 = arith.addf %scan3A_534, %add3A_560 : vector<16xf32>
            %mul3A_562 = arith.constant 2 : i32
            %mul3A_563 = arith.muli %mul3A_562, %scan3A_533 : i32
            %get3A_564 = arith.constant 4 : i32
            %get3A_565 = arith.index_cast %get3A_564 : i32 to index
            %get3A_566 = arith.index_cast %mul3A_563 : i32 to index
            %get3A_567 = arith.constant 16 : index
            %get3A_568 = tpu.vector_load %arg7[%get3A_565, %get3A_566, %get3A_567] {strides = array<i32>} : memref<6x128x128xf32, #tpu.memory_space<vmem>>, vector<1x1x16xf32>,
            %get3A_569 = vector.shape_cast %get3A_568 : vector<1x1x16xf32> to vector<16xf32>
            %mul3A_570 = arith.constant 2 : i32
            %mul3A_571 = arith.muli %mul3A_570, %scan3A_533 : i32
            %add3A_572 = arith.constant 1 : i32
            %add3A_573 = arith.addi %mul3A_571, %add3A_572 : i32
            %get3A_574 = arith.constant 4 : i32
            %get3A_575 = arith.index_cast %get3A_574 : i32 to index
            %get3A_576 = arith.index_cast %add3A_573 : i32 to index
            %get3A_577 = arith.constant 16 : index
            %get3A_578 = tpu.vector_load %arg7[%get3A_575, %get3A_576, %get3A_577] {strides = array<i32>} : memref<6x128x128xf32, #tpu.memory_space<vmem>>, vector<1x1x16xf32>,
            %get3A_579 = vector.shape_cast %get3A_578 : vector<1x1x16xf32> to vector<16xf32>
            %add3A_580 = arith.addf %get3A_569, %get3A_579 : vector<16xf32>
            %add3A_581 = arith.addf %scan3A_535, %add3A_580 : vector<16xf32>
            %mul3A_582 = arith.constant 2 : i32
            %mul3A_583 = arith.muli %mul3A_582, %scan3A_533 : i32
            %get3A_584 = arith.constant 4 : i32
            %get3A_585 = arith.index_cast %get3A_584 : i32 to index
            %get3A_586 = arith.index_cast %mul3A_583 : i32 to index
            %get3A_587 = arith.constant 32 : index
            %get3A_588 = tpu.vector_load %arg7[%get3A_585, %get3A_586, %get3A_587] {strides = array<i32>} : memref<6x128x128xf32, #tpu.memory_space<vmem>>, vector<1x1x16xf32>,
            %get3A_589 = vector.shape_cast %get3A_588 : vector<1x1x16xf32> to vector<16xf32>
            %mul3A_590 = arith.constant 2 : i32
            %mul3A_591 = arith.muli %mul3A_590, %scan3A_533 : i32
            %add3A_592 = arith.constant 1 : i32
            %add3A_593 = arith.addi %mul3A_591, %add3A_592 : i32
            %get3A_594 = arith.constant 4 : i32
            %get3A_595 = arith.index_cast %get3A_594 : i32 to index
            %get3A_596 = arith.index_cast %add3A_593 : i32 to index
            %get3A_597 = arith.constant 32 : index
            %get3A_598 = tpu.vector_load %arg7[%get3A_595, %get3A_596, %get3A_597] {strides = array<i32>} : memref<6x128x128xf32, #tpu.memory_space<vmem>>, vector<1x1x16xf32>,
            %get3A_599 = vector.shape_cast %get3A_598 : vector<1x1x16xf32> to vector<16xf32>
            %add3A_600 = arith.addf %get3A_589, %get3A_599 : vector<16xf32>
            %add3A_601 = arith.addf %scan3A_536, %add3A_600 : vector<16xf32>
            %mul3A_602 = arith.constant 2 : i32
            %mul3A_603 = arith.muli %mul3A_602, %scan3A_533 : i32
            %get3A_604 = arith.constant 4 : i32
            %get3A_605 = arith.index_cast %get3A_604 : i32 to index
            %get3A_606 = arith.index_cast %mul3A_603 : i32 to index
            %get3A_607 = arith.constant 48 : index
            %get3A_608 = tpu.vector_load %arg7[%get3A_605, %get3A_606, %get3A_607] {strides = array<i32>} : memref<6x128x128xf32, #tpu.memory_space<vmem>>, vector<1x1x16xf32>,
            %get3A_609 = vector.shape_cast %get3A_608 : vector<1x1x16xf32> to vector<16xf32>
            %mul3A_610 = arith.constant 2 : i32
            %mul3A_611 = arith.muli %mul3A_610, %scan3A_533 : i32
            %add3A_612 = arith.constant 1 : i32
            %add3A_613 = arith.addi %mul3A_611, %add3A_612 : i32
            %get3A_614 = arith.constant 4 : i32
            %get3A_615 = arith.index_cast %get3A_614 : i32 to index
            %get3A_616 = arith.index_cast %add3A_613 : i32 to index
            %get3A_617 = arith.constant 48 : index
            %get3A_618 = tpu.vector_load %arg7[%get3A_615, %get3A_616, %get3A_617] {strides = array<i32>} : memref<6x128x128xf32, #tpu.memory_space<vmem>>, vector<1x1x16xf32>,
            %get3A_619 = vector.shape_cast %get3A_618 : vector<1x1x16xf32> to vector<16xf32>
            %add3A_620 = arith.addf %get3A_609, %get3A_619 : vector<16xf32>
            %add3A_621 = arith.addf %scan3A_537, %add3A_620 : vector<16xf32>
            %mul3A_622 = arith.constant 2 : i32
            %mul3A_623 = arith.muli %mul3A_622, %scan3A_533 : i32
            %get3A_624 = arith.constant 4 : i32
            %get3A_625 = arith.index_cast %get3A_624 : i32 to index
            %get3A_626 = arith.index_cast %mul3A_623 : i32 to index
            %get3A_627 = arith.constant 64 : index
            %get3A_628 = tpu.vector_load %arg7[%get3A_625, %get3A_626, %get3A_627] {strides = array<i32>} : memref<6x128x128xf32, #tpu.memory_space<vmem>>, vector<1x1x16xf32>,
            %get3A_629 = vector.shape_cast %get3A_628 : vector<1x1x16xf32> to vector<16xf32>
            %mul3A_630 = arith.constant 2 : i32
            %mul3A_631 = arith.muli %mul3A_630, %scan3A_533 : i32
            %add3A_632 = arith.constant 1 : i32
            %add3A_633 = arith.addi %mul3A_631, %add3A_632 : i32
            %get3A_634 = arith.constant 4 : i32
            %get3A_635 = arith.index_cast %get3A_634 : i32 to index
            %get3A_636 = arith.index_cast %add3A_633 : i32 to index
            %get3A_637 = arith.constant 64 : index
            %get3A_638 = tpu.vector_load %arg7[%get3A_635, %get3A_636, %get3A_637] {strides = array<i32>} : memref<6x128x128xf32, #tpu.memory_space<vmem>>, vector<1x1x16xf32>,
            %get3A_639 = vector.shape_cast %get3A_638 : vector<1x1x16xf32> to vector<16xf32>
            %add3A_640 = arith.addf %get3A_629, %get3A_639 : vector<16xf32>
            %add3A_641 = arith.addf %scan3A_538, %add3A_640 : vector<16xf32>
            %mul3A_642 = arith.constant 2 : i32
            %mul3A_643 = arith.muli %mul3A_642, %scan3A_533 : i32
            %get3A_644 = arith.constant 4 : i32
            %get3A_645 = arith.index_cast %get3A_644 : i32 to index
            %get3A_646 = arith.index_cast %mul3A_643 : i32 to index
            %get3A_647 = arith.constant 80 : index
            %get3A_648 = tpu.vector_load %arg7[%get3A_645, %get3A_646, %get3A_647] {strides = array<i32>} : memref<6x128x128xf32, #tpu.memory_space<vmem>>, vector<1x1x16xf32>,
            %get3A_649 = vector.shape_cast %get3A_648 : vector<1x1x16xf32> to vector<16xf32>
            %mul3A_650 = arith.constant 2 : i32
            %mul3A_651 = arith.muli %mul3A_650, %scan3A_533 : i32
            %add3A_652 = arith.constant 1 : i32
            %add3A_653 = arith.addi %mul3A_651, %add3A_652 : i32
            %get3A_654 = arith.constant 4 : i32
            %get3A_655 = arith.index_cast %get3A_654 : i32 to index
            %get3A_656 = arith.index_cast %add3A_653 : i32 to index
            %get3A_657 = arith.constant 80 : index
            %get3A_658 = tpu.vector_load %arg7[%get3A_655, %get3A_656, %get3A_657] {strides = array<i32>} : memref<6x128x128xf32, #tpu.memory_space<vmem>>, vector<1x1x16xf32>,
            %get3A_659 = vector.shape_cast %get3A_658 : vector<1x1x16xf32> to vector<16xf32>
            %add3A_660 = arith.addf %get3A_649, %get3A_659 : vector<16xf32>
            %add3A_661 = arith.addf %scan3A_539, %add3A_660 : vector<16xf32>
            %mul3A_662 = arith.constant 2 : i32
            %mul3A_663 = arith.muli %mul3A_662, %scan3A_533 : i32
            %get3A_664 = arith.constant 4 : i32
            %get3A_665 = arith.index_cast %get3A_664 : i32 to index
            %get3A_666 = arith.index_cast %mul3A_663 : i32 to index
            %get3A_667 = arith.constant 96 : index
            %get3A_668 = tpu.vector_load %arg7[%get3A_665, %get3A_666, %get3A_667] {strides = array<i32>} : memref<6x128x128xf32, #tpu.memory_space<vmem>>, vector<1x1x16xf32>,
            %get3A_669 = vector.shape_cast %get3A_668 : vector<1x1x16xf32> to vector<16xf32>
            %mul3A_670 = arith.constant 2 : i32
            %mul3A_671 = arith.muli %mul3A_670, %scan3A_533 : i32
            %add3A_672 = arith.constant 1 : i32
            %add3A_673 = arith.addi %mul3A_671, %add3A_672 : i32
            %get3A_674 = arith.constant 4 : i32
            %get3A_675 = arith.index_cast %get3A_674 : i32 to index
            %get3A_676 = arith.index_cast %add3A_673 : i32 to index
            %get3A_677 = arith.constant 96 : index
            %get3A_678 = tpu.vector_load %arg7[%get3A_675, %get3A_676, %get3A_677] {strides = array<i32>} : memref<6x128x128xf32, #tpu.memory_space<vmem>>, vector<1x1x16xf32>,
            %get3A_679 = vector.shape_cast %get3A_678 : vector<1x1x16xf32> to vector<16xf32>
            %add3A_680 = arith.addf %get3A_669, %get3A_679 : vector<16xf32>
            %add3A_681 = arith.addf %scan3A_540, %add3A_680 : vector<16xf32>
            %mul3A_682 = arith.constant 2 : i32
            %mul3A_683 = arith.muli %mul3A_682, %scan3A_533 : i32
            %get3A_684 = arith.constant 4 : i32
            %get3A_685 = arith.index_cast %get3A_684 : i32 to index
            %get3A_686 = arith.index_cast %mul3A_683 : i32 to index
            %get3A_687 = arith.constant 112 : index
            %get3A_688 = tpu.vector_load %arg7[%get3A_685, %get3A_686, %get3A_687] {strides = array<i32>} : memref<6x128x128xf32, #tpu.memory_space<vmem>>, vector<1x1x16xf32>,
            %get3A_689 = vector.shape_cast %get3A_688 : vector<1x1x16xf32> to vector<16xf32>
            %mul3A_690 = arith.constant 2 : i32
            %mul3A_691 = arith.muli %mul3A_690, %scan3A_533 : i32
            %add3A_692 = arith.constant 1 : i32
            %add3A_693 = arith.addi %mul3A_691, %add3A_692 : i32
            %get3A_694 = arith.constant 4 : i32
            %get3A_695 = arith.index_cast %get3A_694 : i32 to index
            %get3A_696 = arith.index_cast %add3A_693 : i32 to index
            %get3A_697 = arith.constant 112 : index
            %get3A_698 = tpu.vector_load %arg7[%get3A_695, %get3A_696, %get3A_697] {strides = array<i32>} : memref<6x128x128xf32, #tpu.memory_space<vmem>>, vector<1x1x16xf32>,
            %get3A_699 = vector.shape_cast %get3A_698 : vector<1x1x16xf32> to vector<16xf32>
            %add3A_700 = arith.addf %get3A_689, %get3A_699 : vector<16xf32>
            %add3A_701 = arith.addf %scan3A_541, %add3A_700 : vector<16xf32>
            scf.yield %add3A_561, %add3A_581, %add3A_601, %add3A_621, %add3A_641, %add3A_661, %add3A_681, %add3A_701 : vector<16xf32>, vector<16xf32>, vector<16xf32>, vector<16xf32>, vector<16xf32>, vector<16xf32>, vector<16xf32>, vector<16xf32>
          }
          %scan3A_438 = arith.constant 64 : i32
          %get3A_439 = arith.constant 6 : i32
          %get3A_440 = arith.index_cast %get3A_439 : i32 to index
          %get3A_441 = memref.load %arg11[%get3A_440] : memref<7xi32, #tpu.memory_space<smem>>
          %swap3A_442 = arith.index_cast %get3A_441 : i32 to index
          %swap3A_443 = arith.constant 0 : index
          %swap3A_444 = tpu.vector_load %arg9[%swap3A_442, %swap3A_443] {strides = array<i32>} : memref<80x128xf32, #tpu.memory_space<vmem>>, vector<1x16xf32>,
          %swap3A_445 = vector.shape_cast %swap3A_444 : vector<1x16xf32> to vector<16xf32>
          %swap3A_446 = vector.shape_cast %scan3A_437#0 : vector<16xf32> to vector<1x16xf32>
          tpu.vector_store %arg9[%swap3A_442, %swap3A_443], %swap3A_446 {strides = array<i32>} : memref<80x128xf32, #tpu.memory_space<vmem>>, vector<1x16xf32>,
          %swap3A_447 = arith.index_cast %get3A_441 : i32 to index
          %swap3A_448 = arith.constant 16 : index
          %swap3A_449 = tpu.vector_load %arg9[%swap3A_447, %swap3A_448] {strides = array<i32>} : memref<80x128xf32, #tpu.memory_space<vmem>>, vector<1x16xf32>,
          %swap3A_450 = vector.shape_cast %swap3A_449 : vector<1x16xf32> to vector<16xf32>
          %swap3A_451 = vector.shape_cast %scan3A_437#1 : vector<16xf32> to vector<1x16xf32>
          tpu.vector_store %arg9[%swap3A_447, %swap3A_448], %swap3A_451 {strides = array<i32>} : memref<80x128xf32, #tpu.memory_space<vmem>>, vector<1x16xf32>,
          %swap3A_452 = arith.index_cast %get3A_441 : i32 to index
          %swap3A_453 = arith.constant 32 : index
          %swap3A_454 = tpu.vector_load %arg9[%swap3A_452, %swap3A_453] {strides = array<i32>} : memref<80x128xf32, #tpu.memory_space<vmem>>, vector<1x16xf32>,
          %swap3A_455 = vector.shape_cast %swap3A_454 : vector<1x16xf32> to vector<16xf32>
          %swap3A_456 = vector.shape_cast %scan3A_437#2 : vector<16xf32> to vector<1x16xf32>
          tpu.vector_store %arg9[%swap3A_452, %swap3A_453], %swap3A_456 {strides = array<i32>} : memref<80x128xf32, #tpu.memory_space<vmem>>, vector<1x16xf32>,
          %swap3A_457 = arith.index_cast %get3A_441 : i32 to index
          %swap3A_458 = arith.constant 48 : index
          %swap3A_459 = tpu.vector_load %arg9[%swap3A_457, %swap3A_458] {strides = array<i32>} : memref<80x128xf32, #tpu.memory_space<vmem>>, vector<1x16xf32>,
          %swap3A_460 = vector.shape_cast %swap3A_459 : vector<1x16xf32> to vector<16xf32>
          %swap3A_461 = vector.shape_cast %scan3A_437#3 : vector<16xf32> to vector<1x16xf32>
          tpu.vector_store %arg9[%swap3A_457, %swap3A_458], %swap3A_461 {strides = array<i32>} : memref<80x128xf32, #tpu.memory_space<vmem>>, vector<1x16xf32>,
          %swap3A_462 = arith.index_cast %get3A_441 : i32 to index
          %swap3A_463 = arith.constant 64 : index
          %swap3A_464 = tpu.vector_load %arg9[%swap3A_462, %swap3A_463] {strides = array<i32>} : memref<80x128xf32, #tpu.memory_space<vmem>>, vector<1x16xf32>,
          %swap3A_465 = vector.shape_cast %swap3A_464 : vector<1x16xf32> to vector<16xf32>
          %swap3A_466 = vector.shape_cast %scan3A_437#4 : vector<16xf32> to vector<1x16xf32>
          tpu.vector_store %arg9[%swap3A_462, %swap3A_463], %swap3A_466 {strides = array<i32>} : memref<80x128xf32, #tpu.memory_space<vmem>>, vector<1x16xf32>,
          %swap3A_467 = arith.index_cast %get3A_441 : i32 to index
          %swap3A_468 = arith.constant 80 : index
          %swap3A_469 = tpu.vector_load %arg9[%swap3A_467, %swap3A_468] {strides = array<i32>} : memref<80x128xf32, #tpu.memory_space<vmem>>, vector<1x16xf32>,
          %swap3A_470 = vector.shape_cast %swap3A_469 : vector<1x16xf32> to vector<16xf32>
          %swap3A_471 = vector.shape_cast %scan3A_437#5 : vector<16xf32> to vector<1x16xf32>
          tpu.vector_store %arg9[%swap3A_467, %swap3A_468], %swap3A_471 {strides = array<i32>} : memref<80x128xf32, #tpu.memory_space<vmem>>, vector<1x16xf32>,
          %swap3A_472 = arith.index_cast %get3A_441 : i32 to index
          %swap3A_473 = arith.constant 96 : index
          %swap3A_474 = tpu.vector_load %arg9[%swap3A_472, %swap3A_473] {strides = array<i32>} : memref<80x128xf32, #tpu.memory_space<vmem>>, vector<1x16xf32>,
          %swap3A_475 = vector.shape_cast %swap3A_474 : vector<1x16xf32> to vector<16xf32>
          %swap3A_476 = vector.shape_cast %scan3A_437#6 : vector<16xf32> to vector<1x16xf32>
          tpu.vector_store %arg9[%swap3A_472, %swap3A_473], %swap3A_476 {strides = array<i32>} : memref<80x128xf32, #tpu.memory_space<vmem>>, vector<1x16xf32>,
          %swap3A_477 = arith.index_cast %get3A_441 : i32 to index
          %swap3A_478 = arith.constant 112 : index
          %swap3A_479 = tpu.vector_load %arg9[%swap3A_477, %swap3A_478] {strides = array<i32>} : memref<80x128xf32, #tpu.memory_space<vmem>>, vector<1x16xf32>,
          %swap3A_480 = vector.shape_cast %swap3A_479 : vector<1x16xf32> to vector<16xf32>
          %swap3A_481 = vector.shape_cast %scan3A_437#7 : vector<16xf32> to vector<1x16xf32>
          tpu.vector_store %arg9[%swap3A_477, %swap3A_478], %swap3A_481 {strides = array<i32>} : memref<80x128xf32, #tpu.memory_space<vmem>>, vector<1x16xf32>,
          %jit3A_482 = arith.constant 16 : i32
          %div3A_483 = arith.divsi %get3A_441, %jit3A_482 : i32
          %sign3A_484 = arith.constant 0 : i32
          %sign3A_485 = arith.cmpi sgt, %get3A_441, %sign3A_484 : i32
          %sign3A_486 = arith.extui %sign3A_485 : i1 to i32
          %sign3A_487 = arith.constant 0 : i32
          %sign3A_488 = arith.cmpi slt, %get3A_441, %sign3A_487 : i32
          %sign3A_489 = arith.extui %sign3A_488 : i1 to i32
          %sign3A_490 = arith.subi %sign3A_486, %sign3A_489 : i32
          %sign3A_491 = arith.constant 0 : i32
          %sign3A_492 = arith.cmpi sgt, %jit3A_482, %sign3A_491 : i32
          %sign3A_493 = arith.extui %sign3A_492 : i1 to i32
          %sign3A_494 = arith.constant 0 : i32
          %sign3A_495 = arith.cmpi slt, %jit3A_482, %sign3A_494 : i32
          %sign3A_496 = arith.extui %sign3A_495 : i1 to i32
          %sign3A_497 = arith.subi %sign3A_493, %sign3A_496 : i32
          %ne3A_498 = arith.cmpi ne, %sign3A_490, %sign3A_497 : i32
          %rem3A_499 = arith.remsi %get3A_441, %jit3A_482 : i32
          %ne3A_500 = arith.constant 0 : i32
          %ne3A_501 = arith.cmpi ne, %rem3A_499, %ne3A_500 : i32
          %and3A_502 = arith.andi %ne3A_498, %ne3A_501 : i1
          %sub3A_503 = arith.constant 1 : i32
          %sub3A_504 = arith.subi %div3A_483, %sub3A_503 : i32
          %select_n3A_505 = arith.select %and3A_502, %sub3A_504, %div3A_483 : i32
          %mul3A_506 = arith.constant 16 : i32
          %mul3A_507 = arith.muli %select_n3A_505, %mul3A_506 : i32
          %sub3A_508 = arith.subi %get3A_441, %mul3A_507 : i32
          %get3A_509 = arith.constant 0 : i32
          %get3A_510 = arith.index_cast %get3A_509 : i32 to index
          %get3A_511 = arith.index_cast %mul3A_507 : i32 to index
          %get3A_512 = tpu.vector_load %arg10[%get3A_510, %get3A_511] {strides = array<i32>} : memref<8x80xi32, #tpu.memory_space<vmem>>, vector<1x16xi32>,
          %get3A_513 = vector.shape_cast %get3A_512 : vector<1x16xi32> to vector<16xi32>
          %iota3A = tpu.iota {dimensions = array<i32: 0>} : vector<16xi32>
          %eq3A_514 = vector.broadcast %sub3A_508 : i32 to vector<16xi32>
          %eq3A_515 = arith.cmpi eq, %iota3A, %eq3A_514 : vector<16xi32>
          %broadcast_in_dim3A_516 = vector.broadcast %squeeze3A : i32 to vector<16xi32>
          %select_n3A_517 = arith.select %eq3A_515, %broadcast_in_dim3A_516, %get3A_513 : vector<16xi1>, vector<16xi32>
          %swap3A_518 = arith.constant 0 : i32
          %swap3A_519 = arith.index_cast %swap3A_518 : i32 to index
          %swap3A_520 = arith.index_cast %mul3A_507 : i32 to index
          %swap3A_521 = tpu.vector_load %arg10[%swap3A_519, %swap3A_520] {strides = array<i32>} : memref<8x80xi32, #tpu.memory_space<vmem>>, vector<1x16xi32>,
          %swap3A_522 = vector.shape_cast %swap3A_521 : vector<1x16xi32> to vector<16xi32>
          %swap3A_523 = vector.shape_cast %select_n3A_517 : vector<16xi32> to vector<1x16xi32>
          tpu.vector_store %arg10[%swap3A_519, %swap3A_520], %swap3A_523 {strides = array<i32>} : memref<8x80xi32, #tpu.memory_space<vmem>>, vector<1x16xi32>,
          %add3A_524 = arith.constant 1 : i32
          %add3A_525 = arith.addi %get3A_441, %add3A_524 : i32
          %swap3A_526 = arith.constant 6 : i32
          %swap3A_527 = arith.index_cast %swap3A_526 : i32 to index
          %swap3A_528 = memref.load %arg11[%swap3A_527] : memref<7xi32, #tpu.memory_space<smem>>
          memref.store %add3A_525, %arg11[%swap3A_527] : memref<7xi32, #tpu.memory_space<smem>>
          %swap3A_529 = arith.constant 0 : i32
          %swap3A_530 = arith.constant 4 : i32
          %swap3A_531 = arith.index_cast %swap3A_530 : i32 to index
          %swap3A_532 = memref.load %arg11[%swap3A_531] : memref<7xi32, #tpu.memory_space<smem>>
          memref.store %swap3A_529, %arg11[%swap3A_531] : memref<7xi32, #tpu.memory_space<smem>>
        } else {
        }
        %ne3A_429 = arith.cmpi ne, %squeeze3A, %squeeze3A_424 : i32
        %convert_element_type3A_430 = arith.extui %ne3A_429 : i1 to i32
        %cond3A_431 = arith.constant 0 : i32
        %cond3A_432 = arith.cmpi ne, %convert_element_type3A_430, %cond3A_431 : i32
        scf.if %cond3A_432 {
          %add3A_433 = arith.addi %sub3A_31, %add3A_375 : i32
          %dma_start3A_434 = arith.constant 4 : i32
          %dma_start3A_435 = arith.constant 0 : i32
          %dma_start3A_436 = arith.constant 0 : i32
          %dma_start3A_437 = tpu.memref_slice %arg7[%dma_start3A_434, %dma_start3A_435, %dma_start3A_436] : memref<6x128x128xf32, #tpu.memory_space<vmem>> -> memref<1x128x128xf32, #tpu.memory_space<vmem>>
          %dma_start3A_438 = tpu.memref_squeeze %dma_start3A_437 : memref<1x128x128xf32, #tpu.memory_space<vmem>> -> memref<128x128xf32, #tpu.memory_space<vmem>>
          %dma_start3A_439 = arith.constant 0 : i32
          %dma_start3A_440 = tpu.memref_slice %arg8[%add3A_433, %dma_start3A_439] : memref<88x128xi32, #tpu.memory_space<vmem>> -> memref<1x128xi32, #tpu.memory_space<vmem>>
          %dma_start3A_441 = tpu.memref_squeeze %dma_start3A_440 : memref<1x128xi32, #tpu.memory_space<vmem>> -> memref<128xi32, #tpu.memory_space<vmem>>
          %dma_start3A_442 = arith.constant 0 : i32
          %dma_start3A_443 = arith.constant 0 : i32
          %dma_start3A_444 = tpu.memref_slice %arg6[%dma_start3A_442, %dma_start3A_443] : memref<1024x128xf32, #tpu.memory_space<vmem_shared>> -> memref<1024x128xf32, #tpu.memory_space<vmem_shared>>
          tpu.enqueue_indirect_dma source(%dma_start3A_438 : memref<128x128xf32, #tpu.memory_space<vmem>>) target(%dma_start3A_444 : memref<1024x128xf32, #tpu.memory_space<vmem_shared>>) offsets(%dma_start3A_441 : memref<128xi32, #tpu.memory_space<vmem>>) semaphore(%arg22 : memref<!tpu.dma_semaphore, #tpu.memory_space<semaphore_mem>>) {add = true}
          %swap3A_445 = arith.constant 1 : i32
          %swap3A_446 = arith.constant 4 : i32
          %swap3A_447 = arith.index_cast %swap3A_446 : i32 to index
          %swap3A_448 = memref.load %arg11[%swap3A_447] : memref<7xi32, #tpu.memory_space<smem>>
          memref.store %swap3A_445, %arg11[%swap3A_447] : memref<7xi32, #tpu.memory_space<smem>>
        } else {
        }
      } else {
      }
      %mul3A_380 = arith.constant 6 : i32
      %mul3A_381 = arith.muli %mul3A_380, %while3A_339 : i32
      %add3A_382 = arith.constant 5 : i32
      %add3A_383 = arith.addi %mul3A_381, %add3A_382 : i32
      %lt3A_384 = arith.cmpi slt, %add3A_383, %add3A_6 : i32
      %convert_element_type3A_385 = arith.extui %lt3A_384 : i1 to i32
      %cond3A_386 = arith.constant 0 : i32
      %cond3A_387 = arith.cmpi ne, %convert_element_type3A_385, %cond3A_386 : i32
      scf.if %cond3A_387 {
        %ge3A_388 = arith.constant 1 : i32
        %ge3A_389 = arith.cmpi sge, %add3A_383, %ge3A_388 : i32
        %convert_element_type3A_390 = arith.extui %ge3A_389 : i1 to i32
        %cond3A_391 = arith.constant 0 : i32
        %cond3A_392 = arith.cmpi ne, %convert_element_type3A_390, %cond3A_391 : i32
        scf.if %cond3A_392 {
          %sub3A_433 = arith.constant 1 : i32
          %sub3A_434 = arith.subi %add3A_383, %sub3A_433 : i32
          %get3A_435 = arith.constant 4 : i32
          %get3A_436 = arith.index_cast %get3A_435 : i32 to index
          %get3A_437 = memref.load %arg11[%get3A_436] : memref<7xi32, #tpu.memory_space<smem>>
          %eq3A_438 = arith.constant 1 : i32
          %eq3A_439 = arith.cmpi eq, %get3A_437, %eq3A_438 : i32
          %convert_element_type3A_440 = arith.extui %eq3A_439 : i1 to i32
          %cond3A_441 = arith.constant 0 : i32
          %cond3A_442 = arith.cmpi ne, %convert_element_type3A_440, %cond3A_441 : i32
          scf.if %cond3A_442 {
            %add3A_443 = arith.addi %sub3A_31, %sub3A_434 : i32
            %dma_wait3A_444 = arith.constant 4 : i32
            %dma_wait3A_445 = arith.constant 0 : i32
            %dma_wait3A_446 = arith.constant 0 : i32
            %dma_wait3A_447 = tpu.memref_slice %arg7[%dma_wait3A_444, %dma_wait3A_445, %dma_wait3A_446] : memref<6x128x128xf32, #tpu.memory_space<vmem>> -> memref<1x128x128xf32, #tpu.memory_space<vmem>>
            %dma_wait3A_448 = tpu.memref_squeeze %dma_wait3A_447 : memref<1x128x128xf32, #tpu.memory_space<vmem>> -> memref<128x128xf32, #tpu.memory_space<vmem>>
            %dma_wait3A_449 = arith.constant 0 : i32
            %dma_wait3A_450 = tpu.memref_slice %arg8[%add3A_443, %dma_wait3A_449] : memref<88x128xi32, #tpu.memory_space<vmem>> -> memref<1x128xi32, #tpu.memory_space<vmem>>
            %dma_wait3A_451 = tpu.memref_squeeze %dma_wait3A_450 : memref<1x128xi32, #tpu.memory_space<vmem>> -> memref<128xi32, #tpu.memory_space<vmem>>
            %dma_wait3A_452 = arith.constant 0 : i32
            %dma_wait3A_453 = arith.constant 0 : i32
            %dma_wait3A_454 = tpu.memref_slice %arg6[%dma_wait3A_452, %dma_wait3A_453] : memref<1024x128xf32, #tpu.memory_space<vmem_shared>> -> memref<1024x128xf32, #tpu.memory_space<vmem_shared>>
            tpu.wait_indirect_dma semaphore(%arg22 : memref<!tpu.dma_semaphore, #tpu.memory_space<semaphore_mem>>) src(%dma_wait3A_448 : memref<128x128xf32, #tpu.memory_space<vmem>>) dst(%dma_wait3A_454 : memref<1024x128xf32, #tpu.memory_space<vmem_shared>>)
          } else {
          }
        } else {
        }
        %add3A_393 = arith.constant 5 : i32
        %add3A_394 = arith.addi %add3A_383, %add3A_393 : i32
        %lt3A_395 = arith.cmpi slt, %add3A_394, %add3A_6 : i32
        %convert_element_type3A_396 = arith.extui %lt3A_395 : i1 to i32
        %cond3A_397 = arith.constant 0 : i32
        %cond3A_398 = arith.cmpi ne, %convert_element_type3A_396, %cond3A_397 : i32
        scf.if %cond3A_398 {
          %add3A_433 = arith.constant 5 : i32
          %add3A_434 = arith.addi %add3A_383, %add3A_433 : i32
          %add3A_435 = arith.addi %add3A_10, %add3A_434 : i32
          %mul3A_436 = arith.constant 128 : i32
          %mul3A_437 = arith.muli %add3A_435, %mul3A_436 : i32
          %dma_start3A_438 = arith.constant 4 : i32
          %dma_start3A_439 = arith.constant 0 : i32
          %dma_start3A_440 = arith.constant 0 : i32
          %dma_start3A_441 = tpu.memref_slice %arg7[%dma_start3A_438, %dma_start3A_439, %dma_start3A_440] : memref<6x128x128xf32, #tpu.memory_space<vmem>> -> memref<1x128x128xf32, #tpu.memory_space<vmem>>
          %dma_start3A_442 = tpu.memref_squeeze %dma_start3A_441 : memref<1x128x128xf32, #tpu.memory_space<vmem>> -> memref<128x128xf32, #tpu.memory_space<vmem>>
          %dma_start3A_443 = arith.constant 0 : i32
          %dma_start3A_444 = tpu.memref_slice %arg3[%mul3A_437, %dma_start3A_443] : memref<320000x128xf32, #tpu.memory_space<hbm>> -> memref<128x128xf32, #tpu.memory_space<hbm>>
          %dma_start3A_445 = arith.constant 0 : i32
          %dma_start3A_446 = arith.constant 0 : i32
          %dma_start3A_447 = tpu.memref_slice %arg7[%dma_start3A_438, %dma_start3A_445, %dma_start3A_446] : memref<6x128x128xf32, #tpu.memory_space<vmem>> -> memref<1x128x128xf32, #tpu.memory_space<vmem>>
          %dma_start3A_448 = tpu.memref_squeeze %dma_start3A_447 : memref<1x128x128xf32, #tpu.memory_space<vmem>> -> memref<128x128xf32, #tpu.memory_space<vmem>>
          %dma_start3A_449 = arith.constant 0 : i32
          %dma_start3A_450 = tpu.memref_slice %arg3[%mul3A_437, %dma_start3A_449] : memref<320000x128xf32, #tpu.memory_space<hbm>> -> memref<128x128xf32, #tpu.memory_space<hbm>>
          tpu.enqueue_dma source(%dma_start3A_450 : memref<128x128xf32, #tpu.memory_space<hbm>>) target(%dma_start3A_448 : memref<128x128xf32, #tpu.memory_space<vmem>>) target_semaphore(%arg16 : memref<!tpu.dma_semaphore, #tpu.memory_space<semaphore_mem>>)
        } else {
        }
        %add3A_399 = arith.addi %add3A_10, %add3A_383 : i32
        %mul3A_400 = arith.constant 128 : i32
        %mul3A_401 = arith.muli %add3A_399, %mul3A_400 : i32
        %dma_wait3A = arith.constant 5 : i32
        %dma_wait3A_402 = arith.constant 0 : i32
        %dma_wait3A_403 = arith.constant 0 : i32
        %dma_wait3A_404 = tpu.memref_slice %arg7[%dma_wait3A, %dma_wait3A_402, %dma_wait3A_403] : memref<6x128x128xf32, #tpu.memory_space<vmem>> -> memref<1x128x128xf32, #tpu.memory_space<vmem>>
        %dma_wait3A_405 = tpu.memref_squeeze %dma_wait3A_404 : memref<1x128x128xf32, #tpu.memory_space<vmem>> -> memref<128x128xf32, #tpu.memory_space<vmem>>
        %dma_wait3A_406 = arith.constant 0 : i32
        %dma_wait3A_407 = tpu.memref_slice %arg3[%mul3A_401, %dma_wait3A_406] : memref<320000x128xf32, #tpu.memory_space<hbm>> -> memref<128x128xf32, #tpu.memory_space<hbm>>
        %dma_wait3A_408 = arith.constant 0 : i32
        %dma_wait3A_409 = arith.constant 0 : i32
        %dma_wait3A_410 = tpu.memref_slice %arg7[%dma_wait3A, %dma_wait3A_408, %dma_wait3A_409] : memref<6x128x128xf32, #tpu.memory_space<vmem>> -> memref<1x128x128xf32, #tpu.memory_space<vmem>>
        %dma_wait3A_411 = tpu.memref_squeeze %dma_wait3A_410 : memref<1x128x128xf32, #tpu.memory_space<vmem>> -> memref<128x128xf32, #tpu.memory_space<vmem>>
        %dma_wait3A_412 = arith.constant 0 : i32
        %dma_wait3A_413 = tpu.memref_slice %arg3[%mul3A_401, %dma_wait3A_412] : memref<320000x128xf32, #tpu.memory_space<hbm>> -> memref<128x128xf32, #tpu.memory_space<hbm>>
        tpu.wait_dma2 semaphore(%arg17 : memref<!tpu.dma_semaphore, #tpu.memory_space<semaphore_mem>>) src(%dma_wait3A_413 : memref<128x128xf32, #tpu.memory_space<hbm>>) dst(%dma_wait3A_411 : memref<128x128xf32, #tpu.memory_space<vmem>>)
        %add3A_414 = arith.addi %sub3A_31, %add3A_383 : i32
        %get3A = arith.index_cast %add3A_414 : i32 to index
        %get3A_415 = arith.constant 0 : index
        %get3A_416 = tpu.vector_load %arg8[%get3A, %get3A_415] {strides = array<i32>} : memref<88x128xi32, #tpu.memory_space<vmem>>, vector<1x16xi32>,
        %get3A_417 = vector.shape_cast %get3A_416 : vector<1x16xi32> to vector<16xi32>
        %slice3A = vector.extract_strided_slice %get3A_417 {offsets = [0], sizes = [1], strides = [1]} : vector<16xi32> to vector<1xi32>
        %squeeze3A = vector.extract %slice3A[0] : i32 from vector<1xi32>
        %add3A_418 = arith.addi %sub3A_31, %add3A_383 : i32
        %get3A_419 = arith.index_cast %add3A_418 : i32 to index
        %get3A_420 = arith.constant 112 : index
        %get3A_421 = tpu.vector_load %arg8[%get3A_419, %get3A_420] {strides = array<i32>} : memref<88x128xi32, #tpu.memory_space<vmem>>, vector<1x16xi32>,
        %get3A_422 = vector.shape_cast %get3A_421 : vector<1x16xi32> to vector<16xi32>
        %slice3A_423 = vector.extract_strided_slice %get3A_422 {offsets = [15], sizes = [1], strides = [1]} : vector<16xi32> to vector<1xi32>
        %squeeze3A_424 = vector.extract %slice3A_423[0] : i32 from vector<1xi32>
        %eq3A_425 = arith.cmpi eq, %squeeze3A, %squeeze3A_424 : i32
        %convert_element_type3A_426 = arith.extui %eq3A_425 : i1 to i32
        %cond3A_427 = arith.constant 0 : i32
        %cond3A_428 = arith.cmpi ne, %convert_element_type3A_426, %cond3A_427 : i32
        scf.if %cond3A_428 {
          %scan3A_433 = arith.constant 0 : i32
          %scan3A_434 = arith.constant 64 : i32
          %scan3A_435 = arith.addi %scan3A_433, %scan3A_434 : i32
          %scan3A_436 = arith.constant 1 : i32
          %scan3A_437:8 = scf.for %scan3A_533 = %scan3A_433 to %scan3A_435 step %scan3A_436 iter_args(%scan3A_534 = %broadcast_in_dim3A_32, %scan3A_535 = %broadcast_in_dim3A_32, %scan3A_536 = %broadcast_in_dim3A_32, %scan3A_537 = %broadcast_in_dim3A_32, %scan3A_538 = %broadcast_in_dim3A_32, %scan3A_539 = %broadcast_in_dim3A_32, %scan3A_540 = %broadcast_in_dim3A_32, %scan3A_541 = %broadcast_in_dim3A_32) -> (vector<16xf32>, vector<16xf32>, vector<16xf32>, vector<16xf32>, vector<16xf32>, vector<16xf32>, vector<16xf32>, vector<16xf32>)  : i32 {
            %mul3A_542 = arith.constant 2 : i32
            %mul3A_543 = arith.muli %mul3A_542, %scan3A_533 : i32
            %get3A_544 = arith.constant 5 : i32
            %get3A_545 = arith.index_cast %get3A_544 : i32 to index
            %get3A_546 = arith.index_cast %mul3A_543 : i32 to index
            %get3A_547 = arith.constant 0 : index
            %get3A_548 = tpu.vector_load %arg7[%get3A_545, %get3A_546, %get3A_547] {strides = array<i32>} : memref<6x128x128xf32, #tpu.memory_space<vmem>>, vector<1x1x16xf32>,
            %get3A_549 = vector.shape_cast %get3A_548 : vector<1x1x16xf32> to vector<16xf32>
            %mul3A_550 = arith.constant 2 : i32
            %mul3A_551 = arith.muli %mul3A_550, %scan3A_533 : i32
            %add3A_552 = arith.constant 1 : i32
            %add3A_553 = arith.addi %mul3A_551, %add3A_552 : i32
            %get3A_554 = arith.constant 5 : i32
            %get3A_555 = arith.index_cast %get3A_554 : i32 to index
            %get3A_556 = arith.index_cast %add3A_553 : i32 to index
            %get3A_557 = arith.constant 0 : index
            %get3A_558 = tpu.vector_load %arg7[%get3A_555, %get3A_556, %get3A_557] {strides = array<i32>} : memref<6x128x128xf32, #tpu.memory_space<vmem>>, vector<1x1x16xf32>,
            %get3A_559 = vector.shape_cast %get3A_558 : vector<1x1x16xf32> to vector<16xf32>
            %add3A_560 = arith.addf %get3A_549, %get3A_559 : vector<16xf32>
            %add3A_561 = arith.addf %scan3A_534, %add3A_560 : vector<16xf32>
            %mul3A_562 = arith.constant 2 : i32
            %mul3A_563 = arith.muli %mul3A_562, %scan3A_533 : i32
            %get3A_564 = arith.constant 5 : i32
            %get3A_565 = arith.index_cast %get3A_564 : i32 to index
            %get3A_566 = arith.index_cast %mul3A_563 : i32 to index
            %get3A_567 = arith.constant 16 : index
            %get3A_568 = tpu.vector_load %arg7[%get3A_565, %get3A_566, %get3A_567] {strides = array<i32>} : memref<6x128x128xf32, #tpu.memory_space<vmem>>, vector<1x1x16xf32>,
            %get3A_569 = vector.shape_cast %get3A_568 : vector<1x1x16xf32> to vector<16xf32>
            %mul3A_570 = arith.constant 2 : i32
            %mul3A_571 = arith.muli %mul3A_570, %scan3A_533 : i32
            %add3A_572 = arith.constant 1 : i32
            %add3A_573 = arith.addi %mul3A_571, %add3A_572 : i32
            %get3A_574 = arith.constant 5 : i32
            %get3A_575 = arith.index_cast %get3A_574 : i32 to index
            %get3A_576 = arith.index_cast %add3A_573 : i32 to index
            %get3A_577 = arith.constant 16 : index
            %get3A_578 = tpu.vector_load %arg7[%get3A_575, %get3A_576, %get3A_577] {strides = array<i32>} : memref<6x128x128xf32, #tpu.memory_space<vmem>>, vector<1x1x16xf32>,
            %get3A_579 = vector.shape_cast %get3A_578 : vector<1x1x16xf32> to vector<16xf32>
            %add3A_580 = arith.addf %get3A_569, %get3A_579 : vector<16xf32>
            %add3A_581 = arith.addf %scan3A_535, %add3A_580 : vector<16xf32>
            %mul3A_582 = arith.constant 2 : i32
            %mul3A_583 = arith.muli %mul3A_582, %scan3A_533 : i32
            %get3A_584 = arith.constant 5 : i32
            %get3A_585 = arith.index_cast %get3A_584 : i32 to index
            %get3A_586 = arith.index_cast %mul3A_583 : i32 to index
            %get3A_587 = arith.constant 32 : index
            %get3A_588 = tpu.vector_load %arg7[%get3A_585, %get3A_586, %get3A_587] {strides = array<i32>} : memref<6x128x128xf32, #tpu.memory_space<vmem>>, vector<1x1x16xf32>,
            %get3A_589 = vector.shape_cast %get3A_588 : vector<1x1x16xf32> to vector<16xf32>
            %mul3A_590 = arith.constant 2 : i32
            %mul3A_591 = arith.muli %mul3A_590, %scan3A_533 : i32
            %add3A_592 = arith.constant 1 : i32
            %add3A_593 = arith.addi %mul3A_591, %add3A_592 : i32
            %get3A_594 = arith.constant 5 : i32
            %get3A_595 = arith.index_cast %get3A_594 : i32 to index
            %get3A_596 = arith.index_cast %add3A_593 : i32 to index
            %get3A_597 = arith.constant 32 : index
            %get3A_598 = tpu.vector_load %arg7[%get3A_595, %get3A_596, %get3A_597] {strides = array<i32>} : memref<6x128x128xf32, #tpu.memory_space<vmem>>, vector<1x1x16xf32>,
            %get3A_599 = vector.shape_cast %get3A_598 : vector<1x1x16xf32> to vector<16xf32>
            %add3A_600 = arith.addf %get3A_589, %get3A_599 : vector<16xf32>
            %add3A_601 = arith.addf %scan3A_536, %add3A_600 : vector<16xf32>
            %mul3A_602 = arith.constant 2 : i32
            %mul3A_603 = arith.muli %mul3A_602, %scan3A_533 : i32
            %get3A_604 = arith.constant 5 : i32
            %get3A_605 = arith.index_cast %get3A_604 : i32 to index
            %get3A_606 = arith.index_cast %mul3A_603 : i32 to index
            %get3A_607 = arith.constant 48 : index
            %get3A_608 = tpu.vector_load %arg7[%get3A_605, %get3A_606, %get3A_607] {strides = array<i32>} : memref<6x128x128xf32, #tpu.memory_space<vmem>>, vector<1x1x16xf32>,
            %get3A_609 = vector.shape_cast %get3A_608 : vector<1x1x16xf32> to vector<16xf32>
            %mul3A_610 = arith.constant 2 : i32
            %mul3A_611 = arith.muli %mul3A_610, %scan3A_533 : i32
            %add3A_612 = arith.constant 1 : i32
            %add3A_613 = arith.addi %mul3A_611, %add3A_612 : i32
            %get3A_614 = arith.constant 5 : i32
            %get3A_615 = arith.index_cast %get3A_614 : i32 to index
            %get3A_616 = arith.index_cast %add3A_613 : i32 to index
            %get3A_617 = arith.constant 48 : index
            %get3A_618 = tpu.vector_load %arg7[%get3A_615, %get3A_616, %get3A_617] {strides = array<i32>} : memref<6x128x128xf32, #tpu.memory_space<vmem>>, vector<1x1x16xf32>,
            %get3A_619 = vector.shape_cast %get3A_618 : vector<1x1x16xf32> to vector<16xf32>
            %add3A_620 = arith.addf %get3A_609, %get3A_619 : vector<16xf32>
            %add3A_621 = arith.addf %scan3A_537, %add3A_620 : vector<16xf32>
            %mul3A_622 = arith.constant 2 : i32
            %mul3A_623 = arith.muli %mul3A_622, %scan3A_533 : i32
            %get3A_624 = arith.constant 5 : i32
            %get3A_625 = arith.index_cast %get3A_624 : i32 to index
            %get3A_626 = arith.index_cast %mul3A_623 : i32 to index
            %get3A_627 = arith.constant 64 : index
            %get3A_628 = tpu.vector_load %arg7[%get3A_625, %get3A_626, %get3A_627] {strides = array<i32>} : memref<6x128x128xf32, #tpu.memory_space<vmem>>, vector<1x1x16xf32>,
            %get3A_629 = vector.shape_cast %get3A_628 : vector<1x1x16xf32> to vector<16xf32>
            %mul3A_630 = arith.constant 2 : i32
            %mul3A_631 = arith.muli %mul3A_630, %scan3A_533 : i32
            %add3A_632 = arith.constant 1 : i32
            %add3A_633 = arith.addi %mul3A_631, %add3A_632 : i32
            %get3A_634 = arith.constant 5 : i32
            %get3A_635 = arith.index_cast %get3A_634 : i32 to index
            %get3A_636 = arith.index_cast %add3A_633 : i32 to index
            %get3A_637 = arith.constant 64 : index
            %get3A_638 = tpu.vector_load %arg7[%get3A_635, %get3A_636, %get3A_637] {strides = array<i32>} : memref<6x128x128xf32, #tpu.memory_space<vmem>>, vector<1x1x16xf32>,
            %get3A_639 = vector.shape_cast %get3A_638 : vector<1x1x16xf32> to vector<16xf32>
            %add3A_640 = arith.addf %get3A_629, %get3A_639 : vector<16xf32>
            %add3A_641 = arith.addf %scan3A_538, %add3A_640 : vector<16xf32>
            %mul3A_642 = arith.constant 2 : i32
            %mul3A_643 = arith.muli %mul3A_642, %scan3A_533 : i32
            %get3A_644 = arith.constant 5 : i32
            %get3A_645 = arith.index_cast %get3A_644 : i32 to index
            %get3A_646 = arith.index_cast %mul3A_643 : i32 to index
            %get3A_647 = arith.constant 80 : index
            %get3A_648 = tpu.vector_load %arg7[%get3A_645, %get3A_646, %get3A_647] {strides = array<i32>} : memref<6x128x128xf32, #tpu.memory_space<vmem>>, vector<1x1x16xf32>,
            %get3A_649 = vector.shape_cast %get3A_648 : vector<1x1x16xf32> to vector<16xf32>
            %mul3A_650 = arith.constant 2 : i32
            %mul3A_651 = arith.muli %mul3A_650, %scan3A_533 : i32
            %add3A_652 = arith.constant 1 : i32
            %add3A_653 = arith.addi %mul3A_651, %add3A_652 : i32
            %get3A_654 = arith.constant 5 : i32
            %get3A_655 = arith.index_cast %get3A_654 : i32 to index
            %get3A_656 = arith.index_cast %add3A_653 : i32 to index
            %get3A_657 = arith.constant 80 : index
            %get3A_658 = tpu.vector_load %arg7[%get3A_655, %get3A_656, %get3A_657] {strides = array<i32>} : memref<6x128x128xf32, #tpu.memory_space<vmem>>, vector<1x1x16xf32>,
            %get3A_659 = vector.shape_cast %get3A_658 : vector<1x1x16xf32> to vector<16xf32>
            %add3A_660 = arith.addf %get3A_649, %get3A_659 : vector<16xf32>
            %add3A_661 = arith.addf %scan3A_539, %add3A_660 : vector<16xf32>
            %mul3A_662 = arith.constant 2 : i32
            %mul3A_663 = arith.muli %mul3A_662, %scan3A_533 : i32
            %get3A_664 = arith.constant 5 : i32
            %get3A_665 = arith.index_cast %get3A_664 : i32 to index
            %get3A_666 = arith.index_cast %mul3A_663 : i32 to index
            %get3A_667 = arith.constant 96 : index
            %get3A_668 = tpu.vector_load %arg7[%get3A_665, %get3A_666, %get3A_667] {strides = array<i32>} : memref<6x128x128xf32, #tpu.memory_space<vmem>>, vector<1x1x16xf32>,
            %get3A_669 = vector.shape_cast %get3A_668 : vector<1x1x16xf32> to vector<16xf32>
            %mul3A_670 = arith.constant 2 : i32
            %mul3A_671 = arith.muli %mul3A_670, %scan3A_533 : i32
            %add3A_672 = arith.constant 1 : i32
            %add3A_673 = arith.addi %mul3A_671, %add3A_672 : i32
            %get3A_674 = arith.constant 5 : i32
            %get3A_675 = arith.index_cast %get3A_674 : i32 to index
            %get3A_676 = arith.index_cast %add3A_673 : i32 to index
            %get3A_677 = arith.constant 96 : index
            %get3A_678 = tpu.vector_load %arg7[%get3A_675, %get3A_676, %get3A_677] {strides = array<i32>} : memref<6x128x128xf32, #tpu.memory_space<vmem>>, vector<1x1x16xf32>,
            %get3A_679 = vector.shape_cast %get3A_678 : vector<1x1x16xf32> to vector<16xf32>
            %add3A_680 = arith.addf %get3A_669, %get3A_679 : vector<16xf32>
            %add3A_681 = arith.addf %scan3A_540, %add3A_680 : vector<16xf32>
            %mul3A_682 = arith.constant 2 : i32
            %mul3A_683 = arith.muli %mul3A_682, %scan3A_533 : i32
            %get3A_684 = arith.constant 5 : i32
            %get3A_685 = arith.index_cast %get3A_684 : i32 to index
            %get3A_686 = arith.index_cast %mul3A_683 : i32 to index
            %get3A_687 = arith.constant 112 : index
            %get3A_688 = tpu.vector_load %arg7[%get3A_685, %get3A_686, %get3A_687] {strides = array<i32>} : memref<6x128x128xf32, #tpu.memory_space<vmem>>, vector<1x1x16xf32>,
            %get3A_689 = vector.shape_cast %get3A_688 : vector<1x1x16xf32> to vector<16xf32>
            %mul3A_690 = arith.constant 2 : i32
            %mul3A_691 = arith.muli %mul3A_690, %scan3A_533 : i32
            %add3A_692 = arith.constant 1 : i32
            %add3A_693 = arith.addi %mul3A_691, %add3A_692 : i32
            %get3A_694 = arith.constant 5 : i32
            %get3A_695 = arith.index_cast %get3A_694 : i32 to index
            %get3A_696 = arith.index_cast %add3A_693 : i32 to index
            %get3A_697 = arith.constant 112 : index
            %get3A_698 = tpu.vector_load %arg7[%get3A_695, %get3A_696, %get3A_697] {strides = array<i32>} : memref<6x128x128xf32, #tpu.memory_space<vmem>>, vector<1x1x16xf32>,
            %get3A_699 = vector.shape_cast %get3A_698 : vector<1x1x16xf32> to vector<16xf32>
            %add3A_700 = arith.addf %get3A_689, %get3A_699 : vector<16xf32>
            %add3A_701 = arith.addf %scan3A_541, %add3A_700 : vector<16xf32>
            scf.yield %add3A_561, %add3A_581, %add3A_601, %add3A_621, %add3A_641, %add3A_661, %add3A_681, %add3A_701 : vector<16xf32>, vector<16xf32>, vector<16xf32>, vector<16xf32>, vector<16xf32>, vector<16xf32>, vector<16xf32>, vector<16xf32>
          }
          %scan3A_438 = arith.constant 64 : i32
          %get3A_439 = arith.constant 6 : i32
          %get3A_440 = arith.index_cast %get3A_439 : i32 to index
          %get3A_441 = memref.load %arg11[%get3A_440] : memref<7xi32, #tpu.memory_space<smem>>
          %swap3A_442 = arith.index_cast %get3A_441 : i32 to index
          %swap3A_443 = arith.constant 0 : index
          %swap3A_444 = tpu.vector_load %arg9[%swap3A_442, %swap3A_443] {strides = array<i32>} : memref<80x128xf32, #tpu.memory_space<vmem>>, vector<1x16xf32>,
          %swap3A_445 = vector.shape_cast %swap3A_444 : vector<1x16xf32> to vector<16xf32>
          %swap3A_446 = vector.shape_cast %scan3A_437#0 : vector<16xf32> to vector<1x16xf32>
          tpu.vector_store %arg9[%swap3A_442, %swap3A_443], %swap3A_446 {strides = array<i32>} : memref<80x128xf32, #tpu.memory_space<vmem>>, vector<1x16xf32>,
          %swap3A_447 = arith.index_cast %get3A_441 : i32 to index
          %swap3A_448 = arith.constant 16 : index
          %swap3A_449 = tpu.vector_load %arg9[%swap3A_447, %swap3A_448] {strides = array<i32>} : memref<80x128xf32, #tpu.memory_space<vmem>>, vector<1x16xf32>,
          %swap3A_450 = vector.shape_cast %swap3A_449 : vector<1x16xf32> to vector<16xf32>
          %swap3A_451 = vector.shape_cast %scan3A_437#1 : vector<16xf32> to vector<1x16xf32>
          tpu.vector_store %arg9[%swap3A_447, %swap3A_448], %swap3A_451 {strides = array<i32>} : memref<80x128xf32, #tpu.memory_space<vmem>>, vector<1x16xf32>,
          %swap3A_452 = arith.index_cast %get3A_441 : i32 to index
          %swap3A_453 = arith.constant 32 : index
          %swap3A_454 = tpu.vector_load %arg9[%swap3A_452, %swap3A_453] {strides = array<i32>} : memref<80x128xf32, #tpu.memory_space<vmem>>, vector<1x16xf32>,
          %swap3A_455 = vector.shape_cast %swap3A_454 : vector<1x16xf32> to vector<16xf32>
          %swap3A_456 = vector.shape_cast %scan3A_437#2 : vector<16xf32> to vector<1x16xf32>
          tpu.vector_store %arg9[%swap3A_452, %swap3A_453], %swap3A_456 {strides = array<i32>} : memref<80x128xf32, #tpu.memory_space<vmem>>, vector<1x16xf32>,
          %swap3A_457 = arith.index_cast %get3A_441 : i32 to index
          %swap3A_458 = arith.constant 48 : index
          %swap3A_459 = tpu.vector_load %arg9[%swap3A_457, %swap3A_458] {strides = array<i32>} : memref<80x128xf32, #tpu.memory_space<vmem>>, vector<1x16xf32>,
          %swap3A_460 = vector.shape_cast %swap3A_459 : vector<1x16xf32> to vector<16xf32>
          %swap3A_461 = vector.shape_cast %scan3A_437#3 : vector<16xf32> to vector<1x16xf32>
          tpu.vector_store %arg9[%swap3A_457, %swap3A_458], %swap3A_461 {strides = array<i32>} : memref<80x128xf32, #tpu.memory_space<vmem>>, vector<1x16xf32>,
          %swap3A_462 = arith.index_cast %get3A_441 : i32 to index
          %swap3A_463 = arith.constant 64 : index
          %swap3A_464 = tpu.vector_load %arg9[%swap3A_462, %swap3A_463] {strides = array<i32>} : memref<80x128xf32, #tpu.memory_space<vmem>>, vector<1x16xf32>,
          %swap3A_465 = vector.shape_cast %swap3A_464 : vector<1x16xf32> to vector<16xf32>
          %swap3A_466 = vector.shape_cast %scan3A_437#4 : vector<16xf32> to vector<1x16xf32>
          tpu.vector_store %arg9[%swap3A_462, %swap3A_463], %swap3A_466 {strides = array<i32>} : memref<80x128xf32, #tpu.memory_space<vmem>>, vector<1x16xf32>,
          %swap3A_467 = arith.index_cast %get3A_441 : i32 to index
          %swap3A_468 = arith.constant 80 : index
          %swap3A_469 = tpu.vector_load %arg9[%swap3A_467, %swap3A_468] {strides = array<i32>} : memref<80x128xf32, #tpu.memory_space<vmem>>, vector<1x16xf32>,
          %swap3A_470 = vector.shape_cast %swap3A_469 : vector<1x16xf32> to vector<16xf32>
          %swap3A_471 = vector.shape_cast %scan3A_437#5 : vector<16xf32> to vector<1x16xf32>
          tpu.vector_store %arg9[%swap3A_467, %swap3A_468], %swap3A_471 {strides = array<i32>} : memref<80x128xf32, #tpu.memory_space<vmem>>, vector<1x16xf32>,
          %swap3A_472 = arith.index_cast %get3A_441 : i32 to index
          %swap3A_473 = arith.constant 96 : index
          %swap3A_474 = tpu.vector_load %arg9[%swap3A_472, %swap3A_473] {strides = array<i32>} : memref<80x128xf32, #tpu.memory_space<vmem>>, vector<1x16xf32>,
          %swap3A_475 = vector.shape_cast %swap3A_474 : vector<1x16xf32> to vector<16xf32>
          %swap3A_476 = vector.shape_cast %scan3A_437#6 : vector<16xf32> to vector<1x16xf32>
          tpu.vector_store %arg9[%swap3A_472, %swap3A_473], %swap3A_476 {strides = array<i32>} : memref<80x128xf32, #tpu.memory_space<vmem>>, vector<1x16xf32>,
          %swap3A_477 = arith.index_cast %get3A_441 : i32 to index
          %swap3A_478 = arith.constant 112 : index
          %swap3A_479 = tpu.vector_load %arg9[%swap3A_477, %swap3A_478] {strides = array<i32>} : memref<80x128xf32, #tpu.memory_space<vmem>>, vector<1x16xf32>,
          %swap3A_480 = vector.shape_cast %swap3A_479 : vector<1x16xf32> to vector<16xf32>
          %swap3A_481 = vector.shape_cast %scan3A_437#7 : vector<16xf32> to vector<1x16xf32>
          tpu.vector_store %arg9[%swap3A_477, %swap3A_478], %swap3A_481 {strides = array<i32>} : memref<80x128xf32, #tpu.memory_space<vmem>>, vector<1x16xf32>,
          %jit3A_482 = arith.constant 16 : i32
          %div3A_483 = arith.divsi %get3A_441, %jit3A_482 : i32
          %sign3A_484 = arith.constant 0 : i32
          %sign3A_485 = arith.cmpi sgt, %get3A_441, %sign3A_484 : i32
          %sign3A_486 = arith.extui %sign3A_485 : i1 to i32
          %sign3A_487 = arith.constant 0 : i32
          %sign3A_488 = arith.cmpi slt, %get3A_441, %sign3A_487 : i32
          %sign3A_489 = arith.extui %sign3A_488 : i1 to i32
          %sign3A_490 = arith.subi %sign3A_486, %sign3A_489 : i32
          %sign3A_491 = arith.constant 0 : i32
          %sign3A_492 = arith.cmpi sgt, %jit3A_482, %sign3A_491 : i32
          %sign3A_493 = arith.extui %sign3A_492 : i1 to i32
          %sign3A_494 = arith.constant 0 : i32
          %sign3A_495 = arith.cmpi slt, %jit3A_482, %sign3A_494 : i32
          %sign3A_496 = arith.extui %sign3A_495 : i1 to i32
          %sign3A_497 = arith.subi %sign3A_493, %sign3A_496 : i32
          %ne3A_498 = arith.cmpi ne, %sign3A_490, %sign3A_497 : i32
          %rem3A_499 = arith.remsi %get3A_441, %jit3A_482 : i32
          %ne3A_500 = arith.constant 0 : i32
          %ne3A_501 = arith.cmpi ne, %rem3A_499, %ne3A_500 : i32
          %and3A_502 = arith.andi %ne3A_498, %ne3A_501 : i1
          %sub3A_503 = arith.constant 1 : i32
          %sub3A_504 = arith.subi %div3A_483, %sub3A_503 : i32
          %select_n3A_505 = arith.select %and3A_502, %sub3A_504, %div3A_483 : i32
          %mul3A_506 = arith.constant 16 : i32
          %mul3A_507 = arith.muli %select_n3A_505, %mul3A_506 : i32
          %sub3A_508 = arith.subi %get3A_441, %mul3A_507 : i32
          %get3A_509 = arith.constant 0 : i32
          %get3A_510 = arith.index_cast %get3A_509 : i32 to index
          %get3A_511 = arith.index_cast %mul3A_507 : i32 to index
          %get3A_512 = tpu.vector_load %arg10[%get3A_510, %get3A_511] {strides = array<i32>} : memref<8x80xi32, #tpu.memory_space<vmem>>, vector<1x16xi32>,
          %get3A_513 = vector.shape_cast %get3A_512 : vector<1x16xi32> to vector<16xi32>
          %iota3A = tpu.iota {dimensions = array<i32: 0>} : vector<16xi32>
          %eq3A_514 = vector.broadcast %sub3A_508 : i32 to vector<16xi32>
          %eq3A_515 = arith.cmpi eq, %iota3A, %eq3A_514 : vector<16xi32>
          %broadcast_in_dim3A_516 = vector.broadcast %squeeze3A : i32 to vector<16xi32>
          %select_n3A_517 = arith.select %eq3A_515, %broadcast_in_dim3A_516, %get3A_513 : vector<16xi1>, vector<16xi32>
          %swap3A_518 = arith.constant 0 : i32
          %swap3A_519 = arith.index_cast %swap3A_518 : i32 to index
          %swap3A_520 = arith.index_cast %mul3A_507 : i32 to index
          %swap3A_521 = tpu.vector_load %arg10[%swap3A_519, %swap3A_520] {strides = array<i32>} : memref<8x80xi32, #tpu.memory_space<vmem>>, vector<1x16xi32>,
          %swap3A_522 = vector.shape_cast %swap3A_521 : vector<1x16xi32> to vector<16xi32>
          %swap3A_523 = vector.shape_cast %select_n3A_517 : vector<16xi32> to vector<1x16xi32>
          tpu.vector_store %arg10[%swap3A_519, %swap3A_520], %swap3A_523 {strides = array<i32>} : memref<8x80xi32, #tpu.memory_space<vmem>>, vector<1x16xi32>,
          %add3A_524 = arith.constant 1 : i32
          %add3A_525 = arith.addi %get3A_441, %add3A_524 : i32
          %swap3A_526 = arith.constant 6 : i32
          %swap3A_527 = arith.index_cast %swap3A_526 : i32 to index
          %swap3A_528 = memref.load %arg11[%swap3A_527] : memref<7xi32, #tpu.memory_space<smem>>
          memref.store %add3A_525, %arg11[%swap3A_527] : memref<7xi32, #tpu.memory_space<smem>>
          %swap3A_529 = arith.constant 0 : i32
          %swap3A_530 = arith.constant 5 : i32
          %swap3A_531 = arith.index_cast %swap3A_530 : i32 to index
          %swap3A_532 = memref.load %arg11[%swap3A_531] : memref<7xi32, #tpu.memory_space<smem>>
          memref.store %swap3A_529, %arg11[%swap3A_531] : memref<7xi32, #tpu.memory_space<smem>>
        } else {
        }
        %ne3A_429 = arith.cmpi ne, %squeeze3A, %squeeze3A_424 : i32
        %convert_element_type3A_430 = arith.extui %ne3A_429 : i1 to i32
        %cond3A_431 = arith.constant 0 : i32
        %cond3A_432 = arith.cmpi ne, %convert_element_type3A_430, %cond3A_431 : i32
        scf.if %cond3A_432 {
          %add3A_433 = arith.addi %sub3A_31, %add3A_383 : i32
          %dma_start3A_434 = arith.constant 5 : i32
          %dma_start3A_435 = arith.constant 0 : i32
          %dma_start3A_436 = arith.constant 0 : i32
          %dma_start3A_437 = tpu.memref_slice %arg7[%dma_start3A_434, %dma_start3A_435, %dma_start3A_436] : memref<6x128x128xf32, #tpu.memory_space<vmem>> -> memref<1x128x128xf32, #tpu.memory_space<vmem>>
          %dma_start3A_438 = tpu.memref_squeeze %dma_start3A_437 : memref<1x128x128xf32, #tpu.memory_space<vmem>> -> memref<128x128xf32, #tpu.memory_space<vmem>>
          %dma_start3A_439 = arith.constant 0 : i32
          %dma_start3A_440 = tpu.memref_slice %arg8[%add3A_433, %dma_start3A_439] : memref<88x128xi32, #tpu.memory_space<vmem>> -> memref<1x128xi32, #tpu.memory_space<vmem>>
          %dma_start3A_441 = tpu.memref_squeeze %dma_start3A_440 : memref<1x128xi32, #tpu.memory_space<vmem>> -> memref<128xi32, #tpu.memory_space<vmem>>
          %dma_start3A_442 = arith.constant 0 : i32
          %dma_start3A_443 = arith.constant 0 : i32
          %dma_start3A_444 = tpu.memref_slice %arg6[%dma_start3A_442, %dma_start3A_443] : memref<1024x128xf32, #tpu.memory_space<vmem_shared>> -> memref<1024x128xf32, #tpu.memory_space<vmem_shared>>
          tpu.enqueue_indirect_dma source(%dma_start3A_438 : memref<128x128xf32, #tpu.memory_space<vmem>>) target(%dma_start3A_444 : memref<1024x128xf32, #tpu.memory_space<vmem_shared>>) offsets(%dma_start3A_441 : memref<128xi32, #tpu.memory_space<vmem>>) semaphore(%arg23 : memref<!tpu.dma_semaphore, #tpu.memory_space<semaphore_mem>>) {add = true}
          %swap3A_445 = arith.constant 1 : i32
          %swap3A_446 = arith.constant 5 : i32
          %swap3A_447 = arith.index_cast %swap3A_446 : i32 to index
          %swap3A_448 = memref.load %arg11[%swap3A_447] : memref<7xi32, #tpu.memory_space<smem>>
          memref.store %swap3A_445, %arg11[%swap3A_447] : memref<7xi32, #tpu.memory_space<smem>>
        } else {
        }
      } else {
      }
    }
    %sub3A_194 = arith.constant 1 : i32
    %sub3A_195 = arith.subi %add3A_6, %sub3A_194 : i32
    %add3A_196 = arith.constant 0 : i32
    %add3A_197 = arith.addi %sub3A_195, %add3A_196 : i32
    %jit3A_198 = arith.constant 6 : i32
    %eq3A = arith.constant 0 : i32
    %eq3A_199 = arith.cmpi eq, %jit3A_198, %eq3A : i32
    %jit3A_200 = arith.constant 1 : i32
    %select_n3A_201 = arith.select %eq3A_199, %jit3A_200, %jit3A_198 : i32
    %rem3A_202 = arith.remsi %add3A_197, %select_n3A_201 : i32
    %ne3A_203 = arith.constant 0 : i32
    %ne3A_204 = arith.cmpi ne, %rem3A_202, %ne3A_203 : i32
    %lt3A_205 = arith.constant 0 : i32
    %lt3A_206 = arith.cmpi slt, %rem3A_202, %lt3A_205 : i32
    %lt3A_207 = arith.constant 0 : i32
    %lt3A_208 = arith.cmpi slt, %select_n3A_201, %lt3A_207 : i32
    %ne3A_209 = arith.xori %lt3A_206, %lt3A_208 : i1
    %and3A_210 = arith.andi %ne3A_209, %ne3A_204 : i1
    %add3A_211 = arith.addi %rem3A_202, %select_n3A_201 : i32
    %select_n3A_212 = arith.select %and3A_210, %add3A_211, %rem3A_202 : i32
    %eq3A_213 = arith.constant 0 : i32
    %eq3A_214 = arith.cmpi eq, %select_n3A_212, %eq3A_213 : i32
    %ge3A = arith.constant 0 : i32
    %ge3A_215 = arith.cmpi sge, %add3A_197, %ge3A : i32
    %and3A_216 = arith.andi %eq3A_214, %ge3A_215 : i1
    %convert_element_type3A = arith.extui %and3A_216 : i1 to i32
    %cond3A = arith.constant 0 : i32
    %cond3A_217 = arith.cmpi ne, %convert_element_type3A, %cond3A : i32
    scf.if %cond3A_217 {
      %get3A = arith.constant 0 : i32
      %get3A_339 = arith.index_cast %get3A : i32 to index
      %get3A_340 = memref.load %arg11[%get3A_339] : memref<7xi32, #tpu.memory_space<smem>>
      %eq3A_341 = arith.constant 1 : i32
      %eq3A_342 = arith.cmpi eq, %get3A_340, %eq3A_341 : i32
      %convert_element_type3A_343 = arith.extui %eq3A_342 : i1 to i32
      %cond3A_344 = arith.constant 0 : i32
      %cond3A_345 = arith.cmpi ne, %convert_element_type3A_343, %cond3A_344 : i32
      scf.if %cond3A_345 {
        %add3A_346 = arith.addi %sub3A_31, %add3A_197 : i32
        %dma_wait3A = arith.constant 0 : i32
        %dma_wait3A_347 = arith.constant 0 : i32
        %dma_wait3A_348 = arith.constant 0 : i32
        %dma_wait3A_349 = tpu.memref_slice %arg7[%dma_wait3A, %dma_wait3A_347, %dma_wait3A_348] : memref<6x128x128xf32, #tpu.memory_space<vmem>> -> memref<1x128x128xf32, #tpu.memory_space<vmem>>
        %dma_wait3A_350 = tpu.memref_squeeze %dma_wait3A_349 : memref<1x128x128xf32, #tpu.memory_space<vmem>> -> memref<128x128xf32, #tpu.memory_space<vmem>>
        %dma_wait3A_351 = arith.constant 0 : i32
        %dma_wait3A_352 = tpu.memref_slice %arg8[%add3A_346, %dma_wait3A_351] : memref<88x128xi32, #tpu.memory_space<vmem>> -> memref<1x128xi32, #tpu.memory_space<vmem>>
        %dma_wait3A_353 = tpu.memref_squeeze %dma_wait3A_352 : memref<1x128xi32, #tpu.memory_space<vmem>> -> memref<128xi32, #tpu.memory_space<vmem>>
        %dma_wait3A_354 = arith.constant 0 : i32
        %dma_wait3A_355 = arith.constant 0 : i32
        %dma_wait3A_356 = tpu.memref_slice %arg6[%dma_wait3A_354, %dma_wait3A_355] : memref<1024x128xf32, #tpu.memory_space<vmem_shared>> -> memref<1024x128xf32, #tpu.memory_space<vmem_shared>>
        tpu.wait_indirect_dma semaphore(%arg18 : memref<!tpu.dma_semaphore, #tpu.memory_space<semaphore_mem>>) src(%dma_wait3A_350 : memref<128x128xf32, #tpu.memory_space<vmem>>) dst(%dma_wait3A_356 : memref<1024x128xf32, #tpu.memory_space<vmem_shared>>)
      } else {
      }
    } else {
    }
    %jit3A_218 = arith.constant 6 : i32
    %eq3A_219 = arith.constant 0 : i32
    %eq3A_220 = arith.cmpi eq, %jit3A_218, %eq3A_219 : i32
    %jit3A_221 = arith.constant 1 : i32
    %select_n3A_222 = arith.select %eq3A_220, %jit3A_221, %jit3A_218 : i32
    %rem3A_223 = arith.remsi %add3A_197, %select_n3A_222 : i32
    %ne3A_224 = arith.constant 0 : i32
    %ne3A_225 = arith.cmpi ne, %rem3A_223, %ne3A_224 : i32
    %lt3A_226 = arith.constant 0 : i32
    %lt3A_227 = arith.cmpi slt, %rem3A_223, %lt3A_226 : i32
    %lt3A_228 = arith.constant 0 : i32
    %lt3A_229 = arith.cmpi slt, %select_n3A_222, %lt3A_228 : i32
    %ne3A_230 = arith.xori %lt3A_227, %lt3A_229 : i1
    %and3A_231 = arith.andi %ne3A_230, %ne3A_225 : i1
    %add3A_232 = arith.addi %rem3A_223, %select_n3A_222 : i32
    %select_n3A_233 = arith.select %and3A_231, %add3A_232, %rem3A_223 : i32
    %eq3A_234 = arith.constant 1 : i32
    %eq3A_235 = arith.cmpi eq, %select_n3A_233, %eq3A_234 : i32
    %ge3A_236 = arith.constant 0 : i32
    %ge3A_237 = arith.cmpi sge, %add3A_197, %ge3A_236 : i32
    %and3A_238 = arith.andi %eq3A_235, %ge3A_237 : i1
    %convert_element_type3A_239 = arith.extui %and3A_238 : i1 to i32
    %cond3A_240 = arith.constant 0 : i32
    %cond3A_241 = arith.cmpi ne, %convert_element_type3A_239, %cond3A_240 : i32
    scf.if %cond3A_241 {
      %get3A = arith.constant 1 : i32
      %get3A_339 = arith.index_cast %get3A : i32 to index
      %get3A_340 = memref.load %arg11[%get3A_339] : memref<7xi32, #tpu.memory_space<smem>>
      %eq3A_341 = arith.constant 1 : i32
      %eq3A_342 = arith.cmpi eq, %get3A_340, %eq3A_341 : i32
      %convert_element_type3A_343 = arith.extui %eq3A_342 : i1 to i32
      %cond3A_344 = arith.constant 0 : i32
      %cond3A_345 = arith.cmpi ne, %convert_element_type3A_343, %cond3A_344 : i32
      scf.if %cond3A_345 {
        %add3A_346 = arith.addi %sub3A_31, %add3A_197 : i32
        %dma_wait3A = arith.constant 1 : i32
        %dma_wait3A_347 = arith.constant 0 : i32
        %dma_wait3A_348 = arith.constant 0 : i32
        %dma_wait3A_349 = tpu.memref_slice %arg7[%dma_wait3A, %dma_wait3A_347, %dma_wait3A_348] : memref<6x128x128xf32, #tpu.memory_space<vmem>> -> memref<1x128x128xf32, #tpu.memory_space<vmem>>
        %dma_wait3A_350 = tpu.memref_squeeze %dma_wait3A_349 : memref<1x128x128xf32, #tpu.memory_space<vmem>> -> memref<128x128xf32, #tpu.memory_space<vmem>>
        %dma_wait3A_351 = arith.constant 0 : i32
        %dma_wait3A_352 = tpu.memref_slice %arg8[%add3A_346, %dma_wait3A_351] : memref<88x128xi32, #tpu.memory_space<vmem>> -> memref<1x128xi32, #tpu.memory_space<vmem>>
        %dma_wait3A_353 = tpu.memref_squeeze %dma_wait3A_352 : memref<1x128xi32, #tpu.memory_space<vmem>> -> memref<128xi32, #tpu.memory_space<vmem>>
        %dma_wait3A_354 = arith.constant 0 : i32
        %dma_wait3A_355 = arith.constant 0 : i32
        %dma_wait3A_356 = tpu.memref_slice %arg6[%dma_wait3A_354, %dma_wait3A_355] : memref<1024x128xf32, #tpu.memory_space<vmem_shared>> -> memref<1024x128xf32, #tpu.memory_space<vmem_shared>>
        tpu.wait_indirect_dma semaphore(%arg19 : memref<!tpu.dma_semaphore, #tpu.memory_space<semaphore_mem>>) src(%dma_wait3A_350 : memref<128x128xf32, #tpu.memory_space<vmem>>) dst(%dma_wait3A_356 : memref<1024x128xf32, #tpu.memory_space<vmem_shared>>)
      } else {
      }
    } else {
    }
    %jit3A_242 = arith.constant 6 : i32
    %eq3A_243 = arith.constant 0 : i32
    %eq3A_244 = arith.cmpi eq, %jit3A_242, %eq3A_243 : i32
    %jit3A_245 = arith.constant 1 : i32
    %select_n3A_246 = arith.select %eq3A_244, %jit3A_245, %jit3A_242 : i32
    %rem3A_247 = arith.remsi %add3A_197, %select_n3A_246 : i32
    %ne3A_248 = arith.constant 0 : i32
    %ne3A_249 = arith.cmpi ne, %rem3A_247, %ne3A_248 : i32
    %lt3A_250 = arith.constant 0 : i32
    %lt3A_251 = arith.cmpi slt, %rem3A_247, %lt3A_250 : i32
    %lt3A_252 = arith.constant 0 : i32
    %lt3A_253 = arith.cmpi slt, %select_n3A_246, %lt3A_252 : i32
    %ne3A_254 = arith.xori %lt3A_251, %lt3A_253 : i1
    %and3A_255 = arith.andi %ne3A_254, %ne3A_249 : i1
    %add3A_256 = arith.addi %rem3A_247, %select_n3A_246 : i32
    %select_n3A_257 = arith.select %and3A_255, %add3A_256, %rem3A_247 : i32
    %eq3A_258 = arith.constant 2 : i32
    %eq3A_259 = arith.cmpi eq, %select_n3A_257, %eq3A_258 : i32
    %ge3A_260 = arith.constant 0 : i32
    %ge3A_261 = arith.cmpi sge, %add3A_197, %ge3A_260 : i32
    %and3A_262 = arith.andi %eq3A_259, %ge3A_261 : i1
    %convert_element_type3A_263 = arith.extui %and3A_262 : i1 to i32
    %cond3A_264 = arith.constant 0 : i32
    %cond3A_265 = arith.cmpi ne, %convert_element_type3A_263, %cond3A_264 : i32
    scf.if %cond3A_265 {
      %get3A = arith.constant 2 : i32
      %get3A_339 = arith.index_cast %get3A : i32 to index
      %get3A_340 = memref.load %arg11[%get3A_339] : memref<7xi32, #tpu.memory_space<smem>>
      %eq3A_341 = arith.constant 1 : i32
      %eq3A_342 = arith.cmpi eq, %get3A_340, %eq3A_341 : i32
      %convert_element_type3A_343 = arith.extui %eq3A_342 : i1 to i32
      %cond3A_344 = arith.constant 0 : i32
      %cond3A_345 = arith.cmpi ne, %convert_element_type3A_343, %cond3A_344 : i32
      scf.if %cond3A_345 {
        %add3A_346 = arith.addi %sub3A_31, %add3A_197 : i32
        %dma_wait3A = arith.constant 2 : i32
        %dma_wait3A_347 = arith.constant 0 : i32
        %dma_wait3A_348 = arith.constant 0 : i32
        %dma_wait3A_349 = tpu.memref_slice %arg7[%dma_wait3A, %dma_wait3A_347, %dma_wait3A_348] : memref<6x128x128xf32, #tpu.memory_space<vmem>> -> memref<1x128x128xf32, #tpu.memory_space<vmem>>
        %dma_wait3A_350 = tpu.memref_squeeze %dma_wait3A_349 : memref<1x128x128xf32, #tpu.memory_space<vmem>> -> memref<128x128xf32, #tpu.memory_space<vmem>>
        %dma_wait3A_351 = arith.constant 0 : i32
        %dma_wait3A_352 = tpu.memref_slice %arg8[%add3A_346, %dma_wait3A_351] : memref<88x128xi32, #tpu.memory_space<vmem>> -> memref<1x128xi32, #tpu.memory_space<vmem>>
        %dma_wait3A_353 = tpu.memref_squeeze %dma_wait3A_352 : memref<1x128xi32, #tpu.memory_space<vmem>> -> memref<128xi32, #tpu.memory_space<vmem>>
        %dma_wait3A_354 = arith.constant 0 : i32
        %dma_wait3A_355 = arith.constant 0 : i32
        %dma_wait3A_356 = tpu.memref_slice %arg6[%dma_wait3A_354, %dma_wait3A_355] : memref<1024x128xf32, #tpu.memory_space<vmem_shared>> -> memref<1024x128xf32, #tpu.memory_space<vmem_shared>>
        tpu.wait_indirect_dma semaphore(%arg20 : memref<!tpu.dma_semaphore, #tpu.memory_space<semaphore_mem>>) src(%dma_wait3A_350 : memref<128x128xf32, #tpu.memory_space<vmem>>) dst(%dma_wait3A_356 : memref<1024x128xf32, #tpu.memory_space<vmem_shared>>)
      } else {
      }
    } else {
    }
    %jit3A_266 = arith.constant 6 : i32
    %eq3A_267 = arith.constant 0 : i32
    %eq3A_268 = arith.cmpi eq, %jit3A_266, %eq3A_267 : i32
    %jit3A_269 = arith.constant 1 : i32
    %select_n3A_270 = arith.select %eq3A_268, %jit3A_269, %jit3A_266 : i32
    %rem3A_271 = arith.remsi %add3A_197, %select_n3A_270 : i32
    %ne3A_272 = arith.constant 0 : i32
    %ne3A_273 = arith.cmpi ne, %rem3A_271, %ne3A_272 : i32
    %lt3A_274 = arith.constant 0 : i32
    %lt3A_275 = arith.cmpi slt, %rem3A_271, %lt3A_274 : i32
    %lt3A_276 = arith.constant 0 : i32
    %lt3A_277 = arith.cmpi slt, %select_n3A_270, %lt3A_276 : i32
    %ne3A_278 = arith.xori %lt3A_275, %lt3A_277 : i1
    %and3A_279 = arith.andi %ne3A_278, %ne3A_273 : i1
    %add3A_280 = arith.addi %rem3A_271, %select_n3A_270 : i32
    %select_n3A_281 = arith.select %and3A_279, %add3A_280, %rem3A_271 : i32
    %eq3A_282 = arith.constant 3 : i32
    %eq3A_283 = arith.cmpi eq, %select_n3A_281, %eq3A_282 : i32
    %ge3A_284 = arith.constant 0 : i32
    %ge3A_285 = arith.cmpi sge, %add3A_197, %ge3A_284 : i32
    %and3A_286 = arith.andi %eq3A_283, %ge3A_285 : i1
    %convert_element_type3A_287 = arith.extui %and3A_286 : i1 to i32
    %cond3A_288 = arith.constant 0 : i32
    %cond3A_289 = arith.cmpi ne, %convert_element_type3A_287, %cond3A_288 : i32
    scf.if %cond3A_289 {
      %get3A = arith.constant 3 : i32
      %get3A_339 = arith.index_cast %get3A : i32 to index
      %get3A_340 = memref.load %arg11[%get3A_339] : memref<7xi32, #tpu.memory_space<smem>>
      %eq3A_341 = arith.constant 1 : i32
      %eq3A_342 = arith.cmpi eq, %get3A_340, %eq3A_341 : i32
      %convert_element_type3A_343 = arith.extui %eq3A_342 : i1 to i32
      %cond3A_344 = arith.constant 0 : i32
      %cond3A_345 = arith.cmpi ne, %convert_element_type3A_343, %cond3A_344 : i32
      scf.if %cond3A_345 {
        %add3A_346 = arith.addi %sub3A_31, %add3A_197 : i32
        %dma_wait3A = arith.constant 3 : i32
        %dma_wait3A_347 = arith.constant 0 : i32
        %dma_wait3A_348 = arith.constant 0 : i32
        %dma_wait3A_349 = tpu.memref_slice %arg7[%dma_wait3A, %dma_wait3A_347, %dma_wait3A_348] : memref<6x128x128xf32, #tpu.memory_space<vmem>> -> memref<1x128x128xf32, #tpu.memory_space<vmem>>
        %dma_wait3A_350 = tpu.memref_squeeze %dma_wait3A_349 : memref<1x128x128xf32, #tpu.memory_space<vmem>> -> memref<128x128xf32, #tpu.memory_space<vmem>>
        %dma_wait3A_351 = arith.constant 0 : i32
        %dma_wait3A_352 = tpu.memref_slice %arg8[%add3A_346, %dma_wait3A_351] : memref<88x128xi32, #tpu.memory_space<vmem>> -> memref<1x128xi32, #tpu.memory_space<vmem>>
        %dma_wait3A_353 = tpu.memref_squeeze %dma_wait3A_352 : memref<1x128xi32, #tpu.memory_space<vmem>> -> memref<128xi32, #tpu.memory_space<vmem>>
        %dma_wait3A_354 = arith.constant 0 : i32
        %dma_wait3A_355 = arith.constant 0 : i32
        %dma_wait3A_356 = tpu.memref_slice %arg6[%dma_wait3A_354, %dma_wait3A_355] : memref<1024x128xf32, #tpu.memory_space<vmem_shared>> -> memref<1024x128xf32, #tpu.memory_space<vmem_shared>>
        tpu.wait_indirect_dma semaphore(%arg21 : memref<!tpu.dma_semaphore, #tpu.memory_space<semaphore_mem>>) src(%dma_wait3A_350 : memref<128x128xf32, #tpu.memory_space<vmem>>) dst(%dma_wait3A_356 : memref<1024x128xf32, #tpu.memory_space<vmem_shared>>)
      } else {
      }
    } else {
    }
    %jit3A_290 = arith.constant 6 : i32
    %eq3A_291 = arith.constant 0 : i32
    %eq3A_292 = arith.cmpi eq, %jit3A_290, %eq3A_291 : i32
    %jit3A_293 = arith.constant 1 : i32
    %select_n3A_294 = arith.select %eq3A_292, %jit3A_293, %jit3A_290 : i32
    %rem3A_295 = arith.remsi %add3A_197, %select_n3A_294 : i32
    %ne3A_296 = arith.constant 0 : i32
    %ne3A_297 = arith.cmpi ne, %rem3A_295, %ne3A_296 : i32
    %lt3A_298 = arith.constant 0 : i32
    %lt3A_299 = arith.cmpi slt, %rem3A_295, %lt3A_298 : i32
    %lt3A_300 = arith.constant 0 : i32
    %lt3A_301 = arith.cmpi slt, %select_n3A_294, %lt3A_300 : i32
    %ne3A_302 = arith.xori %lt3A_299, %lt3A_301 : i1
    %and3A_303 = arith.andi %ne3A_302, %ne3A_297 : i1
    %add3A_304 = arith.addi %rem3A_295, %select_n3A_294 : i32
    %select_n3A_305 = arith.select %and3A_303, %add3A_304, %rem3A_295 : i32
    %eq3A_306 = arith.constant 4 : i32
    %eq3A_307 = arith.cmpi eq, %select_n3A_305, %eq3A_306 : i32
    %ge3A_308 = arith.constant 0 : i32
    %ge3A_309 = arith.cmpi sge, %add3A_197, %ge3A_308 : i32
    %and3A_310 = arith.andi %eq3A_307, %ge3A_309 : i1
    %convert_element_type3A_311 = arith.extui %and3A_310 : i1 to i32
    %cond3A_312 = arith.constant 0 : i32
    %cond3A_313 = arith.cmpi ne, %convert_element_type3A_311, %cond3A_312 : i32
    scf.if %cond3A_313 {
      %get3A = arith.constant 4 : i32
      %get3A_339 = arith.index_cast %get3A : i32 to index
      %get3A_340 = memref.load %arg11[%get3A_339] : memref<7xi32, #tpu.memory_space<smem>>
      %eq3A_341 = arith.constant 1 : i32
      %eq3A_342 = arith.cmpi eq, %get3A_340, %eq3A_341 : i32
      %convert_element_type3A_343 = arith.extui %eq3A_342 : i1 to i32
      %cond3A_344 = arith.constant 0 : i32
      %cond3A_345 = arith.cmpi ne, %convert_element_type3A_343, %cond3A_344 : i32
      scf.if %cond3A_345 {
        %add3A_346 = arith.addi %sub3A_31, %add3A_197 : i32
        %dma_wait3A = arith.constant 4 : i32
        %dma_wait3A_347 = arith.constant 0 : i32
        %dma_wait3A_348 = arith.constant 0 : i32
        %dma_wait3A_349 = tpu.memref_slice %arg7[%dma_wait3A, %dma_wait3A_347, %dma_wait3A_348] : memref<6x128x128xf32, #tpu.memory_space<vmem>> -> memref<1x128x128xf32, #tpu.memory_space<vmem>>
        %dma_wait3A_350 = tpu.memref_squeeze %dma_wait3A_349 : memref<1x128x128xf32, #tpu.memory_space<vmem>> -> memref<128x128xf32, #tpu.memory_space<vmem>>
        %dma_wait3A_351 = arith.constant 0 : i32
        %dma_wait3A_352 = tpu.memref_slice %arg8[%add3A_346, %dma_wait3A_351] : memref<88x128xi32, #tpu.memory_space<vmem>> -> memref<1x128xi32, #tpu.memory_space<vmem>>
        %dma_wait3A_353 = tpu.memref_squeeze %dma_wait3A_352 : memref<1x128xi32, #tpu.memory_space<vmem>> -> memref<128xi32, #tpu.memory_space<vmem>>
        %dma_wait3A_354 = arith.constant 0 : i32
        %dma_wait3A_355 = arith.constant 0 : i32
        %dma_wait3A_356 = tpu.memref_slice %arg6[%dma_wait3A_354, %dma_wait3A_355] : memref<1024x128xf32, #tpu.memory_space<vmem_shared>> -> memref<1024x128xf32, #tpu.memory_space<vmem_shared>>
        tpu.wait_indirect_dma semaphore(%arg22 : memref<!tpu.dma_semaphore, #tpu.memory_space<semaphore_mem>>) src(%dma_wait3A_350 : memref<128x128xf32, #tpu.memory_space<vmem>>) dst(%dma_wait3A_356 : memref<1024x128xf32, #tpu.memory_space<vmem_shared>>)
      } else {
      }
    } else {
    }
    %jit3A_314 = arith.constant 6 : i32
    %eq3A_315 = arith.constant 0 : i32
    %eq3A_316 = arith.cmpi eq, %jit3A_314, %eq3A_315 : i32
    %jit3A_317 = arith.constant 1 : i32
    %select_n3A_318 = arith.select %eq3A_316, %jit3A_317, %jit3A_314 : i32
    %rem3A_319 = arith.remsi %add3A_197, %select_n3A_318 : i32
    %ne3A_320 = arith.constant 0 : i32
    %ne3A_321 = arith.cmpi ne, %rem3A_319, %ne3A_320 : i32
    %lt3A_322 = arith.constant 0 : i32
    %lt3A_323 = arith.cmpi slt, %rem3A_319, %lt3A_322 : i32
    %lt3A_324 = arith.constant 0 : i32
    %lt3A_325 = arith.cmpi slt, %select_n3A_318, %lt3A_324 : i32
    %ne3A_326 = arith.xori %lt3A_323, %lt3A_325 : i1
    %and3A_327 = arith.andi %ne3A_326, %ne3A_321 : i1
    %add3A_328 = arith.addi %rem3A_319, %select_n3A_318 : i32
    %select_n3A_329 = arith.select %and3A_327, %add3A_328, %rem3A_319 : i32
    %eq3A_330 = arith.constant 5 : i32
    %eq3A_331 = arith.cmpi eq, %select_n3A_329, %eq3A_330 : i32
    %ge3A_332 = arith.constant 0 : i32
    %ge3A_333 = arith.cmpi sge, %add3A_197, %ge3A_332 : i32
    %and3A_334 = arith.andi %eq3A_331, %ge3A_333 : i1
    %convert_element_type3A_335 = arith.extui %and3A_334 : i1 to i32
    %cond3A_336 = arith.constant 0 : i32
    %cond3A_337 = arith.cmpi ne, %convert_element_type3A_335, %cond3A_336 : i32
    scf.if %cond3A_337 {
      %get3A = arith.constant 5 : i32
      %get3A_339 = arith.index_cast %get3A : i32 to index
      %get3A_340 = memref.load %arg11[%get3A_339] : memref<7xi32, #tpu.memory_space<smem>>
      %eq3A_341 = arith.constant 1 : i32
      %eq3A_342 = arith.cmpi eq, %get3A_340, %eq3A_341 : i32
      %convert_element_type3A_343 = arith.extui %eq3A_342 : i1 to i32
      %cond3A_344 = arith.constant 0 : i32
      %cond3A_345 = arith.cmpi ne, %convert_element_type3A_343, %cond3A_344 : i32
      scf.if %cond3A_345 {
        %add3A_346 = arith.addi %sub3A_31, %add3A_197 : i32
        %dma_wait3A = arith.constant 5 : i32
        %dma_wait3A_347 = arith.constant 0 : i32
        %dma_wait3A_348 = arith.constant 0 : i32
        %dma_wait3A_349 = tpu.memref_slice %arg7[%dma_wait3A, %dma_wait3A_347, %dma_wait3A_348] : memref<6x128x128xf32, #tpu.memory_space<vmem>> -> memref<1x128x128xf32, #tpu.memory_space<vmem>>
        %dma_wait3A_350 = tpu.memref_squeeze %dma_wait3A_349 : memref<1x128x128xf32, #tpu.memory_space<vmem>> -> memref<128x128xf32, #tpu.memory_space<vmem>>
        %dma_wait3A_351 = arith.constant 0 : i32
        %dma_wait3A_352 = tpu.memref_slice %arg8[%add3A_346, %dma_wait3A_351] : memref<88x128xi32, #tpu.memory_space<vmem>> -> memref<1x128xi32, #tpu.memory_space<vmem>>
        %dma_wait3A_353 = tpu.memref_squeeze %dma_wait3A_352 : memref<1x128xi32, #tpu.memory_space<vmem>> -> memref<128xi32, #tpu.memory_space<vmem>>
        %dma_wait3A_354 = arith.constant 0 : i32
        %dma_wait3A_355 = arith.constant 0 : i32
        %dma_wait3A_356 = tpu.memref_slice %arg6[%dma_wait3A_354, %dma_wait3A_355] : memref<1024x128xf32, #tpu.memory_space<vmem_shared>> -> memref<1024x128xf32, #tpu.memory_space<vmem_shared>>
        tpu.wait_indirect_dma semaphore(%arg23 : memref<!tpu.dma_semaphore, #tpu.memory_space<semaphore_mem>>) src(%dma_wait3A_350 : memref<128x128xf32, #tpu.memory_space<vmem>>) dst(%dma_wait3A_356 : memref<1024x128xf32, #tpu.memory_space<vmem_shared>>)
      } else {
      }
    } else {
    }
    %run_scoped3A = arith.constant 0 : i32
    "tpu.region"() ({
      %run_scoped3A_339 = tpu.sem_alloc : memref<!tpu.dma_semaphore, #tpu.memory_space<semaphore_mem>>
      %dma_start3A_340 = arith.constant 0 : i32
      %dma_start3A_341 = tpu.memref_slice %arg10[%run_scoped3A, %dma_start3A_340] : memref<8x80xi32, #tpu.memory_space<vmem>> -> memref<1x80xi32, #tpu.memory_space<vmem>>
      %dma_start3A_342 = tpu.memref_squeeze %dma_start3A_341 : memref<1x80xi32, #tpu.memory_space<vmem>> -> memref<80xi32, #tpu.memory_space<vmem>>
      %dma_start3A_343 = arith.constant 0 : i32
      %dma_start3A_344 = arith.constant 0 : i32
      %dma_start3A_345 = tpu.memref_slice %arg6[%dma_start3A_343, %dma_start3A_344] : memref<1024x128xf32, #tpu.memory_space<vmem_shared>> -> memref<1024x128xf32, #tpu.memory_space<vmem_shared>>
      tpu.enqueue_indirect_dma source(%arg9 : memref<80x128xf32, #tpu.memory_space<vmem>>) target(%dma_start3A_345 : memref<1024x128xf32, #tpu.memory_space<vmem_shared>>) offsets(%dma_start3A_342 : memref<80xi32, #tpu.memory_space<vmem>>) semaphore(%run_scoped3A_339 : memref<!tpu.dma_semaphore, #tpu.memory_space<semaphore_mem>>) {add = true}
      %dma_wait3A = arith.constant 0 : i32
      %dma_wait3A_346 = tpu.memref_slice %arg10[%run_scoped3A, %dma_wait3A] : memref<8x80xi32, #tpu.memory_space<vmem>> -> memref<1x80xi32, #tpu.memory_space<vmem>>
      %dma_wait3A_347 = tpu.memref_squeeze %dma_wait3A_346 : memref<1x80xi32, #tpu.memory_space<vmem>> -> memref<80xi32, #tpu.memory_space<vmem>>
      %dma_wait3A_348 = arith.constant 0 : i32
      %dma_wait3A_349 = arith.constant 0 : i32
      %dma_wait3A_350 = tpu.memref_slice %arg6[%dma_wait3A_348, %dma_wait3A_349] : memref<1024x128xf32, #tpu.memory_space<vmem_shared>> -> memref<1024x128xf32, #tpu.memory_space<vmem_shared>>
      tpu.wait_indirect_dma semaphore(%run_scoped3A_339 : memref<!tpu.dma_semaphore, #tpu.memory_space<semaphore_mem>>) src(%arg9 : memref<80x128xf32, #tpu.memory_space<vmem>>) dst(%dma_wait3A_350 : memref<1024x128xf32, #tpu.memory_space<vmem_shared>>)
      tpu.yield
    }) : () -> ()
    %barrier3A_338 = arith.constant 0 : index
    tpu.barrier barrier_id(%barrier3A_338)
    "tpu.region"() ({
      %run_scoped3A_339 = tpu.sem_alloc : memref<!tpu.dma_semaphore, #tpu.memory_space<semaphore_mem>>
      %dma_start3A_340 = arith.constant 0 : i32
      %dma_start3A_341 = tpu.memref_slice %arg5[%arg0, %mul3A_2, %dma_start3A_340] : memref<2x1024x128xf32, #tpu.memory_space<hbm>> -> memref<1x64x128xf32, #tpu.memory_space<hbm>>
      %dma_start3A_342 = tpu.memref_squeeze %dma_start3A_341 : memref<1x64x128xf32, #tpu.memory_space<hbm>> -> memref<64x128xf32, #tpu.memory_space<hbm>>
      %dma_start3A_343 = arith.constant 0 : i32
      %dma_start3A_344 = tpu.memref_slice %arg6[%mul3A_2, %dma_start3A_343] : memref<1024x128xf32, #tpu.memory_space<vmem_shared>> -> memref<64x128xf32, #tpu.memory_space<vmem_shared>>
      tpu.enqueue_dma source(%dma_start3A_344 : memref<64x128xf32, #tpu.memory_space<vmem_shared>>) target(%dma_start3A_342 : memref<64x128xf32, #tpu.memory_space<hbm>>) target_semaphore(%run_scoped3A_339 : memref<!tpu.dma_semaphore, #tpu.memory_space<semaphore_mem>>)
      %dma_wait3A = arith.constant 0 : i32
      %dma_wait3A_345 = tpu.memref_slice %arg5[%arg0, %mul3A_2, %dma_wait3A] : memref<2x1024x128xf32, #tpu.memory_space<hbm>> -> memref<1x64x128xf32, #tpu.memory_space<hbm>>
      %dma_wait3A_346 = tpu.memref_squeeze %dma_wait3A_345 : memref<1x64x128xf32, #tpu.memory_space<hbm>> -> memref<64x128xf32, #tpu.memory_space<hbm>>
      %dma_wait3A_347 = arith.constant 0 : i32
      %dma_wait3A_348 = tpu.memref_slice %arg6[%mul3A_2, %dma_wait3A_347] : memref<1024x128xf32, #tpu.memory_space<vmem_shared>> -> memref<64x128xf32, #tpu.memory_space<vmem_shared>>
      tpu.wait_dma2 semaphore(%run_scoped3A_339 : memref<!tpu.dma_semaphore, #tpu.memory_space<semaphore_mem>>) src(%dma_wait3A_348 : memref<64x128xf32, #tpu.memory_space<vmem_shared>>) dst(%dma_wait3A_346 : memref<64x128xf32, #tpu.memory_space<hbm>>)
      tpu.yield
    }) : () -> ()
    return
  }
}

module attributes {stable_mosaic.version = 14 : i64} {
  func.func @body(%arg0: memref<2x1024x128xf32, #tpu.memory_space<vmem>>, %arg1: memref<1024x128xf32, #tpu.memory_space<vmem>>) attributes {dimension_semantics = [], scalar_prefetch = 0 : i64, scratch_operands = 0 : i64, tpu.core_type = #tpu.core_type<tc>} {
    %get3A = arith.constant 0 : index
    %get3A_0 = arith.constant 0 : index
    %get3A_1 = arith.constant 0 : index
    %get3A_2 = vector.load %arg0[%get3A, %get3A_0, %get3A_1] : memref<2x1024x128xf32, #tpu.memory_space<vmem>>, vector<1x1024x128xf32>
    %get3A_3 = vector.shape_cast %get3A_2 : vector<1x1024x128xf32> to vector<1024x128xf32>
    %get3A_4 = arith.constant 1 : index
    %get3A_5 = arith.constant 0 : index
    %get3A_6 = arith.constant 0 : index
    %get3A_7 = vector.load %arg0[%get3A_4, %get3A_5, %get3A_6] : memref<2x1024x128xf32, #tpu.memory_space<vmem>>, vector<1x1024x128xf32>
    %get3A_8 = vector.shape_cast %get3A_7 : vector<1x1024x128xf32> to vector<1024x128xf32>
    %add3A = arith.addf %get3A_3, %get3A_8 : vector<1024x128xf32>
    %swap3A = arith.constant 0 : index
    %swap3A_9 = arith.constant 0 : index
    %swap3A_10 = vector.load %arg1[%swap3A, %swap3A_9] : memref<1024x128xf32, #tpu.memory_space<vmem>>, vector<1024x128xf32>
    tpu.vector_store %arg1[%swap3A, %swap3A_9], %add3A {strides = array<i32>} : memref<1024x128xf32, #tpu.memory_space<vmem>>, vector<1024x128xf32>,
    return
  }
}

</mosaic_0001>

<sc_bundles>
// kernel: kernel.4.cloned.1.call-start
scs
__scs_entry_jumppad:
0x0: {  	(pc) =	sbr.rel $0x88, $3  }
0x1: {  	(tag) =	ssettag $0x0;
	lr =	simm.s32 $0x1  }
0x2: {  	[smem:$0x3F9E] =	sst lr;
	_ =	strace $0xD0000000  }
0x3: {  	_ = 	snop  }
0x4: {  	_ = 	snop  }
0x5: {  	_ = 	snop  }
0x6: {  	_ = 	snop  }
0x7: {  	_ = 	snop  }
__scs_overlays_trampoline_lowered:
0x8: {  	[smem:$0x3FAD] =	sst s0  }
0x9: {  	[smem:$0x3FAE] =	sst s1  }
0xa: {  	[smem:$0x3FAF] =	sst s2  }
0xb: {  	[smem:$0x3FB0] =	sst s3  }
0xc: {  	[smem:$0x3FB1] =	sst s4  }
0xd: {  	[smem:$0x3FB2] =	sst s5  }
0xe: {  	[smem:$0x3FB3] =	sst s6  }
0xf: {  	[smem:$0x3FB4] =	sst s7  }
0x10: {  	[smem:$0x3FB5] =	sst s8  }
0x11: {  	[smem:$0x3FB6] =	sst s9;
	s0 =	simm.s32 @!p0 $0x0  }
0x12: {  	s1 =	sld [smem:$0x3F9C];
	s0 =	simm.s32 @p0 $0x1  }
0x13: {  	[smem:$0x3FB7] =	sst s0;
	s0 =	simm.s32 @!p1 $0x0  }
0x14: {  	s2 =	sld [smem:$0x3F9B];
	s0 =	simm.s32 @p1 $0x1  }
0x15: {  	[smem:$0x3FB8] =	sst s0;
	s0 =	simm.s32 @!p2 $0x0  }
0x16: {  	s3 =	sld [smem:$0x3FDB];
	s0 =	simm.s32 @p2 $0x1  }
0x17: {  	s4 =	simm.s32 $0x1BF5;
	[smem:$0x3FBA] =	sst s0  }
0x18: {  	s0 =	sld [smem:$0x3F9D];
	_ =	swait.ge [sflag:s4], $0x0  }
0x19: {  	s7 =	sld [smem:$0x3F9E]  }
0x1a: {  	s8 =	sadd.s32 $0xFFFFE003, lr  }
0x1b: {  	s9 =	sadd.s32 $0xFFFFFEF7, lr;
	s5 =	simm.s32 $0xFFFFFFFF;
	p2 =	slt.u32 s8, $0xFFFFF086  }
0x1c: {  	p1 =	slt.u32 s9, $0xF7A;
	s5 =	simm.s32 @!p2 $0x0  }
0x1d: {  	s5 =	simm.s32 @p1 $0x1;
	p0 =	seq.s32 s7, s2  }
0x1e: {  	s7 =	smul.u32 @!p0 $0xF7A, s2;
	p2 =	seq.s32 @!p0 s5, $0x0  }
0x1f: {  	s9 =	smul.u32 $0xF7A, s1;
	s8 =	simm.s32 @!p0 $0x1BF5;
	p2 =	por !p2, p0  }
0x20: {  	[sflag:s8] =	ssyncset.s32 @!p0 $0xFFFFF086;
	s6 =	sadd.s32 @!p0 s3, s7;
	s7 =	simm.s32 @!p0 $0x108  }
0x21: {  	s3 =	sadd.s32 s3, s9;
	s6 =	sadd.s32 @!p0 $0x88, s6;
	s7 =	simm.s32 @p2 $0x1082  }
0x22: {  	[simem:s7], [sflag:s8] =	dma.local @!p0 [hbm:s6], $0xF7A  }
0x23: {  	s9 =	sor.u32 $0xD0000000, s2;
	s6 =	simm.s32 $0x108;
	_ =	swait.ge @!p0 [sflag:s8], $0x0  }
0x24: {  	s3 =	sadd.s32 $0x88, s3;
	s6 =	simm.s32 @!p1 $0x1082;
	[sflag:s4] =	ssyncset.s32 $0xFFFFF086  }
0x25: {  	[simem:s6], [sflag:s4] =	dma.local [hbm:s3], $0xF7A  }
0x26: {  	[smem:$0x3F9E] =	sst s1;
	(tag) =	ssettag s2;
	_ =	strace s9  }
0x27: {  	s1 =	sld [smem:$0x3FAE]  }
0x28: {  	s2 =	sld [smem:$0x3FAF]  }
0x29: {  	s4 =	sld [smem:$0x3FB1]  }
0x2a: {  	p0 =	seq.s32 s5, $0x0;
	s5 =	sld [smem:$0x3FB2]  }
0x2b: {  	s6 =	sld [smem:$0x3FB3]  }
0x2c: {  	s7 =	sld [smem:$0x3FB4]  }
0x2d: {  	s3 =	simm.s32 $0x108;
	s8 =	sld [smem:$0x3FB5]  }
0x2e: {  	s3 =	simm.s32 @!p0 $0x1082;
	s9 =	sld [smem:$0x3FB6]  }
0x2f: {  	lr =	sadd.s32 s0, s3;
	s0 =	sld [smem:$0x3FAD]  }
0x30: {  	s3 =	sld [smem:$0x3FB0]  }
0x31: {  	[smem:$0x3FB9] =	sst s10  }
0x32: {  	s10 =	sld [smem:$0x3FB7];
	_ =	sdelay $0x3  }
0x33: {  	p0 =	seq.s32 s10, $0x1;
	s10 =	sld [smem:$0x3FB9];
	_ =	sdelay $0x3  }
0x34: {  	[smem:$0x3FB9] =	sst s10  }
0x35: {  	s10 =	sld [smem:$0x3FB8];
	_ =	sdelay $0x3  }
0x36: {  	p1 =	seq.s32 s10, $0x1;
	s10 =	sld [smem:$0x3FB9];
	_ =	sdelay $0x3  }
0x37: {  	[smem:$0x3FB9] =	sst s10  }
0x38: {  	s10 =	sld [smem:$0x3FBA]  }
0x39: {  	_ = 	snop;
	(pc) =	sbr.ind lr, $3  }
0x3a: {  	_ = 	snop  }
0x3b: {  	_ = 	snop  }
0x3c: {  	p2 =	seq.s32 s10, $0x1;
	s10 =	sld [smem:$0x3FB9]  }
0x3d: {  	_ =	shalt  }
0x3e: {  	_ =	shalt  }
0x3f: {  	_ =	shalt  }
0x40: {  	_ =	shalt  }
0x41: {  	_ =	shalt  }
0x42: {  	_ =	shalt  }
0x43: {  	_ =	shalt  }
0x44: {  	_ =	shalt  }
0x45: {  	_ =	shalt  }
0x46: {  	_ =	shalt  }
0x47: {  	_ =	shalt  }
0x48: {  	_ =	shalt  }
0x49: {  	_ =	shalt  }
0x4a: {  	_ =	shalt  }
0x4b: {  	_ =	shalt  }
0x4c: {  	_ =	shalt  }
0x4d: {  	_ =	shalt  }
0x4e: {  	_ =	shalt  }
0x4f: {  	_ =	shalt  }
0x50: {  	_ =	shalt  }
0x51: {  	_ =	shalt  }
0x52: {  	_ =	shalt  }
0x53: {  	_ =	shalt  }
0x54: {  	_ =	shalt  }
0x55: {  	_ =	shalt  }
0x56: {  	_ =	shalt  }
0x57: {  	_ =	shalt  }
0x58: {  	_ =	shalt  }
0x59: {  	_ =	shalt  }
0x5a: {  	_ =	shalt  }
0x5b: {  	_ =	shalt  }
0x5c: {  	_ =	shalt  }
0x5d: {  	_ =	shalt  }
0x5e: {  	_ =	shalt  }
0x5f: {  	_ =	shalt  }
0x60: {  	_ =	shalt  }
0x61: {  	_ =	shalt  }
0x62: {  	_ =	shalt  }
0x63: {  	_ =	shalt  }
0x64: {  	_ =	shalt  }
0x65: {  	_ =	shalt  }
0x66: {  	_ =	shalt  }
0x67: {  	_ =	shalt  }
0x68: {  	_ =	shalt  }
0x69: {  	_ =	shalt  }
0x6a: {  	_ =	shalt  }
0x6b: {  	_ =	shalt  }
0x6c: {  	_ =	shalt  }
0x6d: {  	_ =	shalt  }
0x6e: {  	_ =	shalt  }
0x6f: {  	_ =	shalt  }
0x70: {  	_ =	shalt  }
0x71: {  	_ =	shalt  }
0x72: {  	_ =	shalt  }
0x73: {  	_ =	shalt  }
0x74: {  	_ =	shalt  }
0x75: {  	_ =	shalt  }
0x76: {  	_ =	shalt  }
0x77: {  	_ =	shalt  }
0x78: {  	_ =	shalt  }
0x79: {  	_ =	shalt  }
0x7a: {  	_ =	shalt  }
0x7b: {  	_ =	shalt  }
0x7c: {  	_ =	shalt  }
0x7d: {  	_ =	shalt  }
0x7e: {  	_ =	shalt  }
0x7f: {  	_ =	shalt  }
0x80: {  	_ =	shalt  }
0x81: {  	_ =	shalt  }
0x82: {  	_ =	shalt  }
0x83: {  	_ =	shalt  }
0x84: {  	_ =	shalt  }
0x85: {  	_ =	shalt  }
0x86: {  	_ =	shalt  }
0x87: {  	_ =	shalt  }
.Lfunc_end0:
.L_simem_size_0:
called_computation_lowered:
.L_overlay_start_0:
0x88: {  	s2 =	sld [smem:$0x3FD9]  }
0x89: {  	s3 =	sld [smem:$0x3FFE];
	_ =	sdelay $0x1  }
0x8a: {  	s1 =	srdreg.scid  }
0x8b: {  	s0 =	sand.u32 $0x1, s1  }
0x8c: {  	s17 =	sshll.u32 s0, $0xA;
	s2 =	sadd.s32 s3, s2  }
0x8d: {  	s2 =	sadd.s32 s2, s17  }
0x8e: {  	[smem:$0x3FC5] =	sst s2  }
0x8f: {  	_ = 	snop  }
0x90: {  	s2 =	sld [smem:$0x3FC8];
	(tm) =	ssettm $0x1  }
0x91: {  	s18 =	sld [smem:$0x3FFB];
	_ =	sdelay $0x3  }
0x92: {  	_ =	strace s18  }
0x93: {  	s3 =	sld [smem:$0x3FFC];
	_ =	sdelay $0x3  }
0x94: {  	_ =	strace s3  }
0x95: {  	s3 =	sld [smem:$0x3FFD];
	_ =	sdelay $0x3  }
0x96: {  	_ =	strace s3  }
0x97: {  	_ =	strace $0x8FFFFFFF  }
0x98: {  	s19 =	sld [smem:$0x3FDB];
	_ =	sdelay $0x1  }
0x99: {  	s4 =	simm.s32 $_scs_section_size  }
0x9a: {  	s5 =	simm.s32 $_size__tile_overlayer_lowered;
	s6 =	simm.s32 $_tile_overlayer_lowered  }
0x9b: {  	s22 =	simm.s32 $0x1BFF;
	s21 =	sshll.u32 s6, $0x1;
	s3 =	sadd.s32 s4, s19  }
0x9c: {  	s7 =	simm.s32 $0x0;
	s20 =	sshll.u32 s5, $0x1;
	s5 =	sadd.s32 s21, s3  }
0x9d: {  	[timem:s7], [sflag:s22] =	dma.local [hbm:s5], s20  }
0x9e: {  	_ =	swait.ge [sflag:s22], s20  }
0x9f: {  	s4 =	ssub.s32 $0x0, s20;
	[sflag:s22] =	ssyncset.done $0x0  }
0xa0: {  	[sflag:s22] =	ssyncadd.s32 s4;
	_ =	sdelay $0x1  }
0xa1: {  	s23 =	simm.s32 $0x1B8B  }
0xa2: {  	_ =	swait.ge [sflag:s23], $0x1  }
0xa3: {  	[sflag:s23] =	ssyncset.done $0x0  }
0xa4: {  	s25 =	simm.s32 $0x1B8E;
	s24 =	sld [smem:$0x3FFE];
	[sflag:s23] =	ssyncadd.s32 $0xFFFFFFFF  }
0xa5: {  	s26 =	simm.s32 $execute0_lowered;
	[smem:$0x3FD2] =	sst s25  }
0xa6: {  	s5 =	sshll.u32 s26, $0x1;
	_ =	strace $0x80000046;
	[dreg:$0x1] =	wrdreg $0xFFFFFFFF  }
0xa7: {  	s28 =	simm.s32 $_size_execute0_lowered;
	s3 =	sadd.s32 s3, s5;
	[dreg:$0x0] =	wrdreg $0x0  }
0xa8: {  	s5 =	sshll.u32 s28, $0x1;
	[dreg:$0x2] =	wrdreg s3  }
0xa9: {  	[dreg:$0x3] =	wrdreg s5  }
0xaa: {  	[dreg:$0x4] =	wrdreg $0xC0  }
0xab: {  	_ =	task [dreg:s7], $0x5FFFF  }
0xac: {  	[dreg:$0x1] =	wrdreg $0xFFFFFFFF  }
0xad: {  	[dreg:$0x0] =	wrdreg $0x60  }
0xae: {  	[dreg:$0x2] =	wrdreg s24  }
0xaf: {  	[dreg:$0x3] =	wrdreg s2  }
0xb0: {  	[dreg:$0x4] =	wrdreg $0x0  }
0xb1: {  	[dreg:$0x5] =	wrdreg $0x9  }
0xb2: {  	_ =	task.clear_ibuf [dreg:s7], $0x6FFFF;
	_ =	strace $0x90000046  }
0xb3: {  	s29 =	simm.s32 $0x9;
	_ =	strace $0x80000048  }
0xb4: {  	_ =	swait.ge [sflag:s29], $0x1  }
0xb5: {  	[sflag:s29] =	ssyncadd.s32 $0xFFFFFFFF  }
0xb6: {  	_ =	strace $0x90000048  }
0xb7: {  	_ =	sfence  }
0xb8: {  	s30 =	sld [smem:$0x0];
	_ =	sdelay $0x2  }
0xb9: {  	s31 =	sshll.u32 s1, $0xD;
	s1 =	sshrl.u32 s1, $0x2  }
0xba: {  	s3 =	sand.u32 $0x4000, s31;
	s1 =	sadd.s32 s1, s30  }
0xbb: {  	s0 =	sor.u32 s3, s0;
	s1 =	sshll.u32 s1, $0x11  }
0xbc: {  	s0 =	sor.u32 s1, s0  }
0xbd: {  	s0 =	sadd.s32 $0x8F2B, s0  }
0xbe: {  	[sflag:s0] =	ssyncadd.remote.s32 $0x1  }
0xbf: {  	_ =	sfence.sel $0xFFFF  }
0xc0: {  	[dreg:$0x0] =	wrdreg $0xFFFFFFFF;
	(pc) =	sbr.abs _section_cstart, $3  }
0xc1: {  	[dreg:$0x1] =	wrdreg $0xFFFFFFFF  }
0xc2: {  	_ =	task.clear_ibuf [dreg:s7], $0x2FFFF;
	_ =	strace $0x9FFFFFFF  }
0xc3: {  	(tm) =	ssettm $0x7FFFFFFF  }
tec
execute0_lowered:
.L_overlay_start_1:
0x0: {  	(tag) =	ssettag $0x1  }
0x1: {  	s0 =	srdreg.scid  }
0x2: {  	s9 =	stileid.u32;
	s1 =	rddreg [dreg:$0x0]  }
0x3: {  	s2 =	rddreg [dreg:$0x1];
	s6 =	simm.s32 $0x0;
	s15 =	simm.s32 $0xD  }
0x4: {  	s16 =	simm.s32 $0xD;
	s28 =	simm.s32 $0x1;
	s29 =	simm.s32 $0x80  }
0x5: {  	s30 =	simm.s32 $0x2;
	s31 =	simm.s32 $0x3;
	s19 =	simm.s32 $0x6  }
0x6: {  	s0 =	sand.u32 $0x1, s0;
	s3 =	sshll.u32 s9, $0x1;
	[smem:$0x7FF] =	sst s6  }
0x7: {  	s7 =	sshll.u32 s9, $0xA;
	p0 =	sgt.u32 s9, $0x1;
	s22 =	sshll.u32 s9, $0xD  }
0x8: {  	s26 =	sshll.u32 s9, $0x6;
	s4 =	sor.u32 s0, s3;
	s3 =	rddreg [dreg:$0x2]  }
0x9: {  	s20 =	sshll.u32 s0, $0xE;
	_ =	strace $0x80000047;
	s0 =	ssub.s32 $0x2, s0  }
0xa: {  	s16 =	simm.s32 @!p0 $0xE;
	s5 =	smul.u32 $0x4E, s4;
	s4 =	smin.u32 s4, $0x4  }
0xb: {  	s6 =	sor.u32 s7, s20;
	s21 =	sshrl.u32 s0, $0x1;
	s20 =	sor.u32 $0x1C0D, s26  }
0xc: {  	s26 =	simm.s32 $0x12000;
	s0 =	ssub.s32 s0, s21;
	s5 =	sadd.s32 s4, s5  }
0xd: {  	s0 =	smax.u32 s0, $0x1;
	s4 =	sshll.u32 s5, $0x4;
	s7 =	sand.u32 $0x7, s5  }
0xe: {  	s8 =	sshll.u32 s5, $0xB;
	[dreg:$0xb] =	wrdreg s0;
	s4 =	sand.u32 $0x1FF80, s4  }
0xf: {  	s4 =	sadd.s32 s4, s1;
	s1 =	sadd.s32 s6, s1;
	s6 =	simm.s32 $0x4E  }
0x10: {  	s0 =	simm.s32 $0x5;
	s6 =	simm.s32 @!p0 $0x4F;
	s4 =	sadd.s32 $0x800, s4  }
0x11: {  	s10 =	sadd.s32 $0xA600, s1;
	s1 =	sadd.s32 $0x12600, s1;
	[dreg:$0x4] =	wrdreg s4  }
0x12: {  	s4 =	sadd.s32 s22, s3;
	[dreg:$0x5] =	wrdreg s10;
	s10 =	sadd.s32 s2, s8  }
0x13: {  	[dreg:$0xa] =	wrdreg s1;
	s22 =	simm.s32 $0x2000;
	s8 =	sadd.s32 $0x800, s10  }
.Ltmp0:
0x14: {  	s23 =	sadd.s32 $0x1000, s10;
	[dreg:$0x6] =	wrdreg s8;
	(pc) =	sbr.rel .LBB2_1-.Ltmp0, $4  }
0x15: {  	s1 =	simm.s32 $0x4;
	s24 =	sadd.s32 $0x1800, s10;
	[dreg:$0x7] =	wrdreg s23  }
0x16: {  	s25 =	sadd.s32 $0x2000, s10;
	s21 =	sshrl.u32 s4, $0x3;
	[dreg:$0x8] =	wrdreg s24  }
0x17: {  	s4 =	simm.s32 $0x16000;
	[dreg:$0x9] =	wrdreg s25;
	s23 =	simm.s32 $0x6000  }
0x18: {  	v0 =	vimm.f32 $0.0e+00;
	v1 =	vimm.s32 $0x0;
	v2 =	vlaneseq.u32;
	s24 =	simm.s32 $0xA000;
	s25 =	simm.s32 $0xE000;
	s8 =	simm.s32 $0x0  }
.LBB2_50:
0x19: {  	_ =	swait.ge [sflag:s9], $0x4000  }
0x1a: {  	[sflag:s9] =	ssyncset.done $0x0  }
0x1b: {  	[sflag:s9] =	ssyncadd.s32 $0xFFFFC000  }
.LBB2_51:
0x1c: {  	s9 =	simm.s32 $0x50;
	s11 =	simm.s32 $0x1F400;
	s12 =	simm.s32 $0x1CC00  }
0x1d: {  	[spmem:s3] =	stream.indirect.scatter.add.f32 [tilespmem:s12], [sflag:$0xD], $0x80, s11, s9, $0xb8;
	[tilespmem:$0x1F800] =	vst v63  }
0x1e: {  	_ =	swait.ge [sflag:s15], $0x2800  }
0x1f: {  	[sflag:s15] =	ssyncset.done $0x0  }
0x20: {  	[sflag:s15] =	ssyncadd.s32 $0xFFFFD800  }
0x21: {  	[bflag:$0x0] =	sbarrier.arrive $0xFFFF  }
0x22: {  	s17 =	rddreg [dreg:$0xa]  }
0x23: {  	[hbm:s17], [sflag:s20] =	dma.local [spmem:s21], $0x400  }
0x24: {  	_ =	swait.ge [sflag:s15], $0x400  }
0x25: {  	s8 =	sadd.s32 $0x1, s8;
	s18 =	rddreg [dreg:$0xb]  }
0x26: {  	p1 =	sne.s32 s8, s18  }
.Ltmp1:
0x27: {  	_ = 	snop;
	(pc) =	sbr.rel @!p1 .LBB2_52-.Ltmp1, $3  }
0x28: {  	_ =	sdelay $0x1  }
0x29: {  	[sflag:s15] =	ssyncset.done $0x0  }
0x2a: {  	[sflag:s15] =	ssyncadd.s32 $0xFFFFFC00  }
.LBB2_1:
0x2b: {  	s9 =	simm.s32 $0x0;
	s11 =	rddreg [dreg:$0x4];
	s12 =	simm.s32 $0x1A000  }
0x2c: {  	[tilespmem:s12], [sflag:$0xD] =	stream.linear.gather [hbm4b:s11+s9], $0x2C00, $0x38;
	[tilespmem:$0x1F800] =	vst v63  }
0x2d: {  	_ =	swait.ge [sflag:s15], $0x2C00  }
0x2e: {  	[sflag:s15] =	ssyncset.done $0x0  }
0x2f: {  	s18 =	rddreg [dreg:$0x5];
	[sflag:s15] =	ssyncadd.s32 $0xFFFFD400  }
0x30: {  	[spmem:s21], [sflag:s20] =	dma.local [hbm:s18], $0x400  }
0x31: {  	_ =	swait.ge [sflag:s15], $0x400  }
0x32: {  	[sflag:s15] =	ssyncset.done $0x0  }
0x33: {  	[sflag:s15] =	ssyncadd.s32 $0xFFFFFC00  }
0x34: {  	s9 =	simm.s32 $0x0;
	s11 =	simm.s32 $0x200;
	[bflag:$0x0] =	sbarrier.arrive $0xFFFF  }
.LBB2_2:
0x35: {  	p1 =	sne.s32 s11, $0x9E00;
	[tilespmem:s9+$0x1CC70] =	vst v0  }
0x36: {  	[tilespmem:s9+$0x1CC00] =	vst v0  }
0x37: {  	[tilespmem:s9+$0x1CC10] =	vst v0  }
.Ltmp2:
0x38: {  	[tilespmem:s9+$0x1CC20] =	vst v0;
	(pc) =	sbr.rel @p1 .LBB2_2-.Ltmp2, $4  }
0x39: {  	[tilespmem:s9+$0x1CC30] =	vst v0  }
0x3a: {  	[tilespmem:s9+$0x1CC40] =	vst v0  }
0x3b: {  	[tilespmem:s9+$0x1CC50] =	vst v0  }
0x3c: {  	[tilespmem:s9+$0x1CC60] =	vst v0;
	s9 =	sshra.s32 s11, $0x2;
	s11 =	sadd.s32 $0x200, s11  }
0x3d: {  	[tilespmem:s9+$0x1CC70] =	vst v0  }
0x3e: {  	[tilespmem:s9+$0x1CC00] =	vst v0  }
0x3f: {  	[tilespmem:s9+$0x1CC10] =	vst v0  }
0x40: {  	[tilespmem:s9+$0x1CC20] =	vst v0  }
0x41: {  	[tilespmem:s9+$0x1CC30] =	vst v0  }
0x42: {  	[tilespmem:s9+$0x1CC40] =	vst v0  }
0x43: {  	[tilespmem:s9+$0x1CC50] =	vst v0  }
0x44: {  	[tilespmem:s9+$0x1CC60] =	vst v0  }
0x45: {  	[tilespmem:$0x1F400] =	vst v1  }
0x46: {  	[tilespmem:$0x1F410] =	vst v1  }
0x47: {  	[tilespmem:$0x1F420] =	vst v1  }
0x48: {  	[tilespmem:$0x1F430] =	vst v1  }
0x49: {  	s9 =	simm.s32 $0x0;
	[tilespmem:$0x1F440] =	vst v1  }
0x4a: {  	[tilespmem:s22], [sflag:$0x1] =	stream.linear.gather [hbm4b:s10+s9], $0x4000, $0x38;
	[tilespmem:$0x1F800] =	vst v63  }
0x4b: {  	s11 =	rddreg [dreg:$0x6]  }
0x4c: {  	[tilespmem:s23], [sflag:$0x2] =	stream.linear.gather [hbm4b:s11+s9], $0x4000, $0x38;
	[tilespmem:$0x1F800] =	vst v63  }
0x4d: {  	s14 =	rddreg [dreg:$0x7]  }
0x4e: {  	[tilespmem:s24], [sflag:$0x3] =	stream.linear.gather [hbm4b:s14+s9], $0x4000, $0x38;
	[tilespmem:$0x1F800] =	vst v63  }
.Ltmp3:
0x4f: {  	s17 =	rddreg [dreg:$0x8];
	(pc) =	sbr.rel .LBB2_4-.Ltmp3, $4  }
0x50: {  	s18 =	rddreg [dreg:$0x9]  }
0x51: {  	[tilespmem:s25], [sflag:$0x4] =	stream.linear.gather [hbm4b:s17+s9], $0x4000, $0x38;
	[tilespmem:$0x1F800] =	vst v63  }
0x52: {  	[smem:$0x6] =	sst s9;
	s11 =	simm.s32 $0x0  }
0x53: {  	[tilespmem:s26], [sflag:$0x5] =	stream.linear.gather [hbm4b:s18+s9], $0x4000, $0x38;
	[tilespmem:$0x1F800] =	vst v63  }
.LBB2_44:
0x54: {  	s12 =	sadd.s32 $0x1A000, s12  }
0x55: {  	[spmem:s3] =	stream.indirect.scatter.add.f32 [tilespmem:s4], [sflag:$0xC], $0x80, s12, s29, $0xb8;
	[tilespmem:$0x1F800] =	vst v63  }
0x56: {  	s12 =	simm.s32 $0x1  }
.LBB2_45:
0x57: {  	[smem:$0x5] =	sst s12  }
.LBB2_46:
0x58: {  	s11 =	sadd.s32 $0x1, s11  }
0x59: {  	p1 =	sne.s32 s11, s16  }
.Ltmp4:
0x5a: {  	_ = 	snop;
	(pc) =	sbr.rel @!p1 .LBB2_47-.Ltmp4, $1  }
0x5b: {  	_ =	sdelay $0x3  }
.LBB2_4:
0x5c: {  	s12 =	smul.u32 $0x6, s11;
	_ =	sdelay $0x1  }
0x5d: {  	p1 =	sge.u32 s12, s6  }
.Ltmp5:
0x5e: {  	_ = 	snop;
	(pc) =	sbr.rel @p1 .LBB2_11-.Ltmp5, $1  }
0x5f: {  	_ =	sdelay $0x3  }
0x60: {  	p1 =	seq.s32 s11, $0x0  }
0x61: {  	s13 =	sld @!p1 [smem:$0x5];
	_ =	sdelay $0x2  }
0x62: {  	p2 =	sne.s32 @!p1 s13, $0x1;
	s13 =	sadd.s32 $0x5, s12  }
0x63: {  	p1 =	por p2, p1;
	p2 =	sge.u32 s13, s6  }
0x64: {  	s14 =	simm.s32 @!p1 $0xC;
	s13 =	sadd.s32 @!p2 s5, s13  }
0x65: {  	_ =	swait.ge @!p1 [sflag:s14], $0x4000;
	s13 =	sshll.u32 @!p2 s13, $0xB  }
0x66: {  	s17 =	simm.s32 @!p2 $0x16000;
	[sflag:s14] =	ssyncset.done @!p1 $0x0;
	s13 =	sand.u32 @!p2 $0x1FFFF800, s13  }
0x67: {  	[sflag:s14] =	ssyncadd.s32 @!p1 $0xFFFFC000;
	s13 =	sadd.s32 @!p2 s2, s13;
	s14 =	simm.s32 @!p2 $0x0  }
0x68: {  	[tilespmem:s17], [sflag:$0x6] =	stream.linear.gather @!p2 [hbm4b:s13+s14], $0x4000, $0x38;
	[tilespmem:$0x1F800] =	vst v63  }
0x69: {  	s14 =	sadd.s32 s7, s12;
	_ =	swait.ge [sflag:s28], $0x4000  }
0x6a: {  	s13 =	sshll.u32 s14, $0x7;
	[sflag:s28] =	ssyncset.done $0x0  }
0x6b: {  	s13 =	sand.u32 $0x3FFFFF80, s13;
	[sflag:s28] =	ssyncadd.s32 $0xFFFFC000  }
0x6c: {  	v3 =	vld [tilespmem:s13+$0x1A000]  }
0x6d: {  	v4 =	vld [tilespmem:s13+$0x1A070];
	_ =	sdelay $0x3  }
0x6e: {  	(v2sf) =	vpush v3, $0x0  }
0x6f: {  	(v2sf) =	vpush v4, $0xF;
	_ =	sdelay $0xd  }
0x70: {  	s17 =	spop (v2sf)  }
0x71: {  	s18 =	spop (v2sf)  }
0x72: {  	p1 =	sne.s32 s17, s18  }
.Ltmp6:
0x73: {  	_ = 	snop;
	(pc) =	sbr.rel @p1 .LBB2_9-.Ltmp6, $1  }
0x74: {  	_ =	sdelay $0x3  }
0x75: {  	s14 =	simm.s32 $0x0  }
0x76: {  	v4 =	vld [tilespmem:s14+$0x2070]  }
0x77: {  	v5 =	vld [tilespmem:s14+$0x20F0]  }
0x78: {  	v6 =	vld [tilespmem:s14+$0x2000]  }
0x79: {  	v7 =	vld [tilespmem:s14+$0x2080]  }
0x7a: {  	v9 =	vld [tilespmem:s14+$0x2010]  }
0x7b: {  	v10 =	vld [tilespmem:s14+$0x2090]  }
0x7c: {  	v11 =	vld [tilespmem:s14+$0x2020]  }
0x7d: {  	v12 =	vld [tilespmem:s14+$0x20A0]  }
0x7e: {  	v14 =	vld [tilespmem:s14+$0x2030]  }
0x7f: {  	v16 =	vld [tilespmem:s14+$0x20B0]  }
0x80: {  	v17 =	vld [tilespmem:s14+$0x2040]  }
0x81: {  	v18 =	vld [tilespmem:s14+$0x20C0];
	_ =	sdelay $0x2  }
0x82: {  	v4 =	vadd.f32 v5, v4;
	v5 =	vadd.f32 v7, v6  }
0x83: {  	v13 =	vld [tilespmem:s14+$0x2050];
	v6 =	vadd.f32 v10, v9;
	v10 =	vadd.f32 v12, v11  }
0x84: {  	v8 =	vimm.f32 $0.0e+00;
	v15 =	vld [tilespmem:s14+$0x20D0];
	v11 =	vadd.f32 v16, v14;
	v17 =	vadd.f32 v18, v17  }
0x85: {  	v14 =	vld [tilespmem:s14+$0x2060];
	v4 =	vadd.f32 v4, v8;
	v9 =	vadd.f32 v5, v8  }
0x86: {  	s13 =	simm.s32 $0x100;
	v16 =	vld [tilespmem:s14+$0x20E0];
	v7 =	vadd.f32 v6, v8;
	v5 =	vadd.f32 v10, v8  }
0x87: {  	v12 =	vld [tilespmem:s13+$0x2070];
	s14 =	simm.s32 $0x800;
	v6 =	vadd.f32 v11, v8;
	v11 =	vimm.f32 $0.0e+00;
	v10 =	vimm.f32 $0.0e+00  }
.LBB2_7:
0x88: {  	p1 =	sne.s32 s14, $0xFC00;
	v18 =	vld [tilespmem:s13+$0x20F0]  }
0x89: {  	v19 =	vld [tilespmem:s13+$0x2000];
	v8 =	vadd.f32 v17, v8;
	v13 =	vadd.f32 v15, v13  }
0x8a: {  	v15 =	vld [tilespmem:s13+$0x2080]  }
0x8b: {  	v17 =	vld [tilespmem:s13+$0x2010];
	v11 =	vadd.f32 v13, v11;
	v13 =	vadd.f32 v16, v14  }
0x8c: {  	v14 =	vld [tilespmem:s13+$0x2090]  }
0x8d: {  	v16 =	vld [tilespmem:s13+$0x2020];
	v12 =	vadd.f32 v18, v12;
	v10 =	vadd.f32 v13, v10  }
0x8e: {  	v13 =	vld [tilespmem:s13+$0x20A0]  }
0x8f: {  	v15 =	vadd.f32 v15, v19;
	v18 =	vld [tilespmem:s13+$0x2030];
	v4 =	vadd.f32 v12, v4  }
0x90: {  	v12 =	vld [tilespmem:s13+$0x20B0]  }
0x91: {  	v9 =	vadd.f32 v15, v9;
	v14 =	vadd.f32 v14, v17;
	v17 =	vld [tilespmem:s13+$0x2040]  }
0x92: {  	v19 =	vld [tilespmem:s13+$0x20C0]  }
.Ltmp7:
0x93: {  	v7 =	vadd.f32 v14, v7;
	v14 =	vadd.f32 v13, v16;
	v13 =	vld [tilespmem:s13+$0x2050];
	(pc) =	sbr.rel @p1 .LBB2_7-.Ltmp7, $4  }
0x94: {  	v15 =	vld [tilespmem:s13+$0x20D0]  }
0x95: {  	v5 =	vadd.f32 v14, v5;
	v18 =	vadd.f32 v12, v18;
	v14 =	vld [tilespmem:s13+$0x2060]  }
0x96: {  	v16 =	vld [tilespmem:s13+$0x20E0];
	s13 =	sshra.s32 s14, $0x2  }
0x97: {  	s14 =	sadd.s32 $0x400, s14;
	v12 =	vld [tilespmem:s13+$0x2070];
	v6 =	vadd.f32 v18, v6;
	v17 =	vadd.f32 v19, v17  }
0x98: {  	v18 =	vld [tilespmem:s13+$0x2000]  }
0x99: {  	v19 =	vld [tilespmem:s13+$0x2080]  }
0x9a: {  	v20 =	vld [tilespmem:s13+$0x2010]  }
0x9b: {  	v21 =	vld [tilespmem:s13+$0x2090]  }
0x9c: {  	v22 =	vld [tilespmem:s13+$0x2020]  }
0x9d: {  	v23 =	vld [tilespmem:s13+$0x20A0]  }
0x9e: {  	v24 =	vld [tilespmem:s13+$0x2030]  }
0x9f: {  	v25 =	vld [tilespmem:s13+$0x20B0]  }
0xa0: {  	v26 =	vld [tilespmem:s13+$0x2040]  }
0xa1: {  	v27 =	vld [tilespmem:s13+$0x20C0]  }
0xa2: {  	v48 =	vld [tilespmem:s13+$0x2050];
	v13 =	vadd.f32 v15, v13  }
0xa3: {  	v51 =	vld [tilespmem:s13+$0x2060];
	v8 =	vadd.f32 v17, v8;
	v14 =	vadd.f32 v16, v14  }
0xa4: {  	v53 =	vld [tilespmem:s13+$0x20E0];
	v11 =	vadd.f32 v13, v11;
	v50 =	vadd.f32 v19, v18  }
0xa5: {  	v55 =	vld [tilespmem:s13+$0x20F0];
	v10 =	vadd.f32 v14, v10;
	v52 =	vadd.f32 v21, v20  }
0xa6: {  	v49 =	vld [tilespmem:s13+$0x20D0];
	s14 =	sshll.u32 s9, $0x9;
	v54 =	vadd.f32 v23, v22;
	v9 =	vadd.f32 v50, v9  }
0xa7: {  	s13 =	sshra.s32 s14, $0x2;
	v56 =	vadd.f32 v25, v24;
	v7 =	vadd.f32 v52, v7  }
0xa8: {  	v57 =	vadd.f32 v27, v26;
	v5 =	vadd.f32 v54, v5;
	[tilespmem:s13+$0x1CC00] =	vst v9  }
0xa9: {  	s14 =	sand.u32 $0xF, s9;
	v60 =	vadd.f32 v53, v51;
	v6 =	vadd.f32 v56, v6;
	[tilespmem:s13+$0x1CC10] =	vst v7  }
0xaa: {  	s17 =	sshra.s32 s9, $0x1F;
	p1 =	slt.s32 s9, $0x1;
	p2 =	sne.s32 s14, $0x0;
	v61 =	vadd.f32 v55, v12;
	v59 =	vadd.f32 v57, v8;
	[tilespmem:s13+$0x1CC20] =	vst v5  }
0xab: {  	s17 =	sshrl.u32 s17, $0x1C;
	p1 =	por !p1, !p2;
	v58 =	vadd.f32 v49, v48;
	v62 =	vadd.f32 v60, v10;
	[tilespmem:s13+$0x1CC30] =	vst v6  }
0xac: {  	s14 =	sadd.s32 s17, s9;
	s17 =	simm.s32 $0x1;
	p1 =	por !p1, !p1;
	v4 =	vadd.f32 v61, v4;
	[tilespmem:s13+$0x1CC40] =	vst v59  }
0xad: {  	s14 =	sshrl.u32 s14, $0x4;
	s17 =	simm.s32 @!p1 $0x0;
	v9 =	vadd.f32 v58, v11;
	[tilespmem:s13+$0x1CC60] =	vst v62  }
0xae: {  	s14 =	ssub.s32 s14, s17;
	[tilespmem:s13+$0x1CC70] =	vst v4  }
0xaf: {  	s18 =	sshll.u32 s14, $0x4;
	[tilespmem:s13+$0x1CC50] =	vst v9  }
0xb0: {  	v4 =	vld [tilespmem:s18+$0x1F400];
	_ =	sdelay $0x1  }
.Ltmp8:
0xb1: {  	s14 =	ssub.s32 s9, s18;
	(pc) =	sbr.rel .LBB2_10-.Ltmp8, $4  }
0xb2: {  	v3 =	vbroadcast v3, $0x0;
	v63 =	vmov s14  }
0xb3: {  	vm0 =	veq.s32 v63, v2  }
0xb4: {  	s9 =	sadd.s32 $0x1, s9;
	v3 =	vsel vm0, v3, v4  }
0xb5: {  	[smem:$0x6] =	sst s9;
	s13 =	simm.s32 $0x0;
	[tilespmem:s18+$0x1F400] =	vst v3  }
.LBB2_9:
0xb6: {  	s13 =	sadd.s32 $0x1A000, s13  }
0xb7: {  	[spmem:s3] =	stream.indirect.scatter.add.f32 [tilespmem:s22], [sflag:$0x7], $0x80, s13, s29, $0xb8;
	[tilespmem:$0x1F800] =	vst v63  }
0xb8: {  	s13 =	simm.s32 $0x1  }
.LBB2_10:
0xb9: {  	[smem:$0x0] =	sst s13  }
.LBB2_11:
0xba: {  	s13 =	sor.u32 $0x1, s12  }
0xbb: {  	p1 =	sge.u32 s13, s6  }
.Ltmp9:
0xbc: {  	_ = 	snop;
	(pc) =	sbr.rel @p1 .LBB2_18-.Ltmp9, $1  }
0xbd: {  	_ =	sdelay $0x3  }
0xbe: {  	s14 =	sld [smem:$0x0];
	_ =	sdelay $0x2  }
0xbf: {  	p1 =	sne.s32 s14, $0x1;
	s14 =	sadd.s32 $0x6, s12  }
0xc0: {  	p2 =	sge.u32 s14, s6  }
0xc1: {  	s17 =	simm.s32 @!p1 $0x7;
	s14 =	sadd.s32 @!p2 s5, s14  }
0xc2: {  	_ =	swait.ge @!p1 [sflag:s17], $0x4000;
	s14 =	sshll.u32 @!p2 s14, $0xB  }
0xc3: {  	s18 =	simm.s32 @!p2 $0x2000;
	[sflag:s17] =	ssyncset.done @!p1 $0x0;
	s14 =	sand.u32 @!p2 $0x1FFFF800, s14  }
0xc4: {  	[sflag:s17] =	ssyncadd.s32 @!p1 $0xFFFFC000;
	s17 =	simm.s32 @!p2 $0x0;
	s14 =	sadd.s32 @!p2 s2, s14  }
0xc5: {  	[tilespmem:s18], [sflag:$0x1] =	stream.linear.gather @!p2 [hbm4b:s14+s17], $0x4000, $0x38;
	[tilespmem:$0x1F800] =	vst v63  }
0xc6: {  	s13 =	sadd.s32 s7, s13;
	_ =	swait.ge [sflag:s30], $0x4000  }
0xc7: {  	s13 =	sshll.u32 s13, $0x7;
	[sflag:s30] =	ssyncset.done $0x0  }
0xc8: {  	s13 =	sand.u32 $0x3FFFFF80, s13;
	[sflag:s30] =	ssyncadd.s32 $0xFFFFC000  }
0xc9: {  	v3 =	vld [tilespmem:s13+$0x1A000]  }
0xca: {  	v4 =	vld [tilespmem:s13+$0x1A070];
	_ =	sdelay $0x3  }
0xcb: {  	(v2sf) =	vpush v3, $0x0  }
0xcc: {  	(v2sf) =	vpush v4, $0xF;
	_ =	sdelay $0xd  }
0xcd: {  	s17 =	spop (v2sf)  }
0xce: {  	s18 =	spop (v2sf)  }
0xcf: {  	p1 =	sne.s32 s17, s18  }
.Ltmp10:
0xd0: {  	_ = 	snop;
	(pc) =	sbr.rel @p1 .LBB2_16-.Ltmp10, $1  }
0xd1: {  	_ =	sdelay $0x3  }
0xd2: {  	s14 =	simm.s32 $0x0  }
0xd3: {  	v4 =	vld [tilespmem:s14+$0x6070]  }
0xd4: {  	v5 =	vld [tilespmem:s14+$0x60F0]  }
0xd5: {  	v6 =	vld [tilespmem:s14+$0x6000]  }
0xd6: {  	v7 =	vld [tilespmem:s14+$0x6080]  }
0xd7: {  	v9 =	vld [tilespmem:s14+$0x6010]  }
0xd8: {  	v10 =	vld [tilespmem:s14+$0x6090]  }
0xd9: {  	v11 =	vld [tilespmem:s14+$0x6020]  }
0xda: {  	v12 =	vld [tilespmem:s14+$0x60A0]  }
0xdb: {  	v14 =	vld [tilespmem:s14+$0x6030]  }
0xdc: {  	v16 =	vld [tilespmem:s14+$0x60B0]  }
0xdd: {  	v17 =	vld [tilespmem:s14+$0x6040]  }
0xde: {  	v18 =	vld [tilespmem:s14+$0x60C0];
	_ =	sdelay $0x2  }
0xdf: {  	v4 =	vadd.f32 v5, v4;
	v5 =	vadd.f32 v7, v6  }
0xe0: {  	v13 =	vld [tilespmem:s14+$0x6050];
	v6 =	vadd.f32 v10, v9;
	v10 =	vadd.f32 v12, v11  }
0xe1: {  	v8 =	vimm.f32 $0.0e+00;
	v15 =	vld [tilespmem:s14+$0x60D0];
	v11 =	vadd.f32 v16, v14;
	v17 =	vadd.f32 v18, v17  }
0xe2: {  	v14 =	vld [tilespmem:s14+$0x6060];
	v4 =	vadd.f32 v4, v8;
	v9 =	vadd.f32 v5, v8  }
0xe3: {  	s13 =	simm.s32 $0x100;
	v16 =	vld [tilespmem:s14+$0x60E0];
	v7 =	vadd.f32 v6, v8;
	v5 =	vadd.f32 v10, v8  }
0xe4: {  	v12 =	vld [tilespmem:s13+$0x6070];
	s14 =	simm.s32 $0x800;
	v6 =	vadd.f32 v11, v8;
	v11 =	vimm.f32 $0.0e+00;
	v10 =	vimm.f32 $0.0e+00  }
.LBB2_14:
0xe5: {  	p1 =	sne.s32 s14, $0xFC00;
	v18 =	vld [tilespmem:s13+$0x60F0]  }
0xe6: {  	v19 =	vld [tilespmem:s13+$0x6000];
	v8 =	vadd.f32 v17, v8;
	v13 =	vadd.f32 v15, v13  }
0xe7: {  	v15 =	vld [tilespmem:s13+$0x6080]  }
0xe8: {  	v17 =	vld [tilespmem:s13+$0x6010];
	v11 =	vadd.f32 v13, v11;
	v13 =	vadd.f32 v16, v14  }
0xe9: {  	v14 =	vld [tilespmem:s13+$0x6090]  }
0xea: {  	v16 =	vld [tilespmem:s13+$0x6020];
	v12 =	vadd.f32 v18, v12;
	v10 =	vadd.f32 v13, v10  }
0xeb: {  	v13 =	vld [tilespmem:s13+$0x60A0]  }
0xec: {  	v15 =	vadd.f32 v15, v19;
	v18 =	vld [tilespmem:s13+$0x6030];
	v4 =	vadd.f32 v12, v4  }
0xed: {  	v12 =	vld [tilespmem:s13+$0x60B0]  }
0xee: {  	v9 =	vadd.f32 v15, v9;
	v14 =	vadd.f32 v14, v17;
	v17 =	vld [tilespmem:s13+$0x6040]  }
0xef: {  	v19 =	vld [tilespmem:s13+$0x60C0]  }
.Ltmp11:
0xf0: {  	v7 =	vadd.f32 v14, v7;
	v14 =	vadd.f32 v13, v16;
	v13 =	vld [tilespmem:s13+$0x6050];
	(pc) =	sbr.rel @p1 .LBB2_14-.Ltmp11, $4  }
0xf1: {  	v15 =	vld [tilespmem:s13+$0x60D0]  }
0xf2: {  	v5 =	vadd.f32 v14, v5;
	v18 =	vadd.f32 v12, v18;
	v14 =	vld [tilespmem:s13+$0x6060]  }
0xf3: {  	v16 =	vld [tilespmem:s13+$0x60E0];
	s13 =	sshra.s32 s14, $0x2  }
0xf4: {  	s14 =	sadd.s32 $0x400, s14;
	v12 =	vld [tilespmem:s13+$0x6070];
	v6 =	vadd.f32 v18, v6;
	v17 =	vadd.f32 v19, v17  }
0xf5: {  	v18 =	vld [tilespmem:s13+$0x6000]  }
0xf6: {  	v19 =	vld [tilespmem:s13+$0x6080]  }
0xf7: {  	v20 =	vld [tilespmem:s13+$0x6010]  }
0xf8: {  	v21 =	vld [tilespmem:s13+$0x6090]  }
0xf9: {  	v22 =	vld [tilespmem:s13+$0x6020]  }
0xfa: {  	v23 =	vld [tilespmem:s13+$0x60A0]  }
0xfb: {  	v24 =	vld [tilespmem:s13+$0x6030]  }
0xfc: {  	v25 =	vld [tilespmem:s13+$0x60B0]  }
0xfd: {  	v26 =	vld [tilespmem:s13+$0x6040]  }
0xfe: {  	v27 =	vld [tilespmem:s13+$0x60C0]  }
0xff: {  	v48 =	vld [tilespmem:s13+$0x6050];
	v13 =	vadd.f32 v15, v13  }
0x100: {  	v51 =	vld [tilespmem:s13+$0x6060];
	v8 =	vadd.f32 v17, v8;
	v14 =	vadd.f32 v16, v14  }
0x101: {  	v53 =	vld [tilespmem:s13+$0x60E0];
	v11 =	vadd.f32 v13, v11;
	v50 =	vadd.f32 v19, v18  }
0x102: {  	v55 =	vld [tilespmem:s13+$0x60F0];
	v10 =	vadd.f32 v14, v10;
	v52 =	vadd.f32 v21, v20  }
0x103: {  	v49 =	vld [tilespmem:s13+$0x60D0];
	s14 =	sshll.u32 s9, $0x9;
	v54 =	vadd.f32 v23, v22;
	v9 =	vadd.f32 v50, v9  }
0x104: {  	s13 =	sshra.s32 s14, $0x2;
	v56 =	vadd.f32 v25, v24;
	v7 =	vadd.f32 v52, v7  }
0x105: {  	v57 =	vadd.f32 v27, v26;
	v5 =	vadd.f32 v54, v5;
	[tilespmem:s13+$0x1CC00] =	vst v9  }
0x106: {  	s14 =	sand.u32 $0xF, s9;
	v60 =	vadd.f32 v53, v51;
	v6 =	vadd.f32 v56, v6;
	[tilespmem:s13+$0x1CC10] =	vst v7  }
0x107: {  	s17 =	sshra.s32 s9, $0x1F;
	p1 =	slt.s32 s9, $0x1;
	p2 =	sne.s32 s14, $0x0;
	v61 =	vadd.f32 v55, v12;
	v59 =	vadd.f32 v57, v8;
	[tilespmem:s13+$0x1CC20] =	vst v5  }
0x108: {  	s17 =	sshrl.u32 s17, $0x1C;
	p1 =	por !p1, !p2;
	v58 =	vadd.f32 v49, v48;
	v62 =	vadd.f32 v60, v10;
	[tilespmem:s13+$0x1CC30] =	vst v6  }
0x109: {  	s14 =	sadd.s32 s17, s9;
	s17 =	simm.s32 $0x1;
	p1 =	por !p1, !p1;
	v4 =	vadd.f32 v61, v4;
	[tilespmem:s13+$0x1CC40] =	vst v59  }
0x10a: {  	s14 =	sshrl.u32 s14, $0x4;
	s17 =	simm.s32 @!p1 $0x0;
	v9 =	vadd.f32 v58, v11;
	[tilespmem:s13+$0x1CC60] =	vst v62  }
0x10b: {  	s14 =	ssub.s32 s14, s17;
	[tilespmem:s13+$0x1CC70] =	vst v4  }
0x10c: {  	s18 =	sshll.u32 s14, $0x4;
	[tilespmem:s13+$0x1CC50] =	vst v9  }
0x10d: {  	v4 =	vld [tilespmem:s18+$0x1F400];
	_ =	sdelay $0x1  }
.Ltmp12:
0x10e: {  	s14 =	ssub.s32 s9, s18;
	(pc) =	sbr.rel .LBB2_17-.Ltmp12, $4  }
0x10f: {  	v3 =	vbroadcast v3, $0x0;
	v63 =	vmov s14  }
0x110: {  	vm0 =	veq.s32 v63, v2  }
0x111: {  	s9 =	sadd.s32 $0x1, s9;
	v3 =	vsel vm0, v3, v4  }
0x112: {  	[smem:$0x6] =	sst s9;
	s13 =	simm.s32 $0x0;
	[tilespmem:s18+$0x1F400] =	vst v3  }
.LBB2_16:
0x113: {  	s13 =	sadd.s32 $0x1A000, s13  }
0x114: {  	[spmem:s3] =	stream.indirect.scatter.add.f32 [tilespmem:s23], [sflag:$0x8], $0x80, s13, s29, $0xb8;
	[tilespmem:$0x1F800] =	vst v63  }
0x115: {  	s13 =	simm.s32 $0x1  }
.LBB2_17:
0x116: {  	[smem:$0x1] =	sst s13  }
.LBB2_18:
0x117: {  	s13 =	sadd.s32 $0x2, s12  }
0x118: {  	p1 =	sge.u32 s13, s6  }
.Ltmp13:
0x119: {  	_ = 	snop;
	(pc) =	sbr.rel @p1 .LBB2_25-.Ltmp13, $1  }
0x11a: {  	_ =	sdelay $0x3  }
0x11b: {  	s14 =	sld [smem:$0x1];
	_ =	sdelay $0x2  }
0x11c: {  	p1 =	sne.s32 s14, $0x1;
	s14 =	sadd.s32 $0x7, s12  }
0x11d: {  	p2 =	sge.u32 s14, s6  }
0x11e: {  	s17 =	simm.s32 @!p1 $0x8;
	s14 =	sadd.s32 @!p2 s5, s14  }
0x11f: {  	_ =	swait.ge @!p1 [sflag:s17], $0x4000;
	s14 =	sshll.u32 @!p2 s14, $0xB  }
0x120: {  	s18 =	simm.s32 @!p2 $0x6000;
	[sflag:s17] =	ssyncset.done @!p1 $0x0;
	s14 =	sand.u32 @!p2 $0x1FFFF800, s14  }
0x121: {  	[sflag:s17] =	ssyncadd.s32 @!p1 $0xFFFFC000;
	s17 =	simm.s32 @!p2 $0x0;
	s14 =	sadd.s32 @!p2 s2, s14  }
0x122: {  	[tilespmem:s18], [sflag:$0x2] =	stream.linear.gather @!p2 [hbm4b:s14+s17], $0x4000, $0x38;
	[tilespmem:$0x1F800] =	vst v63  }
0x123: {  	s13 =	sadd.s32 s7, s13;
	_ =	swait.ge [sflag:s31], $0x4000  }
0x124: {  	s13 =	sshll.u32 s13, $0x7;
	[sflag:s31] =	ssyncset.done $0x0  }
0x125: {  	s13 =	sand.u32 $0x3FFFFF80, s13;
	[sflag:s31] =	ssyncadd.s32 $0xFFFFC000  }
0x126: {  	v3 =	vld [tilespmem:s13+$0x1A000]  }
0x127: {  	v4 =	vld [tilespmem:s13+$0x1A070];
	_ =	sdelay $0x3  }
0x128: {  	(v2sf) =	vpush v3, $0x0  }
0x129: {  	(v2sf) =	vpush v4, $0xF;
	_ =	sdelay $0xd  }
0x12a: {  	s17 =	spop (v2sf)  }
0x12b: {  	s18 =	spop (v2sf)  }
0x12c: {  	p1 =	sne.s32 s17, s18  }
.Ltmp14:
0x12d: {  	_ = 	snop;
	(pc) =	sbr.rel @p1 .LBB2_23-.Ltmp14, $1  }
0x12e: {  	_ =	sdelay $0x3  }
0x12f: {  	s14 =	simm.s32 $0x0  }
0x130: {  	v4 =	vld [tilespmem:s14+$0xA070]  }
0x131: {  	v5 =	vld [tilespmem:s14+$0xA0F0]  }
0x132: {  	v6 =	vld [tilespmem:s14+$0xA000]  }
0x133: {  	v7 =	vld [tilespmem:s14+$0xA080]  }
0x134: {  	v9 =	vld [tilespmem:s14+$0xA010]  }
0x135: {  	v10 =	vld [tilespmem:s14+$0xA090]  }
0x136: {  	v11 =	vld [tilespmem:s14+$0xA020]  }
0x137: {  	v12 =	vld [tilespmem:s14+$0xA0A0]  }
0x138: {  	v14 =	vld [tilespmem:s14+$0xA030]  }
0x139: {  	v16 =	vld [tilespmem:s14+$0xA0B0]  }
0x13a: {  	v17 =	vld [tilespmem:s14+$0xA040]  }
0x13b: {  	v18 =	vld [tilespmem:s14+$0xA0C0];
	_ =	sdelay $0x2  }
0x13c: {  	v4 =	vadd.f32 v5, v4;
	v5 =	vadd.f32 v7, v6  }
0x13d: {  	v13 =	vld [tilespmem:s14+$0xA050];
	v6 =	vadd.f32 v10, v9;
	v10 =	vadd.f32 v12, v11  }
0x13e: {  	v8 =	vimm.f32 $0.0e+00;
	v15 =	vld [tilespmem:s14+$0xA0D0];
	v11 =	vadd.f32 v16, v14;
	v17 =	vadd.f32 v18, v17  }
0x13f: {  	v14 =	vld [tilespmem:s14+$0xA060];
	v4 =	vadd.f32 v4, v8;
	v9 =	vadd.f32 v5, v8  }
0x140: {  	s13 =	simm.s32 $0x100;
	v16 =	vld [tilespmem:s14+$0xA0E0];
	v7 =	vadd.f32 v6, v8;
	v5 =	vadd.f32 v10, v8  }
0x141: {  	v12 =	vld [tilespmem:s13+$0xA070];
	s14 =	simm.s32 $0x800;
	v6 =	vadd.f32 v11, v8;
	v11 =	vimm.f32 $0.0e+00;
	v10 =	vimm.f32 $0.0e+00  }
.LBB2_21:
0x142: {  	p1 =	sne.s32 s14, $0xFC00;
	v18 =	vld [tilespmem:s13+$0xA0F0]  }
0x143: {  	v19 =	vld [tilespmem:s13+$0xA000];
	v8 =	vadd.f32 v17, v8;
	v13 =	vadd.f32 v15, v13  }
0x144: {  	v15 =	vld [tilespmem:s13+$0xA080]  }
0x145: {  	v17 =	vld [tilespmem:s13+$0xA010];
	v11 =	vadd.f32 v13, v11;
	v13 =	vadd.f32 v16, v14  }
0x146: {  	v14 =	vld [tilespmem:s13+$0xA090]  }
0x147: {  	v16 =	vld [tilespmem:s13+$0xA020];
	v12 =	vadd.f32 v18, v12;
	v10 =	vadd.f32 v13, v10  }
0x148: {  	v13 =	vld [tilespmem:s13+$0xA0A0]  }
0x149: {  	v15 =	vadd.f32 v15, v19;
	v18 =	vld [tilespmem:s13+$0xA030];
	v4 =	vadd.f32 v12, v4  }
0x14a: {  	v12 =	vld [tilespmem:s13+$0xA0B0]  }
0x14b: {  	v9 =	vadd.f32 v15, v9;
	v14 =	vadd.f32 v14, v17;
	v17 =	vld [tilespmem:s13+$0xA040]  }
0x14c: {  	v19 =	vld [tilespmem:s13+$0xA0C0]  }
.Ltmp15:
0x14d: {  	v7 =	vadd.f32 v14, v7;
	v14 =	vadd.f32 v13, v16;
	v13 =	vld [tilespmem:s13+$0xA050];
	(pc) =	sbr.rel @p1 .LBB2_21-.Ltmp15, $4  }
0x14e: {  	v15 =	vld [tilespmem:s13+$0xA0D0]  }
0x14f: {  	v5 =	vadd.f32 v14, v5;
	v18 =	vadd.f32 v12, v18;
	v14 =	vld [tilespmem:s13+$0xA060]  }
0x150: {  	v16 =	vld [tilespmem:s13+$0xA0E0];
	s13 =	sshra.s32 s14, $0x2  }
0x151: {  	s14 =	sadd.s32 $0x400, s14;
	v12 =	vld [tilespmem:s13+$0xA070];
	v6 =	vadd.f32 v18, v6;
	v17 =	vadd.f32 v19, v17  }
0x152: {  	v18 =	vld [tilespmem:s13+$0xA000]  }
0x153: {  	v19 =	vld [tilespmem:s13+$0xA080]  }
0x154: {  	v20 =	vld [tilespmem:s13+$0xA010]  }
0x155: {  	v21 =	vld [tilespmem:s13+$0xA090]  }
0x156: {  	v22 =	vld [tilespmem:s13+$0xA020]  }
0x157: {  	v23 =	vld [tilespmem:s13+$0xA0A0]  }
0x158: {  	v24 =	vld [tilespmem:s13+$0xA030]  }
0x159: {  	v25 =	vld [tilespmem:s13+$0xA0B0]  }
0x15a: {  	v26 =	vld [tilespmem:s13+$0xA040]  }
0x15b: {  	v27 =	vld [tilespmem:s13+$0xA0C0]  }
0x15c: {  	v48 =	vld [tilespmem:s13+$0xA050];
	v13 =	vadd.f32 v15, v13  }
0x15d: {  	v51 =	vld [tilespmem:s13+$0xA060];
	v8 =	vadd.f32 v17, v8;
	v14 =	vadd.f32 v16, v14  }
0x15e: {  	v53 =	vld [tilespmem:s13+$0xA0E0];
	v11 =	vadd.f32 v13, v11;
	v50 =	vadd.f32 v19, v18  }
0x15f: {  	v55 =	vld [tilespmem:s13+$0xA0F0];
	v10 =	vadd.f32 v14, v10;
	v52 =	vadd.f32 v21, v20  }
0x160: {  	v49 =	vld [tilespmem:s13+$0xA0D0];
	s14 =	sshll.u32 s9, $0x9;
	v54 =	vadd.f32 v23, v22;
	v9 =	vadd.f32 v50, v9  }
0x161: {  	s13 =	sshra.s32 s14, $0x2;
	v56 =	vadd.f32 v25, v24;
	v7 =	vadd.f32 v52, v7  }
0x162: {  	v57 =	vadd.f32 v27, v26;
	v5 =	vadd.f32 v54, v5;
	[tilespmem:s13+$0x1CC00] =	vst v9  }
0x163: {  	s14 =	sand.u32 $0xF, s9;
	v60 =	vadd.f32 v53, v51;
	v6 =	vadd.f32 v56, v6;
	[tilespmem:s13+$0x1CC10] =	vst v7  }
0x164: {  	s17 =	sshra.s32 s9, $0x1F;
	p1 =	slt.s32 s9, $0x1;
	p2 =	sne.s32 s14, $0x0;
	v61 =	vadd.f32 v55, v12;
	v59 =	vadd.f32 v57, v8;
	[tilespmem:s13+$0x1CC20] =	vst v5  }
0x165: {  	s17 =	sshrl.u32 s17, $0x1C;
	p1 =	por !p1, !p2;
	v58 =	vadd.f32 v49, v48;
	v62 =	vadd.f32 v60, v10;
	[tilespmem:s13+$0x1CC30] =	vst v6  }
0x166: {  	s14 =	sadd.s32 s17, s9;
	s17 =	simm.s32 $0x1;
	p1 =	por !p1, !p1;
	v4 =	vadd.f32 v61, v4;
	[tilespmem:s13+$0x1CC40] =	vst v59  }
0x167: {  	s14 =	sshrl.u32 s14, $0x4;
	s17 =	simm.s32 @!p1 $0x0;
	v9 =	vadd.f32 v58, v11;
	[tilespmem:s13+$0x1CC60] =	vst v62  }
0x168: {  	s14 =	ssub.s32 s14, s17;
	[tilespmem:s13+$0x1CC70] =	vst v4  }
0x169: {  	s18 =	sshll.u32 s14, $0x4;
	[tilespmem:s13+$0x1CC50] =	vst v9  }
0x16a: {  	v4 =	vld [tilespmem:s18+$0x1F400];
	_ =	sdelay $0x1  }
.Ltmp16:
0x16b: {  	s14 =	ssub.s32 s9, s18;
	(pc) =	sbr.rel .LBB2_24-.Ltmp16, $4  }
0x16c: {  	v3 =	vbroadcast v3, $0x0;
	v63 =	vmov s14  }
0x16d: {  	vm0 =	veq.s32 v63, v2  }
0x16e: {  	s9 =	sadd.s32 $0x1, s9;
	v3 =	vsel vm0, v3, v4  }
0x16f: {  	[smem:$0x6] =	sst s9;
	s13 =	simm.s32 $0x0;
	[tilespmem:s18+$0x1F400] =	vst v3  }
.LBB2_23:
0x170: {  	s13 =	sadd.s32 $0x1A000, s13  }
0x171: {  	[spmem:s3] =	stream.indirect.scatter.add.f32 [tilespmem:s24], [sflag:$0x9], $0x80, s13, s29, $0xb8;
	[tilespmem:$0x1F800] =	vst v63  }
0x172: {  	s13 =	simm.s32 $0x1  }
.LBB2_24:
0x173: {  	[smem:$0x2] =	sst s13  }
.LBB2_25:
0x174: {  	s13 =	sadd.s32 $0x3, s12  }
0x175: {  	p1 =	sge.u32 s13, s6  }
.Ltmp17:
0x176: {  	_ = 	snop;
	(pc) =	sbr.rel @p1 .LBB2_32-.Ltmp17, $1  }
0x177: {  	_ =	sdelay $0x3  }
0x178: {  	s14 =	sld [smem:$0x2];
	_ =	sdelay $0x2  }
0x179: {  	p1 =	sne.s32 s14, $0x1;
	s14 =	sadd.s32 $0x8, s12  }
0x17a: {  	p2 =	sge.u32 s14, s6  }
0x17b: {  	s17 =	simm.s32 @!p1 $0x9;
	s14 =	sadd.s32 @!p2 s5, s14  }
0x17c: {  	_ =	swait.ge @!p1 [sflag:s17], $0x4000;
	s14 =	sshll.u32 @!p2 s14, $0xB  }
0x17d: {  	s18 =	simm.s32 @!p2 $0xA000;
	[sflag:s17] =	ssyncset.done @!p1 $0x0;
	s14 =	sand.u32 @!p2 $0x1FFFF800, s14  }
0x17e: {  	[sflag:s17] =	ssyncadd.s32 @!p1 $0xFFFFC000;
	s17 =	simm.s32 @!p2 $0x0;
	s14 =	sadd.s32 @!p2 s2, s14  }
0x17f: {  	[tilespmem:s18], [sflag:$0x3] =	stream.linear.gather @!p2 [hbm4b:s14+s17], $0x4000, $0x38;
	[tilespmem:$0x1F800] =	vst v63  }
0x180: {  	s13 =	sadd.s32 s7, s13;
	_ =	swait.ge [sflag:s1], $0x4000  }
0x181: {  	s13 =	sshll.u32 s13, $0x7;
	[sflag:s1] =	ssyncset.done $0x0  }
0x182: {  	s13 =	sand.u32 $0x3FFFFF80, s13;
	[sflag:s1] =	ssyncadd.s32 $0xFFFFC000  }
0x183: {  	v3 =	vld [tilespmem:s13+$0x1A000]  }
0x184: {  	v4 =	vld [tilespmem:s13+$0x1A070];
	_ =	sdelay $0x3  }
0x185: {  	(v2sf) =	vpush v3, $0x0  }
0x186: {  	(v2sf) =	vpush v4, $0xF;
	_ =	sdelay $0xd  }
0x187: {  	s17 =	spop (v2sf)  }
0x188: {  	s18 =	spop (v2sf)  }
0x189: {  	p1 =	sne.s32 s17, s18  }
.Ltmp18:
0x18a: {  	_ = 	snop;
	(pc) =	sbr.rel @p1 .LBB2_30-.Ltmp18, $1  }
0x18b: {  	_ =	sdelay $0x3  }
0x18c: {  	s14 =	simm.s32 $0x0  }
0x18d: {  	v4 =	vld [tilespmem:s14+$0xE070]  }
0x18e: {  	v5 =	vld [tilespmem:s14+$0xE0F0]  }
0x18f: {  	v6 =	vld [tilespmem:s14+$0xE000]  }
0x190: {  	v7 =	vld [tilespmem:s14+$0xE080]  }
0x191: {  	v9 =	vld [tilespmem:s14+$0xE010]  }
0x192: {  	v10 =	vld [tilespmem:s14+$0xE090]  }
0x193: {  	v11 =	vld [tilespmem:s14+$0xE020]  }
0x194: {  	v12 =	vld [tilespmem:s14+$0xE0A0]  }
0x195: {  	v14 =	vld [tilespmem:s14+$0xE030]  }
0x196: {  	v16 =	vld [tilespmem:s14+$0xE0B0]  }
0x197: {  	v17 =	vld [tilespmem:s14+$0xE040]  }
0x198: {  	v18 =	vld [tilespmem:s14+$0xE0C0];
	_ =	sdelay $0x2  }
0x199: {  	v4 =	vadd.f32 v5, v4;
	v5 =	vadd.f32 v7, v6  }
0x19a: {  	v13 =	vld [tilespmem:s14+$0xE050];
	v6 =	vadd.f32 v10, v9;
	v10 =	vadd.f32 v12, v11  }
0x19b: {  	v8 =	vimm.f32 $0.0e+00;
	v15 =	vld [tilespmem:s14+$0xE0D0];
	v11 =	vadd.f32 v16, v14;
	v17 =	vadd.f32 v18, v17  }
0x19c: {  	v14 =	vld [tilespmem:s14+$0xE060];
	v4 =	vadd.f32 v4, v8;
	v9 =	vadd.f32 v5, v8  }
0x19d: {  	s13 =	simm.s32 $0x100;
	v16 =	vld [tilespmem:s14+$0xE0E0];
	v7 =	vadd.f32 v6, v8;
	v5 =	vadd.f32 v10, v8  }
0x19e: {  	v12 =	vld [tilespmem:s13+$0xE070];
	s14 =	simm.s32 $0x800;
	v6 =	vadd.f32 v11, v8;
	v11 =	vimm.f32 $0.0e+00;
	v10 =	vimm.f32 $0.0e+00  }
.LBB2_28:
0x19f: {  	p1 =	sne.s32 s14, $0xFC00;
	v18 =	vld [tilespmem:s13+$0xE0F0]  }
0x1a0: {  	v19 =	vld [tilespmem:s13+$0xE000];
	v8 =	vadd.f32 v17, v8;
	v13 =	vadd.f32 v15, v13  }
0x1a1: {  	v15 =	vld [tilespmem:s13+$0xE080]  }
0x1a2: {  	v17 =	vld [tilespmem:s13+$0xE010];
	v11 =	vadd.f32 v13, v11;
	v13 =	vadd.f32 v16, v14  }
0x1a3: {  	v14 =	vld [tilespmem:s13+$0xE090]  }
0x1a4: {  	v16 =	vld [tilespmem:s13+$0xE020];
	v12 =	vadd.f32 v18, v12;
	v10 =	vadd.f32 v13, v10  }
0x1a5: {  	v13 =	vld [tilespmem:s13+$0xE0A0]  }
0x1a6: {  	v15 =	vadd.f32 v15, v19;
	v18 =	vld [tilespmem:s13+$0xE030];
	v4 =	vadd.f32 v12, v4  }
0x1a7: {  	v12 =	vld [tilespmem:s13+$0xE0B0]  }
0x1a8: {  	v9 =	vadd.f32 v15, v9;
	v14 =	vadd.f32 v14, v17;
	v17 =	vld [tilespmem:s13+$0xE040]  }
0x1a9: {  	v19 =	vld [tilespmem:s13+$0xE0C0]  }
.Ltmp19:
0x1aa: {  	v7 =	vadd.f32 v14, v7;
	v14 =	vadd.f32 v13, v16;
	v13 =	vld [tilespmem:s13+$0xE050];
	(pc) =	sbr.rel @p1 .LBB2_28-.Ltmp19, $4  }
0x1ab: {  	v15 =	vld [tilespmem:s13+$0xE0D0]  }
0x1ac: {  	v5 =	vadd.f32 v14, v5;
	v18 =	vadd.f32 v12, v18;
	v14 =	vld [tilespmem:s13+$0xE060]  }
0x1ad: {  	v16 =	vld [tilespmem:s13+$0xE0E0];
	s13 =	sshra.s32 s14, $0x2  }
0x1ae: {  	s14 =	sadd.s32 $0x400, s14;
	v12 =	vld [tilespmem:s13+$0xE070];
	v6 =	vadd.f32 v18, v6;
	v17 =	vadd.f32 v19, v17  }
0x1af: {  	v18 =	vld [tilespmem:s13+$0xE000]  }
0x1b0: {  	v19 =	vld [tilespmem:s13+$0xE080]  }
0x1b1: {  	v20 =	vld [tilespmem:s13+$0xE010]  }
0x1b2: {  	v21 =	vld [tilespmem:s13+$0xE090]  }
0x1b3: {  	v22 =	vld [tilespmem:s13+$0xE020]  }
0x1b4: {  	v23 =	vld [tilespmem:s13+$0xE0A0]  }
0x1b5: {  	v24 =	vld [tilespmem:s13+$0xE030]  }
0x1b6: {  	v25 =	vld [tilespmem:s13+$0xE0B0]  }
0x1b7: {  	v26 =	vld [tilespmem:s13+$0xE040]  }
0x1b8: {  	v27 =	vld [tilespmem:s13+$0xE0C0]  }
0x1b9: {  	v48 =	vld [tilespmem:s13+$0xE050];
	v13 =	vadd.f32 v15, v13  }
0x1ba: {  	v51 =	vld [tilespmem:s13+$0xE060];
	v8 =	vadd.f32 v17, v8;
	v14 =	vadd.f32 v16, v14  }
0x1bb: {  	v53 =	vld [tilespmem:s13+$0xE0E0];
	v11 =	vadd.f32 v13, v11;
	v50 =	vadd.f32 v19, v18  }
0x1bc: {  	v55 =	vld [tilespmem:s13+$0xE0F0];
	v10 =	vadd.f32 v14, v10;
	v52 =	vadd.f32 v21, v20  }
0x1bd: {  	v49 =	vld [tilespmem:s13+$0xE0D0];
	s14 =	sshll.u32 s9, $0x9;
	v54 =	vadd.f32 v23, v22;
	v9 =	vadd.f32 v50, v9  }
0x1be: {  	s13 =	sshra.s32 s14, $0x2;
	v56 =	vadd.f32 v25, v24;
	v7 =	vadd.f32 v52, v7  }
0x1bf: {  	v57 =	vadd.f32 v27, v26;
	v5 =	vadd.f32 v54, v5;
	[tilespmem:s13+$0x1CC00] =	vst v9  }
0x1c0: {  	s14 =	sand.u32 $0xF, s9;
	v60 =	vadd.f32 v53, v51;
	v6 =	vadd.f32 v56, v6;
	[tilespmem:s13+$0x1CC10] =	vst v7  }
0x1c1: {  	s17 =	sshra.s32 s9, $0x1F;
	p1 =	slt.s32 s9, $0x1;
	p2 =	sne.s32 s14, $0x0;
	v61 =	vadd.f32 v55, v12;
	v59 =	vadd.f32 v57, v8;
	[tilespmem:s13+$0x1CC20] =	vst v5  }
0x1c2: {  	s17 =	sshrl.u32 s17, $0x1C;
	p1 =	por !p1, !p2;
	v58 =	vadd.f32 v49, v48;
	v62 =	vadd.f32 v60, v10;
	[tilespmem:s13+$0x1CC30] =	vst v6  }
0x1c3: {  	s14 =	sadd.s32 s17, s9;
	s17 =	simm.s32 $0x1;
	p1 =	por !p1, !p1;
	v4 =	vadd.f32 v61, v4;
	[tilespmem:s13+$0x1CC40] =	vst v59  }
0x1c4: {  	s14 =	sshrl.u32 s14, $0x4;
	s17 =	simm.s32 @!p1 $0x0;
	v9 =	vadd.f32 v58, v11;
	[tilespmem:s13+$0x1CC60] =	vst v62  }
0x1c5: {  	s14 =	ssub.s32 s14, s17;
	[tilespmem:s13+$0x1CC70] =	vst v4  }
0x1c6: {  	s18 =	sshll.u32 s14, $0x4;
	[tilespmem:s13+$0x1CC50] =	vst v9  }
0x1c7: {  	v4 =	vld [tilespmem:s18+$0x1F400];
	_ =	sdelay $0x1  }
.Ltmp20:
0x1c8: {  	s14 =	ssub.s32 s9, s18;
	(pc) =	sbr.rel .LBB2_31-.Ltmp20, $4  }
0x1c9: {  	v3 =	vbroadcast v3, $0x0;
	v63 =	vmov s14  }
0x1ca: {  	vm0 =	veq.s32 v63, v2  }
0x1cb: {  	s9 =	sadd.s32 $0x1, s9;
	v3 =	vsel vm0, v3, v4  }
0x1cc: {  	[smem:$0x6] =	sst s9;
	s13 =	simm.s32 $0x0;
	[tilespmem:s18+$0x1F400] =	vst v3  }
.LBB2_30:
0x1cd: {  	s13 =	sadd.s32 $0x1A000, s13  }
0x1ce: {  	[spmem:s3] =	stream.indirect.scatter.add.f32 [tilespmem:s25], [sflag:$0xA], $0x80, s13, s29, $0xb8;
	[tilespmem:$0x1F800] =	vst v63  }
0x1cf: {  	s13 =	simm.s32 $0x1  }
.LBB2_31:
0x1d0: {  	[smem:$0x3] =	sst s13  }
.LBB2_32:
0x1d1: {  	s13 =	sadd.s32 $0x4, s12  }
0x1d2: {  	p1 =	sge.u32 s13, s6  }
.Ltmp21:
0x1d3: {  	_ = 	snop;
	(pc) =	sbr.rel @p1 .LBB2_39-.Ltmp21, $1  }
0x1d4: {  	_ =	sdelay $0x3  }
0x1d5: {  	s14 =	sld [smem:$0x3];
	_ =	sdelay $0x2  }
0x1d6: {  	p1 =	sne.s32 s14, $0x1;
	s14 =	sadd.s32 $0x9, s12  }
0x1d7: {  	p2 =	sge.u32 s14, s6  }
0x1d8: {  	s17 =	simm.s32 @!p1 $0xA;
	s14 =	sadd.s32 @!p2 s5, s14  }
0x1d9: {  	_ =	swait.ge @!p1 [sflag:s17], $0x4000;
	s14 =	sshll.u32 @!p2 s14, $0xB  }
0x1da: {  	s18 =	simm.s32 @!p2 $0xE000;
	[sflag:s17] =	ssyncset.done @!p1 $0x0;
	s14 =	sand.u32 @!p2 $0x1FFFF800, s14  }
0x1db: {  	[sflag:s17] =	ssyncadd.s32 @!p1 $0xFFFFC000;
	s17 =	simm.s32 @!p2 $0x0;
	s14 =	sadd.s32 @!p2 s2, s14  }
0x1dc: {  	[tilespmem:s18], [sflag:$0x4] =	stream.linear.gather @!p2 [hbm4b:s14+s17], $0x4000, $0x38;
	[tilespmem:$0x1F800] =	vst v63  }
0x1dd: {  	s13 =	sadd.s32 s7, s13;
	_ =	swait.ge [sflag:s0], $0x4000  }
0x1de: {  	s13 =	sshll.u32 s13, $0x7;
	[sflag:s0] =	ssyncset.done $0x0  }
0x1df: {  	s13 =	sand.u32 $0x3FFFFF80, s13;
	[sflag:s0] =	ssyncadd.s32 $0xFFFFC000  }
0x1e0: {  	v3 =	vld [tilespmem:s13+$0x1A000]  }
0x1e1: {  	v4 =	vld [tilespmem:s13+$0x1A070];
	_ =	sdelay $0x3  }
0x1e2: {  	(v2sf) =	vpush v3, $0x0  }
0x1e3: {  	(v2sf) =	vpush v4, $0xF;
	_ =	sdelay $0xd  }
0x1e4: {  	s17 =	spop (v2sf)  }
0x1e5: {  	s18 =	spop (v2sf)  }
0x1e6: {  	p1 =	sne.s32 s17, s18  }
.Ltmp22:
0x1e7: {  	_ = 	snop;
	(pc) =	sbr.rel @p1 .LBB2_37-.Ltmp22, $1  }
0x1e8: {  	_ =	sdelay $0x3  }
0x1e9: {  	s14 =	simm.s32 $0x0  }
0x1ea: {  	v4 =	vld [tilespmem:s14+$0x12070]  }
0x1eb: {  	v5 =	vld [tilespmem:s14+$0x120F0]  }
0x1ec: {  	v6 =	vld [tilespmem:s14+$0x12000]  }
0x1ed: {  	v7 =	vld [tilespmem:s14+$0x12080]  }
0x1ee: {  	v9 =	vld [tilespmem:s14+$0x12010]  }
0x1ef: {  	v10 =	vld [tilespmem:s14+$0x12090]  }
0x1f0: {  	v11 =	vld [tilespmem:s14+$0x12020]  }
0x1f1: {  	v12 =	vld [tilespmem:s14+$0x120A0]  }
0x1f2: {  	v14 =	vld [tilespmem:s14+$0x12030]  }
0x1f3: {  	v16 =	vld [tilespmem:s14+$0x120B0]  }
0x1f4: {  	v17 =	vld [tilespmem:s14+$0x12040]  }
0x1f5: {  	v18 =	vld [tilespmem:s14+$0x120C0];
	_ =	sdelay $0x2  }
0x1f6: {  	v4 =	vadd.f32 v5, v4;
	v5 =	vadd.f32 v7, v6  }
0x1f7: {  	v13 =	vld [tilespmem:s14+$0x12050];
	v6 =	vadd.f32 v10, v9;
	v10 =	vadd.f32 v12, v11  }
0x1f8: {  	v8 =	vimm.f32 $0.0e+00;
	v15 =	vld [tilespmem:s14+$0x120D0];
	v11 =	vadd.f32 v16, v14;
	v17 =	vadd.f32 v18, v17  }
0x1f9: {  	v14 =	vld [tilespmem:s14+$0x12060];
	v4 =	vadd.f32 v4, v8;
	v9 =	vadd.f32 v5, v8  }
0x1fa: {  	s13 =	simm.s32 $0x100;
	v16 =	vld [tilespmem:s14+$0x120E0];
	v7 =	vadd.f32 v6, v8;
	v5 =	vadd.f32 v10, v8  }
0x1fb: {  	v12 =	vld [tilespmem:s13+$0x12070];
	s14 =	simm.s32 $0x800;
	v6 =	vadd.f32 v11, v8;
	v11 =	vimm.f32 $0.0e+00;
	v10 =	vimm.f32 $0.0e+00  }
.LBB2_35:
0x1fc: {  	p1 =	sne.s32 s14, $0xFC00;
	v18 =	vld [tilespmem:s13+$0x120F0]  }
0x1fd: {  	v19 =	vld [tilespmem:s13+$0x12000];
	v8 =	vadd.f32 v17, v8;
	v13 =	vadd.f32 v15, v13  }
0x1fe: {  	v15 =	vld [tilespmem:s13+$0x12080]  }
0x1ff: {  	v17 =	vld [tilespmem:s13+$0x12010];
	v11 =	vadd.f32 v13, v11;
	v13 =	vadd.f32 v16, v14  }
0x200: {  	v14 =	vld [tilespmem:s13+$0x12090]  }
0x201: {  	v16 =	vld [tilespmem:s13+$0x12020];
	v12 =	vadd.f32 v18, v12;
	v10 =	vadd.f32 v13, v10  }
0x202: {  	v13 =	vld [tilespmem:s13+$0x120A0]  }
0x203: {  	v15 =	vadd.f32 v15, v19;
	v18 =	vld [tilespmem:s13+$0x12030];
	v4 =	vadd.f32 v12, v4  }
0x204: {  	v12 =	vld [tilespmem:s13+$0x120B0]  }
0x205: {  	v9 =	vadd.f32 v15, v9;
	v14 =	vadd.f32 v14, v17;
	v17 =	vld [tilespmem:s13+$0x12040]  }
0x206: {  	v19 =	vld [tilespmem:s13+$0x120C0]  }
.Ltmp23:
0x207: {  	v7 =	vadd.f32 v14, v7;
	v14 =	vadd.f32 v13, v16;
	v13 =	vld [tilespmem:s13+$0x12050];
	(pc) =	sbr.rel @p1 .LBB2_35-.Ltmp23, $4  }
0x208: {  	v15 =	vld [tilespmem:s13+$0x120D0]  }
0x209: {  	v5 =	vadd.f32 v14, v5;
	v18 =	vadd.f32 v12, v18;
	v14 =	vld [tilespmem:s13+$0x12060]  }
0x20a: {  	v16 =	vld [tilespmem:s13+$0x120E0];
	s13 =	sshra.s32 s14, $0x2  }
0x20b: {  	s14 =	sadd.s32 $0x400, s14;
	v12 =	vld [tilespmem:s13+$0x12070];
	v6 =	vadd.f32 v18, v6;
	v17 =	vadd.f32 v19, v17  }
0x20c: {  	v18 =	vld [tilespmem:s13+$0x12000]  }
0x20d: {  	v19 =	vld [tilespmem:s13+$0x12080]  }
0x20e: {  	v20 =	vld [tilespmem:s13+$0x12010]  }
0x20f: {  	v21 =	vld [tilespmem:s13+$0x12090]  }
0x210: {  	v22 =	vld [tilespmem:s13+$0x12020]  }
0x211: {  	v23 =	vld [tilespmem:s13+$0x120A0]  }
0x212: {  	v24 =	vld [tilespmem:s13+$0x12030]  }
0x213: {  	v25 =	vld [tilespmem:s13+$0x120B0]  }
0x214: {  	v26 =	vld [tilespmem:s13+$0x12040]  }
0x215: {  	v27 =	vld [tilespmem:s13+$0x120C0]  }
0x216: {  	v48 =	vld [tilespmem:s13+$0x12050];
	v13 =	vadd.f32 v15, v13  }
0x217: {  	v51 =	vld [tilespmem:s13+$0x12060];
	v8 =	vadd.f32 v17, v8;
	v14 =	vadd.f32 v16, v14  }
0x218: {  	v53 =	vld [tilespmem:s13+$0x120E0];
	v11 =	vadd.f32 v13, v11;
	v50 =	vadd.f32 v19, v18  }
0x219: {  	v55 =	vld [tilespmem:s13+$0x120F0];
	v10 =	vadd.f32 v14, v10;
	v52 =	vadd.f32 v21, v20  }
0x21a: {  	v49 =	vld [tilespmem:s13+$0x120D0];
	s14 =	sshll.u32 s9, $0x9;
	v54 =	vadd.f32 v23, v22;
	v9 =	vadd.f32 v50, v9  }
0x21b: {  	s13 =	sshra.s32 s14, $0x2;
	v56 =	vadd.f32 v25, v24;
	v7 =	vadd.f32 v52, v7  }
0x21c: {  	v57 =	vadd.f32 v27, v26;
	v5 =	vadd.f32 v54, v5;
	[tilespmem:s13+$0x1CC00] =	vst v9  }
0x21d: {  	s14 =	sand.u32 $0xF, s9;
	v60 =	vadd.f32 v53, v51;
	v6 =	vadd.f32 v56, v6;
	[tilespmem:s13+$0x1CC10] =	vst v7  }
0x21e: {  	s17 =	sshra.s32 s9, $0x1F;
	p1 =	slt.s32 s9, $0x1;
	p2 =	sne.s32 s14, $0x0;
	v61 =	vadd.f32 v55, v12;
	v59 =	vadd.f32 v57, v8;
	[tilespmem:s13+$0x1CC20] =	vst v5  }
0x21f: {  	s17 =	sshrl.u32 s17, $0x1C;
	p1 =	por !p1, !p2;
	v58 =	vadd.f32 v49, v48;
	v62 =	vadd.f32 v60, v10;
	[tilespmem:s13+$0x1CC30] =	vst v6  }
0x220: {  	s14 =	sadd.s32 s17, s9;
	s17 =	simm.s32 $0x1;
	p1 =	por !p1, !p1;
	v4 =	vadd.f32 v61, v4;
	[tilespmem:s13+$0x1CC40] =	vst v59  }
0x221: {  	s14 =	sshrl.u32 s14, $0x4;
	s17 =	simm.s32 @!p1 $0x0;
	v9 =	vadd.f32 v58, v11;
	[tilespmem:s13+$0x1CC60] =	vst v62  }
0x222: {  	s14 =	ssub.s32 s14, s17;
	[tilespmem:s13+$0x1CC70] =	vst v4  }
0x223: {  	s18 =	sshll.u32 s14, $0x4;
	[tilespmem:s13+$0x1CC50] =	vst v9  }
0x224: {  	v4 =	vld [tilespmem:s18+$0x1F400];
	_ =	sdelay $0x1  }
.Ltmp24:
0x225: {  	s14 =	ssub.s32 s9, s18;
	(pc) =	sbr.rel .LBB2_38-.Ltmp24, $4  }
0x226: {  	v3 =	vbroadcast v3, $0x0;
	v63 =	vmov s14  }
0x227: {  	vm0 =	veq.s32 v63, v2  }
0x228: {  	s9 =	sadd.s32 $0x1, s9;
	v3 =	vsel vm0, v3, v4  }
0x229: {  	[smem:$0x6] =	sst s9;
	s13 =	simm.s32 $0x0;
	[tilespmem:s18+$0x1F400] =	vst v3  }
.LBB2_37:
0x22a: {  	s13 =	sadd.s32 $0x1A000, s13  }
0x22b: {  	[spmem:s3] =	stream.indirect.scatter.add.f32 [tilespmem:s26], [sflag:$0xB], $0x80, s13, s29, $0xb8;
	[tilespmem:$0x1F800] =	vst v63  }
0x22c: {  	s13 =	simm.s32 $0x1  }
.LBB2_38:
0x22d: {  	[smem:$0x4] =	sst s13  }
.LBB2_39:
0x22e: {  	s13 =	sadd.s32 $0x5, s12  }
0x22f: {  	p1 =	sge.u32 s13, s6  }
.Ltmp25:
0x230: {  	_ = 	snop;
	(pc) =	sbr.rel @p1 .LBB2_46-.Ltmp25, $1  }
0x231: {  	_ =	sdelay $0x3  }
0x232: {  	s14 =	sld [smem:$0x4];
	_ =	sdelay $0x1  }
0x233: {  	s12 =	sadd.s32 $0xA, s12  }
0x234: {  	p2 =	sge.u32 s12, s6;
	p1 =	sne.s32 s14, $0x1  }
0x235: {  	s12 =	sadd.s32 @!p2 s5, s12;
	s14 =	simm.s32 @!p1 $0xB  }
0x236: {  	s12 =	sshll.u32 @!p2 s12, $0xB;
	_ =	swait.ge @!p1 [sflag:s14], $0x4000  }
0x237: {  	s17 =	simm.s32 @!p2 $0x12000;
	s12 =	sand.u32 @!p2 $0x1FFFF800, s12;
	[sflag:s14] =	ssyncset.done @!p1 $0x0  }
0x238: {  	s12 =	sadd.s32 @!p2 s2, s12;
	[sflag:s14] =	ssyncadd.s32 @!p1 $0xFFFFC000;
	s14 =	simm.s32 @!p2 $0x0  }
0x239: {  	[tilespmem:s17], [sflag:$0x5] =	stream.linear.gather @!p2 [hbm4b:s12+s14], $0x4000, $0x38;
	[tilespmem:$0x1F800] =	vst v63  }
0x23a: {  	s14 =	sadd.s32 s7, s13;
	_ =	swait.ge [sflag:s19], $0x4000  }
0x23b: {  	s12 =	sshll.u32 s14, $0x7;
	[sflag:s19] =	ssyncset.done $0x0  }
0x23c: {  	s12 =	sand.u32 $0x3FFFFF80, s12;
	[sflag:s19] =	ssyncadd.s32 $0xFFFFC000  }
0x23d: {  	v3 =	vld [tilespmem:s12+$0x1A000]  }
0x23e: {  	v4 =	vld [tilespmem:s12+$0x1A070];
	_ =	sdelay $0x3  }
0x23f: {  	(v2sf) =	vpush v3, $0x0  }
0x240: {  	(v2sf) =	vpush v4, $0xF;
	_ =	sdelay $0xd  }
0x241: {  	s17 =	spop (v2sf)  }
0x242: {  	s18 =	spop (v2sf)  }
0x243: {  	p1 =	sne.s32 s17, s18  }
.Ltmp26:
0x244: {  	_ = 	snop;
	(pc) =	sbr.rel @p1 .LBB2_44-.Ltmp26, $1  }
0x245: {  	_ =	sdelay $0x3  }
0x246: {  	s13 =	simm.s32 $0x0  }
0x247: {  	v4 =	vld [tilespmem:s13+$0x16070]  }
0x248: {  	v5 =	vld [tilespmem:s13+$0x160F0]  }
0x249: {  	v6 =	vld [tilespmem:s13+$0x16000]  }
0x24a: {  	v7 =	vld [tilespmem:s13+$0x16080]  }
0x24b: {  	v9 =	vld [tilespmem:s13+$0x16010]  }
0x24c: {  	v10 =	vld [tilespmem:s13+$0x16090]  }
0x24d: {  	v11 =	vld [tilespmem:s13+$0x16020]  }
0x24e: {  	v12 =	vld [tilespmem:s13+$0x160A0]  }
0x24f: {  	v14 =	vld [tilespmem:s13+$0x16030]  }
0x250: {  	v16 =	vld [tilespmem:s13+$0x160B0]  }
0x251: {  	v17 =	vld [tilespmem:s13+$0x16040]  }
0x252: {  	v18 =	vld [tilespmem:s13+$0x160C0];
	_ =	sdelay $0x2  }
0x253: {  	v4 =	vadd.f32 v5, v4;
	v5 =	vadd.f32 v7, v6  }
0x254: {  	v13 =	vld [tilespmem:s13+$0x16050];
	v6 =	vadd.f32 v10, v9;
	v10 =	vadd.f32 v12, v11  }
0x255: {  	v8 =	vimm.f32 $0.0e+00;
	v15 =	vld [tilespmem:s13+$0x160D0];
	v11 =	vadd.f32 v16, v14;
	v17 =	vadd.f32 v18, v17  }
0x256: {  	v14 =	vld [tilespmem:s13+$0x16060];
	v4 =	vadd.f32 v4, v8;
	v9 =	vadd.f32 v5, v8  }
0x257: {  	s12 =	simm.s32 $0x100;
	v16 =	vld [tilespmem:s13+$0x160E0];
	v7 =	vadd.f32 v6, v8;
	v5 =	vadd.f32 v10, v8  }
0x258: {  	v12 =	vld [tilespmem:s12+$0x16070];
	s13 =	simm.s32 $0x800;
	v6 =	vadd.f32 v11, v8;
	v11 =	vimm.f32 $0.0e+00;
	v10 =	vimm.f32 $0.0e+00  }
.LBB2_42:
0x259: {  	p1 =	sne.s32 s13, $0xFC00;
	v18 =	vld [tilespmem:s12+$0x160F0]  }
0x25a: {  	v19 =	vld [tilespmem:s12+$0x16000];
	v8 =	vadd.f32 v17, v8;
	v13 =	vadd.f32 v15, v13  }
0x25b: {  	v15 =	vld [tilespmem:s12+$0x16080]  }
0x25c: {  	v17 =	vld [tilespmem:s12+$0x16010];
	v11 =	vadd.f32 v13, v11;
	v13 =	vadd.f32 v16, v14  }
0x25d: {  	v14 =	vld [tilespmem:s12+$0x16090]  }
0x25e: {  	v16 =	vld [tilespmem:s12+$0x16020];
	v12 =	vadd.f32 v18, v12;
	v10 =	vadd.f32 v13, v10  }
0x25f: {  	v13 =	vld [tilespmem:s12+$0x160A0]  }
0x260: {  	v15 =	vadd.f32 v15, v19;
	v18 =	vld [tilespmem:s12+$0x16030];
	v4 =	vadd.f32 v12, v4  }
0x261: {  	v12 =	vld [tilespmem:s12+$0x160B0]  }
0x262: {  	v9 =	vadd.f32 v15, v9;
	v14 =	vadd.f32 v14, v17;
	v17 =	vld [tilespmem:s12+$0x16040]  }
0x263: {  	v19 =	vld [tilespmem:s12+$0x160C0]  }
.Ltmp27:
0x264: {  	v7 =	vadd.f32 v14, v7;
	v14 =	vadd.f32 v13, v16;
	v13 =	vld [tilespmem:s12+$0x16050];
	(pc) =	sbr.rel @p1 .LBB2_42-.Ltmp27, $4  }
0x265: {  	v15 =	vld [tilespmem:s12+$0x160D0]  }
0x266: {  	v5 =	vadd.f32 v14, v5;
	v18 =	vadd.f32 v12, v18;
	v14 =	vld [tilespmem:s12+$0x16060]  }
0x267: {  	v16 =	vld [tilespmem:s12+$0x160E0];
	s12 =	sshra.s32 s13, $0x2  }
0x268: {  	s13 =	sadd.s32 $0x400, s13;
	v12 =	vld [tilespmem:s12+$0x16070];
	v6 =	vadd.f32 v18, v6;
	v17 =	vadd.f32 v19, v17  }
0x269: {  	v18 =	vld [tilespmem:s12+$0x16000]  }
0x26a: {  	v19 =	vld [tilespmem:s12+$0x16080]  }
0x26b: {  	v20 =	vld [tilespmem:s12+$0x16010]  }
0x26c: {  	v21 =	vld [tilespmem:s12+$0x16090]  }
0x26d: {  	v22 =	vld [tilespmem:s12+$0x16020]  }
0x26e: {  	v23 =	vld [tilespmem:s12+$0x160A0]  }
0x26f: {  	v24 =	vld [tilespmem:s12+$0x16030]  }
0x270: {  	v25 =	vld [tilespmem:s12+$0x160B0]  }
0x271: {  	v26 =	vld [tilespmem:s12+$0x16040]  }
0x272: {  	v27 =	vld [tilespmem:s12+$0x160C0]  }
0x273: {  	v48 =	vld [tilespmem:s12+$0x16050];
	v13 =	vadd.f32 v15, v13  }
0x274: {  	v51 =	vld [tilespmem:s12+$0x16060];
	v8 =	vadd.f32 v17, v8;
	v14 =	vadd.f32 v16, v14  }
0x275: {  	v53 =	vld [tilespmem:s12+$0x160E0];
	v11 =	vadd.f32 v13, v11;
	v50 =	vadd.f32 v19, v18  }
0x276: {  	v55 =	vld [tilespmem:s12+$0x160F0];
	v10 =	vadd.f32 v14, v10;
	v52 =	vadd.f32 v21, v20  }
0x277: {  	v49 =	vld [tilespmem:s12+$0x160D0];
	s14 =	sshll.u32 s9, $0x9;
	v54 =	vadd.f32 v23, v22;
	v9 =	vadd.f32 v50, v9  }
0x278: {  	s12 =	sshra.s32 s14, $0x2;
	v56 =	vadd.f32 v25, v24;
	v7 =	vadd.f32 v52, v7  }
0x279: {  	v57 =	vadd.f32 v27, v26;
	v5 =	vadd.f32 v54, v5;
	[tilespmem:s12+$0x1CC00] =	vst v9  }
0x27a: {  	s13 =	sand.u32 $0xF, s9;
	v60 =	vadd.f32 v53, v51;
	v6 =	vadd.f32 v56, v6;
	[tilespmem:s12+$0x1CC10] =	vst v7  }
0x27b: {  	p1 =	slt.s32 s9, $0x1;
	s14 =	sshra.s32 s9, $0x1F;
	p2 =	sne.s32 s13, $0x0;
	v61 =	vadd.f32 v55, v12;
	v59 =	vadd.f32 v57, v8;
	[tilespmem:s12+$0x1CC20] =	vst v5  }
0x27c: {  	s17 =	sshrl.u32 s14, $0x1C;
	p1 =	por !p1, !p2;
	v58 =	vadd.f32 v49, v48;
	v62 =	vadd.f32 v60, v10;
	[tilespmem:s12+$0x1CC30] =	vst v6  }
0x27d: {  	s14 =	simm.s32 $0x1;
	s13 =	sadd.s32 s17, s9;
	p1 =	por !p1, !p1;
	v4 =	vadd.f32 v61, v4;
	[tilespmem:s12+$0x1CC40] =	vst v59  }
0x27e: {  	s13 =	sshrl.u32 s13, $0x4;
	s14 =	simm.s32 @!p1 $0x0;
	v9 =	vadd.f32 v58, v11;
	[tilespmem:s12+$0x1CC60] =	vst v62  }
0x27f: {  	s13 =	ssub.s32 s13, s14;
	[tilespmem:s12+$0x1CC70] =	vst v4  }
0x280: {  	s18 =	sshll.u32 s13, $0x4;
	[tilespmem:s12+$0x1CC50] =	vst v9  }
0x281: {  	v4 =	vld [tilespmem:s18+$0x1F400];
	_ =	sdelay $0x1  }
.Ltmp28:
0x282: {  	s13 =	ssub.s32 s9, s18;
	(pc) =	sbr.rel .LBB2_45-.Ltmp28, $4  }
0x283: {  	v3 =	vbroadcast v3, $0x0;
	v63 =	vmov s13  }
0x284: {  	vm0 =	veq.s32 v63, v2  }
0x285: {  	s9 =	sadd.s32 $0x1, s9;
	v3 =	vsel vm0, v3, v4  }
0x286: {  	[smem:$0x6] =	sst s9;
	s12 =	simm.s32 $0x0;
	[tilespmem:s18+$0x1F400] =	vst v3  }
.LBB2_47:
.Ltmp29:
0x287: {  	(pc) =	sbr.rel @!p0 .LBB2_48-.Ltmp29, $1  }
0x288: {  	_ =	sdelay $0x3  }
0x289: {  	s9 =	sld [smem:$0x5];
	_ =	sdelay $0x2  }
0x28a: {  	p1 =	sne.s32 s9, $0x1  }
.Ltmp30:
0x28b: {  	_ = 	snop;
	(pc) =	sbr.rel @p1 .LBB2_51-.Ltmp30, $4  }
.Ltmp31:
0x28c: {  	_ = 	snop;
	(pc) =	sbr.rel @!p1 .LBB2_50-.Ltmp31, $4  }
0x28d: {  	_ = 	snop  }
0x28e: {  	_ = 	snop  }
0x28f: {  	s9 =	simm.s32 $0xC  }
0x290: {  	_ = 	snop  }
.LBB2_48:
0x291: {  	s9 =	sld [smem:$0x0];
	_ =	sdelay $0x2  }
0x292: {  	p1 =	seq.s32 s9, $0x1  }
.Ltmp32:
0x293: {  	_ = 	snop;
	(pc) =	sbr.rel @p1 .LBB2_50-.Ltmp32, $4  }
.Ltmp33:
0x294: {  	_ = 	snop;
	(pc) =	sbr.rel @!p1 .LBB2_51-.Ltmp33, $4  }
0x295: {  	_ = 	snop  }
0x296: {  	_ = 	snop  }
0x297: {  	s9 =	simm.s32 $0x7  }
0x298: {  	_ = 	snop  }
.LBB2_52:
0x299: {  	_ =	sfence.sel $0x180000  }
0x29a: {  	[bflag:$0x0] =	sbarrier.arrive $0xFFFF  }
0x29b: {  	_ =	strace $0x90000047  }
0x29c: {  	s0 =	stileid.u32;
	[bflag:$0x2] =	sbarrier.arrive $0xFFFF  }
0x29d: {  	p0 =	sne.s32 s0, $0x0;
	s0 =	rddreg [dreg:$0x3]  }
0x29e: {  	s0 =	sadd.s32 @!p0 $0x100000, s0  }
0x29f: {  	[sflag:s0] =	ssyncadd.tile.s32 @!p0 $0x1;
	_ =	shalt  }
.Lfunc_end2:
_tile_overlayer_lowered:
.L_overlay_start_2:
0x2a0: {  	(tag) =	ssettag $0x2  }
0x2a1: {  	s0 =	rddreg [dreg:$0x0];
	s2 =	stileid.u32  }
0x2a2: {  	s1 =	rddreg [dreg:$0x1];
	p0 =	sne.s32 s2, $0x0  }
0x2a3: {  	s3 =	rddreg [dreg:$0x2];
	[bflag:$0x3] =	sbarrier.arrive $0xFFFF;
	s2 =	simm.s32 @!p0 $0x1C0D  }
0x2a4: {  	[timem:s3], [sflag:s2] =	dma.local @!p0 [hbm:s0], s1  }
0x2a5: {  	s0 =	simm.s32 @!p0 $0xD  }
0x2a6: {  	_ =	swait.ge @!p0 [sflag:s0], s1  }
0x2a7: {  	s1 =	ssub.s32 @!p0 $0x0, s1;
	[sflag:s0] =	ssyncset.done @!p0 $0x0  }
0x2a8: {  	[sflag:s0] =	ssyncadd.s32 @!p0 s1  }
0x2a9: {  	[bflag:$0x3] =	sbarrier.arrive $0xFFFF  }
0x2aa: {  	_ =	shalt  }

</sc_bundles>
